<compile_context>
chip_gen: v7x
topology: tpu7x:2x2x1
jax: 0.10.2.dev20260603
libtpu: 0.0.44.dev20260713+nightly
codegen_flags: <defaults>
</compile_context>

<pallas_src>
import functools
import jax
import jax.numpy as jnp
from jax import lax
from jax.experimental import pallas as pl
from jax.experimental.pallas import tpu as pltpu
from jax.experimental.pallas import tpu_sc as plsc

N = 10000
E = 320000
P = 32768
D = 128
NRELS = 1000
NC, NS = 2, 16
NW = NC * NS
K1 = 125
K3 = 128
NP = 10240
RPT = NP // NS


def _sc_mesh():
    return plsc.VectorSubcoreMesh(
        core_axis_name="c", subcore_axis_name="s", num_cores=NC, num_subcores=NS
    )


def _gs_body(tbl_hbm, g_hbm, t_hbm, z2d_hbm, flag_hbm, out_hbm,
             idx_g, idx_s, rows0, fvm, acc):
    c = lax.axis_index("c")
    s = lax.axis_index("s")
    r0 = s * RPT
    pltpu.sync_copy(z2d_hbm.at[pl.ds(r0, RPT)], acc.at[pl.ds(r0, RPT)])
    plsc.subcore_barrier()

    iters = E // NW // K1
    wid = c * NS + s
    pltpu.sync_copy(g_hbm.at[wid], idx_g)
    pltpu.sync_copy(t_hbm.at[wid], idx_s)
    pltpu.sync_copy(flag_hbm, fvm)
    gather = fvm[pl.ds(0, 16)][0]

    @pl.when(gather != 0)
    def _():
        @pl.loop(0, iters)
        def _(i):
            pltpu.sync_copy(tbl_hbm.at[idx_g.at[i]], rows0)
            pltpu.sync_copy(rows0, acc.at[idx_s.at[i]], add=True)

    @pl.when(gather == 0)
    def _():
        @pl.loop(0, K1)
        def _(r):
            for d in range(D // 16):
                rows0[r, pl.ds(16 * d, 16)] = jnp.ones((16,), jnp.float32)

        @pl.loop(0, iters)
        def _(i):
            pltpu.sync_copy(rows0, acc.at[idx_s.at[i]], add=True)

    plsc.subcore_barrier()
    pltpu.sync_copy(acc.at[pl.ds(r0, RPT)], out_hbm.at[c, pl.ds(r0, RPT)])


def _gather_scatter(table, gidx3, sidx3, z2d, flag):
    f32 = jnp.float32
    return pl.kernel(
        _gs_body,
        out_type=jax.ShapeDtypeStruct((NC, NP, D), f32),
        mesh=_sc_mesh(),
        scratch_types=(
            pltpu.VMEM((E // NW // K1, K1), jnp.int32),
            pltpu.VMEM((E // NW // K1, K1), jnp.int32),
            pltpu.VMEM((K1, D), f32),
            pltpu.VMEM((16,), jnp.int32),
            pltpu.VMEM_SHARED((NP, D), f32),
        ),
    )(table, gidx3, sidx3, z2d, flag)


def _score_body(x_hbm, rel_hbm, ph_hbm, pt_hbm, pr_hbm, pn_hbm,
                sp_hbm, sn_hbm,
                ih, it, ir, inn, hrows, trows, rrows, nrows, stg_p, stg_n):
    c = lax.axis_index("c")
    s = lax.axis_index("s")
    iters = P // NW // K3
    wid = c * NS + s
    row_base = wid * iters
    pltpu.sync_copy(ph_hbm.at[wid], ih)
    pltpu.sync_copy(pt_hbm.at[wid], it)
    pltpu.sync_copy(pr_hbm.at[wid], ir)
    pltpu.sync_copy(pn_hbm.at[wid], inn)

    @pl.loop(0, iters)
    def _(i):
        pltpu.sync_copy(x_hbm.at[ih.at[i]], hrows)
        pltpu.sync_copy(x_hbm.at[it.at[i]], trows)
        pltpu.sync_copy(rel_hbm.at[ir.at[i]], rrows)
        pltpu.sync_copy(x_hbm.at[inn.at[i]], nrows)

        @pl.loop(0, K3)
        def _(j):
            accp = jnp.zeros((16,), jnp.float32)
            accn = jnp.zeros((16,), jnp.float32)
            for d in range(D // 16):
                sl = pl.ds(16 * d, 16)
                u = hrows[j, sl] + rrows[j, sl]
                dp = u - trows[j, sl]
                dn = u - nrows[j, sl]
                accp = accp + dp * dp
                accn = accn + dn * dn
            stg_p[j, :] = accp
            stg_n[j, :] = accn

        pltpu.sync_copy(stg_p, sp_hbm.at[pl.ds((row_base + i) * K3, K3)])
        pltpu.sync_copy(stg_n, sn_hbm.at[pl.ds((row_base + i) * K3, K3)])


def _score(x2, rel_emb, ph3, pt3, pr3, pn3):
    f32 = jnp.float32
    return pl.kernel(
        _score_body,
        out_type=(
            jax.ShapeDtypeStruct((P, 16), f32),
            jax.ShapeDtypeStruct((P, 16), f32),
        ),
        mesh=_sc_mesh(),
        scratch_types=(
            pltpu.VMEM((P // NW // K3, K3), jnp.int32),
            pltpu.VMEM((P // NW // K3, K3), jnp.int32),
            pltpu.VMEM((P // NW // K3, K3), jnp.int32),
            pltpu.VMEM((P // NW // K3, K3), jnp.int32),
            pltpu.VMEM((K3, D), f32),
            pltpu.VMEM((K3, D), f32),
            pltpu.VMEM((K3, D), f32),
            pltpu.VMEM((K3, D), f32),
            pltpu.VMEM((K3, 16), f32),
            pltpu.VMEM((K3, 16), f32),
        ),
    )(x2, rel_emb, ph3, pt3, pr3, pn3)


RB = 1000


def _fuse1_kernel(feat, a0, a1, b0, b1, cs0, cs1, cd0, cd1,
                  w_out, bo, w_in, bi, w1, y1):
    cs = cs0[:, 0:1] + cs1[:, 0:1]
    cd = cd0[:, 0:1] + cd1[:, 0:1]
    w1a = w1[0:D, :]
    w1b = w1[D:2 * D, :]
    w1c = w1[2 * D:3 * D, :]
    dot = functools.partial(jnp.dot, preferred_element_type=jnp.float32)
    acc = dot(feat[...], w1a)
    acc += dot(a0[...] + a1[...], dot(w_out[...], w1b))
    acc += dot(b0[...] + b1[...], dot(w_in[...], w1c))
    acc += cs * dot(bo[...], w1b)
    acc += cd * dot(bi[...], w1c)
    out_norm = lax.rsqrt(jnp.maximum(cs, 1.0))
    y1[...] = acc * out_norm


def _fuse1(feat, a0, a1, b0, b1, cs0, cs1, cd0, cd1, w_out, bo, w_in, bi, w1):
    f32 = jnp.float32
    grid = N // RB
    row = lambda i: (i, 0)
    fixed = lambda i: (0, 0)
    return pl.pallas_call(
        _fuse1_kernel,
        grid=(grid,),
        in_specs=[
            pl.BlockSpec((RB, D), row),
            pl.BlockSpec((RB, D), row),
            pl.BlockSpec((RB, D), row),
            pl.BlockSpec((RB, D), row),
            pl.BlockSpec((RB, D), row),
            pl.BlockSpec((RB, D), row),
            pl.BlockSpec((RB, D), row),
            pl.BlockSpec((RB, D), row),
            pl.BlockSpec((RB, D), row),
            pl.BlockSpec((D, D), fixed),
            pl.BlockSpec((1, D), fixed),
            pl.BlockSpec((D, D), fixed),
            pl.BlockSpec((1, D), fixed),
            pl.BlockSpec((3 * D, D), fixed),
        ],
        out_specs=pl.BlockSpec((RB, D), row),
        out_shape=jax.ShapeDtypeStruct((N, D), f32),
    )(feat, a0, a1, b0, b1, cs0, cs1, cd0, cd1, w_out, bo, w_in, bi, w1)


def _fuse2_kernel(m0, m1, cs0, cs1, cd0, cd1, b1, w2, y2):
    in_norm = lax.rsqrt(jnp.maximum(cd0[:, 0:1] + cd1[:, 0:1], 1.0))
    x1 = jax.nn.relu((m0[...] + m1[...]) * in_norm + b1[...])
    out_norm = lax.rsqrt(jnp.maximum(cs0[:, 0:1] + cs1[:, 0:1], 1.0))
    y2[...] = jnp.dot(x1, w2[...], preferred_element_type=jnp.float32) * out_norm


def _fuse2(m0, m1, cs0, cs1, cd0, cd1, b1, w2):
    f32 = jnp.float32
    grid = N // RB
    row = lambda i: (i, 0)
    fixed = lambda i: (0, 0)
    return pl.pallas_call(
        _fuse2_kernel,
        grid=(grid,),
        in_specs=[
            pl.BlockSpec((RB, D), row),
            pl.BlockSpec((RB, D), row),
            pl.BlockSpec((RB, D), row),
            pl.BlockSpec((RB, D), row),
            pl.BlockSpec((RB, D), row),
            pl.BlockSpec((RB, D), row),
            pl.BlockSpec((1, D), fixed),
            pl.BlockSpec((D, D), fixed),
        ],
        out_specs=pl.BlockSpec((RB, D), row),
        out_shape=jax.ShapeDtypeStruct((N, D), f32),
    )(m0, m1, cs0, cs1, cd0, cd1, b1, w2)


def _fuse3_kernel(m0, m1, cd0, cd1, b2, x2):
    in_norm = lax.rsqrt(jnp.maximum(cd0[:, 0:1] + cd1[:, 0:1], 1.0))
    x2[...] = jax.nn.relu((m0[...] + m1[...]) * in_norm + b2[...])


def _fuse3(m0, m1, cd0, cd1, b2):
    f32 = jnp.float32
    grid = N // RB
    row = lambda i: (i, 0)
    fixed = lambda i: (0, 0)
    return pl.pallas_call(
        _fuse3_kernel,
        grid=(grid,),
        in_specs=[
            pl.BlockSpec((RB, D), row),
            pl.BlockSpec((RB, D), row),
            pl.BlockSpec((RB, D), row),
            pl.BlockSpec((RB, D), row),
            pl.BlockSpec((1, D), fixed),
        ],
        out_specs=pl.BlockSpec((RB, D), row),
        out_shape=jax.ShapeDtypeStruct((N, D), f32),
    )(m0, m1, cd0, cd1, b2)


PB = 2048


def _sqrt_kernel(sp, sn, op, on):
    op[...] = jnp.sqrt(jnp.sum(sp[...], axis=1, keepdims=True))
    on[...] = jnp.sqrt(jnp.sum(sn[...], axis=1, keepdims=True))


def _sqrt2(sp16, sn16):
    f32 = jnp.float32
    grid = P // PB
    row = lambda i: (i, 0)
    return pl.pallas_call(
        _sqrt_kernel,
        grid=(grid,),
        in_specs=[pl.BlockSpec((PB, 16), row), pl.BlockSpec((PB, 16), row)],
        out_specs=(pl.BlockSpec((PB, 1), row), pl.BlockSpec((PB, 1), row)),
        out_shape=(jax.ShapeDtypeStruct((P, 1), f32),
                   jax.ShapeDtypeStruct((P, 1), f32)),
    )(sp16, sn16)


def kernel(input_feat, edge_index, edge_type, pos_edge_index, pos_edge_type,
           neg_dst, rel_emb, W_out, b_out, W_in, b_in, W1, b1, W2, b2):
    src_m = edge_index[0].reshape(NW, E // NW // K1, K1)
    dst_m = edge_index[1].reshape(NW, E // NW // K1, K1)
    et_m = edge_type.reshape(NW, E // NW // K1, K1)
    z2d = jnp.zeros((NP, D), jnp.float32)
    rel_pad = jnp.concatenate(
        [rel_emb, jnp.zeros((N - NRELS, D), jnp.float32)], axis=0)

    fgather = jnp.ones((16,), jnp.int32)
    fcount = jnp.zeros((16,), jnp.int32)
    cs = _gather_scatter(rel_pad, src_m, src_m, z2d, fcount)
    cd = _gather_scatter(rel_pad, dst_m, dst_m, z2d, fcount)
    ra = _gather_scatter(rel_pad, et_m, src_m, z2d, fgather)
    rb = _gather_scatter(rel_pad, et_m, dst_m, z2d, fgather)
    y1 = _fuse1(input_feat, ra[0], ra[1], rb[0], rb[1],
                cs[0], cs[1], cd[0], cd[1],
                W_out, b_out.reshape(1, D), W_in, b_in.reshape(1, D), W1)
    m = _gather_scatter(y1, src_m, dst_m, z2d, fgather)
    y2 = _fuse2(m[0], m[1], cs[0], cs[1], cd[0], cd[1], b1.reshape(1, D), W2)
    n = _gather_scatter(y2, src_m, dst_m, z2d, fgather)
    x2 = _fuse3(n[0], n[1], cd[0], cd[1], b2.reshape(1, D))

    ph3 = pos_edge_index[0].reshape(NW, P // NW // K3, K3)
    pt3 = pos_edge_index[1].reshape(NW, P // NW // K3, K3)
    pr3 = pos_edge_type.reshape(NW, P // NW // K3, K3)
    pn3 = neg_dst.reshape(NW, P // NW // K3, K3)
    sp16, sn16 = _score(x2, rel_emb, ph3, pt3, pr3, pn3)
    pos, neg = _sqrt2(sp16, sn16)
    return pos.reshape(P), neg.reshape(P)

# --- scband reference (transcript-rebuilt; emitter-appended) ---
"""Pipeline reference for scband-gcnnet-37460704756175 (READ-ONLY COPY).

The authoritative reference and input builder live on the scoring server;
editing this copy changes nothing except your own understanding.
"""

import jax, jax.numpy as jnp
import numpy as np

N = 10000
E = 320000
P = 32768
D_FEAT = 128
REL_DIM = 128
NUM_RELS = 1000
H1 = 128
H2 = 128
D_IN = D_FEAT + 2 * REL_DIM  # 384


def setup_inputs(seed: int = 0) -> dict:
    key = jax.random.key(seed)
    ks = jax.random.split(key, 20)
    inp = {}
    inp['input_feat'] = jax.random.normal(ks[0], (N, D_FEAT), dtype=jnp.float32)
    inp['edge_index'] = jax.random.randint(ks[1], (2, E), 0, N, dtype=jnp.int32)
    inp['edge_type'] = jax.random.randint(ks[2], (E,), 0, NUM_RELS, dtype=jnp.int32)
    inp['pos_edge_index'] = jax.random.randint(ks[3], (2, P), 0, N, dtype=jnp.int32)
    inp['pos_edge_type'] = jax.random.randint(ks[4], (P,), 0, NUM_RELS, dtype=jnp.int32)
    inp['neg_dst'] = jax.random.randint(ks[5], (P,), 0, N, dtype=jnp.int32)
    # learned parameters
    inp['rel_emb'] = jax.random.normal(ks[6], (NUM_RELS, REL_DIM), dtype=jnp.float32) * 0.1
    inp['W_out'] = jax.random.normal(ks[7], (REL_DIM, REL_DIM), dtype=jnp.float32) * (REL_DIM ** -0.5)
    inp['b_out'] = jnp.zeros((REL_DIM,), dtype=jnp.float32)
    inp['W_in'] = jax.random.normal(ks[8], (REL_DIM, REL_DIM), dtype=jnp.float32) * (REL_DIM ** -0.5)
    inp['b_in'] = jnp.zeros((REL_DIM,), dtype=jnp.float32)
    inp['W1'] = jax.random.normal(ks[9], (D_IN, H1), dtype=jnp.float32) * (D_IN ** -0.5)
    inp['b1'] = jnp.zeros((H1,), dtype=jnp.float32)
    inp['W2'] = jax.random.normal(ks[10], (H1, H2), dtype=jnp.float32) * (H1 ** -0.5)
    inp['b2'] = jnp.zeros((H2,), dtype=jnp.float32)
    return inp


def _gcn_layer(x, src, dst, out_norm, in_norm, W, b):
    # DGL GraphConv with norm='both': D_dst^{-1/2} A D_src^{-1/2} X W + b
    h = x * out_norm[:, None]
    m = jax.ops.segment_sum(h[src], dst, num_segments=N)
    m = m * in_norm[:, None]
    return m @ W + b


def reference(input_feat, edge_index, edge_type, pos_edge_index, pos_edge_type, neg_dst,
              rel_emb, W_out, b_out, W_in, b_in, W1, b1, W2, b2):
    src = edge_index[0]
    dst = edge_index[1]
    # relation embedding lookup (embedding_lookup on SparseCore)
    e = rel_emb[edge_type]                      # [E, REL_DIM]
    out_e = e @ W_out + b_out                   # out_transform
    in_e = e @ W_in + b_in                      # in_transform
    # incidence-matrix spmm == scatter-add of edge embeddings onto incident nodes
    out_edge_emb = jax.ops.segment_sum(out_e, src, num_segments=N)  # inc('out') @ ...
    in_edge_emb = jax.ops.segment_sum(in_e, dst, num_segments=N)    # inc('in') @ ...
    x = jnp.concatenate([input_feat, out_edge_emb, in_edge_emb], axis=1)  # [N, D_IN]
    # symmetric degree normalization
    out_deg = jnp.clip(jnp.bincount(src, length=N), 1, None).astype(jnp.float32)
    in_deg = jnp.clip(jnp.bincount(dst, length=N), 1, None).astype(jnp.float32)
    out_norm = out_deg ** -0.5
    in_norm = in_deg ** -0.5
    x = jax.nn.relu(_gcn_layer(x, src, dst, out_norm, in_norm, W1, b1))
    x = jax.nn.relu(_gcn_layer(x, src, dst, out_norm, in_norm, W2, b2))
    # pos edge scoring (apply_edges gather of src/dst node states)
    h_emb = x[pos_edge_index[0]]
    t_emb = x[pos_edge_index[1]]
    r_emb = rel_emb[pos_edge_type]
    h_r_emb = h_emb + r_emb
    pos_score = jnp.sqrt(jnp.sum(jnp.square(h_r_emb - t_emb), axis=1))
    # neg edge scoring reuses h_r_emb, only dst differs
    t_neg = x[neg_dst]
    neg_score = jnp.sqrt(jnp.sum(jnp.square(h_r_emb - t_neg), axis=1))
    return (pos_score, neg_score)

if __name__ == "__main__":
    import jax
    _d = setup_inputs()
    print(jax.jit(kernel)(*tuple(_d.values())))

</pallas_src>

<mosaic_0001>
#map = affine_map<(d0, d1) -> (0, 0)>
#map1 = affine_map<(d0, d1) -> (0, 0, 0)>
#map2 = affine_map<(d0, d1) -> (0)>
module attributes {stable_mosaic.version = 14 : i64} {
  func.func @_gs_body(%arg0: i32, %arg1: i32, %arg2: memref<10000x128xf32, #tpu.memory_space<hbm>>, %arg3: memref<32x80x125xi32, #tpu.memory_space<hbm>>, %arg4: memref<32x80x125xi32, #tpu.memory_space<hbm>>, %arg5: memref<10240x128xf32, #tpu.memory_space<hbm>>, %arg6: memref<16xi32, #tpu.memory_space<hbm>>, %arg7: memref<2x10240x128xf32, #tpu.memory_space<hbm>>, %arg8: memref<80x125xi32, #tpu.memory_space<vmem>>, %arg9: memref<80x125xi32, #tpu.memory_space<vmem>>, %arg10: memref<125x128xf32, #tpu.memory_space<vmem>>, %arg11: memref<16xi32, #tpu.memory_space<vmem>>, %arg12: memref<10240x128xf32, #tpu.memory_space<vmem_shared>>) attributes {dimension_semantics = [#tpu.dimension_semantics<core_parallel>, #tpu.dimension_semantics<subcore_parallel>], iteration_bounds = array<i64: 2, 16>, scalar_prefetch = 0 : i64, scratch_operands = 5 : i64, tpu.core_type = #tpu.core_type<sc_vector_subcore>, window_params = [{transform_indices = #map}, {transform_indices = #map1}, {transform_indices = #map1}, {transform_indices = #map}, {transform_indices = #map2}, {transform_indices = #map1}]} {
    %mul3A = arith.constant 640 : i32
    %mul3A_0 = arith.muli %arg1, %mul3A : i32
    "tpu.region"() ({
      %run_scoped3A = tpu.sem_alloc : memref<!tpu.dma_semaphore, #tpu.memory_space<semaphore_mem>>
      %dma_start3A = arith.constant 0 : i32
      %dma_start3A_12 = tpu.memref_slice %arg12[%mul3A_0, %dma_start3A] : memref<10240x128xf32, #tpu.memory_space<vmem_shared>> -> memref<640x128xf32, #tpu.memory_space<vmem_shared>>
      %dma_start3A_13 = arith.constant 0 : i32
      %dma_start3A_14 = tpu.memref_slice %arg5[%mul3A_0, %dma_start3A_13] : memref<10240x128xf32, #tpu.memory_space<hbm>> -> memref<640x128xf32, #tpu.memory_space<hbm>>
      tpu.enqueue_dma source(%dma_start3A_14 : memref<640x128xf32, #tpu.memory_space<hbm>>) target(%dma_start3A_12 : memref<640x128xf32, #tpu.memory_space<vmem_shared>>) target_semaphore(%run_scoped3A : memref<!tpu.dma_semaphore, #tpu.memory_space<semaphore_mem>>)
      %dma_wait3A = arith.constant 0 : i32
      %dma_wait3A_15 = tpu.memref_slice %arg12[%mul3A_0, %dma_wait3A] : memref<10240x128xf32, #tpu.memory_space<vmem_shared>> -> memref<640x128xf32, #tpu.memory_space<vmem_shared>>
      %dma_wait3A_16 = arith.constant 0 : i32
      %dma_wait3A_17 = tpu.memref_slice %arg5[%mul3A_0, %dma_wait3A_16] : memref<10240x128xf32, #tpu.memory_space<hbm>> -> memref<640x128xf32, #tpu.memory_space<hbm>>
      tpu.wait_dma2 semaphore(%run_scoped3A : memref<!tpu.dma_semaphore, #tpu.memory_space<semaphore_mem>>) src(%dma_wait3A_17 : memref<640x128xf32, #tpu.memory_space<hbm>>) dst(%dma_wait3A_15 : memref<640x128xf32, #tpu.memory_space<vmem_shared>>)
      tpu.yield
    }) : () -> ()
    %barrier3A = arith.constant 0 : index
    tpu.barrier barrier_id(%barrier3A)
    %mul3A_1 = arith.constant 16 : i32
    %mul3A_2 = arith.muli %arg0, %mul3A_1 : i32
    %add3A = arith.addi %mul3A_2, %arg1 : i32
    "tpu.region"() ({
      %run_scoped3A = tpu.sem_alloc : memref<!tpu.dma_semaphore, #tpu.memory_space<semaphore_mem>>
      %dma_start3A = arith.constant 0 : i32
      %dma_start3A_12 = arith.constant 0 : i32
      %dma_start3A_13 = tpu.memref_slice %arg3[%add3A, %dma_start3A, %dma_start3A_12] : memref<32x80x125xi32, #tpu.memory_space<hbm>> -> memref<1x80x125xi32, #tpu.memory_space<hbm>>
      %dma_start3A_14 = tpu.memref_squeeze %dma_start3A_13 : memref<1x80x125xi32, #tpu.memory_space<hbm>> -> memref<80x125xi32, #tpu.memory_space<hbm>>
      %dma_start3A_15 = arith.constant 0 : i32
      %dma_start3A_16 = arith.constant 0 : i32
      %dma_start3A_17 = tpu.memref_slice %arg3[%add3A, %dma_start3A_15, %dma_start3A_16] : memref<32x80x125xi32, #tpu.memory_space<hbm>> -> memref<1x80x125xi32, #tpu.memory_space<hbm>>
      %dma_start3A_18 = tpu.memref_squeeze %dma_start3A_17 : memref<1x80x125xi32, #tpu.memory_space<hbm>> -> memref<80x125xi32, #tpu.memory_space<hbm>>
      tpu.enqueue_dma source(%dma_start3A_18 : memref<80x125xi32, #tpu.memory_space<hbm>>) target(%arg8 : memref<80x125xi32, #tpu.memory_space<vmem>>) target_semaphore(%run_scoped3A : memref<!tpu.dma_semaphore, #tpu.memory_space<semaphore_mem>>)
      %dma_wait3A = arith.constant 0 : i32
      %dma_wait3A_19 = arith.constant 0 : i32
      %dma_wait3A_20 = tpu.memref_slice %arg3[%add3A, %dma_wait3A, %dma_wait3A_19] : memref<32x80x125xi32, #tpu.memory_space<hbm>> -> memref<1x80x125xi32, #tpu.memory_space<hbm>>
      %dma_wait3A_21 = tpu.memref_squeeze %dma_wait3A_20 : memref<1x80x125xi32, #tpu.memory_space<hbm>> -> memref<80x125xi32, #tpu.memory_space<hbm>>
      %dma_wait3A_22 = arith.constant 0 : i32
      %dma_wait3A_23 = arith.constant 0 : i32
      %dma_wait3A_24 = tpu.memref_slice %arg3[%add3A, %dma_wait3A_22, %dma_wait3A_23] : memref<32x80x125xi32, #tpu.memory_space<hbm>> -> memref<1x80x125xi32, #tpu.memory_space<hbm>>
      %dma_wait3A_25 = tpu.memref_squeeze %dma_wait3A_24 : memref<1x80x125xi32, #tpu.memory_space<hbm>> -> memref<80x125xi32, #tpu.memory_space<hbm>>
      tpu.wait_dma2 semaphore(%run_scoped3A : memref<!tpu.dma_semaphore, #tpu.memory_space<semaphore_mem>>) src(%dma_wait3A_25 : memref<80x125xi32, #tpu.memory_space<hbm>>) dst(%arg8 : memref<80x125xi32, #tpu.memory_space<vmem>>)
      tpu.yield
    }) : () -> ()
    "tpu.region"() ({
      %run_scoped3A = tpu.sem_alloc : memref<!tpu.dma_semaphore, #tpu.memory_space<semaphore_mem>>
      %dma_start3A = arith.constant 0 : i32
      %dma_start3A_12 = arith.constant 0 : i32
      %dma_start3A_13 = tpu.memref_slice %arg4[%add3A, %dma_start3A, %dma_start3A_12] : memref<32x80x125xi32, #tpu.memory_space<hbm>> -> memref<1x80x125xi32, #tpu.memory_space<hbm>>
      %dma_start3A_14 = tpu.memref_squeeze %dma_start3A_13 : memref<1x80x125xi32, #tpu.memory_space<hbm>> -> memref<80x125xi32, #tpu.memory_space<hbm>>
      %dma_start3A_15 = arith.constant 0 : i32
      %dma_start3A_16 = arith.constant 0 : i32
      %dma_start3A_17 = tpu.memref_slice %arg4[%add3A, %dma_start3A_15, %dma_start3A_16] : memref<32x80x125xi32, #tpu.memory_space<hbm>> -> memref<1x80x125xi32, #tpu.memory_space<hbm>>
      %dma_start3A_18 = tpu.memref_squeeze %dma_start3A_17 : memref<1x80x125xi32, #tpu.memory_space<hbm>> -> memref<80x125xi32, #tpu.memory_space<hbm>>
      tpu.enqueue_dma source(%dma_start3A_18 : memref<80x125xi32, #tpu.memory_space<hbm>>) target(%arg9 : memref<80x125xi32, #tpu.memory_space<vmem>>) target_semaphore(%run_scoped3A : memref<!tpu.dma_semaphore, #tpu.memory_space<semaphore_mem>>)
      %dma_wait3A = arith.constant 0 : i32
      %dma_wait3A_19 = arith.constant 0 : i32
      %dma_wait3A_20 = tpu.memref_slice %arg4[%add3A, %dma_wait3A, %dma_wait3A_19] : memref<32x80x125xi32, #tpu.memory_space<hbm>> -> memref<1x80x125xi32, #tpu.memory_space<hbm>>
      %dma_wait3A_21 = tpu.memref_squeeze %dma_wait3A_20 : memref<1x80x125xi32, #tpu.memory_space<hbm>> -> memref<80x125xi32, #tpu.memory_space<hbm>>
      %dma_wait3A_22 = arith.constant 0 : i32
      %dma_wait3A_23 = arith.constant 0 : i32
      %dma_wait3A_24 = tpu.memref_slice %arg4[%add3A, %dma_wait3A_22, %dma_wait3A_23] : memref<32x80x125xi32, #tpu.memory_space<hbm>> -> memref<1x80x125xi32, #tpu.memory_space<hbm>>
      %dma_wait3A_25 = tpu.memref_squeeze %dma_wait3A_24 : memref<1x80x125xi32, #tpu.memory_space<hbm>> -> memref<80x125xi32, #tpu.memory_space<hbm>>
      tpu.wait_dma2 semaphore(%run_scoped3A : memref<!tpu.dma_semaphore, #tpu.memory_space<semaphore_mem>>) src(%dma_wait3A_25 : memref<80x125xi32, #tpu.memory_space<hbm>>) dst(%arg9 : memref<80x125xi32, #tpu.memory_space<vmem>>)
      tpu.yield
    }) : () -> ()
    "tpu.region"() ({
      %run_scoped3A = tpu.sem_alloc : memref<!tpu.dma_semaphore, #tpu.memory_space<semaphore_mem>>
      tpu.enqueue_dma source(%arg6 : memref<16xi32, #tpu.memory_space<hbm>>) target(%arg11 : memref<16xi32, #tpu.memory_space<vmem>>) target_semaphore(%run_scoped3A : memref<!tpu.dma_semaphore, #tpu.memory_space<semaphore_mem>>)
      tpu.wait_dma2 semaphore(%run_scoped3A : memref<!tpu.dma_semaphore, #tpu.memory_space<semaphore_mem>>) src(%arg6 : memref<16xi32, #tpu.memory_space<hbm>>) dst(%arg11 : memref<16xi32, #tpu.memory_space<vmem>>)
      tpu.yield
    }) : () -> ()
    %get3A = arith.constant 0 : index
    %get3A_3 = tpu.vector_load %arg11[%get3A] {strides = array<i32>} : memref<16xi32, #tpu.memory_space<vmem>>, vector<16xi32>,
    %get3A_4 = vector.shape_cast %get3A_3 : vector<16xi32> to vector<16xi32>
    %slice3A = vector.extract_strided_slice %get3A_4 {offsets = [0], sizes = [1], strides = [1]} : vector<16xi32> to vector<1xi32>
    %squeeze3A = vector.extract %slice3A[0] : i32 from vector<1xi32>
    %ne3A = arith.constant 0 : i32
    %ne3A_5 = arith.cmpi ne, %squeeze3A, %ne3A : i32
    %convert_element_type3A = arith.extui %ne3A_5 : i1 to i32
    %cond3A = arith.constant 0 : i32
    %cond3A_6 = arith.cmpi ne, %convert_element_type3A, %cond3A : i32
    scf.if %cond3A_6 {
      %scan3A = arith.constant 0 : i32
      %scan3A_12 = arith.constant 80 : i32
      %scan3A_13 = arith.addi %scan3A, %scan3A_12 : i32
      %scan3A_14 = arith.constant 1 : i32
      scf.for %scan3A_16 = %scan3A to %scan3A_13 step %scan3A_14  : i32 {
        %mul3A_17 = arith.constant 1 : i32
        %mul3A_18 = arith.muli %scan3A_16, %mul3A_17 : i32
        %add3A_19 = arith.constant 0 : i32
        %add3A_20 = arith.addi %add3A_19, %mul3A_18 : i32
        "tpu.region"() ({
          %run_scoped3A = tpu.sem_alloc : memref<!tpu.dma_semaphore, #tpu.memory_space<semaphore_mem>>
          %dma_start3A = arith.constant 0 : i32
          %dma_start3A_21 = tpu.memref_slice %arg8[%add3A_20, %dma_start3A] : memref<80x125xi32, #tpu.memory_space<vmem>> -> memref<1x125xi32, #tpu.memory_space<vmem>>
          %dma_start3A_22 = tpu.memref_squeeze %dma_start3A_21 : memref<1x125xi32, #tpu.memory_space<vmem>> -> memref<125xi32, #tpu.memory_space<vmem>>
          %dma_start3A_23 = arith.constant 0 : i32
          %dma_start3A_24 = arith.constant 0 : i32
          %dma_start3A_25 = tpu.memref_slice %arg2[%dma_start3A_23, %dma_start3A_24] : memref<10000x128xf32, #tpu.memory_space<hbm>> -> memref<10000x128xf32, #tpu.memory_space<hbm>>
          tpu.enqueue_indirect_dma source(%dma_start3A_25 : memref<10000x128xf32, #tpu.memory_space<hbm>>) target(%arg10 : memref<125x128xf32, #tpu.memory_space<vmem>>) offsets(%dma_start3A_22 : memref<125xi32, #tpu.memory_space<vmem>>) semaphore(%run_scoped3A : memref<!tpu.dma_semaphore, #tpu.memory_space<semaphore_mem>>)
          %dma_wait3A = arith.constant 0 : i32
          %dma_wait3A_26 = tpu.memref_slice %arg8[%add3A_20, %dma_wait3A] : memref<80x125xi32, #tpu.memory_space<vmem>> -> memref<1x125xi32, #tpu.memory_space<vmem>>
          %dma_wait3A_27 = tpu.memref_squeeze %dma_wait3A_26 : memref<1x125xi32, #tpu.memory_space<vmem>> -> memref<125xi32, #tpu.memory_space<vmem>>
          %dma_wait3A_28 = arith.constant 0 : i32
          %dma_wait3A_29 = arith.constant 0 : i32
          %dma_wait3A_30 = tpu.memref_slice %arg2[%dma_wait3A_28, %dma_wait3A_29] : memref<10000x128xf32, #tpu.memory_space<hbm>> -> memref<10000x128xf32, #tpu.memory_space<hbm>>
          tpu.wait_indirect_dma semaphore(%run_scoped3A : memref<!tpu.dma_semaphore, #tpu.memory_space<semaphore_mem>>) src(%dma_wait3A_30 : memref<10000x128xf32, #tpu.memory_space<hbm>>) dst(%arg10 : memref<125x128xf32, #tpu.memory_space<vmem>>)
          tpu.yield
        }) : () -> ()
        "tpu.region"() ({
          %run_scoped3A = tpu.sem_alloc : memref<!tpu.dma_semaphore, #tpu.memory_space<semaphore_mem>>
          %dma_start3A = arith.constant 0 : i32
          %dma_start3A_21 = tpu.memref_slice %arg9[%add3A_20, %dma_start3A] : memref<80x125xi32, #tpu.memory_space<vmem>> -> memref<1x125xi32, #tpu.memory_space<vmem>>
          %dma_start3A_22 = tpu.memref_squeeze %dma_start3A_21 : memref<1x125xi32, #tpu.memory_space<vmem>> -> memref<125xi32, #tpu.memory_space<vmem>>
          %dma_start3A_23 = arith.constant 0 : i32
          %dma_start3A_24 = arith.constant 0 : i32
          %dma_start3A_25 = tpu.memref_slice %arg12[%dma_start3A_23, %dma_start3A_24] : memref<10240x128xf32, #tpu.memory_space<vmem_shared>> -> memref<10240x128xf32, #tpu.memory_space<vmem_shared>>
          tpu.enqueue_indirect_dma source(%arg10 : memref<125x128xf32, #tpu.memory_space<vmem>>) target(%dma_start3A_25 : memref<10240x128xf32, #tpu.memory_space<vmem_shared>>) offsets(%dma_start3A_22 : memref<125xi32, #tpu.memory_space<vmem>>) semaphore(%run_scoped3A : memref<!tpu.dma_semaphore, #tpu.memory_space<semaphore_mem>>) {add = true}
          %dma_wait3A = arith.constant 0 : i32
          %dma_wait3A_26 = tpu.memref_slice %arg9[%add3A_20, %dma_wait3A] : memref<80x125xi32, #tpu.memory_space<vmem>> -> memref<1x125xi32, #tpu.memory_space<vmem>>
          %dma_wait3A_27 = tpu.memref_squeeze %dma_wait3A_26 : memref<1x125xi32, #tpu.memory_space<vmem>> -> memref<125xi32, #tpu.memory_space<vmem>>
          %dma_wait3A_28 = arith.constant 0 : i32
          %dma_wait3A_29 = arith.constant 0 : i32
          %dma_wait3A_30 = tpu.memref_slice %arg12[%dma_wait3A_28, %dma_wait3A_29] : memref<10240x128xf32, #tpu.memory_space<vmem_shared>> -> memref<10240x128xf32, #tpu.memory_space<vmem_shared>>
          tpu.wait_indirect_dma semaphore(%run_scoped3A : memref<!tpu.dma_semaphore, #tpu.memory_space<semaphore_mem>>) src(%arg10 : memref<125x128xf32, #tpu.memory_space<vmem>>) dst(%dma_wait3A_30 : memref<10240x128xf32, #tpu.memory_space<vmem_shared>>)
          tpu.yield
        }) : () -> ()
      }
      %scan3A_15 = arith.constant 80 : i32
    } else {
    }
    %eq3A = arith.constant 0 : i32
    %eq3A_7 = arith.cmpi eq, %squeeze3A, %eq3A : i32
    %convert_element_type3A_8 = arith.extui %eq3A_7 : i1 to i32
    %cond3A_9 = arith.constant 0 : i32
    %cond3A_10 = arith.cmpi ne, %convert_element_type3A_8, %cond3A_9 : i32
    scf.if %cond3A_10 {
      %scan3A = arith.constant 0 : i32
      %scan3A_12 = arith.constant 125 : i32
      %scan3A_13 = arith.addi %scan3A, %scan3A_12 : i32
      %scan3A_14 = arith.constant 1 : i32
      scf.for %scan3A_21 = %scan3A to %scan3A_13 step %scan3A_14  : i32 {
        %mul3A_22 = arith.constant 1 : i32
        %mul3A_23 = arith.muli %scan3A_21, %mul3A_22 : i32
        %add3A_24 = arith.constant 0 : i32
        %add3A_25 = arith.addi %add3A_24, %mul3A_23 : i32
        %broadcast_in_dim3A = arith.constant 1.000000e+00 : f32
        %broadcast_in_dim3A_26 = vector.broadcast %broadcast_in_dim3A : f32 to vector<16xf32>
        %swap3A = arith.index_cast %add3A_25 : i32 to index
        %swap3A_27 = arith.constant 0 : index
        %swap3A_28 = tpu.vector_load %arg10[%swap3A, %swap3A_27] {strides = array<i32>} : memref<125x128xf32, #tpu.memory_space<vmem>>, vector<1x16xf32>,
        %swap3A_29 = vector.shape_cast %swap3A_28 : vector<1x16xf32> to vector<16xf32>
        %swap3A_30 = vector.shape_cast %broadcast_in_dim3A_26 : vector<16xf32> to vector<1x16xf32>
        tpu.vector_store %arg10[%swap3A, %swap3A_27], %swap3A_30 {strides = array<i32>} : memref<125x128xf32, #tpu.memory_space<vmem>>, vector<1x16xf32>,
        %broadcast_in_dim3A_31 = arith.constant 1.000000e+00 : f32
        %broadcast_in_dim3A_32 = vector.broadcast %broadcast_in_dim3A_31 : f32 to vector<16xf32>
        %swap3A_33 = arith.index_cast %add3A_25 : i32 to index
        %swap3A_34 = arith.constant 16 : index
        %swap3A_35 = tpu.vector_load %arg10[%swap3A_33, %swap3A_34] {strides = array<i32>} : memref<125x128xf32, #tpu.memory_space<vmem>>, vector<1x16xf32>,
        %swap3A_36 = vector.shape_cast %swap3A_35 : vector<1x16xf32> to vector<16xf32>
        %swap3A_37 = vector.shape_cast %broadcast_in_dim3A_32 : vector<16xf32> to vector<1x16xf32>
        tpu.vector_store %arg10[%swap3A_33, %swap3A_34], %swap3A_37 {strides = array<i32>} : memref<125x128xf32, #tpu.memory_space<vmem>>, vector<1x16xf32>,
        %broadcast_in_dim3A_38 = arith.constant 1.000000e+00 : f32
        %broadcast_in_dim3A_39 = vector.broadcast %broadcast_in_dim3A_38 : f32 to vector<16xf32>
        %swap3A_40 = arith.index_cast %add3A_25 : i32 to index
        %swap3A_41 = arith.constant 32 : index
        %swap3A_42 = tpu.vector_load %arg10[%swap3A_40, %swap3A_41] {strides = array<i32>} : memref<125x128xf32, #tpu.memory_space<vmem>>, vector<1x16xf32>,
        %swap3A_43 = vector.shape_cast %swap3A_42 : vector<1x16xf32> to vector<16xf32>
        %swap3A_44 = vector.shape_cast %broadcast_in_dim3A_39 : vector<16xf32> to vector<1x16xf32>
        tpu.vector_store %arg10[%swap3A_40, %swap3A_41], %swap3A_44 {strides = array<i32>} : memref<125x128xf32, #tpu.memory_space<vmem>>, vector<1x16xf32>,
        %broadcast_in_dim3A_45 = arith.constant 1.000000e+00 : f32
        %broadcast_in_dim3A_46 = vector.broadcast %broadcast_in_dim3A_45 : f32 to vector<16xf32>
        %swap3A_47 = arith.index_cast %add3A_25 : i32 to index
        %swap3A_48 = arith.constant 48 : index
        %swap3A_49 = tpu.vector_load %arg10[%swap3A_47, %swap3A_48] {strides = array<i32>} : memref<125x128xf32, #tpu.memory_space<vmem>>, vector<1x16xf32>,
        %swap3A_50 = vector.shape_cast %swap3A_49 : vector<1x16xf32> to vector<16xf32>
        %swap3A_51 = vector.shape_cast %broadcast_in_dim3A_46 : vector<16xf32> to vector<1x16xf32>
        tpu.vector_store %arg10[%swap3A_47, %swap3A_48], %swap3A_51 {strides = array<i32>} : memref<125x128xf32, #tpu.memory_space<vmem>>, vector<1x16xf32>,
        %broadcast_in_dim3A_52 = arith.constant 1.000000e+00 : f32
        %broadcast_in_dim3A_53 = vector.broadcast %broadcast_in_dim3A_52 : f32 to vector<16xf32>
        %swap3A_54 = arith.index_cast %add3A_25 : i32 to index
        %swap3A_55 = arith.constant 64 : index
        %swap3A_56 = tpu.vector_load %arg10[%swap3A_54, %swap3A_55] {strides = array<i32>} : memref<125x128xf32, #tpu.memory_space<vmem>>, vector<1x16xf32>,
        %swap3A_57 = vector.shape_cast %swap3A_56 : vector<1x16xf32> to vector<16xf32>
        %swap3A_58 = vector.shape_cast %broadcast_in_dim3A_53 : vector<16xf32> to vector<1x16xf32>
        tpu.vector_store %arg10[%swap3A_54, %swap3A_55], %swap3A_58 {strides = array<i32>} : memref<125x128xf32, #tpu.memory_space<vmem>>, vector<1x16xf32>,
        %broadcast_in_dim3A_59 = arith.constant 1.000000e+00 : f32
        %broadcast_in_dim3A_60 = vector.broadcast %broadcast_in_dim3A_59 : f32 to vector<16xf32>
        %swap3A_61 = arith.index_cast %add3A_25 : i32 to index
        %swap3A_62 = arith.constant 80 : index
        %swap3A_63 = tpu.vector_load %arg10[%swap3A_61, %swap3A_62] {strides = array<i32>} : memref<125x128xf32, #tpu.memory_space<vmem>>, vector<1x16xf32>,
        %swap3A_64 = vector.shape_cast %swap3A_63 : vector<1x16xf32> to vector<16xf32>
        %swap3A_65 = vector.shape_cast %broadcast_in_dim3A_60 : vector<16xf32> to vector<1x16xf32>
        tpu.vector_store %arg10[%swap3A_61, %swap3A_62], %swap3A_65 {strides = array<i32>} : memref<125x128xf32, #tpu.memory_space<vmem>>, vector<1x16xf32>,
        %broadcast_in_dim3A_66 = arith.constant 1.000000e+00 : f32
        %broadcast_in_dim3A_67 = vector.broadcast %broadcast_in_dim3A_66 : f32 to vector<16xf32>
        %swap3A_68 = arith.index_cast %add3A_25 : i32 to index
        %swap3A_69 = arith.constant 96 : index
        %swap3A_70 = tpu.vector_load %arg10[%swap3A_68, %swap3A_69] {strides = array<i32>} : memref<125x128xf32, #tpu.memory_space<vmem>>, vector<1x16xf32>,
        %swap3A_71 = vector.shape_cast %swap3A_70 : vector<1x16xf32> to vector<16xf32>
        %swap3A_72 = vector.shape_cast %broadcast_in_dim3A_67 : vector<16xf32> to vector<1x16xf32>
        tpu.vector_store %arg10[%swap3A_68, %swap3A_69], %swap3A_72 {strides = array<i32>} : memref<125x128xf32, #tpu.memory_space<vmem>>, vector<1x16xf32>,
        %broadcast_in_dim3A_73 = arith.constant 1.000000e+00 : f32
        %broadcast_in_dim3A_74 = vector.broadcast %broadcast_in_dim3A_73 : f32 to vector<16xf32>
        %swap3A_75 = arith.index_cast %add3A_25 : i32 to index
        %swap3A_76 = arith.constant 112 : index
        %swap3A_77 = tpu.vector_load %arg10[%swap3A_75, %swap3A_76] {strides = array<i32>} : memref<125x128xf32, #tpu.memory_space<vmem>>, vector<1x16xf32>,
        %swap3A_78 = vector.shape_cast %swap3A_77 : vector<1x16xf32> to vector<16xf32>
        %swap3A_79 = vector.shape_cast %broadcast_in_dim3A_74 : vector<16xf32> to vector<1x16xf32>
        tpu.vector_store %arg10[%swap3A_75, %swap3A_76], %swap3A_79 {strides = array<i32>} : memref<125x128xf32, #tpu.memory_space<vmem>>, vector<1x16xf32>,
      }
      %scan3A_15 = arith.constant 125 : i32
      %scan3A_16 = arith.constant 0 : i32
      %scan3A_17 = arith.constant 80 : i32
      %scan3A_18 = arith.addi %scan3A_16, %scan3A_17 : i32
      %scan3A_19 = arith.constant 1 : i32
      scf.for %scan3A_21 = %scan3A_16 to %scan3A_18 step %scan3A_19  : i32 {
        %mul3A_22 = arith.constant 1 : i32
        %mul3A_23 = arith.muli %scan3A_21, %mul3A_22 : i32
        %add3A_24 = arith.constant 0 : i32
        %add3A_25 = arith.addi %add3A_24, %mul3A_23 : i32
        "tpu.region"() ({
          %run_scoped3A = tpu.sem_alloc : memref<!tpu.dma_semaphore, #tpu.memory_space<semaphore_mem>>
          %dma_start3A = arith.constant 0 : i32
          %dma_start3A_26 = tpu.memref_slice %arg9[%add3A_25, %dma_start3A] : memref<80x125xi32, #tpu.memory_space<vmem>> -> memref<1x125xi32, #tpu.memory_space<vmem>>
          %dma_start3A_27 = tpu.memref_squeeze %dma_start3A_26 : memref<1x125xi32, #tpu.memory_space<vmem>> -> memref<125xi32, #tpu.memory_space<vmem>>
          %dma_start3A_28 = arith.constant 0 : i32
          %dma_start3A_29 = arith.constant 0 : i32
          %dma_start3A_30 = tpu.memref_slice %arg12[%dma_start3A_28, %dma_start3A_29] : memref<10240x128xf32, #tpu.memory_space<vmem_shared>> -> memref<10240x128xf32, #tpu.memory_space<vmem_shared>>
          tpu.enqueue_indirect_dma source(%arg10 : memref<125x128xf32, #tpu.memory_space<vmem>>) target(%dma_start3A_30 : memref<10240x128xf32, #tpu.memory_space<vmem_shared>>) offsets(%dma_start3A_27 : memref<125xi32, #tpu.memory_space<vmem>>) semaphore(%run_scoped3A : memref<!tpu.dma_semaphore, #tpu.memory_space<semaphore_mem>>) {add = true}
          %dma_wait3A = arith.constant 0 : i32
          %dma_wait3A_31 = tpu.memref_slice %arg9[%add3A_25, %dma_wait3A] : memref<80x125xi32, #tpu.memory_space<vmem>> -> memref<1x125xi32, #tpu.memory_space<vmem>>
          %dma_wait3A_32 = tpu.memref_squeeze %dma_wait3A_31 : memref<1x125xi32, #tpu.memory_space<vmem>> -> memref<125xi32, #tpu.memory_space<vmem>>
          %dma_wait3A_33 = arith.constant 0 : i32
          %dma_wait3A_34 = arith.constant 0 : i32
          %dma_wait3A_35 = tpu.memref_slice %arg12[%dma_wait3A_33, %dma_wait3A_34] : memref<10240x128xf32, #tpu.memory_space<vmem_shared>> -> memref<10240x128xf32, #tpu.memory_space<vmem_shared>>
          tpu.wait_indirect_dma semaphore(%run_scoped3A : memref<!tpu.dma_semaphore, #tpu.memory_space<semaphore_mem>>) src(%arg10 : memref<125x128xf32, #tpu.memory_space<vmem>>) dst(%dma_wait3A_35 : memref<10240x128xf32, #tpu.memory_space<vmem_shared>>)
          tpu.yield
        }) : () -> ()
      }
      %scan3A_20 = arith.constant 80 : i32
    } else {
    }
    %barrier3A_11 = arith.constant 0 : index
    tpu.barrier barrier_id(%barrier3A_11)
    "tpu.region"() ({
      %run_scoped3A = tpu.sem_alloc : memref<!tpu.dma_semaphore, #tpu.memory_space<semaphore_mem>>
      %dma_start3A = arith.constant 0 : i32
      %dma_start3A_12 = tpu.memref_slice %arg7[%arg0, %mul3A_0, %dma_start3A] : memref<2x10240x128xf32, #tpu.memory_space<hbm>> -> memref<1x640x128xf32, #tpu.memory_space<hbm>>
      %dma_start3A_13 = tpu.memref_squeeze %dma_start3A_12 : memref<1x640x128xf32, #tpu.memory_space<hbm>> -> memref<640x128xf32, #tpu.memory_space<hbm>>
      %dma_start3A_14 = arith.constant 0 : i32
      %dma_start3A_15 = tpu.memref_slice %arg12[%mul3A_0, %dma_start3A_14] : memref<10240x128xf32, #tpu.memory_space<vmem_shared>> -> memref<640x128xf32, #tpu.memory_space<vmem_shared>>
      tpu.enqueue_dma source(%dma_start3A_15 : memref<640x128xf32, #tpu.memory_space<vmem_shared>>) target(%dma_start3A_13 : memref<640x128xf32, #tpu.memory_space<hbm>>) target_semaphore(%run_scoped3A : memref<!tpu.dma_semaphore, #tpu.memory_space<semaphore_mem>>)
      %dma_wait3A = arith.constant 0 : i32
      %dma_wait3A_16 = tpu.memref_slice %arg7[%arg0, %mul3A_0, %dma_wait3A] : memref<2x10240x128xf32, #tpu.memory_space<hbm>> -> memref<1x640x128xf32, #tpu.memory_space<hbm>>
      %dma_wait3A_17 = tpu.memref_squeeze %dma_wait3A_16 : memref<1x640x128xf32, #tpu.memory_space<hbm>> -> memref<640x128xf32, #tpu.memory_space<hbm>>
      %dma_wait3A_18 = arith.constant 0 : i32
      %dma_wait3A_19 = tpu.memref_slice %arg12[%mul3A_0, %dma_wait3A_18] : memref<10240x128xf32, #tpu.memory_space<vmem_shared>> -> memref<640x128xf32, #tpu.memory_space<vmem_shared>>
      tpu.wait_dma2 semaphore(%run_scoped3A : memref<!tpu.dma_semaphore, #tpu.memory_space<semaphore_mem>>) src(%dma_wait3A_19 : memref<640x128xf32, #tpu.memory_space<vmem_shared>>) dst(%dma_wait3A_17 : memref<640x128xf32, #tpu.memory_space<hbm>>)
      tpu.yield
    }) : () -> ()
    return
  }
}

#map = affine_map<(d0, d1) -> (0, 0)>
#map1 = affine_map<(d0, d1) -> (0, 0, 0)>
#map2 = affine_map<(d0, d1) -> (0)>
module attributes {stable_mosaic.version = 14 : i64} {
  func.func @_gs_body(%arg0: i32, %arg1: i32, %arg2: memref<10000x128xf32, #tpu.memory_space<hbm>>, %arg3: memref<32x80x125xi32, #tpu.memory_space<hbm>>, %arg4: memref<32x80x125xi32, #tpu.memory_space<hbm>>, %arg5: memref<10240x128xf32, #tpu.memory_space<hbm>>, %arg6: memref<16xi32, #tpu.memory_space<hbm>>, %arg7: memref<2x10240x128xf32, #tpu.memory_space<hbm>>, %arg8: memref<80x125xi32, #tpu.memory_space<vmem>>, %arg9: memref<80x125xi32, #tpu.memory_space<vmem>>, %arg10: memref<125x128xf32, #tpu.memory_space<vmem>>, %arg11: memref<16xi32, #tpu.memory_space<vmem>>, %arg12: memref<10240x128xf32, #tpu.memory_space<vmem_shared>>) attributes {dimension_semantics = [#tpu.dimension_semantics<core_parallel>, #tpu.dimension_semantics<subcore_parallel>], iteration_bounds = array<i64: 2, 16>, scalar_prefetch = 0 : i64, scratch_operands = 5 : i64, tpu.core_type = #tpu.core_type<sc_vector_subcore>, window_params = [{transform_indices = #map}, {transform_indices = #map1}, {transform_indices = #map1}, {transform_indices = #map}, {transform_indices = #map2}, {transform_indices = #map1}]} {
    %mul3A = arith.constant 640 : i32
    %mul3A_0 = arith.muli %arg1, %mul3A : i32
    "tpu.region"() ({
      %run_scoped3A = tpu.sem_alloc : memref<!tpu.dma_semaphore, #tpu.memory_space<semaphore_mem>>
      %dma_start3A = arith.constant 0 : i32
      %dma_start3A_12 = tpu.memref_slice %arg12[%mul3A_0, %dma_start3A] : memref<10240x128xf32, #tpu.memory_space<vmem_shared>> -> memref<640x128xf32, #tpu.memory_space<vmem_shared>>
      %dma_start3A_13 = arith.constant 0 : i32
      %dma_start3A_14 = tpu.memref_slice %arg5[%mul3A_0, %dma_start3A_13] : memref<10240x128xf32, #tpu.memory_space<hbm>> -> memref<640x128xf32, #tpu.memory_space<hbm>>
      tpu.enqueue_dma source(%dma_start3A_14 : memref<640x128xf32, #tpu.memory_space<hbm>>) target(%dma_start3A_12 : memref<640x128xf32, #tpu.memory_space<vmem_shared>>) target_semaphore(%run_scoped3A : memref<!tpu.dma_semaphore, #tpu.memory_space<semaphore_mem>>)
      %dma_wait3A = arith.constant 0 : i32
      %dma_wait3A_15 = tpu.memref_slice %arg12[%mul3A_0, %dma_wait3A] : memref<10240x128xf32, #tpu.memory_space<vmem_shared>> -> memref<640x128xf32, #tpu.memory_space<vmem_shared>>
      %dma_wait3A_16 = arith.constant 0 : i32
      %dma_wait3A_17 = tpu.memref_slice %arg5[%mul3A_0, %dma_wait3A_16] : memref<10240x128xf32, #tpu.memory_space<hbm>> -> memref<640x128xf32, #tpu.memory_space<hbm>>
      tpu.wait_dma2 semaphore(%run_scoped3A : memref<!tpu.dma_semaphore, #tpu.memory_space<semaphore_mem>>) src(%dma_wait3A_17 : memref<640x128xf32, #tpu.memory_space<hbm>>) dst(%dma_wait3A_15 : memref<640x128xf32, #tpu.memory_space<vmem_shared>>)
      tpu.yield
    }) : () -> ()
    %barrier3A = arith.constant 0 : index
    tpu.barrier barrier_id(%barrier3A)
    %mul3A_1 = arith.constant 16 : i32
    %mul3A_2 = arith.muli %arg0, %mul3A_1 : i32
    %add3A = arith.addi %mul3A_2, %arg1 : i32
    "tpu.region"() ({
      %run_scoped3A = tpu.sem_alloc : memref<!tpu.dma_semaphore, #tpu.memory_space<semaphore_mem>>
      %dma_start3A = arith.constant 0 : i32
      %dma_start3A_12 = arith.constant 0 : i32
      %dma_start3A_13 = tpu.memref_slice %arg3[%add3A, %dma_start3A, %dma_start3A_12] : memref<32x80x125xi32, #tpu.memory_space<hbm>> -> memref<1x80x125xi32, #tpu.memory_space<hbm>>
      %dma_start3A_14 = tpu.memref_squeeze %dma_start3A_13 : memref<1x80x125xi32, #tpu.memory_space<hbm>> -> memref<80x125xi32, #tpu.memory_space<hbm>>
      %dma_start3A_15 = arith.constant 0 : i32
      %dma_start3A_16 = arith.constant 0 : i32
      %dma_start3A_17 = tpu.memref_slice %arg3[%add3A, %dma_start3A_15, %dma_start3A_16] : memref<32x80x125xi32, #tpu.memory_space<hbm>> -> memref<1x80x125xi32, #tpu.memory_space<hbm>>
      %dma_start3A_18 = tpu.memref_squeeze %dma_start3A_17 : memref<1x80x125xi32, #tpu.memory_space<hbm>> -> memref<80x125xi32, #tpu.memory_space<hbm>>
      tpu.enqueue_dma source(%dma_start3A_18 : memref<80x125xi32, #tpu.memory_space<hbm>>) target(%arg8 : memref<80x125xi32, #tpu.memory_space<vmem>>) target_semaphore(%run_scoped3A : memref<!tpu.dma_semaphore, #tpu.memory_space<semaphore_mem>>)
      %dma_wait3A = arith.constant 0 : i32
      %dma_wait3A_19 = arith.constant 0 : i32
      %dma_wait3A_20 = tpu.memref_slice %arg3[%add3A, %dma_wait3A, %dma_wait3A_19] : memref<32x80x125xi32, #tpu.memory_space<hbm>> -> memref<1x80x125xi32, #tpu.memory_space<hbm>>
      %dma_wait3A_21 = tpu.memref_squeeze %dma_wait3A_20 : memref<1x80x125xi32, #tpu.memory_space<hbm>> -> memref<80x125xi32, #tpu.memory_space<hbm>>
      %dma_wait3A_22 = arith.constant 0 : i32
      %dma_wait3A_23 = arith.constant 0 : i32
      %dma_wait3A_24 = tpu.memref_slice %arg3[%add3A, %dma_wait3A_22, %dma_wait3A_23] : memref<32x80x125xi32, #tpu.memory_space<hbm>> -> memref<1x80x125xi32, #tpu.memory_space<hbm>>
      %dma_wait3A_25 = tpu.memref_squeeze %dma_wait3A_24 : memref<1x80x125xi32, #tpu.memory_space<hbm>> -> memref<80x125xi32, #tpu.memory_space<hbm>>
      tpu.wait_dma2 semaphore(%run_scoped3A : memref<!tpu.dma_semaphore, #tpu.memory_space<semaphore_mem>>) src(%dma_wait3A_25 : memref<80x125xi32, #tpu.memory_space<hbm>>) dst(%arg8 : memref<80x125xi32, #tpu.memory_space<vmem>>)
      tpu.yield
    }) : () -> ()
    "tpu.region"() ({
      %run_scoped3A = tpu.sem_alloc : memref<!tpu.dma_semaphore, #tpu.memory_space<semaphore_mem>>
      %dma_start3A = arith.constant 0 : i32
      %dma_start3A_12 = arith.constant 0 : i32
      %dma_start3A_13 = tpu.memref_slice %arg4[%add3A, %dma_start3A, %dma_start3A_12] : memref<32x80x125xi32, #tpu.memory_space<hbm>> -> memref<1x80x125xi32, #tpu.memory_space<hbm>>
      %dma_start3A_14 = tpu.memref_squeeze %dma_start3A_13 : memref<1x80x125xi32, #tpu.memory_space<hbm>> -> memref<80x125xi32, #tpu.memory_space<hbm>>
      %dma_start3A_15 = arith.constant 0 : i32
      %dma_start3A_16 = arith.constant 0 : i32
      %dma_start3A_17 = tpu.memref_slice %arg4[%add3A, %dma_start3A_15, %dma_start3A_16] : memref<32x80x125xi32, #tpu.memory_space<hbm>> -> memref<1x80x125xi32, #tpu.memory_space<hbm>>
      %dma_start3A_18 = tpu.memref_squeeze %dma_start3A_17 : memref<1x80x125xi32, #tpu.memory_space<hbm>> -> memref<80x125xi32, #tpu.memory_space<hbm>>
      tpu.enqueue_dma source(%dma_start3A_18 : memref<80x125xi32, #tpu.memory_space<hbm>>) target(%arg9 : memref<80x125xi32, #tpu.memory_space<vmem>>) target_semaphore(%run_scoped3A : memref<!tpu.dma_semaphore, #tpu.memory_space<semaphore_mem>>)
      %dma_wait3A = arith.constant 0 : i32
      %dma_wait3A_19 = arith.constant 0 : i32
      %dma_wait3A_20 = tpu.memref_slice %arg4[%add3A, %dma_wait3A, %dma_wait3A_19] : memref<32x80x125xi32, #tpu.memory_space<hbm>> -> memref<1x80x125xi32, #tpu.memory_space<hbm>>
      %dma_wait3A_21 = tpu.memref_squeeze %dma_wait3A_20 : memref<1x80x125xi32, #tpu.memory_space<hbm>> -> memref<80x125xi32, #tpu.memory_space<hbm>>
      %dma_wait3A_22 = arith.constant 0 : i32
      %dma_wait3A_23 = arith.constant 0 : i32
      %dma_wait3A_24 = tpu.memref_slice %arg4[%add3A, %dma_wait3A_22, %dma_wait3A_23] : memref<32x80x125xi32, #tpu.memory_space<hbm>> -> memref<1x80x125xi32, #tpu.memory_space<hbm>>
      %dma_wait3A_25 = tpu.memref_squeeze %dma_wait3A_24 : memref<1x80x125xi32, #tpu.memory_space<hbm>> -> memref<80x125xi32, #tpu.memory_space<hbm>>
      tpu.wait_dma2 semaphore(%run_scoped3A : memref<!tpu.dma_semaphore, #tpu.memory_space<semaphore_mem>>) src(%dma_wait3A_25 : memref<80x125xi32, #tpu.memory_space<hbm>>) dst(%arg9 : memref<80x125xi32, #tpu.memory_space<vmem>>)
      tpu.yield
    }) : () -> ()
    "tpu.region"() ({
      %run_scoped3A = tpu.sem_alloc : memref<!tpu.dma_semaphore, #tpu.memory_space<semaphore_mem>>
      tpu.enqueue_dma source(%arg6 : memref<16xi32, #tpu.memory_space<hbm>>) target(%arg11 : memref<16xi32, #tpu.memory_space<vmem>>) target_semaphore(%run_scoped3A : memref<!tpu.dma_semaphore, #tpu.memory_space<semaphore_mem>>)
      tpu.wait_dma2 semaphore(%run_scoped3A : memref<!tpu.dma_semaphore, #tpu.memory_space<semaphore_mem>>) src(%arg6 : memref<16xi32, #tpu.memory_space<hbm>>) dst(%arg11 : memref<16xi32, #tpu.memory_space<vmem>>)
      tpu.yield
    }) : () -> ()
    %get3A = arith.constant 0 : index
    %get3A_3 = tpu.vector_load %arg11[%get3A] {strides = array<i32>} : memref<16xi32, #tpu.memory_space<vmem>>, vector<16xi32>,
    %get3A_4 = vector.shape_cast %get3A_3 : vector<16xi32> to vector<16xi32>
    %slice3A = vector.extract_strided_slice %get3A_4 {offsets = [0], sizes = [1], strides = [1]} : vector<16xi32> to vector<1xi32>
    %squeeze3A = vector.extract %slice3A[0] : i32 from vector<1xi32>
    %ne3A = arith.constant 0 : i32
    %ne3A_5 = arith.cmpi ne, %squeeze3A, %ne3A : i32
    %convert_element_type3A = arith.extui %ne3A_5 : i1 to i32
    %cond3A = arith.constant 0 : i32
    %cond3A_6 = arith.cmpi ne, %convert_element_type3A, %cond3A : i32
    scf.if %cond3A_6 {
      %scan3A = arith.constant 0 : i32
      %scan3A_12 = arith.constant 80 : i32
      %scan3A_13 = arith.addi %scan3A, %scan3A_12 : i32
      %scan3A_14 = arith.constant 1 : i32
      scf.for %scan3A_16 = %scan3A to %scan3A_13 step %scan3A_14  : i32 {
        %mul3A_17 = arith.constant 1 : i32
        %mul3A_18 = arith.muli %scan3A_16, %mul3A_17 : i32
        %add3A_19 = arith.constant 0 : i32
        %add3A_20 = arith.addi %add3A_19, %mul3A_18 : i32
        "tpu.region"() ({
          %run_scoped3A = tpu.sem_alloc : memref<!tpu.dma_semaphore, #tpu.memory_space<semaphore_mem>>
          %dma_start3A = arith.constant 0 : i32
          %dma_start3A_21 = tpu.memref_slice %arg8[%add3A_20, %dma_start3A] : memref<80x125xi32, #tpu.memory_space<vmem>> -> memref<1x125xi32, #tpu.memory_space<vmem>>
          %dma_start3A_22 = tpu.memref_squeeze %dma_start3A_21 : memref<1x125xi32, #tpu.memory_space<vmem>> -> memref<125xi32, #tpu.memory_space<vmem>>
          %dma_start3A_23 = arith.constant 0 : i32
          %dma_start3A_24 = arith.constant 0 : i32
          %dma_start3A_25 = tpu.memref_slice %arg2[%dma_start3A_23, %dma_start3A_24] : memref<10000x128xf32, #tpu.memory_space<hbm>> -> memref<10000x128xf32, #tpu.memory_space<hbm>>
          tpu.enqueue_indirect_dma source(%dma_start3A_25 : memref<10000x128xf32, #tpu.memory_space<hbm>>) target(%arg10 : memref<125x128xf32, #tpu.memory_space<vmem>>) offsets(%dma_start3A_22 : memref<125xi32, #tpu.memory_space<vmem>>) semaphore(%run_scoped3A : memref<!tpu.dma_semaphore, #tpu.memory_space<semaphore_mem>>)
          %dma_wait3A = arith.constant 0 : i32
          %dma_wait3A_26 = tpu.memref_slice %arg8[%add3A_20, %dma_wait3A] : memref<80x125xi32, #tpu.memory_space<vmem>> -> memref<1x125xi32, #tpu.memory_space<vmem>>
          %dma_wait3A_27 = tpu.memref_squeeze %dma_wait3A_26 : memref<1x125xi32, #tpu.memory_space<vmem>> -> memref<125xi32, #tpu.memory_space<vmem>>
          %dma_wait3A_28 = arith.constant 0 : i32
          %dma_wait3A_29 = arith.constant 0 : i32
          %dma_wait3A_30 = tpu.memref_slice %arg2[%dma_wait3A_28, %dma_wait3A_29] : memref<10000x128xf32, #tpu.memory_space<hbm>> -> memref<10000x128xf32, #tpu.memory_space<hbm>>
          tpu.wait_indirect_dma semaphore(%run_scoped3A : memref<!tpu.dma_semaphore, #tpu.memory_space<semaphore_mem>>) src(%dma_wait3A_30 : memref<10000x128xf32, #tpu.memory_space<hbm>>) dst(%arg10 : memref<125x128xf32, #tpu.memory_space<vmem>>)
          tpu.yield
        }) : () -> ()
        "tpu.region"() ({
          %run_scoped3A = tpu.sem_alloc : memref<!tpu.dma_semaphore, #tpu.memory_space<semaphore_mem>>
          %dma_start3A = arith.constant 0 : i32
          %dma_start3A_21 = tpu.memref_slice %arg9[%add3A_20, %dma_start3A] : memref<80x125xi32, #tpu.memory_space<vmem>> -> memref<1x125xi32, #tpu.memory_space<vmem>>
          %dma_start3A_22 = tpu.memref_squeeze %dma_start3A_21 : memref<1x125xi32, #tpu.memory_space<vmem>> -> memref<125xi32, #tpu.memory_space<vmem>>
          %dma_start3A_23 = arith.constant 0 : i32
          %dma_start3A_24 = arith.constant 0 : i32
          %dma_start3A_25 = tpu.memref_slice %arg12[%dma_start3A_23, %dma_start3A_24] : memref<10240x128xf32, #tpu.memory_space<vmem_shared>> -> memref<10240x128xf32, #tpu.memory_space<vmem_shared>>
          tpu.enqueue_indirect_dma source(%arg10 : memref<125x128xf32, #tpu.memory_space<vmem>>) target(%dma_start3A_25 : memref<10240x128xf32, #tpu.memory_space<vmem_shared>>) offsets(%dma_start3A_22 : memref<125xi32, #tpu.memory_space<vmem>>) semaphore(%run_scoped3A : memref<!tpu.dma_semaphore, #tpu.memory_space<semaphore_mem>>) {add = true}
          %dma_wait3A = arith.constant 0 : i32
          %dma_wait3A_26 = tpu.memref_slice %arg9[%add3A_20, %dma_wait3A] : memref<80x125xi32, #tpu.memory_space<vmem>> -> memref<1x125xi32, #tpu.memory_space<vmem>>
          %dma_wait3A_27 = tpu.memref_squeeze %dma_wait3A_26 : memref<1x125xi32, #tpu.memory_space<vmem>> -> memref<125xi32, #tpu.memory_space<vmem>>
          %dma_wait3A_28 = arith.constant 0 : i32
          %dma_wait3A_29 = arith.constant 0 : i32
          %dma_wait3A_30 = tpu.memref_slice %arg12[%dma_wait3A_28, %dma_wait3A_29] : memref<10240x128xf32, #tpu.memory_space<vmem_shared>> -> memref<10240x128xf32, #tpu.memory_space<vmem_shared>>
          tpu.wait_indirect_dma semaphore(%run_scoped3A : memref<!tpu.dma_semaphore, #tpu.memory_space<semaphore_mem>>) src(%arg10 : memref<125x128xf32, #tpu.memory_space<vmem>>) dst(%dma_wait3A_30 : memref<10240x128xf32, #tpu.memory_space<vmem_shared>>)
          tpu.yield
        }) : () -> ()
      }
      %scan3A_15 = arith.constant 80 : i32
    } else {
    }
    %eq3A = arith.constant 0 : i32
    %eq3A_7 = arith.cmpi eq, %squeeze3A, %eq3A : i32
    %convert_element_type3A_8 = arith.extui %eq3A_7 : i1 to i32
    %cond3A_9 = arith.constant 0 : i32
    %cond3A_10 = arith.cmpi ne, %convert_element_type3A_8, %cond3A_9 : i32
    scf.if %cond3A_10 {
      %scan3A = arith.constant 0 : i32
      %scan3A_12 = arith.constant 125 : i32
      %scan3A_13 = arith.addi %scan3A, %scan3A_12 : i32
      %scan3A_14 = arith.constant 1 : i32
      scf.for %scan3A_21 = %scan3A to %scan3A_13 step %scan3A_14  : i32 {
        %mul3A_22 = arith.constant 1 : i32
        %mul3A_23 = arith.muli %scan3A_21, %mul3A_22 : i32
        %add3A_24 = arith.constant 0 : i32
        %add3A_25 = arith.addi %add3A_24, %mul3A_23 : i32
        %broadcast_in_dim3A = arith.constant 1.000000e+00 : f32
        %broadcast_in_dim3A_26 = vector.broadcast %broadcast_in_dim3A : f32 to vector<16xf32>
        %swap3A = arith.index_cast %add3A_25 : i32 to index
        %swap3A_27 = arith.constant 0 : index
        %swap3A_28 = tpu.vector_load %arg10[%swap3A, %swap3A_27] {strides = array<i32>} : memref<125x128xf32, #tpu.memory_space<vmem>>, vector<1x16xf32>,
        %swap3A_29 = vector.shape_cast %swap3A_28 : vector<1x16xf32> to vector<16xf32>
        %swap3A_30 = vector.shape_cast %broadcast_in_dim3A_26 : vector<16xf32> to vector<1x16xf32>
        tpu.vector_store %arg10[%swap3A, %swap3A_27], %swap3A_30 {strides = array<i32>} : memref<125x128xf32, #tpu.memory_space<vmem>>, vector<1x16xf32>,
        %broadcast_in_dim3A_31 = arith.constant 1.000000e+00 : f32
        %broadcast_in_dim3A_32 = vector.broadcast %broadcast_in_dim3A_31 : f32 to vector<16xf32>
        %swap3A_33 = arith.index_cast %add3A_25 : i32 to index
        %swap3A_34 = arith.constant 16 : index
        %swap3A_35 = tpu.vector_load %arg10[%swap3A_33, %swap3A_34] {strides = array<i32>} : memref<125x128xf32, #tpu.memory_space<vmem>>, vector<1x16xf32>,
        %swap3A_36 = vector.shape_cast %swap3A_35 : vector<1x16xf32> to vector<16xf32>
        %swap3A_37 = vector.shape_cast %broadcast_in_dim3A_32 : vector<16xf32> to vector<1x16xf32>
        tpu.vector_store %arg10[%swap3A_33, %swap3A_34], %swap3A_37 {strides = array<i32>} : memref<125x128xf32, #tpu.memory_space<vmem>>, vector<1x16xf32>,
        %broadcast_in_dim3A_38 = arith.constant 1.000000e+00 : f32
        %broadcast_in_dim3A_39 = vector.broadcast %broadcast_in_dim3A_38 : f32 to vector<16xf32>
        %swap3A_40 = arith.index_cast %add3A_25 : i32 to index
        %swap3A_41 = arith.constant 32 : index
        %swap3A_42 = tpu.vector_load %arg10[%swap3A_40, %swap3A_41] {strides = array<i32>} : memref<125x128xf32, #tpu.memory_space<vmem>>, vector<1x16xf32>,
        %swap3A_43 = vector.shape_cast %swap3A_42 : vector<1x16xf32> to vector<16xf32>
        %swap3A_44 = vector.shape_cast %broadcast_in_dim3A_39 : vector<16xf32> to vector<1x16xf32>
        tpu.vector_store %arg10[%swap3A_40, %swap3A_41], %swap3A_44 {strides = array<i32>} : memref<125x128xf32, #tpu.memory_space<vmem>>, vector<1x16xf32>,
        %broadcast_in_dim3A_45 = arith.constant 1.000000e+00 : f32
        %broadcast_in_dim3A_46 = vector.broadcast %broadcast_in_dim3A_45 : f32 to vector<16xf32>
        %swap3A_47 = arith.index_cast %add3A_25 : i32 to index
        %swap3A_48 = arith.constant 48 : index
        %swap3A_49 = tpu.vector_load %arg10[%swap3A_47, %swap3A_48] {strides = array<i32>} : memref<125x128xf32, #tpu.memory_space<vmem>>, vector<1x16xf32>,
        %swap3A_50 = vector.shape_cast %swap3A_49 : vector<1x16xf32> to vector<16xf32>
        %swap3A_51 = vector.shape_cast %broadcast_in_dim3A_46 : vector<16xf32> to vector<1x16xf32>
        tpu.vector_store %arg10[%swap3A_47, %swap3A_48], %swap3A_51 {strides = array<i32>} : memref<125x128xf32, #tpu.memory_space<vmem>>, vector<1x16xf32>,
        %broadcast_in_dim3A_52 = arith.constant 1.000000e+00 : f32
        %broadcast_in_dim3A_53 = vector.broadcast %broadcast_in_dim3A_52 : f32 to vector<16xf32>
        %swap3A_54 = arith.index_cast %add3A_25 : i32 to index
        %swap3A_55 = arith.constant 64 : index
        %swap3A_56 = tpu.vector_load %arg10[%swap3A_54, %swap3A_55] {strides = array<i32>} : memref<125x128xf32, #tpu.memory_space<vmem>>, vector<1x16xf32>,
        %swap3A_57 = vector.shape_cast %swap3A_56 : vector<1x16xf32> to vector<16xf32>
        %swap3A_58 = vector.shape_cast %broadcast_in_dim3A_53 : vector<16xf32> to vector<1x16xf32>
        tpu.vector_store %arg10[%swap3A_54, %swap3A_55], %swap3A_58 {strides = array<i32>} : memref<125x128xf32, #tpu.memory_space<vmem>>, vector<1x16xf32>,
        %broadcast_in_dim3A_59 = arith.constant 1.000000e+00 : f32
        %broadcast_in_dim3A_60 = vector.broadcast %broadcast_in_dim3A_59 : f32 to vector<16xf32>
        %swap3A_61 = arith.index_cast %add3A_25 : i32 to index
        %swap3A_62 = arith.constant 80 : index
        %swap3A_63 = tpu.vector_load %arg10[%swap3A_61, %swap3A_62] {strides = array<i32>} : memref<125x128xf32, #tpu.memory_space<vmem>>, vector<1x16xf32>,
        %swap3A_64 = vector.shape_cast %swap3A_63 : vector<1x16xf32> to vector<16xf32>
        %swap3A_65 = vector.shape_cast %broadcast_in_dim3A_60 : vector<16xf32> to vector<1x16xf32>
        tpu.vector_store %arg10[%swap3A_61, %swap3A_62], %swap3A_65 {strides = array<i32>} : memref<125x128xf32, #tpu.memory_space<vmem>>, vector<1x16xf32>,
        %broadcast_in_dim3A_66 = arith.constant 1.000000e+00 : f32
        %broadcast_in_dim3A_67 = vector.broadcast %broadcast_in_dim3A_66 : f32 to vector<16xf32>
        %swap3A_68 = arith.index_cast %add3A_25 : i32 to index
        %swap3A_69 = arith.constant 96 : index
        %swap3A_70 = tpu.vector_load %arg10[%swap3A_68, %swap3A_69] {strides = array<i32>} : memref<125x128xf32, #tpu.memory_space<vmem>>, vector<1x16xf32>,
        %swap3A_71 = vector.shape_cast %swap3A_70 : vector<1x16xf32> to vector<16xf32>
        %swap3A_72 = vector.shape_cast %broadcast_in_dim3A_67 : vector<16xf32> to vector<1x16xf32>
        tpu.vector_store %arg10[%swap3A_68, %swap3A_69], %swap3A_72 {strides = array<i32>} : memref<125x128xf32, #tpu.memory_space<vmem>>, vector<1x16xf32>,
        %broadcast_in_dim3A_73 = arith.constant 1.000000e+00 : f32
        %broadcast_in_dim3A_74 = vector.broadcast %broadcast_in_dim3A_73 : f32 to vector<16xf32>
        %swap3A_75 = arith.index_cast %add3A_25 : i32 to index
        %swap3A_76 = arith.constant 112 : index
        %swap3A_77 = tpu.vector_load %arg10[%swap3A_75, %swap3A_76] {strides = array<i32>} : memref<125x128xf32, #tpu.memory_space<vmem>>, vector<1x16xf32>,
        %swap3A_78 = vector.shape_cast %swap3A_77 : vector<1x16xf32> to vector<16xf32>
        %swap3A_79 = vector.shape_cast %broadcast_in_dim3A_74 : vector<16xf32> to vector<1x16xf32>
        tpu.vector_store %arg10[%swap3A_75, %swap3A_76], %swap3A_79 {strides = array<i32>} : memref<125x128xf32, #tpu.memory_space<vmem>>, vector<1x16xf32>,
      }
      %scan3A_15 = arith.constant 125 : i32
      %scan3A_16 = arith.constant 0 : i32
      %scan3A_17 = arith.constant 80 : i32
      %scan3A_18 = arith.addi %scan3A_16, %scan3A_17 : i32
      %scan3A_19 = arith.constant 1 : i32
      scf.for %scan3A_21 = %scan3A_16 to %scan3A_18 step %scan3A_19  : i32 {
        %mul3A_22 = arith.constant 1 : i32
        %mul3A_23 = arith.muli %scan3A_21, %mul3A_22 : i32
        %add3A_24 = arith.constant 0 : i32
        %add3A_25 = arith.addi %add3A_24, %mul3A_23 : i32
        "tpu.region"() ({
          %run_scoped3A = tpu.sem_alloc : memref<!tpu.dma_semaphore, #tpu.memory_space<semaphore_mem>>
          %dma_start3A = arith.constant 0 : i32
          %dma_start3A_26 = tpu.memref_slice %arg9[%add3A_25, %dma_start3A] : memref<80x125xi32, #tpu.memory_space<vmem>> -> memref<1x125xi32, #tpu.memory_space<vmem>>
          %dma_start3A_27 = tpu.memref_squeeze %dma_start3A_26 : memref<1x125xi32, #tpu.memory_space<vmem>> -> memref<125xi32, #tpu.memory_space<vmem>>
          %dma_start3A_28 = arith.constant 0 : i32
          %dma_start3A_29 = arith.constant 0 : i32
          %dma_start3A_30 = tpu.memref_slice %arg12[%dma_start3A_28, %dma_start3A_29] : memref<10240x128xf32, #tpu.memory_space<vmem_shared>> -> memref<10240x128xf32, #tpu.memory_space<vmem_shared>>
          tpu.enqueue_indirect_dma source(%arg10 : memref<125x128xf32, #tpu.memory_space<vmem>>) target(%dma_start3A_30 : memref<10240x128xf32, #tpu.memory_space<vmem_shared>>) offsets(%dma_start3A_27 : memref<125xi32, #tpu.memory_space<vmem>>) semaphore(%run_scoped3A : memref<!tpu.dma_semaphore, #tpu.memory_space<semaphore_mem>>) {add = true}
          %dma_wait3A = arith.constant 0 : i32
          %dma_wait3A_31 = tpu.memref_slice %arg9[%add3A_25, %dma_wait3A] : memref<80x125xi32, #tpu.memory_space<vmem>> -> memref<1x125xi32, #tpu.memory_space<vmem>>
          %dma_wait3A_32 = tpu.memref_squeeze %dma_wait3A_31 : memref<1x125xi32, #tpu.memory_space<vmem>> -> memref<125xi32, #tpu.memory_space<vmem>>
          %dma_wait3A_33 = arith.constant 0 : i32
          %dma_wait3A_34 = arith.constant 0 : i32
          %dma_wait3A_35 = tpu.memref_slice %arg12[%dma_wait3A_33, %dma_wait3A_34] : memref<10240x128xf32, #tpu.memory_space<vmem_shared>> -> memref<10240x128xf32, #tpu.memory_space<vmem_shared>>
          tpu.wait_indirect_dma semaphore(%run_scoped3A : memref<!tpu.dma_semaphore, #tpu.memory_space<semaphore_mem>>) src(%arg10 : memref<125x128xf32, #tpu.memory_space<vmem>>) dst(%dma_wait3A_35 : memref<10240x128xf32, #tpu.memory_space<vmem_shared>>)
          tpu.yield
        }) : () -> ()
      }
      %scan3A_20 = arith.constant 80 : i32
    } else {
    }
    %barrier3A_11 = arith.constant 0 : index
    tpu.barrier barrier_id(%barrier3A_11)
    "tpu.region"() ({
      %run_scoped3A = tpu.sem_alloc : memref<!tpu.dma_semaphore, #tpu.memory_space<semaphore_mem>>
      %dma_start3A = arith.constant 0 : i32
      %dma_start3A_12 = tpu.memref_slice %arg7[%arg0, %mul3A_0, %dma_start3A] : memref<2x10240x128xf32, #tpu.memory_space<hbm>> -> memref<1x640x128xf32, #tpu.memory_space<hbm>>
      %dma_start3A_13 = tpu.memref_squeeze %dma_start3A_12 : memref<1x640x128xf32, #tpu.memory_space<hbm>> -> memref<640x128xf32, #tpu.memory_space<hbm>>
      %dma_start3A_14 = arith.constant 0 : i32
      %dma_start3A_15 = tpu.memref_slice %arg12[%mul3A_0, %dma_start3A_14] : memref<10240x128xf32, #tpu.memory_space<vmem_shared>> -> memref<640x128xf32, #tpu.memory_space<vmem_shared>>
      tpu.enqueue_dma source(%dma_start3A_15 : memref<640x128xf32, #tpu.memory_space<vmem_shared>>) target(%dma_start3A_13 : memref<640x128xf32, #tpu.memory_space<hbm>>) target_semaphore(%run_scoped3A : memref<!tpu.dma_semaphore, #tpu.memory_space<semaphore_mem>>)
      %dma_wait3A = arith.constant 0 : i32
      %dma_wait3A_16 = tpu.memref_slice %arg7[%arg0, %mul3A_0, %dma_wait3A] : memref<2x10240x128xf32, #tpu.memory_space<hbm>> -> memref<1x640x128xf32, #tpu.memory_space<hbm>>
      %dma_wait3A_17 = tpu.memref_squeeze %dma_wait3A_16 : memref<1x640x128xf32, #tpu.memory_space<hbm>> -> memref<640x128xf32, #tpu.memory_space<hbm>>
      %dma_wait3A_18 = arith.constant 0 : i32
      %dma_wait3A_19 = tpu.memref_slice %arg12[%mul3A_0, %dma_wait3A_18] : memref<10240x128xf32, #tpu.memory_space<vmem_shared>> -> memref<640x128xf32, #tpu.memory_space<vmem_shared>>
      tpu.wait_dma2 semaphore(%run_scoped3A : memref<!tpu.dma_semaphore, #tpu.memory_space<semaphore_mem>>) src(%dma_wait3A_19 : memref<640x128xf32, #tpu.memory_space<vmem_shared>>) dst(%dma_wait3A_17 : memref<640x128xf32, #tpu.memory_space<hbm>>)
      tpu.yield
    }) : () -> ()
    return
  }
}

#map = affine_map<(d0, d1) -> (0, 0)>
#map1 = affine_map<(d0, d1) -> (0, 0, 0)>
#map2 = affine_map<(d0, d1) -> (0)>
module attributes {stable_mosaic.version = 14 : i64} {
  func.func @_gs_body(%arg0: i32, %arg1: i32, %arg2: memref<10000x128xf32, #tpu.memory_space<hbm>>, %arg3: memref<32x80x125xi32, #tpu.memory_space<hbm>>, %arg4: memref<32x80x125xi32, #tpu.memory_space<hbm>>, %arg5: memref<10240x128xf32, #tpu.memory_space<hbm>>, %arg6: memref<16xi32, #tpu.memory_space<hbm>>, %arg7: memref<2x10240x128xf32, #tpu.memory_space<hbm>>, %arg8: memref<80x125xi32, #tpu.memory_space<vmem>>, %arg9: memref<80x125xi32, #tpu.memory_space<vmem>>, %arg10: memref<125x128xf32, #tpu.memory_space<vmem>>, %arg11: memref<16xi32, #tpu.memory_space<vmem>>, %arg12: memref<10240x128xf32, #tpu.memory_space<vmem_shared>>) attributes {dimension_semantics = [#tpu.dimension_semantics<core_parallel>, #tpu.dimension_semantics<subcore_parallel>], iteration_bounds = array<i64: 2, 16>, scalar_prefetch = 0 : i64, scratch_operands = 5 : i64, tpu.core_type = #tpu.core_type<sc_vector_subcore>, window_params = [{transform_indices = #map}, {transform_indices = #map1}, {transform_indices = #map1}, {transform_indices = #map}, {transform_indices = #map2}, {transform_indices = #map1}]} {
    %mul3A = arith.constant 640 : i32
    %mul3A_0 = arith.muli %arg1, %mul3A : i32
    "tpu.region"() ({
      %run_scoped3A = tpu.sem_alloc : memref<!tpu.dma_semaphore, #tpu.memory_space<semaphore_mem>>
      %dma_start3A = arith.constant 0 : i32
      %dma_start3A_12 = tpu.memref_slice %arg12[%mul3A_0, %dma_start3A] : memref<10240x128xf32, #tpu.memory_space<vmem_shared>> -> memref<640x128xf32, #tpu.memory_space<vmem_shared>>
      %dma_start3A_13 = arith.constant 0 : i32
      %dma_start3A_14 = tpu.memref_slice %arg5[%mul3A_0, %dma_start3A_13] : memref<10240x128xf32, #tpu.memory_space<hbm>> -> memref<640x128xf32, #tpu.memory_space<hbm>>
      tpu.enqueue_dma source(%dma_start3A_14 : memref<640x128xf32, #tpu.memory_space<hbm>>) target(%dma_start3A_12 : memref<640x128xf32, #tpu.memory_space<vmem_shared>>) target_semaphore(%run_scoped3A : memref<!tpu.dma_semaphore, #tpu.memory_space<semaphore_mem>>)
      %dma_wait3A = arith.constant 0 : i32
      %dma_wait3A_15 = tpu.memref_slice %arg12[%mul3A_0, %dma_wait3A] : memref<10240x128xf32, #tpu.memory_space<vmem_shared>> -> memref<640x128xf32, #tpu.memory_space<vmem_shared>>
      %dma_wait3A_16 = arith.constant 0 : i32
      %dma_wait3A_17 = tpu.memref_slice %arg5[%mul3A_0, %dma_wait3A_16] : memref<10240x128xf32, #tpu.memory_space<hbm>> -> memref<640x128xf32, #tpu.memory_space<hbm>>
      tpu.wait_dma2 semaphore(%run_scoped3A : memref<!tpu.dma_semaphore, #tpu.memory_space<semaphore_mem>>) src(%dma_wait3A_17 : memref<640x128xf32, #tpu.memory_space<hbm>>) dst(%dma_wait3A_15 : memref<640x128xf32, #tpu.memory_space<vmem_shared>>)
      tpu.yield
    }) : () -> ()
    %barrier3A = arith.constant 0 : index
    tpu.barrier barrier_id(%barrier3A)
    %mul3A_1 = arith.constant 16 : i32
    %mul3A_2 = arith.muli %arg0, %mul3A_1 : i32
    %add3A = arith.addi %mul3A_2, %arg1 : i32
    "tpu.region"() ({
      %run_scoped3A = tpu.sem_alloc : memref<!tpu.dma_semaphore, #tpu.memory_space<semaphore_mem>>
      %dma_start3A = arith.constant 0 : i32
      %dma_start3A_12 = arith.constant 0 : i32
      %dma_start3A_13 = tpu.memref_slice %arg3[%add3A, %dma_start3A, %dma_start3A_12] : memref<32x80x125xi32, #tpu.memory_space<hbm>> -> memref<1x80x125xi32, #tpu.memory_space<hbm>>
      %dma_start3A_14 = tpu.memref_squeeze %dma_start3A_13 : memref<1x80x125xi32, #tpu.memory_space<hbm>> -> memref<80x125xi32, #tpu.memory_space<hbm>>
      %dma_start3A_15 = arith.constant 0 : i32
      %dma_start3A_16 = arith.constant 0 : i32
      %dma_start3A_17 = tpu.memref_slice %arg3[%add3A, %dma_start3A_15, %dma_start3A_16] : memref<32x80x125xi32, #tpu.memory_space<hbm>> -> memref<1x80x125xi32, #tpu.memory_space<hbm>>
      %dma_start3A_18 = tpu.memref_squeeze %dma_start3A_17 : memref<1x80x125xi32, #tpu.memory_space<hbm>> -> memref<80x125xi32, #tpu.memory_space<hbm>>
      tpu.enqueue_dma source(%dma_start3A_18 : memref<80x125xi32, #tpu.memory_space<hbm>>) target(%arg8 : memref<80x125xi32, #tpu.memory_space<vmem>>) target_semaphore(%run_scoped3A : memref<!tpu.dma_semaphore, #tpu.memory_space<semaphore_mem>>)
      %dma_wait3A = arith.constant 0 : i32
      %dma_wait3A_19 = arith.constant 0 : i32
      %dma_wait3A_20 = tpu.memref_slice %arg3[%add3A, %dma_wait3A, %dma_wait3A_19] : memref<32x80x125xi32, #tpu.memory_space<hbm>> -> memref<1x80x125xi32, #tpu.memory_space<hbm>>
      %dma_wait3A_21 = tpu.memref_squeeze %dma_wait3A_20 : memref<1x80x125xi32, #tpu.memory_space<hbm>> -> memref<80x125xi32, #tpu.memory_space<hbm>>
      %dma_wait3A_22 = arith.constant 0 : i32
      %dma_wait3A_23 = arith.constant 0 : i32
      %dma_wait3A_24 = tpu.memref_slice %arg3[%add3A, %dma_wait3A_22, %dma_wait3A_23] : memref<32x80x125xi32, #tpu.memory_space<hbm>> -> memref<1x80x125xi32, #tpu.memory_space<hbm>>
      %dma_wait3A_25 = tpu.memref_squeeze %dma_wait3A_24 : memref<1x80x125xi32, #tpu.memory_space<hbm>> -> memref<80x125xi32, #tpu.memory_space<hbm>>
      tpu.wait_dma2 semaphore(%run_scoped3A : memref<!tpu.dma_semaphore, #tpu.memory_space<semaphore_mem>>) src(%dma_wait3A_25 : memref<80x125xi32, #tpu.memory_space<hbm>>) dst(%arg8 : memref<80x125xi32, #tpu.memory_space<vmem>>)
      tpu.yield
    }) : () -> ()
    "tpu.region"() ({
      %run_scoped3A = tpu.sem_alloc : memref<!tpu.dma_semaphore, #tpu.memory_space<semaphore_mem>>
      %dma_start3A = arith.constant 0 : i32
      %dma_start3A_12 = arith.constant 0 : i32
      %dma_start3A_13 = tpu.memref_slice %arg4[%add3A, %dma_start3A, %dma_start3A_12] : memref<32x80x125xi32, #tpu.memory_space<hbm>> -> memref<1x80x125xi32, #tpu.memory_space<hbm>>
      %dma_start3A_14 = tpu.memref_squeeze %dma_start3A_13 : memref<1x80x125xi32, #tpu.memory_space<hbm>> -> memref<80x125xi32, #tpu.memory_space<hbm>>
      %dma_start3A_15 = arith.constant 0 : i32
      %dma_start3A_16 = arith.constant 0 : i32
      %dma_start3A_17 = tpu.memref_slice %arg4[%add3A, %dma_start3A_15, %dma_start3A_16] : memref<32x80x125xi32, #tpu.memory_space<hbm>> -> memref<1x80x125xi32, #tpu.memory_space<hbm>>
      %dma_start3A_18 = tpu.memref_squeeze %dma_start3A_17 : memref<1x80x125xi32, #tpu.memory_space<hbm>> -> memref<80x125xi32, #tpu.memory_space<hbm>>
      tpu.enqueue_dma source(%dma_start3A_18 : memref<80x125xi32, #tpu.memory_space<hbm>>) target(%arg9 : memref<80x125xi32, #tpu.memory_space<vmem>>) target_semaphore(%run_scoped3A : memref<!tpu.dma_semaphore, #tpu.memory_space<semaphore_mem>>)
      %dma_wait3A = arith.constant 0 : i32
      %dma_wait3A_19 = arith.constant 0 : i32
      %dma_wait3A_20 = tpu.memref_slice %arg4[%add3A, %dma_wait3A, %dma_wait3A_19] : memref<32x80x125xi32, #tpu.memory_space<hbm>> -> memref<1x80x125xi32, #tpu.memory_space<hbm>>
      %dma_wait3A_21 = tpu.memref_squeeze %dma_wait3A_20 : memref<1x80x125xi32, #tpu.memory_space<hbm>> -> memref<80x125xi32, #tpu.memory_space<hbm>>
      %dma_wait3A_22 = arith.constant 0 : i32
      %dma_wait3A_23 = arith.constant 0 : i32
      %dma_wait3A_24 = tpu.memref_slice %arg4[%add3A, %dma_wait3A_22, %dma_wait3A_23] : memref<32x80x125xi32, #tpu.memory_space<hbm>> -> memref<1x80x125xi32, #tpu.memory_space<hbm>>
      %dma_wait3A_25 = tpu.memref_squeeze %dma_wait3A_24 : memref<1x80x125xi32, #tpu.memory_space<hbm>> -> memref<80x125xi32, #tpu.memory_space<hbm>>
      tpu.wait_dma2 semaphore(%run_scoped3A : memref<!tpu.dma_semaphore, #tpu.memory_space<semaphore_mem>>) src(%dma_wait3A_25 : memref<80x125xi32, #tpu.memory_space<hbm>>) dst(%arg9 : memref<80x125xi32, #tpu.memory_space<vmem>>)
      tpu.yield
    }) : () -> ()
    "tpu.region"() ({
      %run_scoped3A = tpu.sem_alloc : memref<!tpu.dma_semaphore, #tpu.memory_space<semaphore_mem>>
      tpu.enqueue_dma source(%arg6 : memref<16xi32, #tpu.memory_space<hbm>>) target(%arg11 : memref<16xi32, #tpu.memory_space<vmem>>) target_semaphore(%run_scoped3A : memref<!tpu.dma_semaphore, #tpu.memory_space<semaphore_mem>>)
      tpu.wait_dma2 semaphore(%run_scoped3A : memref<!tpu.dma_semaphore, #tpu.memory_space<semaphore_mem>>) src(%arg6 : memref<16xi32, #tpu.memory_space<hbm>>) dst(%arg11 : memref<16xi32, #tpu.memory_space<vmem>>)
      tpu.yield
    }) : () -> ()
    %get3A = arith.constant 0 : index
    %get3A_3 = tpu.vector_load %arg11[%get3A] {strides = array<i32>} : memref<16xi32, #tpu.memory_space<vmem>>, vector<16xi32>,
    %get3A_4 = vector.shape_cast %get3A_3 : vector<16xi32> to vector<16xi32>
    %slice3A = vector.extract_strided_slice %get3A_4 {offsets = [0], sizes = [1], strides = [1]} : vector<16xi32> to vector<1xi32>
    %squeeze3A = vector.extract %slice3A[0] : i32 from vector<1xi32>
    %ne3A = arith.constant 0 : i32
    %ne3A_5 = arith.cmpi ne, %squeeze3A, %ne3A : i32
    %convert_element_type3A = arith.extui %ne3A_5 : i1 to i32
    %cond3A = arith.constant 0 : i32
    %cond3A_6 = arith.cmpi ne, %convert_element_type3A, %cond3A : i32
    scf.if %cond3A_6 {
      %scan3A = arith.constant 0 : i32
      %scan3A_12 = arith.constant 80 : i32
      %scan3A_13 = arith.addi %scan3A, %scan3A_12 : i32
      %scan3A_14 = arith.constant 1 : i32
      scf.for %scan3A_16 = %scan3A to %scan3A_13 step %scan3A_14  : i32 {
        %mul3A_17 = arith.constant 1 : i32
        %mul3A_18 = arith.muli %scan3A_16, %mul3A_17 : i32
        %add3A_19 = arith.constant 0 : i32
        %add3A_20 = arith.addi %add3A_19, %mul3A_18 : i32
        "tpu.region"() ({
          %run_scoped3A = tpu.sem_alloc : memref<!tpu.dma_semaphore, #tpu.memory_space<semaphore_mem>>
          %dma_start3A = arith.constant 0 : i32
          %dma_start3A_21 = tpu.memref_slice %arg8[%add3A_20, %dma_start3A] : memref<80x125xi32, #tpu.memory_space<vmem>> -> memref<1x125xi32, #tpu.memory_space<vmem>>
          %dma_start3A_22 = tpu.memref_squeeze %dma_start3A_21 : memref<1x125xi32, #tpu.memory_space<vmem>> -> memref<125xi32, #tpu.memory_space<vmem>>
          %dma_start3A_23 = arith.constant 0 : i32
          %dma_start3A_24 = arith.constant 0 : i32
          %dma_start3A_25 = tpu.memref_slice %arg2[%dma_start3A_23, %dma_start3A_24] : memref<10000x128xf32, #tpu.memory_space<hbm>> -> memref<10000x128xf32, #tpu.memory_space<hbm>>
          tpu.enqueue_indirect_dma source(%dma_start3A_25 : memref<10000x128xf32, #tpu.memory_space<hbm>>) target(%arg10 : memref<125x128xf32, #tpu.memory_space<vmem>>) offsets(%dma_start3A_22 : memref<125xi32, #tpu.memory_space<vmem>>) semaphore(%run_scoped3A : memref<!tpu.dma_semaphore, #tpu.memory_space<semaphore_mem>>)
          %dma_wait3A = arith.constant 0 : i32
          %dma_wait3A_26 = tpu.memref_slice %arg8[%add3A_20, %dma_wait3A] : memref<80x125xi32, #tpu.memory_space<vmem>> -> memref<1x125xi32, #tpu.memory_space<vmem>>
          %dma_wait3A_27 = tpu.memref_squeeze %dma_wait3A_26 : memref<1x125xi32, #tpu.memory_space<vmem>> -> memref<125xi32, #tpu.memory_space<vmem>>
          %dma_wait3A_28 = arith.constant 0 : i32
          %dma_wait3A_29 = arith.constant 0 : i32
          %dma_wait3A_30 = tpu.memref_slice %arg2[%dma_wait3A_28, %dma_wait3A_29] : memref<10000x128xf32, #tpu.memory_space<hbm>> -> memref<10000x128xf32, #tpu.memory_space<hbm>>
          tpu.wait_indirect_dma semaphore(%run_scoped3A : memref<!tpu.dma_semaphore, #tpu.memory_space<semaphore_mem>>) src(%dma_wait3A_30 : memref<10000x128xf32, #tpu.memory_space<hbm>>) dst(%arg10 : memref<125x128xf32, #tpu.memory_space<vmem>>)
          tpu.yield
        }) : () -> ()
        "tpu.region"() ({
          %run_scoped3A = tpu.sem_alloc : memref<!tpu.dma_semaphore, #tpu.memory_space<semaphore_mem>>
          %dma_start3A = arith.constant 0 : i32
          %dma_start3A_21 = tpu.memref_slice %arg9[%add3A_20, %dma_start3A] : memref<80x125xi32, #tpu.memory_space<vmem>> -> memref<1x125xi32, #tpu.memory_space<vmem>>
          %dma_start3A_22 = tpu.memref_squeeze %dma_start3A_21 : memref<1x125xi32, #tpu.memory_space<vmem>> -> memref<125xi32, #tpu.memory_space<vmem>>
          %dma_start3A_23 = arith.constant 0 : i32
          %dma_start3A_24 = arith.constant 0 : i32
          %dma_start3A_25 = tpu.memref_slice %arg12[%dma_start3A_23, %dma_start3A_24] : memref<10240x128xf32, #tpu.memory_space<vmem_shared>> -> memref<10240x128xf32, #tpu.memory_space<vmem_shared>>
          tpu.enqueue_indirect_dma source(%arg10 : memref<125x128xf32, #tpu.memory_space<vmem>>) target(%dma_start3A_25 : memref<10240x128xf32, #tpu.memory_space<vmem_shared>>) offsets(%dma_start3A_22 : memref<125xi32, #tpu.memory_space<vmem>>) semaphore(%run_scoped3A : memref<!tpu.dma_semaphore, #tpu.memory_space<semaphore_mem>>) {add = true}
          %dma_wait3A = arith.constant 0 : i32
          %dma_wait3A_26 = tpu.memref_slice %arg9[%add3A_20, %dma_wait3A] : memref<80x125xi32, #tpu.memory_space<vmem>> -> memref<1x125xi32, #tpu.memory_space<vmem>>
          %dma_wait3A_27 = tpu.memref_squeeze %dma_wait3A_26 : memref<1x125xi32, #tpu.memory_space<vmem>> -> memref<125xi32, #tpu.memory_space<vmem>>
          %dma_wait3A_28 = arith.constant 0 : i32
          %dma_wait3A_29 = arith.constant 0 : i32
          %dma_wait3A_30 = tpu.memref_slice %arg12[%dma_wait3A_28, %dma_wait3A_29] : memref<10240x128xf32, #tpu.memory_space<vmem_shared>> -> memref<10240x128xf32, #tpu.memory_space<vmem_shared>>
          tpu.wait_indirect_dma semaphore(%run_scoped3A : memref<!tpu.dma_semaphore, #tpu.memory_space<semaphore_mem>>) src(%arg10 : memref<125x128xf32, #tpu.memory_space<vmem>>) dst(%dma_wait3A_30 : memref<10240x128xf32, #tpu.memory_space<vmem_shared>>)
          tpu.yield
        }) : () -> ()
      }
      %scan3A_15 = arith.constant 80 : i32
    } else {
    }
    %eq3A = arith.constant 0 : i32
    %eq3A_7 = arith.cmpi eq, %squeeze3A, %eq3A : i32
    %convert_element_type3A_8 = arith.extui %eq3A_7 : i1 to i32
    %cond3A_9 = arith.constant 0 : i32
    %cond3A_10 = arith.cmpi ne, %convert_element_type3A_8, %cond3A_9 : i32
    scf.if %cond3A_10 {
      %scan3A = arith.constant 0 : i32
      %scan3A_12 = arith.constant 125 : i32
      %scan3A_13 = arith.addi %scan3A, %scan3A_12 : i32
      %scan3A_14 = arith.constant 1 : i32
      scf.for %scan3A_21 = %scan3A to %scan3A_13 step %scan3A_14  : i32 {
        %mul3A_22 = arith.constant 1 : i32
        %mul3A_23 = arith.muli %scan3A_21, %mul3A_22 : i32
        %add3A_24 = arith.constant 0 : i32
        %add3A_25 = arith.addi %add3A_24, %mul3A_23 : i32
        %broadcast_in_dim3A = arith.constant 1.000000e+00 : f32
        %broadcast_in_dim3A_26 = vector.broadcast %broadcast_in_dim3A : f32 to vector<16xf32>
        %swap3A = arith.index_cast %add3A_25 : i32 to index
        %swap3A_27 = arith.constant 0 : index
        %swap3A_28 = tpu.vector_load %arg10[%swap3A, %swap3A_27] {strides = array<i32>} : memref<125x128xf32, #tpu.memory_space<vmem>>, vector<1x16xf32>,
        %swap3A_29 = vector.shape_cast %swap3A_28 : vector<1x16xf32> to vector<16xf32>
        %swap3A_30 = vector.shape_cast %broadcast_in_dim3A_26 : vector<16xf32> to vector<1x16xf32>
        tpu.vector_store %arg10[%swap3A, %swap3A_27], %swap3A_30 {strides = array<i32>} : memref<125x128xf32, #tpu.memory_space<vmem>>, vector<1x16xf32>,
        %broadcast_in_dim3A_31 = arith.constant 1.000000e+00 : f32
        %broadcast_in_dim3A_32 = vector.broadcast %broadcast_in_dim3A_31 : f32 to vector<16xf32>
        %swap3A_33 = arith.index_cast %add3A_25 : i32 to index
        %swap3A_34 = arith.constant 16 : index
        %swap3A_35 = tpu.vector_load %arg10[%swap3A_33, %swap3A_34] {strides = array<i32>} : memref<125x128xf32, #tpu.memory_space<vmem>>, vector<1x16xf32>,
        %swap3A_36 = vector.shape_cast %swap3A_35 : vector<1x16xf32> to vector<16xf32>
        %swap3A_37 = vector.shape_cast %broadcast_in_dim3A_32 : vector<16xf32> to vector<1x16xf32>
        tpu.vector_store %arg10[%swap3A_33, %swap3A_34], %swap3A_37 {strides = array<i32>} : memref<125x128xf32, #tpu.memory_space<vmem>>, vector<1x16xf32>,
        %broadcast_in_dim3A_38 = arith.constant 1.000000e+00 : f32
        %broadcast_in_dim3A_39 = vector.broadcast %broadcast_in_dim3A_38 : f32 to vector<16xf32>
        %swap3A_40 = arith.index_cast %add3A_25 : i32 to index
        %swap3A_41 = arith.constant 32 : index
        %swap3A_42 = tpu.vector_load %arg10[%swap3A_40, %swap3A_41] {strides = array<i32>} : memref<125x128xf32, #tpu.memory_space<vmem>>, vector<1x16xf32>,
        %swap3A_43 = vector.shape_cast %swap3A_42 : vector<1x16xf32> to vector<16xf32>
        %swap3A_44 = vector.shape_cast %broadcast_in_dim3A_39 : vector<16xf32> to vector<1x16xf32>
        tpu.vector_store %arg10[%swap3A_40, %swap3A_41], %swap3A_44 {strides = array<i32>} : memref<125x128xf32, #tpu.memory_space<vmem>>, vector<1x16xf32>,
        %broadcast_in_dim3A_45 = arith.constant 1.000000e+00 : f32
        %broadcast_in_dim3A_46 = vector.broadcast %broadcast_in_dim3A_45 : f32 to vector<16xf32>
        %swap3A_47 = arith.index_cast %add3A_25 : i32 to index
        %swap3A_48 = arith.constant 48 : index
        %swap3A_49 = tpu.vector_load %arg10[%swap3A_47, %swap3A_48] {strides = array<i32>} : memref<125x128xf32, #tpu.memory_space<vmem>>, vector<1x16xf32>,
        %swap3A_50 = vector.shape_cast %swap3A_49 : vector<1x16xf32> to vector<16xf32>
        %swap3A_51 = vector.shape_cast %broadcast_in_dim3A_46 : vector<16xf32> to vector<1x16xf32>
        tpu.vector_store %arg10[%swap3A_47, %swap3A_48], %swap3A_51 {strides = array<i32>} : memref<125x128xf32, #tpu.memory_space<vmem>>, vector<1x16xf32>,
        %broadcast_in_dim3A_52 = arith.constant 1.000000e+00 : f32
        %broadcast_in_dim3A_53 = vector.broadcast %broadcast_in_dim3A_52 : f32 to vector<16xf32>
        %swap3A_54 = arith.index_cast %add3A_25 : i32 to index
        %swap3A_55 = arith.constant 64 : index
        %swap3A_56 = tpu.vector_load %arg10[%swap3A_54, %swap3A_55] {strides = array<i32>} : memref<125x128xf32, #tpu.memory_space<vmem>>, vector<1x16xf32>,
        %swap3A_57 = vector.shape_cast %swap3A_56 : vector<1x16xf32> to vector<16xf32>
        %swap3A_58 = vector.shape_cast %broadcast_in_dim3A_53 : vector<16xf32> to vector<1x16xf32>
        tpu.vector_store %arg10[%swap3A_54, %swap3A_55], %swap3A_58 {strides = array<i32>} : memref<125x128xf32, #tpu.memory_space<vmem>>, vector<1x16xf32>,
        %broadcast_in_dim3A_59 = arith.constant 1.000000e+00 : f32
        %broadcast_in_dim3A_60 = vector.broadcast %broadcast_in_dim3A_59 : f32 to vector<16xf32>
        %swap3A_61 = arith.index_cast %add3A_25 : i32 to index
        %swap3A_62 = arith.constant 80 : index
        %swap3A_63 = tpu.vector_load %arg10[%swap3A_61, %swap3A_62] {strides = array<i32>} : memref<125x128xf32, #tpu.memory_space<vmem>>, vector<1x16xf32>,
        %swap3A_64 = vector.shape_cast %swap3A_63 : vector<1x16xf32> to vector<16xf32>
        %swap3A_65 = vector.shape_cast %broadcast_in_dim3A_60 : vector<16xf32> to vector<1x16xf32>
        tpu.vector_store %arg10[%swap3A_61, %swap3A_62], %swap3A_65 {strides = array<i32>} : memref<125x128xf32, #tpu.memory_space<vmem>>, vector<1x16xf32>,
        %broadcast_in_dim3A_66 = arith.constant 1.000000e+00 : f32
        %broadcast_in_dim3A_67 = vector.broadcast %broadcast_in_dim3A_66 : f32 to vector<16xf32>
        %swap3A_68 = arith.index_cast %add3A_25 : i32 to index
        %swap3A_69 = arith.constant 96 : index
        %swap3A_70 = tpu.vector_load %arg10[%swap3A_68, %swap3A_69] {strides = array<i32>} : memref<125x128xf32, #tpu.memory_space<vmem>>, vector<1x16xf32>,
        %swap3A_71 = vector.shape_cast %swap3A_70 : vector<1x16xf32> to vector<16xf32>
        %swap3A_72 = vector.shape_cast %broadcast_in_dim3A_67 : vector<16xf32> to vector<1x16xf32>
        tpu.vector_store %arg10[%swap3A_68, %swap3A_69], %swap3A_72 {strides = array<i32>} : memref<125x128xf32, #tpu.memory_space<vmem>>, vector<1x16xf32>,
        %broadcast_in_dim3A_73 = arith.constant 1.000000e+00 : f32
        %broadcast_in_dim3A_74 = vector.broadcast %broadcast_in_dim3A_73 : f32 to vector<16xf32>
        %swap3A_75 = arith.index_cast %add3A_25 : i32 to index
        %swap3A_76 = arith.constant 112 : index
        %swap3A_77 = tpu.vector_load %arg10[%swap3A_75, %swap3A_76] {strides = array<i32>} : memref<125x128xf32, #tpu.memory_space<vmem>>, vector<1x16xf32>,
        %swap3A_78 = vector.shape_cast %swap3A_77 : vector<1x16xf32> to vector<16xf32>
        %swap3A_79 = vector.shape_cast %broadcast_in_dim3A_74 : vector<16xf32> to vector<1x16xf32>
        tpu.vector_store %arg10[%swap3A_75, %swap3A_76], %swap3A_79 {strides = array<i32>} : memref<125x128xf32, #tpu.memory_space<vmem>>, vector<1x16xf32>,
      }
      %scan3A_15 = arith.constant 125 : i32
      %scan3A_16 = arith.constant 0 : i32
      %scan3A_17 = arith.constant 80 : i32
      %scan3A_18 = arith.addi %scan3A_16, %scan3A_17 : i32
      %scan3A_19 = arith.constant 1 : i32
      scf.for %scan3A_21 = %scan3A_16 to %scan3A_18 step %scan3A_19  : i32 {
        %mul3A_22 = arith.constant 1 : i32
        %mul3A_23 = arith.muli %scan3A_21, %mul3A_22 : i32
        %add3A_24 = arith.constant 0 : i32
        %add3A_25 = arith.addi %add3A_24, %mul3A_23 : i32
        "tpu.region"() ({
          %run_scoped3A = tpu.sem_alloc : memref<!tpu.dma_semaphore, #tpu.memory_space<semaphore_mem>>
          %dma_start3A = arith.constant 0 : i32
          %dma_start3A_26 = tpu.memref_slice %arg9[%add3A_25, %dma_start3A] : memref<80x125xi32, #tpu.memory_space<vmem>> -> memref<1x125xi32, #tpu.memory_space<vmem>>
          %dma_start3A_27 = tpu.memref_squeeze %dma_start3A_26 : memref<1x125xi32, #tpu.memory_space<vmem>> -> memref<125xi32, #tpu.memory_space<vmem>>
          %dma_start3A_28 = arith.constant 0 : i32
          %dma_start3A_29 = arith.constant 0 : i32
          %dma_start3A_30 = tpu.memref_slice %arg12[%dma_start3A_28, %dma_start3A_29] : memref<10240x128xf32, #tpu.memory_space<vmem_shared>> -> memref<10240x128xf32, #tpu.memory_space<vmem_shared>>
          tpu.enqueue_indirect_dma source(%arg10 : memref<125x128xf32, #tpu.memory_space<vmem>>) target(%dma_start3A_30 : memref<10240x128xf32, #tpu.memory_space<vmem_shared>>) offsets(%dma_start3A_27 : memref<125xi32, #tpu.memory_space<vmem>>) semaphore(%run_scoped3A : memref<!tpu.dma_semaphore, #tpu.memory_space<semaphore_mem>>) {add = true}
          %dma_wait3A = arith.constant 0 : i32
          %dma_wait3A_31 = tpu.memref_slice %arg9[%add3A_25, %dma_wait3A] : memref<80x125xi32, #tpu.memory_space<vmem>> -> memref<1x125xi32, #tpu.memory_space<vmem>>
          %dma_wait3A_32 = tpu.memref_squeeze %dma_wait3A_31 : memref<1x125xi32, #tpu.memory_space<vmem>> -> memref<125xi32, #tpu.memory_space<vmem>>
          %dma_wait3A_33 = arith.constant 0 : i32
          %dma_wait3A_34 = arith.constant 0 : i32
          %dma_wait3A_35 = tpu.memref_slice %arg12[%dma_wait3A_33, %dma_wait3A_34] : memref<10240x128xf32, #tpu.memory_space<vmem_shared>> -> memref<10240x128xf32, #tpu.memory_space<vmem_shared>>
          tpu.wait_indirect_dma semaphore(%run_scoped3A : memref<!tpu.dma_semaphore, #tpu.memory_space<semaphore_mem>>) src(%arg10 : memref<125x128xf32, #tpu.memory_space<vmem>>) dst(%dma_wait3A_35 : memref<10240x128xf32, #tpu.memory_space<vmem_shared>>)
          tpu.yield
        }) : () -> ()
      }
      %scan3A_20 = arith.constant 80 : i32
    } else {
    }
    %barrier3A_11 = arith.constant 0 : index
    tpu.barrier barrier_id(%barrier3A_11)
    "tpu.region"() ({
      %run_scoped3A = tpu.sem_alloc : memref<!tpu.dma_semaphore, #tpu.memory_space<semaphore_mem>>
      %dma_start3A = arith.constant 0 : i32
      %dma_start3A_12 = tpu.memref_slice %arg7[%arg0, %mul3A_0, %dma_start3A] : memref<2x10240x128xf32, #tpu.memory_space<hbm>> -> memref<1x640x128xf32, #tpu.memory_space<hbm>>
      %dma_start3A_13 = tpu.memref_squeeze %dma_start3A_12 : memref<1x640x128xf32, #tpu.memory_space<hbm>> -> memref<640x128xf32, #tpu.memory_space<hbm>>
      %dma_start3A_14 = arith.constant 0 : i32
      %dma_start3A_15 = tpu.memref_slice %arg12[%mul3A_0, %dma_start3A_14] : memref<10240x128xf32, #tpu.memory_space<vmem_shared>> -> memref<640x128xf32, #tpu.memory_space<vmem_shared>>
      tpu.enqueue_dma source(%dma_start3A_15 : memref<640x128xf32, #tpu.memory_space<vmem_shared>>) target(%dma_start3A_13 : memref<640x128xf32, #tpu.memory_space<hbm>>) target_semaphore(%run_scoped3A : memref<!tpu.dma_semaphore, #tpu.memory_space<semaphore_mem>>)
      %dma_wait3A = arith.constant 0 : i32
      %dma_wait3A_16 = tpu.memref_slice %arg7[%arg0, %mul3A_0, %dma_wait3A] : memref<2x10240x128xf32, #tpu.memory_space<hbm>> -> memref<1x640x128xf32, #tpu.memory_space<hbm>>
      %dma_wait3A_17 = tpu.memref_squeeze %dma_wait3A_16 : memref<1x640x128xf32, #tpu.memory_space<hbm>> -> memref<640x128xf32, #tpu.memory_space<hbm>>
      %dma_wait3A_18 = arith.constant 0 : i32
      %dma_wait3A_19 = tpu.memref_slice %arg12[%mul3A_0, %dma_wait3A_18] : memref<10240x128xf32, #tpu.memory_space<vmem_shared>> -> memref<640x128xf32, #tpu.memory_space<vmem_shared>>
      tpu.wait_dma2 semaphore(%run_scoped3A : memref<!tpu.dma_semaphore, #tpu.memory_space<semaphore_mem>>) src(%dma_wait3A_19 : memref<640x128xf32, #tpu.memory_space<vmem_shared>>) dst(%dma_wait3A_17 : memref<640x128xf32, #tpu.memory_space<hbm>>)
      tpu.yield
    }) : () -> ()
    return
  }
}

#map = affine_map<(d0, d1) -> (0, 0)>
#map1 = affine_map<(d0, d1) -> (0, 0, 0)>
#map2 = affine_map<(d0, d1) -> (0)>
module attributes {stable_mosaic.version = 14 : i64} {
  func.func @_gs_body(%arg0: i32, %arg1: i32, %arg2: memref<10000x128xf32, #tpu.memory_space<hbm>>, %arg3: memref<32x80x125xi32, #tpu.memory_space<hbm>>, %arg4: memref<32x80x125xi32, #tpu.memory_space<hbm>>, %arg5: memref<10240x128xf32, #tpu.memory_space<hbm>>, %arg6: memref<16xi32, #tpu.memory_space<hbm>>, %arg7: memref<2x10240x128xf32, #tpu.memory_space<hbm>>, %arg8: memref<80x125xi32, #tpu.memory_space<vmem>>, %arg9: memref<80x125xi32, #tpu.memory_space<vmem>>, %arg10: memref<125x128xf32, #tpu.memory_space<vmem>>, %arg11: memref<16xi32, #tpu.memory_space<vmem>>, %arg12: memref<10240x128xf32, #tpu.memory_space<vmem_shared>>) attributes {dimension_semantics = [#tpu.dimension_semantics<core_parallel>, #tpu.dimension_semantics<subcore_parallel>], iteration_bounds = array<i64: 2, 16>, scalar_prefetch = 0 : i64, scratch_operands = 5 : i64, tpu.core_type = #tpu.core_type<sc_vector_subcore>, window_params = [{transform_indices = #map}, {transform_indices = #map1}, {transform_indices = #map1}, {transform_indices = #map}, {transform_indices = #map2}, {transform_indices = #map1}]} {
    %mul3A = arith.constant 640 : i32
    %mul3A_0 = arith.muli %arg1, %mul3A : i32
    "tpu.region"() ({
      %run_scoped3A = tpu.sem_alloc : memref<!tpu.dma_semaphore, #tpu.memory_space<semaphore_mem>>
      %dma_start3A = arith.constant 0 : i32
      %dma_start3A_12 = tpu.memref_slice %arg12[%mul3A_0, %dma_start3A] : memref<10240x128xf32, #tpu.memory_space<vmem_shared>> -> memref<640x128xf32, #tpu.memory_space<vmem_shared>>
      %dma_start3A_13 = arith.constant 0 : i32
      %dma_start3A_14 = tpu.memref_slice %arg5[%mul3A_0, %dma_start3A_13] : memref<10240x128xf32, #tpu.memory_space<hbm>> -> memref<640x128xf32, #tpu.memory_space<hbm>>
      tpu.enqueue_dma source(%dma_start3A_14 : memref<640x128xf32, #tpu.memory_space<hbm>>) target(%dma_start3A_12 : memref<640x128xf32, #tpu.memory_space<vmem_shared>>) target_semaphore(%run_scoped3A : memref<!tpu.dma_semaphore, #tpu.memory_space<semaphore_mem>>)
      %dma_wait3A = arith.constant 0 : i32
      %dma_wait3A_15 = tpu.memref_slice %arg12[%mul3A_0, %dma_wait3A] : memref<10240x128xf32, #tpu.memory_space<vmem_shared>> -> memref<640x128xf32, #tpu.memory_space<vmem_shared>>
      %dma_wait3A_16 = arith.constant 0 : i32
      %dma_wait3A_17 = tpu.memref_slice %arg5[%mul3A_0, %dma_wait3A_16] : memref<10240x128xf32, #tpu.memory_space<hbm>> -> memref<640x128xf32, #tpu.memory_space<hbm>>
      tpu.wait_dma2 semaphore(%run_scoped3A : memref<!tpu.dma_semaphore, #tpu.memory_space<semaphore_mem>>) src(%dma_wait3A_17 : memref<640x128xf32, #tpu.memory_space<hbm>>) dst(%dma_wait3A_15 : memref<640x128xf32, #tpu.memory_space<vmem_shared>>)
      tpu.yield
    }) : () -> ()
    %barrier3A = arith.constant 0 : index
    tpu.barrier barrier_id(%barrier3A)
    %mul3A_1 = arith.constant 16 : i32
    %mul3A_2 = arith.muli %arg0, %mul3A_1 : i32
    %add3A = arith.addi %mul3A_2, %arg1 : i32
    "tpu.region"() ({
      %run_scoped3A = tpu.sem_alloc : memref<!tpu.dma_semaphore, #tpu.memory_space<semaphore_mem>>
      %dma_start3A = arith.constant 0 : i32
      %dma_start3A_12 = arith.constant 0 : i32
      %dma_start3A_13 = tpu.memref_slice %arg3[%add3A, %dma_start3A, %dma_start3A_12] : memref<32x80x125xi32, #tpu.memory_space<hbm>> -> memref<1x80x125xi32, #tpu.memory_space<hbm>>
      %dma_start3A_14 = tpu.memref_squeeze %dma_start3A_13 : memref<1x80x125xi32, #tpu.memory_space<hbm>> -> memref<80x125xi32, #tpu.memory_space<hbm>>
      %dma_start3A_15 = arith.constant 0 : i32
      %dma_start3A_16 = arith.constant 0 : i32
      %dma_start3A_17 = tpu.memref_slice %arg3[%add3A, %dma_start3A_15, %dma_start3A_16] : memref<32x80x125xi32, #tpu.memory_space<hbm>> -> memref<1x80x125xi32, #tpu.memory_space<hbm>>
      %dma_start3A_18 = tpu.memref_squeeze %dma_start3A_17 : memref<1x80x125xi32, #tpu.memory_space<hbm>> -> memref<80x125xi32, #tpu.memory_space<hbm>>
      tpu.enqueue_dma source(%dma_start3A_18 : memref<80x125xi32, #tpu.memory_space<hbm>>) target(%arg8 : memref<80x125xi32, #tpu.memory_space<vmem>>) target_semaphore(%run_scoped3A : memref<!tpu.dma_semaphore, #tpu.memory_space<semaphore_mem>>)
      %dma_wait3A = arith.constant 0 : i32
      %dma_wait3A_19 = arith.constant 0 : i32
      %dma_wait3A_20 = tpu.memref_slice %arg3[%add3A, %dma_wait3A, %dma_wait3A_19] : memref<32x80x125xi32, #tpu.memory_space<hbm>> -> memref<1x80x125xi32, #tpu.memory_space<hbm>>
      %dma_wait3A_21 = tpu.memref_squeeze %dma_wait3A_20 : memref<1x80x125xi32, #tpu.memory_space<hbm>> -> memref<80x125xi32, #tpu.memory_space<hbm>>
      %dma_wait3A_22 = arith.constant 0 : i32
      %dma_wait3A_23 = arith.constant 0 : i32
      %dma_wait3A_24 = tpu.memref_slice %arg3[%add3A, %dma_wait3A_22, %dma_wait3A_23] : memref<32x80x125xi32, #tpu.memory_space<hbm>> -> memref<1x80x125xi32, #tpu.memory_space<hbm>>
      %dma_wait3A_25 = tpu.memref_squeeze %dma_wait3A_24 : memref<1x80x125xi32, #tpu.memory_space<hbm>> -> memref<80x125xi32, #tpu.memory_space<hbm>>
      tpu.wait_dma2 semaphore(%run_scoped3A : memref<!tpu.dma_semaphore, #tpu.memory_space<semaphore_mem>>) src(%dma_wait3A_25 : memref<80x125xi32, #tpu.memory_space<hbm>>) dst(%arg8 : memref<80x125xi32, #tpu.memory_space<vmem>>)
      tpu.yield
    }) : () -> ()
    "tpu.region"() ({
      %run_scoped3A = tpu.sem_alloc : memref<!tpu.dma_semaphore, #tpu.memory_space<semaphore_mem>>
      %dma_start3A = arith.constant 0 : i32
      %dma_start3A_12 = arith.constant 0 : i32
      %dma_start3A_13 = tpu.memref_slice %arg4[%add3A, %dma_start3A, %dma_start3A_12] : memref<32x80x125xi32, #tpu.memory_space<hbm>> -> memref<1x80x125xi32, #tpu.memory_space<hbm>>
      %dma_start3A_14 = tpu.memref_squeeze %dma_start3A_13 : memref<1x80x125xi32, #tpu.memory_space<hbm>> -> memref<80x125xi32, #tpu.memory_space<hbm>>
      %dma_start3A_15 = arith.constant 0 : i32
      %dma_start3A_16 = arith.constant 0 : i32
      %dma_start3A_17 = tpu.memref_slice %arg4[%add3A, %dma_start3A_15, %dma_start3A_16] : memref<32x80x125xi32, #tpu.memory_space<hbm>> -> memref<1x80x125xi32, #tpu.memory_space<hbm>>
      %dma_start3A_18 = tpu.memref_squeeze %dma_start3A_17 : memref<1x80x125xi32, #tpu.memory_space<hbm>> -> memref<80x125xi32, #tpu.memory_space<hbm>>
      tpu.enqueue_dma source(%dma_start3A_18 : memref<80x125xi32, #tpu.memory_space<hbm>>) target(%arg9 : memref<80x125xi32, #tpu.memory_space<vmem>>) target_semaphore(%run_scoped3A : memref<!tpu.dma_semaphore, #tpu.memory_space<semaphore_mem>>)
      %dma_wait3A = arith.constant 0 : i32
      %dma_wait3A_19 = arith.constant 0 : i32
      %dma_wait3A_20 = tpu.memref_slice %arg4[%add3A, %dma_wait3A, %dma_wait3A_19] : memref<32x80x125xi32, #tpu.memory_space<hbm>> -> memref<1x80x125xi32, #tpu.memory_space<hbm>>
      %dma_wait3A_21 = tpu.memref_squeeze %dma_wait3A_20 : memref<1x80x125xi32, #tpu.memory_space<hbm>> -> memref<80x125xi32, #tpu.memory_space<hbm>>
      %dma_wait3A_22 = arith.constant 0 : i32
      %dma_wait3A_23 = arith.constant 0 : i32
      %dma_wait3A_24 = tpu.memref_slice %arg4[%add3A, %dma_wait3A_22, %dma_wait3A_23] : memref<32x80x125xi32, #tpu.memory_space<hbm>> -> memref<1x80x125xi32, #tpu.memory_space<hbm>>
      %dma_wait3A_25 = tpu.memref_squeeze %dma_wait3A_24 : memref<1x80x125xi32, #tpu.memory_space<hbm>> -> memref<80x125xi32, #tpu.memory_space<hbm>>
      tpu.wait_dma2 semaphore(%run_scoped3A : memref<!tpu.dma_semaphore, #tpu.memory_space<semaphore_mem>>) src(%dma_wait3A_25 : memref<80x125xi32, #tpu.memory_space<hbm>>) dst(%arg9 : memref<80x125xi32, #tpu.memory_space<vmem>>)
      tpu.yield
    }) : () -> ()
    "tpu.region"() ({
      %run_scoped3A = tpu.sem_alloc : memref<!tpu.dma_semaphore, #tpu.memory_space<semaphore_mem>>
      tpu.enqueue_dma source(%arg6 : memref<16xi32, #tpu.memory_space<hbm>>) target(%arg11 : memref<16xi32, #tpu.memory_space<vmem>>) target_semaphore(%run_scoped3A : memref<!tpu.dma_semaphore, #tpu.memory_space<semaphore_mem>>)
      tpu.wait_dma2 semaphore(%run_scoped3A : memref<!tpu.dma_semaphore, #tpu.memory_space<semaphore_mem>>) src(%arg6 : memref<16xi32, #tpu.memory_space<hbm>>) dst(%arg11 : memref<16xi32, #tpu.memory_space<vmem>>)
      tpu.yield
    }) : () -> ()
    %get3A = arith.constant 0 : index
    %get3A_3 = tpu.vector_load %arg11[%get3A] {strides = array<i32>} : memref<16xi32, #tpu.memory_space<vmem>>, vector<16xi32>,
    %get3A_4 = vector.shape_cast %get3A_3 : vector<16xi32> to vector<16xi32>
    %slice3A = vector.extract_strided_slice %get3A_4 {offsets = [0], sizes = [1], strides = [1]} : vector<16xi32> to vector<1xi32>
    %squeeze3A = vector.extract %slice3A[0] : i32 from vector<1xi32>
    %ne3A = arith.constant 0 : i32
    %ne3A_5 = arith.cmpi ne, %squeeze3A, %ne3A : i32
    %convert_element_type3A = arith.extui %ne3A_5 : i1 to i32
    %cond3A = arith.constant 0 : i32
    %cond3A_6 = arith.cmpi ne, %convert_element_type3A, %cond3A : i32
    scf.if %cond3A_6 {
      %scan3A = arith.constant 0 : i32
      %scan3A_12 = arith.constant 80 : i32
      %scan3A_13 = arith.addi %scan3A, %scan3A_12 : i32
      %scan3A_14 = arith.constant 1 : i32
      scf.for %scan3A_16 = %scan3A to %scan3A_13 step %scan3A_14  : i32 {
        %mul3A_17 = arith.constant 1 : i32
        %mul3A_18 = arith.muli %scan3A_16, %mul3A_17 : i32
        %add3A_19 = arith.constant 0 : i32
        %add3A_20 = arith.addi %add3A_19, %mul3A_18 : i32
        "tpu.region"() ({
          %run_scoped3A = tpu.sem_alloc : memref<!tpu.dma_semaphore, #tpu.memory_space<semaphore_mem>>
          %dma_start3A = arith.constant 0 : i32
          %dma_start3A_21 = tpu.memref_slice %arg8[%add3A_20, %dma_start3A] : memref<80x125xi32, #tpu.memory_space<vmem>> -> memref<1x125xi32, #tpu.memory_space<vmem>>
          %dma_start3A_22 = tpu.memref_squeeze %dma_start3A_21 : memref<1x125xi32, #tpu.memory_space<vmem>> -> memref<125xi32, #tpu.memory_space<vmem>>
          %dma_start3A_23 = arith.constant 0 : i32
          %dma_start3A_24 = arith.constant 0 : i32
          %dma_start3A_25 = tpu.memref_slice %arg2[%dma_start3A_23, %dma_start3A_24] : memref<10000x128xf32, #tpu.memory_space<hbm>> -> memref<10000x128xf32, #tpu.memory_space<hbm>>
          tpu.enqueue_indirect_dma source(%dma_start3A_25 : memref<10000x128xf32, #tpu.memory_space<hbm>>) target(%arg10 : memref<125x128xf32, #tpu.memory_space<vmem>>) offsets(%dma_start3A_22 : memref<125xi32, #tpu.memory_space<vmem>>) semaphore(%run_scoped3A : memref<!tpu.dma_semaphore, #tpu.memory_space<semaphore_mem>>)
          %dma_wait3A = arith.constant 0 : i32
          %dma_wait3A_26 = tpu.memref_slice %arg8[%add3A_20, %dma_wait3A] : memref<80x125xi32, #tpu.memory_space<vmem>> -> memref<1x125xi32, #tpu.memory_space<vmem>>
          %dma_wait3A_27 = tpu.memref_squeeze %dma_wait3A_26 : memref<1x125xi32, #tpu.memory_space<vmem>> -> memref<125xi32, #tpu.memory_space<vmem>>
          %dma_wait3A_28 = arith.constant 0 : i32
          %dma_wait3A_29 = arith.constant 0 : i32
          %dma_wait3A_30 = tpu.memref_slice %arg2[%dma_wait3A_28, %dma_wait3A_29] : memref<10000x128xf32, #tpu.memory_space<hbm>> -> memref<10000x128xf32, #tpu.memory_space<hbm>>
          tpu.wait_indirect_dma semaphore(%run_scoped3A : memref<!tpu.dma_semaphore, #tpu.memory_space<semaphore_mem>>) src(%dma_wait3A_30 : memref<10000x128xf32, #tpu.memory_space<hbm>>) dst(%arg10 : memref<125x128xf32, #tpu.memory_space<vmem>>)
          tpu.yield
        }) : () -> ()
        "tpu.region"() ({
          %run_scoped3A = tpu.sem_alloc : memref<!tpu.dma_semaphore, #tpu.memory_space<semaphore_mem>>
          %dma_start3A = arith.constant 0 : i32
          %dma_start3A_21 = tpu.memref_slice %arg9[%add3A_20, %dma_start3A] : memref<80x125xi32, #tpu.memory_space<vmem>> -> memref<1x125xi32, #tpu.memory_space<vmem>>
          %dma_start3A_22 = tpu.memref_squeeze %dma_start3A_21 : memref<1x125xi32, #tpu.memory_space<vmem>> -> memref<125xi32, #tpu.memory_space<vmem>>
          %dma_start3A_23 = arith.constant 0 : i32
          %dma_start3A_24 = arith.constant 0 : i32
          %dma_start3A_25 = tpu.memref_slice %arg12[%dma_start3A_23, %dma_start3A_24] : memref<10240x128xf32, #tpu.memory_space<vmem_shared>> -> memref<10240x128xf32, #tpu.memory_space<vmem_shared>>
          tpu.enqueue_indirect_dma source(%arg10 : memref<125x128xf32, #tpu.memory_space<vmem>>) target(%dma_start3A_25 : memref<10240x128xf32, #tpu.memory_space<vmem_shared>>) offsets(%dma_start3A_22 : memref<125xi32, #tpu.memory_space<vmem>>) semaphore(%run_scoped3A : memref<!tpu.dma_semaphore, #tpu.memory_space<semaphore_mem>>) {add = true}
          %dma_wait3A = arith.constant 0 : i32
          %dma_wait3A_26 = tpu.memref_slice %arg9[%add3A_20, %dma_wait3A] : memref<80x125xi32, #tpu.memory_space<vmem>> -> memref<1x125xi32, #tpu.memory_space<vmem>>
          %dma_wait3A_27 = tpu.memref_squeeze %dma_wait3A_26 : memref<1x125xi32, #tpu.memory_space<vmem>> -> memref<125xi32, #tpu.memory_space<vmem>>
          %dma_wait3A_28 = arith.constant 0 : i32
          %dma_wait3A_29 = arith.constant 0 : i32
          %dma_wait3A_30 = tpu.memref_slice %arg12[%dma_wait3A_28, %dma_wait3A_29] : memref<10240x128xf32, #tpu.memory_space<vmem_shared>> -> memref<10240x128xf32, #tpu.memory_space<vmem_shared>>
          tpu.wait_indirect_dma semaphore(%run_scoped3A : memref<!tpu.dma_semaphore, #tpu.memory_space<semaphore_mem>>) src(%arg10 : memref<125x128xf32, #tpu.memory_space<vmem>>) dst(%dma_wait3A_30 : memref<10240x128xf32, #tpu.memory_space<vmem_shared>>)
          tpu.yield
        }) : () -> ()
      }
      %scan3A_15 = arith.constant 80 : i32
    } else {
    }
    %eq3A = arith.constant 0 : i32
    %eq3A_7 = arith.cmpi eq, %squeeze3A, %eq3A : i32
    %convert_element_type3A_8 = arith.extui %eq3A_7 : i1 to i32
    %cond3A_9 = arith.constant 0 : i32
    %cond3A_10 = arith.cmpi ne, %convert_element_type3A_8, %cond3A_9 : i32
    scf.if %cond3A_10 {
      %scan3A = arith.constant 0 : i32
      %scan3A_12 = arith.constant 125 : i32
      %scan3A_13 = arith.addi %scan3A, %scan3A_12 : i32
      %scan3A_14 = arith.constant 1 : i32
      scf.for %scan3A_21 = %scan3A to %scan3A_13 step %scan3A_14  : i32 {
        %mul3A_22 = arith.constant 1 : i32
        %mul3A_23 = arith.muli %scan3A_21, %mul3A_22 : i32
        %add3A_24 = arith.constant 0 : i32
        %add3A_25 = arith.addi %add3A_24, %mul3A_23 : i32
        %broadcast_in_dim3A = arith.constant 1.000000e+00 : f32
        %broadcast_in_dim3A_26 = vector.broadcast %broadcast_in_dim3A : f32 to vector<16xf32>
        %swap3A = arith.index_cast %add3A_25 : i32 to index
        %swap3A_27 = arith.constant 0 : index
        %swap3A_28 = tpu.vector_load %arg10[%swap3A, %swap3A_27] {strides = array<i32>} : memref<125x128xf32, #tpu.memory_space<vmem>>, vector<1x16xf32>,
        %swap3A_29 = vector.shape_cast %swap3A_28 : vector<1x16xf32> to vector<16xf32>
        %swap3A_30 = vector.shape_cast %broadcast_in_dim3A_26 : vector<16xf32> to vector<1x16xf32>
        tpu.vector_store %arg10[%swap3A, %swap3A_27], %swap3A_30 {strides = array<i32>} : memref<125x128xf32, #tpu.memory_space<vmem>>, vector<1x16xf32>,
        %broadcast_in_dim3A_31 = arith.constant 1.000000e+00 : f32
        %broadcast_in_dim3A_32 = vector.broadcast %broadcast_in_dim3A_31 : f32 to vector<16xf32>
        %swap3A_33 = arith.index_cast %add3A_25 : i32 to index
        %swap3A_34 = arith.constant 16 : index
        %swap3A_35 = tpu.vector_load %arg10[%swap3A_33, %swap3A_34] {strides = array<i32>} : memref<125x128xf32, #tpu.memory_space<vmem>>, vector<1x16xf32>,
        %swap3A_36 = vector.shape_cast %swap3A_35 : vector<1x16xf32> to vector<16xf32>
        %swap3A_37 = vector.shape_cast %broadcast_in_dim3A_32 : vector<16xf32> to vector<1x16xf32>
        tpu.vector_store %arg10[%swap3A_33, %swap3A_34], %swap3A_37 {strides = array<i32>} : memref<125x128xf32, #tpu.memory_space<vmem>>, vector<1x16xf32>,
        %broadcast_in_dim3A_38 = arith.constant 1.000000e+00 : f32
        %broadcast_in_dim3A_39 = vector.broadcast %broadcast_in_dim3A_38 : f32 to vector<16xf32>
        %swap3A_40 = arith.index_cast %add3A_25 : i32 to index
        %swap3A_41 = arith.constant 32 : index
        %swap3A_42 = tpu.vector_load %arg10[%swap3A_40, %swap3A_41] {strides = array<i32>} : memref<125x128xf32, #tpu.memory_space<vmem>>, vector<1x16xf32>,
        %swap3A_43 = vector.shape_cast %swap3A_42 : vector<1x16xf32> to vector<16xf32>
        %swap3A_44 = vector.shape_cast %broadcast_in_dim3A_39 : vector<16xf32> to vector<1x16xf32>
        tpu.vector_store %arg10[%swap3A_40, %swap3A_41], %swap3A_44 {strides = array<i32>} : memref<125x128xf32, #tpu.memory_space<vmem>>, vector<1x16xf32>,
        %broadcast_in_dim3A_45 = arith.constant 1.000000e+00 : f32
        %broadcast_in_dim3A_46 = vector.broadcast %broadcast_in_dim3A_45 : f32 to vector<16xf32>
        %swap3A_47 = arith.index_cast %add3A_25 : i32 to index
        %swap3A_48 = arith.constant 48 : index
        %swap3A_49 = tpu.vector_load %arg10[%swap3A_47, %swap3A_48] {strides = array<i32>} : memref<125x128xf32, #tpu.memory_space<vmem>>, vector<1x16xf32>,
        %swap3A_50 = vector.shape_cast %swap3A_49 : vector<1x16xf32> to vector<16xf32>
        %swap3A_51 = vector.shape_cast %broadcast_in_dim3A_46 : vector<16xf32> to vector<1x16xf32>
        tpu.vector_store %arg10[%swap3A_47, %swap3A_48], %swap3A_51 {strides = array<i32>} : memref<125x128xf32, #tpu.memory_space<vmem>>, vector<1x16xf32>,
        %broadcast_in_dim3A_52 = arith.constant 1.000000e+00 : f32
        %broadcast_in_dim3A_53 = vector.broadcast %broadcast_in_dim3A_52 : f32 to vector<16xf32>
        %swap3A_54 = arith.index_cast %add3A_25 : i32 to index
        %swap3A_55 = arith.constant 64 : index
        %swap3A_56 = tpu.vector_load %arg10[%swap3A_54, %swap3A_55] {strides = array<i32>} : memref<125x128xf32, #tpu.memory_space<vmem>>, vector<1x16xf32>,
        %swap3A_57 = vector.shape_cast %swap3A_56 : vector<1x16xf32> to vector<16xf32>
        %swap3A_58 = vector.shape_cast %broadcast_in_dim3A_53 : vector<16xf32> to vector<1x16xf32>
        tpu.vector_store %arg10[%swap3A_54, %swap3A_55], %swap3A_58 {strides = array<i32>} : memref<125x128xf32, #tpu.memory_space<vmem>>, vector<1x16xf32>,
        %broadcast_in_dim3A_59 = arith.constant 1.000000e+00 : f32
        %broadcast_in_dim3A_60 = vector.broadcast %broadcast_in_dim3A_59 : f32 to vector<16xf32>
        %swap3A_61 = arith.index_cast %add3A_25 : i32 to index
        %swap3A_62 = arith.constant 80 : index
        %swap3A_63 = tpu.vector_load %arg10[%swap3A_61, %swap3A_62] {strides = array<i32>} : memref<125x128xf32, #tpu.memory_space<vmem>>, vector<1x16xf32>,
        %swap3A_64 = vector.shape_cast %swap3A_63 : vector<1x16xf32> to vector<16xf32>
        %swap3A_65 = vector.shape_cast %broadcast_in_dim3A_60 : vector<16xf32> to vector<1x16xf32>
        tpu.vector_store %arg10[%swap3A_61, %swap3A_62], %swap3A_65 {strides = array<i32>} : memref<125x128xf32, #tpu.memory_space<vmem>>, vector<1x16xf32>,
        %broadcast_in_dim3A_66 = arith.constant 1.000000e+00 : f32
        %broadcast_in_dim3A_67 = vector.broadcast %broadcast_in_dim3A_66 : f32 to vector<16xf32>
        %swap3A_68 = arith.index_cast %add3A_25 : i32 to index
        %swap3A_69 = arith.constant 96 : index
        %swap3A_70 = tpu.vector_load %arg10[%swap3A_68, %swap3A_69] {strides = array<i32>} : memref<125x128xf32, #tpu.memory_space<vmem>>, vector<1x16xf32>,
        %swap3A_71 = vector.shape_cast %swap3A_70 : vector<1x16xf32> to vector<16xf32>
        %swap3A_72 = vector.shape_cast %broadcast_in_dim3A_67 : vector<16xf32> to vector<1x16xf32>
        tpu.vector_store %arg10[%swap3A_68, %swap3A_69], %swap3A_72 {strides = array<i32>} : memref<125x128xf32, #tpu.memory_space<vmem>>, vector<1x16xf32>,
        %broadcast_in_dim3A_73 = arith.constant 1.000000e+00 : f32
        %broadcast_in_dim3A_74 = vector.broadcast %broadcast_in_dim3A_73 : f32 to vector<16xf32>
        %swap3A_75 = arith.index_cast %add3A_25 : i32 to index
        %swap3A_76 = arith.constant 112 : index
        %swap3A_77 = tpu.vector_load %arg10[%swap3A_75, %swap3A_76] {strides = array<i32>} : memref<125x128xf32, #tpu.memory_space<vmem>>, vector<1x16xf32>,
        %swap3A_78 = vector.shape_cast %swap3A_77 : vector<1x16xf32> to vector<16xf32>
        %swap3A_79 = vector.shape_cast %broadcast_in_dim3A_74 : vector<16xf32> to vector<1x16xf32>
        tpu.vector_store %arg10[%swap3A_75, %swap3A_76], %swap3A_79 {strides = array<i32>} : memref<125x128xf32, #tpu.memory_space<vmem>>, vector<1x16xf32>,
      }
      %scan3A_15 = arith.constant 125 : i32
      %scan3A_16 = arith.constant 0 : i32
      %scan3A_17 = arith.constant 80 : i32
      %scan3A_18 = arith.addi %scan3A_16, %scan3A_17 : i32
      %scan3A_19 = arith.constant 1 : i32
      scf.for %scan3A_21 = %scan3A_16 to %scan3A_18 step %scan3A_19  : i32 {
        %mul3A_22 = arith.constant 1 : i32
        %mul3A_23 = arith.muli %scan3A_21, %mul3A_22 : i32
        %add3A_24 = arith.constant 0 : i32
        %add3A_25 = arith.addi %add3A_24, %mul3A_23 : i32
        "tpu.region"() ({
          %run_scoped3A = tpu.sem_alloc : memref<!tpu.dma_semaphore, #tpu.memory_space<semaphore_mem>>
          %dma_start3A = arith.constant 0 : i32
          %dma_start3A_26 = tpu.memref_slice %arg9[%add3A_25, %dma_start3A] : memref<80x125xi32, #tpu.memory_space<vmem>> -> memref<1x125xi32, #tpu.memory_space<vmem>>
          %dma_start3A_27 = tpu.memref_squeeze %dma_start3A_26 : memref<1x125xi32, #tpu.memory_space<vmem>> -> memref<125xi32, #tpu.memory_space<vmem>>
          %dma_start3A_28 = arith.constant 0 : i32
          %dma_start3A_29 = arith.constant 0 : i32
          %dma_start3A_30 = tpu.memref_slice %arg12[%dma_start3A_28, %dma_start3A_29] : memref<10240x128xf32, #tpu.memory_space<vmem_shared>> -> memref<10240x128xf32, #tpu.memory_space<vmem_shared>>
          tpu.enqueue_indirect_dma source(%arg10 : memref<125x128xf32, #tpu.memory_space<vmem>>) target(%dma_start3A_30 : memref<10240x128xf32, #tpu.memory_space<vmem_shared>>) offsets(%dma_start3A_27 : memref<125xi32, #tpu.memory_space<vmem>>) semaphore(%run_scoped3A : memref<!tpu.dma_semaphore, #tpu.memory_space<semaphore_mem>>) {add = true}
          %dma_wait3A = arith.constant 0 : i32
          %dma_wait3A_31 = tpu.memref_slice %arg9[%add3A_25, %dma_wait3A] : memref<80x125xi32, #tpu.memory_space<vmem>> -> memref<1x125xi32, #tpu.memory_space<vmem>>
          %dma_wait3A_32 = tpu.memref_squeeze %dma_wait3A_31 : memref<1x125xi32, #tpu.memory_space<vmem>> -> memref<125xi32, #tpu.memory_space<vmem>>
          %dma_wait3A_33 = arith.constant 0 : i32
          %dma_wait3A_34 = arith.constant 0 : i32
          %dma_wait3A_35 = tpu.memref_slice %arg12[%dma_wait3A_33, %dma_wait3A_34] : memref<10240x128xf32, #tpu.memory_space<vmem_shared>> -> memref<10240x128xf32, #tpu.memory_space<vmem_shared>>
          tpu.wait_indirect_dma semaphore(%run_scoped3A : memref<!tpu.dma_semaphore, #tpu.memory_space<semaphore_mem>>) src(%arg10 : memref<125x128xf32, #tpu.memory_space<vmem>>) dst(%dma_wait3A_35 : memref<10240x128xf32, #tpu.memory_space<vmem_shared>>)
          tpu.yield
        }) : () -> ()
      }
      %scan3A_20 = arith.constant 80 : i32
    } else {
    }
    %barrier3A_11 = arith.constant 0 : index
    tpu.barrier barrier_id(%barrier3A_11)
    "tpu.region"() ({
      %run_scoped3A = tpu.sem_alloc : memref<!tpu.dma_semaphore, #tpu.memory_space<semaphore_mem>>
      %dma_start3A = arith.constant 0 : i32
      %dma_start3A_12 = tpu.memref_slice %arg7[%arg0, %mul3A_0, %dma_start3A] : memref<2x10240x128xf32, #tpu.memory_space<hbm>> -> memref<1x640x128xf32, #tpu.memory_space<hbm>>
      %dma_start3A_13 = tpu.memref_squeeze %dma_start3A_12 : memref<1x640x128xf32, #tpu.memory_space<hbm>> -> memref<640x128xf32, #tpu.memory_space<hbm>>
      %dma_start3A_14 = arith.constant 0 : i32
      %dma_start3A_15 = tpu.memref_slice %arg12[%mul3A_0, %dma_start3A_14] : memref<10240x128xf32, #tpu.memory_space<vmem_shared>> -> memref<640x128xf32, #tpu.memory_space<vmem_shared>>
      tpu.enqueue_dma source(%dma_start3A_15 : memref<640x128xf32, #tpu.memory_space<vmem_shared>>) target(%dma_start3A_13 : memref<640x128xf32, #tpu.memory_space<hbm>>) target_semaphore(%run_scoped3A : memref<!tpu.dma_semaphore, #tpu.memory_space<semaphore_mem>>)
      %dma_wait3A = arith.constant 0 : i32
      %dma_wait3A_16 = tpu.memref_slice %arg7[%arg0, %mul3A_0, %dma_wait3A] : memref<2x10240x128xf32, #tpu.memory_space<hbm>> -> memref<1x640x128xf32, #tpu.memory_space<hbm>>
      %dma_wait3A_17 = tpu.memref_squeeze %dma_wait3A_16 : memref<1x640x128xf32, #tpu.memory_space<hbm>> -> memref<640x128xf32, #tpu.memory_space<hbm>>
      %dma_wait3A_18 = arith.constant 0 : i32
      %dma_wait3A_19 = tpu.memref_slice %arg12[%mul3A_0, %dma_wait3A_18] : memref<10240x128xf32, #tpu.memory_space<vmem_shared>> -> memref<640x128xf32, #tpu.memory_space<vmem_shared>>
      tpu.wait_dma2 semaphore(%run_scoped3A : memref<!tpu.dma_semaphore, #tpu.memory_space<semaphore_mem>>) src(%dma_wait3A_19 : memref<640x128xf32, #tpu.memory_space<vmem_shared>>) dst(%dma_wait3A_17 : memref<640x128xf32, #tpu.memory_space<hbm>>)
      tpu.yield
    }) : () -> ()
    return
  }
}

#map = affine_map<(d0, d1) -> (0, 0)>
#map1 = affine_map<(d0, d1) -> (0, 0, 0)>
#map2 = affine_map<(d0, d1) -> (0)>
module attributes {stable_mosaic.version = 14 : i64} {
  func.func @_gs_body(%arg0: i32, %arg1: i32, %arg2: memref<10000x128xf32, #tpu.memory_space<hbm>>, %arg3: memref<32x80x125xi32, #tpu.memory_space<hbm>>, %arg4: memref<32x80x125xi32, #tpu.memory_space<hbm>>, %arg5: memref<10240x128xf32, #tpu.memory_space<hbm>>, %arg6: memref<16xi32, #tpu.memory_space<hbm>>, %arg7: memref<2x10240x128xf32, #tpu.memory_space<hbm>>, %arg8: memref<80x125xi32, #tpu.memory_space<vmem>>, %arg9: memref<80x125xi32, #tpu.memory_space<vmem>>, %arg10: memref<125x128xf32, #tpu.memory_space<vmem>>, %arg11: memref<16xi32, #tpu.memory_space<vmem>>, %arg12: memref<10240x128xf32, #tpu.memory_space<vmem_shared>>) attributes {dimension_semantics = [#tpu.dimension_semantics<core_parallel>, #tpu.dimension_semantics<subcore_parallel>], iteration_bounds = array<i64: 2, 16>, scalar_prefetch = 0 : i64, scratch_operands = 5 : i64, tpu.core_type = #tpu.core_type<sc_vector_subcore>, window_params = [{transform_indices = #map}, {transform_indices = #map1}, {transform_indices = #map1}, {transform_indices = #map}, {transform_indices = #map2}, {transform_indices = #map1}]} {
    %mul3A = arith.constant 640 : i32
    %mul3A_0 = arith.muli %arg1, %mul3A : i32
    "tpu.region"() ({
      %run_scoped3A = tpu.sem_alloc : memref<!tpu.dma_semaphore, #tpu.memory_space<semaphore_mem>>
      %dma_start3A = arith.constant 0 : i32
      %dma_start3A_12 = tpu.memref_slice %arg12[%mul3A_0, %dma_start3A] : memref<10240x128xf32, #tpu.memory_space<vmem_shared>> -> memref<640x128xf32, #tpu.memory_space<vmem_shared>>
      %dma_start3A_13 = arith.constant 0 : i32
      %dma_start3A_14 = tpu.memref_slice %arg5[%mul3A_0, %dma_start3A_13] : memref<10240x128xf32, #tpu.memory_space<hbm>> -> memref<640x128xf32, #tpu.memory_space<hbm>>
      tpu.enqueue_dma source(%dma_start3A_14 : memref<640x128xf32, #tpu.memory_space<hbm>>) target(%dma_start3A_12 : memref<640x128xf32, #tpu.memory_space<vmem_shared>>) target_semaphore(%run_scoped3A : memref<!tpu.dma_semaphore, #tpu.memory_space<semaphore_mem>>)
      %dma_wait3A = arith.constant 0 : i32
      %dma_wait3A_15 = tpu.memref_slice %arg12[%mul3A_0, %dma_wait3A] : memref<10240x128xf32, #tpu.memory_space<vmem_shared>> -> memref<640x128xf32, #tpu.memory_space<vmem_shared>>
      %dma_wait3A_16 = arith.constant 0 : i32
      %dma_wait3A_17 = tpu.memref_slice %arg5[%mul3A_0, %dma_wait3A_16] : memref<10240x128xf32, #tpu.memory_space<hbm>> -> memref<640x128xf32, #tpu.memory_space<hbm>>
      tpu.wait_dma2 semaphore(%run_scoped3A : memref<!tpu.dma_semaphore, #tpu.memory_space<semaphore_mem>>) src(%dma_wait3A_17 : memref<640x128xf32, #tpu.memory_space<hbm>>) dst(%dma_wait3A_15 : memref<640x128xf32, #tpu.memory_space<vmem_shared>>)
      tpu.yield
    }) : () -> ()
    %barrier3A = arith.constant 0 : index
    tpu.barrier barrier_id(%barrier3A)
    %mul3A_1 = arith.constant 16 : i32
    %mul3A_2 = arith.muli %arg0, %mul3A_1 : i32
    %add3A = arith.addi %mul3A_2, %arg1 : i32
    "tpu.region"() ({
      %run_scoped3A = tpu.sem_alloc : memref<!tpu.dma_semaphore, #tpu.memory_space<semaphore_mem>>
      %dma_start3A = arith.constant 0 : i32
      %dma_start3A_12 = arith.constant 0 : i32
      %dma_start3A_13 = tpu.memref_slice %arg3[%add3A, %dma_start3A, %dma_start3A_12] : memref<32x80x125xi32, #tpu.memory_space<hbm>> -> memref<1x80x125xi32, #tpu.memory_space<hbm>>
      %dma_start3A_14 = tpu.memref_squeeze %dma_start3A_13 : memref<1x80x125xi32, #tpu.memory_space<hbm>> -> memref<80x125xi32, #tpu.memory_space<hbm>>
      %dma_start3A_15 = arith.constant 0 : i32
      %dma_start3A_16 = arith.constant 0 : i32
      %dma_start3A_17 = tpu.memref_slice %arg3[%add3A, %dma_start3A_15, %dma_start3A_16] : memref<32x80x125xi32, #tpu.memory_space<hbm>> -> memref<1x80x125xi32, #tpu.memory_space<hbm>>
      %dma_start3A_18 = tpu.memref_squeeze %dma_start3A_17 : memref<1x80x125xi32, #tpu.memory_space<hbm>> -> memref<80x125xi32, #tpu.memory_space<hbm>>
      tpu.enqueue_dma source(%dma_start3A_18 : memref<80x125xi32, #tpu.memory_space<hbm>>) target(%arg8 : memref<80x125xi32, #tpu.memory_space<vmem>>) target_semaphore(%run_scoped3A : memref<!tpu.dma_semaphore, #tpu.memory_space<semaphore_mem>>)
      %dma_wait3A = arith.constant 0 : i32
      %dma_wait3A_19 = arith.constant 0 : i32
      %dma_wait3A_20 = tpu.memref_slice %arg3[%add3A, %dma_wait3A, %dma_wait3A_19] : memref<32x80x125xi32, #tpu.memory_space<hbm>> -> memref<1x80x125xi32, #tpu.memory_space<hbm>>
      %dma_wait3A_21 = tpu.memref_squeeze %dma_wait3A_20 : memref<1x80x125xi32, #tpu.memory_space<hbm>> -> memref<80x125xi32, #tpu.memory_space<hbm>>
      %dma_wait3A_22 = arith.constant 0 : i32
      %dma_wait3A_23 = arith.constant 0 : i32
      %dma_wait3A_24 = tpu.memref_slice %arg3[%add3A, %dma_wait3A_22, %dma_wait3A_23] : memref<32x80x125xi32, #tpu.memory_space<hbm>> -> memref<1x80x125xi32, #tpu.memory_space<hbm>>
      %dma_wait3A_25 = tpu.memref_squeeze %dma_wait3A_24 : memref<1x80x125xi32, #tpu.memory_space<hbm>> -> memref<80x125xi32, #tpu.memory_space<hbm>>
      tpu.wait_dma2 semaphore(%run_scoped3A : memref<!tpu.dma_semaphore, #tpu.memory_space<semaphore_mem>>) src(%dma_wait3A_25 : memref<80x125xi32, #tpu.memory_space<hbm>>) dst(%arg8 : memref<80x125xi32, #tpu.memory_space<vmem>>)
      tpu.yield
    }) : () -> ()
    "tpu.region"() ({
      %run_scoped3A = tpu.sem_alloc : memref<!tpu.dma_semaphore, #tpu.memory_space<semaphore_mem>>
      %dma_start3A = arith.constant 0 : i32
      %dma_start3A_12 = arith.constant 0 : i32
      %dma_start3A_13 = tpu.memref_slice %arg4[%add3A, %dma_start3A, %dma_start3A_12] : memref<32x80x125xi32, #tpu.memory_space<hbm>> -> memref<1x80x125xi32, #tpu.memory_space<hbm>>
      %dma_start3A_14 = tpu.memref_squeeze %dma_start3A_13 : memref<1x80x125xi32, #tpu.memory_space<hbm>> -> memref<80x125xi32, #tpu.memory_space<hbm>>
      %dma_start3A_15 = arith.constant 0 : i32
      %dma_start3A_16 = arith.constant 0 : i32
      %dma_start3A_17 = tpu.memref_slice %arg4[%add3A, %dma_start3A_15, %dma_start3A_16] : memref<32x80x125xi32, #tpu.memory_space<hbm>> -> memref<1x80x125xi32, #tpu.memory_space<hbm>>
      %dma_start3A_18 = tpu.memref_squeeze %dma_start3A_17 : memref<1x80x125xi32, #tpu.memory_space<hbm>> -> memref<80x125xi32, #tpu.memory_space<hbm>>
      tpu.enqueue_dma source(%dma_start3A_18 : memref<80x125xi32, #tpu.memory_space<hbm>>) target(%arg9 : memref<80x125xi32, #tpu.memory_space<vmem>>) target_semaphore(%run_scoped3A : memref<!tpu.dma_semaphore, #tpu.memory_space<semaphore_mem>>)
      %dma_wait3A = arith.constant 0 : i32
      %dma_wait3A_19 = arith.constant 0 : i32
      %dma_wait3A_20 = tpu.memref_slice %arg4[%add3A, %dma_wait3A, %dma_wait3A_19] : memref<32x80x125xi32, #tpu.memory_space<hbm>> -> memref<1x80x125xi32, #tpu.memory_space<hbm>>
      %dma_wait3A_21 = tpu.memref_squeeze %dma_wait3A_20 : memref<1x80x125xi32, #tpu.memory_space<hbm>> -> memref<80x125xi32, #tpu.memory_space<hbm>>
      %dma_wait3A_22 = arith.constant 0 : i32
      %dma_wait3A_23 = arith.constant 0 : i32
      %dma_wait3A_24 = tpu.memref_slice %arg4[%add3A, %dma_wait3A_22, %dma_wait3A_23] : memref<32x80x125xi32, #tpu.memory_space<hbm>> -> memref<1x80x125xi32, #tpu.memory_space<hbm>>
      %dma_wait3A_25 = tpu.memref_squeeze %dma_wait3A_24 : memref<1x80x125xi32, #tpu.memory_space<hbm>> -> memref<80x125xi32, #tpu.memory_space<hbm>>
      tpu.wait_dma2 semaphore(%run_scoped3A : memref<!tpu.dma_semaphore, #tpu.memory_space<semaphore_mem>>) src(%dma_wait3A_25 : memref<80x125xi32, #tpu.memory_space<hbm>>) dst(%arg9 : memref<80x125xi32, #tpu.memory_space<vmem>>)
      tpu.yield
    }) : () -> ()
    "tpu.region"() ({
      %run_scoped3A = tpu.sem_alloc : memref<!tpu.dma_semaphore, #tpu.memory_space<semaphore_mem>>
      tpu.enqueue_dma source(%arg6 : memref<16xi32, #tpu.memory_space<hbm>>) target(%arg11 : memref<16xi32, #tpu.memory_space<vmem>>) target_semaphore(%run_scoped3A : memref<!tpu.dma_semaphore, #tpu.memory_space<semaphore_mem>>)
      tpu.wait_dma2 semaphore(%run_scoped3A : memref<!tpu.dma_semaphore, #tpu.memory_space<semaphore_mem>>) src(%arg6 : memref<16xi32, #tpu.memory_space<hbm>>) dst(%arg11 : memref<16xi32, #tpu.memory_space<vmem>>)
      tpu.yield
    }) : () -> ()
    %get3A = arith.constant 0 : index
    %get3A_3 = tpu.vector_load %arg11[%get3A] {strides = array<i32>} : memref<16xi32, #tpu.memory_space<vmem>>, vector<16xi32>,
    %get3A_4 = vector.shape_cast %get3A_3 : vector<16xi32> to vector<16xi32>
    %slice3A = vector.extract_strided_slice %get3A_4 {offsets = [0], sizes = [1], strides = [1]} : vector<16xi32> to vector<1xi32>
    %squeeze3A = vector.extract %slice3A[0] : i32 from vector<1xi32>
    %ne3A = arith.constant 0 : i32
    %ne3A_5 = arith.cmpi ne, %squeeze3A, %ne3A : i32
    %convert_element_type3A = arith.extui %ne3A_5 : i1 to i32
    %cond3A = arith.constant 0 : i32
    %cond3A_6 = arith.cmpi ne, %convert_element_type3A, %cond3A : i32
    scf.if %cond3A_6 {
      %scan3A = arith.constant 0 : i32
      %scan3A_12 = arith.constant 80 : i32
      %scan3A_13 = arith.addi %scan3A, %scan3A_12 : i32
      %scan3A_14 = arith.constant 1 : i32
      scf.for %scan3A_16 = %scan3A to %scan3A_13 step %scan3A_14  : i32 {
        %mul3A_17 = arith.constant 1 : i32
        %mul3A_18 = arith.muli %scan3A_16, %mul3A_17 : i32
        %add3A_19 = arith.constant 0 : i32
        %add3A_20 = arith.addi %add3A_19, %mul3A_18 : i32
        "tpu.region"() ({
          %run_scoped3A = tpu.sem_alloc : memref<!tpu.dma_semaphore, #tpu.memory_space<semaphore_mem>>
          %dma_start3A = arith.constant 0 : i32
          %dma_start3A_21 = tpu.memref_slice %arg8[%add3A_20, %dma_start3A] : memref<80x125xi32, #tpu.memory_space<vmem>> -> memref<1x125xi32, #tpu.memory_space<vmem>>
          %dma_start3A_22 = tpu.memref_squeeze %dma_start3A_21 : memref<1x125xi32, #tpu.memory_space<vmem>> -> memref<125xi32, #tpu.memory_space<vmem>>
          %dma_start3A_23 = arith.constant 0 : i32
          %dma_start3A_24 = arith.constant 0 : i32
          %dma_start3A_25 = tpu.memref_slice %arg2[%dma_start3A_23, %dma_start3A_24] : memref<10000x128xf32, #tpu.memory_space<hbm>> -> memref<10000x128xf32, #tpu.memory_space<hbm>>
          tpu.enqueue_indirect_dma source(%dma_start3A_25 : memref<10000x128xf32, #tpu.memory_space<hbm>>) target(%arg10 : memref<125x128xf32, #tpu.memory_space<vmem>>) offsets(%dma_start3A_22 : memref<125xi32, #tpu.memory_space<vmem>>) semaphore(%run_scoped3A : memref<!tpu.dma_semaphore, #tpu.memory_space<semaphore_mem>>)
          %dma_wait3A = arith.constant 0 : i32
          %dma_wait3A_26 = tpu.memref_slice %arg8[%add3A_20, %dma_wait3A] : memref<80x125xi32, #tpu.memory_space<vmem>> -> memref<1x125xi32, #tpu.memory_space<vmem>>
          %dma_wait3A_27 = tpu.memref_squeeze %dma_wait3A_26 : memref<1x125xi32, #tpu.memory_space<vmem>> -> memref<125xi32, #tpu.memory_space<vmem>>
          %dma_wait3A_28 = arith.constant 0 : i32
          %dma_wait3A_29 = arith.constant 0 : i32
          %dma_wait3A_30 = tpu.memref_slice %arg2[%dma_wait3A_28, %dma_wait3A_29] : memref<10000x128xf32, #tpu.memory_space<hbm>> -> memref<10000x128xf32, #tpu.memory_space<hbm>>
          tpu.wait_indirect_dma semaphore(%run_scoped3A : memref<!tpu.dma_semaphore, #tpu.memory_space<semaphore_mem>>) src(%dma_wait3A_30 : memref<10000x128xf32, #tpu.memory_space<hbm>>) dst(%arg10 : memref<125x128xf32, #tpu.memory_space<vmem>>)
          tpu.yield
        }) : () -> ()
        "tpu.region"() ({
          %run_scoped3A = tpu.sem_alloc : memref<!tpu.dma_semaphore, #tpu.memory_space<semaphore_mem>>
          %dma_start3A = arith.constant 0 : i32
          %dma_start3A_21 = tpu.memref_slice %arg9[%add3A_20, %dma_start3A] : memref<80x125xi32, #tpu.memory_space<vmem>> -> memref<1x125xi32, #tpu.memory_space<vmem>>
          %dma_start3A_22 = tpu.memref_squeeze %dma_start3A_21 : memref<1x125xi32, #tpu.memory_space<vmem>> -> memref<125xi32, #tpu.memory_space<vmem>>
          %dma_start3A_23 = arith.constant 0 : i32
          %dma_start3A_24 = arith.constant 0 : i32
          %dma_start3A_25 = tpu.memref_slice %arg12[%dma_start3A_23, %dma_start3A_24] : memref<10240x128xf32, #tpu.memory_space<vmem_shared>> -> memref<10240x128xf32, #tpu.memory_space<vmem_shared>>
          tpu.enqueue_indirect_dma source(%arg10 : memref<125x128xf32, #tpu.memory_space<vmem>>) target(%dma_start3A_25 : memref<10240x128xf32, #tpu.memory_space<vmem_shared>>) offsets(%dma_start3A_22 : memref<125xi32, #tpu.memory_space<vmem>>) semaphore(%run_scoped3A : memref<!tpu.dma_semaphore, #tpu.memory_space<semaphore_mem>>) {add = true}
          %dma_wait3A = arith.constant 0 : i32
          %dma_wait3A_26 = tpu.memref_slice %arg9[%add3A_20, %dma_wait3A] : memref<80x125xi32, #tpu.memory_space<vmem>> -> memref<1x125xi32, #tpu.memory_space<vmem>>
          %dma_wait3A_27 = tpu.memref_squeeze %dma_wait3A_26 : memref<1x125xi32, #tpu.memory_space<vmem>> -> memref<125xi32, #tpu.memory_space<vmem>>
          %dma_wait3A_28 = arith.constant 0 : i32
          %dma_wait3A_29 = arith.constant 0 : i32
          %dma_wait3A_30 = tpu.memref_slice %arg12[%dma_wait3A_28, %dma_wait3A_29] : memref<10240x128xf32, #tpu.memory_space<vmem_shared>> -> memref<10240x128xf32, #tpu.memory_space<vmem_shared>>
          tpu.wait_indirect_dma semaphore(%run_scoped3A : memref<!tpu.dma_semaphore, #tpu.memory_space<semaphore_mem>>) src(%arg10 : memref<125x128xf32, #tpu.memory_space<vmem>>) dst(%dma_wait3A_30 : memref<10240x128xf32, #tpu.memory_space<vmem_shared>>)
          tpu.yield
        }) : () -> ()
      }
      %scan3A_15 = arith.constant 80 : i32
    } else {
    }
    %eq3A = arith.constant 0 : i32
    %eq3A_7 = arith.cmpi eq, %squeeze3A, %eq3A : i32
    %convert_element_type3A_8 = arith.extui %eq3A_7 : i1 to i32
    %cond3A_9 = arith.constant 0 : i32
    %cond3A_10 = arith.cmpi ne, %convert_element_type3A_8, %cond3A_9 : i32
    scf.if %cond3A_10 {
      %scan3A = arith.constant 0 : i32
      %scan3A_12 = arith.constant 125 : i32
      %scan3A_13 = arith.addi %scan3A, %scan3A_12 : i32
      %scan3A_14 = arith.constant 1 : i32
      scf.for %scan3A_21 = %scan3A to %scan3A_13 step %scan3A_14  : i32 {
        %mul3A_22 = arith.constant 1 : i32
        %mul3A_23 = arith.muli %scan3A_21, %mul3A_22 : i32
        %add3A_24 = arith.constant 0 : i32
        %add3A_25 = arith.addi %add3A_24, %mul3A_23 : i32
        %broadcast_in_dim3A = arith.constant 1.000000e+00 : f32
        %broadcast_in_dim3A_26 = vector.broadcast %broadcast_in_dim3A : f32 to vector<16xf32>
        %swap3A = arith.index_cast %add3A_25 : i32 to index
        %swap3A_27 = arith.constant 0 : index
        %swap3A_28 = tpu.vector_load %arg10[%swap3A, %swap3A_27] {strides = array<i32>} : memref<125x128xf32, #tpu.memory_space<vmem>>, vector<1x16xf32>,
        %swap3A_29 = vector.shape_cast %swap3A_28 : vector<1x16xf32> to vector<16xf32>
        %swap3A_30 = vector.shape_cast %broadcast_in_dim3A_26 : vector<16xf32> to vector<1x16xf32>
        tpu.vector_store %arg10[%swap3A, %swap3A_27], %swap3A_30 {strides = array<i32>} : memref<125x128xf32, #tpu.memory_space<vmem>>, vector<1x16xf32>,
        %broadcast_in_dim3A_31 = arith.constant 1.000000e+00 : f32
        %broadcast_in_dim3A_32 = vector.broadcast %broadcast_in_dim3A_31 : f32 to vector<16xf32>
        %swap3A_33 = arith.index_cast %add3A_25 : i32 to index
        %swap3A_34 = arith.constant 16 : index
        %swap3A_35 = tpu.vector_load %arg10[%swap3A_33, %swap3A_34] {strides = array<i32>} : memref<125x128xf32, #tpu.memory_space<vmem>>, vector<1x16xf32>,
        %swap3A_36 = vector.shape_cast %swap3A_35 : vector<1x16xf32> to vector<16xf32>
        %swap3A_37 = vector.shape_cast %broadcast_in_dim3A_32 : vector<16xf32> to vector<1x16xf32>
        tpu.vector_store %arg10[%swap3A_33, %swap3A_34], %swap3A_37 {strides = array<i32>} : memref<125x128xf32, #tpu.memory_space<vmem>>, vector<1x16xf32>,
        %broadcast_in_dim3A_38 = arith.constant 1.000000e+00 : f32
        %broadcast_in_dim3A_39 = vector.broadcast %broadcast_in_dim3A_38 : f32 to vector<16xf32>
        %swap3A_40 = arith.index_cast %add3A_25 : i32 to index
        %swap3A_41 = arith.constant 32 : index
        %swap3A_42 = tpu.vector_load %arg10[%swap3A_40, %swap3A_41] {strides = array<i32>} : memref<125x128xf32, #tpu.memory_space<vmem>>, vector<1x16xf32>,
        %swap3A_43 = vector.shape_cast %swap3A_42 : vector<1x16xf32> to vector<16xf32>
        %swap3A_44 = vector.shape_cast %broadcast_in_dim3A_39 : vector<16xf32> to vector<1x16xf32>
        tpu.vector_store %arg10[%swap3A_40, %swap3A_41], %swap3A_44 {strides = array<i32>} : memref<125x128xf32, #tpu.memory_space<vmem>>, vector<1x16xf32>,
        %broadcast_in_dim3A_45 = arith.constant 1.000000e+00 : f32
        %broadcast_in_dim3A_46 = vector.broadcast %broadcast_in_dim3A_45 : f32 to vector<16xf32>
        %swap3A_47 = arith.index_cast %add3A_25 : i32 to index
        %swap3A_48 = arith.constant 48 : index
        %swap3A_49 = tpu.vector_load %arg10[%swap3A_47, %swap3A_48] {strides = array<i32>} : memref<125x128xf32, #tpu.memory_space<vmem>>, vector<1x16xf32>,
        %swap3A_50 = vector.shape_cast %swap3A_49 : vector<1x16xf32> to vector<16xf32>
        %swap3A_51 = vector.shape_cast %broadcast_in_dim3A_46 : vector<16xf32> to vector<1x16xf32>
        tpu.vector_store %arg10[%swap3A_47, %swap3A_48], %swap3A_51 {strides = array<i32>} : memref<125x128xf32, #tpu.memory_space<vmem>>, vector<1x16xf32>,
        %broadcast_in_dim3A_52 = arith.constant 1.000000e+00 : f32
        %broadcast_in_dim3A_53 = vector.broadcast %broadcast_in_dim3A_52 : f32 to vector<16xf32>
        %swap3A_54 = arith.index_cast %add3A_25 : i32 to index
        %swap3A_55 = arith.constant 64 : index
        %swap3A_56 = tpu.vector_load %arg10[%swap3A_54, %swap3A_55] {strides = array<i32>} : memref<125x128xf32, #tpu.memory_space<vmem>>, vector<1x16xf32>,
        %swap3A_57 = vector.shape_cast %swap3A_56 : vector<1x16xf32> to vector<16xf32>
        %swap3A_58 = vector.shape_cast %broadcast_in_dim3A_53 : vector<16xf32> to vector<1x16xf32>
        tpu.vector_store %arg10[%swap3A_54, %swap3A_55], %swap3A_58 {strides = array<i32>} : memref<125x128xf32, #tpu.memory_space<vmem>>, vector<1x16xf32>,
        %broadcast_in_dim3A_59 = arith.constant 1.000000e+00 : f32
        %broadcast_in_dim3A_60 = vector.broadcast %broadcast_in_dim3A_59 : f32 to vector<16xf32>
        %swap3A_61 = arith.index_cast %add3A_25 : i32 to index
        %swap3A_62 = arith.constant 80 : index
        %swap3A_63 = tpu.vector_load %arg10[%swap3A_61, %swap3A_62] {strides = array<i32>} : memref<125x128xf32, #tpu.memory_space<vmem>>, vector<1x16xf32>,
        %swap3A_64 = vector.shape_cast %swap3A_63 : vector<1x16xf32> to vector<16xf32>
        %swap3A_65 = vector.shape_cast %broadcast_in_dim3A_60 : vector<16xf32> to vector<1x16xf32>
        tpu.vector_store %arg10[%swap3A_61, %swap3A_62], %swap3A_65 {strides = array<i32>} : memref<125x128xf32, #tpu.memory_space<vmem>>, vector<1x16xf32>,
        %broadcast_in_dim3A_66 = arith.constant 1.000000e+00 : f32
        %broadcast_in_dim3A_67 = vector.broadcast %broadcast_in_dim3A_66 : f32 to vector<16xf32>
        %swap3A_68 = arith.index_cast %add3A_25 : i32 to index
        %swap3A_69 = arith.constant 96 : index
        %swap3A_70 = tpu.vector_load %arg10[%swap3A_68, %swap3A_69] {strides = array<i32>} : memref<125x128xf32, #tpu.memory_space<vmem>>, vector<1x16xf32>,
        %swap3A_71 = vector.shape_cast %swap3A_70 : vector<1x16xf32> to vector<16xf32>
        %swap3A_72 = vector.shape_cast %broadcast_in_dim3A_67 : vector<16xf32> to vector<1x16xf32>
        tpu.vector_store %arg10[%swap3A_68, %swap3A_69], %swap3A_72 {strides = array<i32>} : memref<125x128xf32, #tpu.memory_space<vmem>>, vector<1x16xf32>,
        %broadcast_in_dim3A_73 = arith.constant 1.000000e+00 : f32
        %broadcast_in_dim3A_74 = vector.broadcast %broadcast_in_dim3A_73 : f32 to vector<16xf32>
        %swap3A_75 = arith.index_cast %add3A_25 : i32 to index
        %swap3A_76 = arith.constant 112 : index
        %swap3A_77 = tpu.vector_load %arg10[%swap3A_75, %swap3A_76] {strides = array<i32>} : memref<125x128xf32, #tpu.memory_space<vmem>>, vector<1x16xf32>,
        %swap3A_78 = vector.shape_cast %swap3A_77 : vector<1x16xf32> to vector<16xf32>
        %swap3A_79 = vector.shape_cast %broadcast_in_dim3A_74 : vector<16xf32> to vector<1x16xf32>
        tpu.vector_store %arg10[%swap3A_75, %swap3A_76], %swap3A_79 {strides = array<i32>} : memref<125x128xf32, #tpu.memory_space<vmem>>, vector<1x16xf32>,
      }
      %scan3A_15 = arith.constant 125 : i32
      %scan3A_16 = arith.constant 0 : i32
      %scan3A_17 = arith.constant 80 : i32
      %scan3A_18 = arith.addi %scan3A_16, %scan3A_17 : i32
      %scan3A_19 = arith.constant 1 : i32
      scf.for %scan3A_21 = %scan3A_16 to %scan3A_18 step %scan3A_19  : i32 {
        %mul3A_22 = arith.constant 1 : i32
        %mul3A_23 = arith.muli %scan3A_21, %mul3A_22 : i32
        %add3A_24 = arith.constant 0 : i32
        %add3A_25 = arith.addi %add3A_24, %mul3A_23 : i32
        "tpu.region"() ({
          %run_scoped3A = tpu.sem_alloc : memref<!tpu.dma_semaphore, #tpu.memory_space<semaphore_mem>>
          %dma_start3A = arith.constant 0 : i32
          %dma_start3A_26 = tpu.memref_slice %arg9[%add3A_25, %dma_start3A] : memref<80x125xi32, #tpu.memory_space<vmem>> -> memref<1x125xi32, #tpu.memory_space<vmem>>
          %dma_start3A_27 = tpu.memref_squeeze %dma_start3A_26 : memref<1x125xi32, #tpu.memory_space<vmem>> -> memref<125xi32, #tpu.memory_space<vmem>>
          %dma_start3A_28 = arith.constant 0 : i32
          %dma_start3A_29 = arith.constant 0 : i32
          %dma_start3A_30 = tpu.memref_slice %arg12[%dma_start3A_28, %dma_start3A_29] : memref<10240x128xf32, #tpu.memory_space<vmem_shared>> -> memref<10240x128xf32, #tpu.memory_space<vmem_shared>>
          tpu.enqueue_indirect_dma source(%arg10 : memref<125x128xf32, #tpu.memory_space<vmem>>) target(%dma_start3A_30 : memref<10240x128xf32, #tpu.memory_space<vmem_shared>>) offsets(%dma_start3A_27 : memref<125xi32, #tpu.memory_space<vmem>>) semaphore(%run_scoped3A : memref<!tpu.dma_semaphore, #tpu.memory_space<semaphore_mem>>) {add = true}
          %dma_wait3A = arith.constant 0 : i32
          %dma_wait3A_31 = tpu.memref_slice %arg9[%add3A_25, %dma_wait3A] : memref<80x125xi32, #tpu.memory_space<vmem>> -> memref<1x125xi32, #tpu.memory_space<vmem>>
          %dma_wait3A_32 = tpu.memref_squeeze %dma_wait3A_31 : memref<1x125xi32, #tpu.memory_space<vmem>> -> memref<125xi32, #tpu.memory_space<vmem>>
          %dma_wait3A_33 = arith.constant 0 : i32
          %dma_wait3A_34 = arith.constant 0 : i32
          %dma_wait3A_35 = tpu.memref_slice %arg12[%dma_wait3A_33, %dma_wait3A_34] : memref<10240x128xf32, #tpu.memory_space<vmem_shared>> -> memref<10240x128xf32, #tpu.memory_space<vmem_shared>>
          tpu.wait_indirect_dma semaphore(%run_scoped3A : memref<!tpu.dma_semaphore, #tpu.memory_space<semaphore_mem>>) src(%arg10 : memref<125x128xf32, #tpu.memory_space<vmem>>) dst(%dma_wait3A_35 : memref<10240x128xf32, #tpu.memory_space<vmem_shared>>)
          tpu.yield
        }) : () -> ()
      }
      %scan3A_20 = arith.constant 80 : i32
    } else {
    }
    %barrier3A_11 = arith.constant 0 : index
    tpu.barrier barrier_id(%barrier3A_11)
    "tpu.region"() ({
      %run_scoped3A = tpu.sem_alloc : memref<!tpu.dma_semaphore, #tpu.memory_space<semaphore_mem>>
      %dma_start3A = arith.constant 0 : i32
      %dma_start3A_12 = tpu.memref_slice %arg7[%arg0, %mul3A_0, %dma_start3A] : memref<2x10240x128xf32, #tpu.memory_space<hbm>> -> memref<1x640x128xf32, #tpu.memory_space<hbm>>
      %dma_start3A_13 = tpu.memref_squeeze %dma_start3A_12 : memref<1x640x128xf32, #tpu.memory_space<hbm>> -> memref<640x128xf32, #tpu.memory_space<hbm>>
      %dma_start3A_14 = arith.constant 0 : i32
      %dma_start3A_15 = tpu.memref_slice %arg12[%mul3A_0, %dma_start3A_14] : memref<10240x128xf32, #tpu.memory_space<vmem_shared>> -> memref<640x128xf32, #tpu.memory_space<vmem_shared>>
      tpu.enqueue_dma source(%dma_start3A_15 : memref<640x128xf32, #tpu.memory_space<vmem_shared>>) target(%dma_start3A_13 : memref<640x128xf32, #tpu.memory_space<hbm>>) target_semaphore(%run_scoped3A : memref<!tpu.dma_semaphore, #tpu.memory_space<semaphore_mem>>)
      %dma_wait3A = arith.constant 0 : i32
      %dma_wait3A_16 = tpu.memref_slice %arg7[%arg0, %mul3A_0, %dma_wait3A] : memref<2x10240x128xf32, #tpu.memory_space<hbm>> -> memref<1x640x128xf32, #tpu.memory_space<hbm>>
      %dma_wait3A_17 = tpu.memref_squeeze %dma_wait3A_16 : memref<1x640x128xf32, #tpu.memory_space<hbm>> -> memref<640x128xf32, #tpu.memory_space<hbm>>
      %dma_wait3A_18 = arith.constant 0 : i32
      %dma_wait3A_19 = tpu.memref_slice %arg12[%mul3A_0, %dma_wait3A_18] : memref<10240x128xf32, #tpu.memory_space<vmem_shared>> -> memref<640x128xf32, #tpu.memory_space<vmem_shared>>
      tpu.wait_dma2 semaphore(%run_scoped3A : memref<!tpu.dma_semaphore, #tpu.memory_space<semaphore_mem>>) src(%dma_wait3A_19 : memref<640x128xf32, #tpu.memory_space<vmem_shared>>) dst(%dma_wait3A_17 : memref<640x128xf32, #tpu.memory_space<hbm>>)
      tpu.yield
    }) : () -> ()
    return
  }
}

#map = affine_map<(d0, d1) -> (0, 0)>
#map1 = affine_map<(d0, d1) -> (0, 0, 0)>
#map2 = affine_map<(d0, d1) -> (0)>
module attributes {stable_mosaic.version = 14 : i64} {
  func.func @_gs_body(%arg0: i32, %arg1: i32, %arg2: memref<10000x128xf32, #tpu.memory_space<hbm>>, %arg3: memref<32x80x125xi32, #tpu.memory_space<hbm>>, %arg4: memref<32x80x125xi32, #tpu.memory_space<hbm>>, %arg5: memref<10240x128xf32, #tpu.memory_space<hbm>>, %arg6: memref<16xi32, #tpu.memory_space<hbm>>, %arg7: memref<2x10240x128xf32, #tpu.memory_space<hbm>>, %arg8: memref<80x125xi32, #tpu.memory_space<vmem>>, %arg9: memref<80x125xi32, #tpu.memory_space<vmem>>, %arg10: memref<125x128xf32, #tpu.memory_space<vmem>>, %arg11: memref<16xi32, #tpu.memory_space<vmem>>, %arg12: memref<10240x128xf32, #tpu.memory_space<vmem_shared>>) attributes {dimension_semantics = [#tpu.dimension_semantics<core_parallel>, #tpu.dimension_semantics<subcore_parallel>], iteration_bounds = array<i64: 2, 16>, scalar_prefetch = 0 : i64, scratch_operands = 5 : i64, tpu.core_type = #tpu.core_type<sc_vector_subcore>, window_params = [{transform_indices = #map}, {transform_indices = #map1}, {transform_indices = #map1}, {transform_indices = #map}, {transform_indices = #map2}, {transform_indices = #map1}]} {
    %mul3A = arith.constant 640 : i32
    %mul3A_0 = arith.muli %arg1, %mul3A : i32
    "tpu.region"() ({
      %run_scoped3A = tpu.sem_alloc : memref<!tpu.dma_semaphore, #tpu.memory_space<semaphore_mem>>
      %dma_start3A = arith.constant 0 : i32
      %dma_start3A_12 = tpu.memref_slice %arg12[%mul3A_0, %dma_start3A] : memref<10240x128xf32, #tpu.memory_space<vmem_shared>> -> memref<640x128xf32, #tpu.memory_space<vmem_shared>>
      %dma_start3A_13 = arith.constant 0 : i32
      %dma_start3A_14 = tpu.memref_slice %arg5[%mul3A_0, %dma_start3A_13] : memref<10240x128xf32, #tpu.memory_space<hbm>> -> memref<640x128xf32, #tpu.memory_space<hbm>>
      tpu.enqueue_dma source(%dma_start3A_14 : memref<640x128xf32, #tpu.memory_space<hbm>>) target(%dma_start3A_12 : memref<640x128xf32, #tpu.memory_space<vmem_shared>>) target_semaphore(%run_scoped3A : memref<!tpu.dma_semaphore, #tpu.memory_space<semaphore_mem>>)
      %dma_wait3A = arith.constant 0 : i32
      %dma_wait3A_15 = tpu.memref_slice %arg12[%mul3A_0, %dma_wait3A] : memref<10240x128xf32, #tpu.memory_space<vmem_shared>> -> memref<640x128xf32, #tpu.memory_space<vmem_shared>>
      %dma_wait3A_16 = arith.constant 0 : i32
      %dma_wait3A_17 = tpu.memref_slice %arg5[%mul3A_0, %dma_wait3A_16] : memref<10240x128xf32, #tpu.memory_space<hbm>> -> memref<640x128xf32, #tpu.memory_space<hbm>>
      tpu.wait_dma2 semaphore(%run_scoped3A : memref<!tpu.dma_semaphore, #tpu.memory_space<semaphore_mem>>) src(%dma_wait3A_17 : memref<640x128xf32, #tpu.memory_space<hbm>>) dst(%dma_wait3A_15 : memref<640x128xf32, #tpu.memory_space<vmem_shared>>)
      tpu.yield
    }) : () -> ()
    %barrier3A = arith.constant 0 : index
    tpu.barrier barrier_id(%barrier3A)
    %mul3A_1 = arith.constant 16 : i32
    %mul3A_2 = arith.muli %arg0, %mul3A_1 : i32
    %add3A = arith.addi %mul3A_2, %arg1 : i32
    "tpu.region"() ({
      %run_scoped3A = tpu.sem_alloc : memref<!tpu.dma_semaphore, #tpu.memory_space<semaphore_mem>>
      %dma_start3A = arith.constant 0 : i32
      %dma_start3A_12 = arith.constant 0 : i32
      %dma_start3A_13 = tpu.memref_slice %arg3[%add3A, %dma_start3A, %dma_start3A_12] : memref<32x80x125xi32, #tpu.memory_space<hbm>> -> memref<1x80x125xi32, #tpu.memory_space<hbm>>
      %dma_start3A_14 = tpu.memref_squeeze %dma_start3A_13 : memref<1x80x125xi32, #tpu.memory_space<hbm>> -> memref<80x125xi32, #tpu.memory_space<hbm>>
      %dma_start3A_15 = arith.constant 0 : i32
      %dma_start3A_16 = arith.constant 0 : i32
      %dma_start3A_17 = tpu.memref_slice %arg3[%add3A, %dma_start3A_15, %dma_start3A_16] : memref<32x80x125xi32, #tpu.memory_space<hbm>> -> memref<1x80x125xi32, #tpu.memory_space<hbm>>
      %dma_start3A_18 = tpu.memref_squeeze %dma_start3A_17 : memref<1x80x125xi32, #tpu.memory_space<hbm>> -> memref<80x125xi32, #tpu.memory_space<hbm>>
      tpu.enqueue_dma source(%dma_start3A_18 : memref<80x125xi32, #tpu.memory_space<hbm>>) target(%arg8 : memref<80x125xi32, #tpu.memory_space<vmem>>) target_semaphore(%run_scoped3A : memref<!tpu.dma_semaphore, #tpu.memory_space<semaphore_mem>>)
      %dma_wait3A = arith.constant 0 : i32
      %dma_wait3A_19 = arith.constant 0 : i32
      %dma_wait3A_20 = tpu.memref_slice %arg3[%add3A, %dma_wait3A, %dma_wait3A_19] : memref<32x80x125xi32, #tpu.memory_space<hbm>> -> memref<1x80x125xi32, #tpu.memory_space<hbm>>
      %dma_wait3A_21 = tpu.memref_squeeze %dma_wait3A_20 : memref<1x80x125xi32, #tpu.memory_space<hbm>> -> memref<80x125xi32, #tpu.memory_space<hbm>>
      %dma_wait3A_22 = arith.constant 0 : i32
      %dma_wait3A_23 = arith.constant 0 : i32
      %dma_wait3A_24 = tpu.memref_slice %arg3[%add3A, %dma_wait3A_22, %dma_wait3A_23] : memref<32x80x125xi32, #tpu.memory_space<hbm>> -> memref<1x80x125xi32, #tpu.memory_space<hbm>>
      %dma_wait3A_25 = tpu.memref_squeeze %dma_wait3A_24 : memref<1x80x125xi32, #tpu.memory_space<hbm>> -> memref<80x125xi32, #tpu.memory_space<hbm>>
      tpu.wait_dma2 semaphore(%run_scoped3A : memref<!tpu.dma_semaphore, #tpu.memory_space<semaphore_mem>>) src(%dma_wait3A_25 : memref<80x125xi32, #tpu.memory_space<hbm>>) dst(%arg8 : memref<80x125xi32, #tpu.memory_space<vmem>>)
      tpu.yield
    }) : () -> ()
    "tpu.region"() ({
      %run_scoped3A = tpu.sem_alloc : memref<!tpu.dma_semaphore, #tpu.memory_space<semaphore_mem>>
      %dma_start3A = arith.constant 0 : i32
      %dma_start3A_12 = arith.constant 0 : i32
      %dma_start3A_13 = tpu.memref_slice %arg4[%add3A, %dma_start3A, %dma_start3A_12] : memref<32x80x125xi32, #tpu.memory_space<hbm>> -> memref<1x80x125xi32, #tpu.memory_space<hbm>>
      %dma_start3A_14 = tpu.memref_squeeze %dma_start3A_13 : memref<1x80x125xi32, #tpu.memory_space<hbm>> -> memref<80x125xi32, #tpu.memory_space<hbm>>
      %dma_start3A_15 = arith.constant 0 : i32
      %dma_start3A_16 = arith.constant 0 : i32
      %dma_start3A_17 = tpu.memref_slice %arg4[%add3A, %dma_start3A_15, %dma_start3A_16] : memref<32x80x125xi32, #tpu.memory_space<hbm>> -> memref<1x80x125xi32, #tpu.memory_space<hbm>>
      %dma_start3A_18 = tpu.memref_squeeze %dma_start3A_17 : memref<1x80x125xi32, #tpu.memory_space<hbm>> -> memref<80x125xi32, #tpu.memory_space<hbm>>
      tpu.enqueue_dma source(%dma_start3A_18 : memref<80x125xi32, #tpu.memory_space<hbm>>) target(%arg9 : memref<80x125xi32, #tpu.memory_space<vmem>>) target_semaphore(%run_scoped3A : memref<!tpu.dma_semaphore, #tpu.memory_space<semaphore_mem>>)
      %dma_wait3A = arith.constant 0 : i32
      %dma_wait3A_19 = arith.constant 0 : i32
      %dma_wait3A_20 = tpu.memref_slice %arg4[%add3A, %dma_wait3A, %dma_wait3A_19] : memref<32x80x125xi32, #tpu.memory_space<hbm>> -> memref<1x80x125xi32, #tpu.memory_space<hbm>>
      %dma_wait3A_21 = tpu.memref_squeeze %dma_wait3A_20 : memref<1x80x125xi32, #tpu.memory_space<hbm>> -> memref<80x125xi32, #tpu.memory_space<hbm>>
      %dma_wait3A_22 = arith.constant 0 : i32
      %dma_wait3A_23 = arith.constant 0 : i32
      %dma_wait3A_24 = tpu.memref_slice %arg4[%add3A, %dma_wait3A_22, %dma_wait3A_23] : memref<32x80x125xi32, #tpu.memory_space<hbm>> -> memref<1x80x125xi32, #tpu.memory_space<hbm>>
      %dma_wait3A_25 = tpu.memref_squeeze %dma_wait3A_24 : memref<1x80x125xi32, #tpu.memory_space<hbm>> -> memref<80x125xi32, #tpu.memory_space<hbm>>
      tpu.wait_dma2 semaphore(%run_scoped3A : memref<!tpu.dma_semaphore, #tpu.memory_space<semaphore_mem>>) src(%dma_wait3A_25 : memref<80x125xi32, #tpu.memory_space<hbm>>) dst(%arg9 : memref<80x125xi32, #tpu.memory_space<vmem>>)
      tpu.yield
    }) : () -> ()
    "tpu.region"() ({
      %run_scoped3A = tpu.sem_alloc : memref<!tpu.dma_semaphore, #tpu.memory_space<semaphore_mem>>
      tpu.enqueue_dma source(%arg6 : memref<16xi32, #tpu.memory_space<hbm>>) target(%arg11 : memref<16xi32, #tpu.memory_space<vmem>>) target_semaphore(%run_scoped3A : memref<!tpu.dma_semaphore, #tpu.memory_space<semaphore_mem>>)
      tpu.wait_dma2 semaphore(%run_scoped3A : memref<!tpu.dma_semaphore, #tpu.memory_space<semaphore_mem>>) src(%arg6 : memref<16xi32, #tpu.memory_space<hbm>>) dst(%arg11 : memref<16xi32, #tpu.memory_space<vmem>>)
      tpu.yield
    }) : () -> ()
    %get3A = arith.constant 0 : index
    %get3A_3 = tpu.vector_load %arg11[%get3A] {strides = array<i32>} : memref<16xi32, #tpu.memory_space<vmem>>, vector<16xi32>,
    %get3A_4 = vector.shape_cast %get3A_3 : vector<16xi32> to vector<16xi32>
    %slice3A = vector.extract_strided_slice %get3A_4 {offsets = [0], sizes = [1], strides = [1]} : vector<16xi32> to vector<1xi32>
    %squeeze3A = vector.extract %slice3A[0] : i32 from vector<1xi32>
    %ne3A = arith.constant 0 : i32
    %ne3A_5 = arith.cmpi ne, %squeeze3A, %ne3A : i32
    %convert_element_type3A = arith.extui %ne3A_5 : i1 to i32
    %cond3A = arith.constant 0 : i32
    %cond3A_6 = arith.cmpi ne, %convert_element_type3A, %cond3A : i32
    scf.if %cond3A_6 {
      %scan3A = arith.constant 0 : i32
      %scan3A_12 = arith.constant 80 : i32
      %scan3A_13 = arith.addi %scan3A, %scan3A_12 : i32
      %scan3A_14 = arith.constant 1 : i32
      scf.for %scan3A_16 = %scan3A to %scan3A_13 step %scan3A_14  : i32 {
        %mul3A_17 = arith.constant 1 : i32
        %mul3A_18 = arith.muli %scan3A_16, %mul3A_17 : i32
        %add3A_19 = arith.constant 0 : i32
        %add3A_20 = arith.addi %add3A_19, %mul3A_18 : i32
        "tpu.region"() ({
          %run_scoped3A = tpu.sem_alloc : memref<!tpu.dma_semaphore, #tpu.memory_space<semaphore_mem>>
          %dma_start3A = arith.constant 0 : i32
          %dma_start3A_21 = tpu.memref_slice %arg8[%add3A_20, %dma_start3A] : memref<80x125xi32, #tpu.memory_space<vmem>> -> memref<1x125xi32, #tpu.memory_space<vmem>>
          %dma_start3A_22 = tpu.memref_squeeze %dma_start3A_21 : memref<1x125xi32, #tpu.memory_space<vmem>> -> memref<125xi32, #tpu.memory_space<vmem>>
          %dma_start3A_23 = arith.constant 0 : i32
          %dma_start3A_24 = arith.constant 0 : i32
          %dma_start3A_25 = tpu.memref_slice %arg2[%dma_start3A_23, %dma_start3A_24] : memref<10000x128xf32, #tpu.memory_space<hbm>> -> memref<10000x128xf32, #tpu.memory_space<hbm>>
          tpu.enqueue_indirect_dma source(%dma_start3A_25 : memref<10000x128xf32, #tpu.memory_space<hbm>>) target(%arg10 : memref<125x128xf32, #tpu.memory_space<vmem>>) offsets(%dma_start3A_22 : memref<125xi32, #tpu.memory_space<vmem>>) semaphore(%run_scoped3A : memref<!tpu.dma_semaphore, #tpu.memory_space<semaphore_mem>>)
          %dma_wait3A = arith.constant 0 : i32
          %dma_wait3A_26 = tpu.memref_slice %arg8[%add3A_20, %dma_wait3A] : memref<80x125xi32, #tpu.memory_space<vmem>> -> memref<1x125xi32, #tpu.memory_space<vmem>>
          %dma_wait3A_27 = tpu.memref_squeeze %dma_wait3A_26 : memref<1x125xi32, #tpu.memory_space<vmem>> -> memref<125xi32, #tpu.memory_space<vmem>>
          %dma_wait3A_28 = arith.constant 0 : i32
          %dma_wait3A_29 = arith.constant 0 : i32
          %dma_wait3A_30 = tpu.memref_slice %arg2[%dma_wait3A_28, %dma_wait3A_29] : memref<10000x128xf32, #tpu.memory_space<hbm>> -> memref<10000x128xf32, #tpu.memory_space<hbm>>
          tpu.wait_indirect_dma semaphore(%run_scoped3A : memref<!tpu.dma_semaphore, #tpu.memory_space<semaphore_mem>>) src(%dma_wait3A_30 : memref<10000x128xf32, #tpu.memory_space<hbm>>) dst(%arg10 : memref<125x128xf32, #tpu.memory_space<vmem>>)
          tpu.yield
        }) : () -> ()
        "tpu.region"() ({
          %run_scoped3A = tpu.sem_alloc : memref<!tpu.dma_semaphore, #tpu.memory_space<semaphore_mem>>
          %dma_start3A = arith.constant 0 : i32
          %dma_start3A_21 = tpu.memref_slice %arg9[%add3A_20, %dma_start3A] : memref<80x125xi32, #tpu.memory_space<vmem>> -> memref<1x125xi32, #tpu.memory_space<vmem>>
          %dma_start3A_22 = tpu.memref_squeeze %dma_start3A_21 : memref<1x125xi32, #tpu.memory_space<vmem>> -> memref<125xi32, #tpu.memory_space<vmem>>
          %dma_start3A_23 = arith.constant 0 : i32
          %dma_start3A_24 = arith.constant 0 : i32
          %dma_start3A_25 = tpu.memref_slice %arg12[%dma_start3A_23, %dma_start3A_24] : memref<10240x128xf32, #tpu.memory_space<vmem_shared>> -> memref<10240x128xf32, #tpu.memory_space<vmem_shared>>
          tpu.enqueue_indirect_dma source(%arg10 : memref<125x128xf32, #tpu.memory_space<vmem>>) target(%dma_start3A_25 : memref<10240x128xf32, #tpu.memory_space<vmem_shared>>) offsets(%dma_start3A_22 : memref<125xi32, #tpu.memory_space<vmem>>) semaphore(%run_scoped3A : memref<!tpu.dma_semaphore, #tpu.memory_space<semaphore_mem>>) {add = true}
          %dma_wait3A = arith.constant 0 : i32
          %dma_wait3A_26 = tpu.memref_slice %arg9[%add3A_20, %dma_wait3A] : memref<80x125xi32, #tpu.memory_space<vmem>> -> memref<1x125xi32, #tpu.memory_space<vmem>>
          %dma_wait3A_27 = tpu.memref_squeeze %dma_wait3A_26 : memref<1x125xi32, #tpu.memory_space<vmem>> -> memref<125xi32, #tpu.memory_space<vmem>>
          %dma_wait3A_28 = arith.constant 0 : i32
          %dma_wait3A_29 = arith.constant 0 : i32
          %dma_wait3A_30 = tpu.memref_slice %arg12[%dma_wait3A_28, %dma_wait3A_29] : memref<10240x128xf32, #tpu.memory_space<vmem_shared>> -> memref<10240x128xf32, #tpu.memory_space<vmem_shared>>
          tpu.wait_indirect_dma semaphore(%run_scoped3A : memref<!tpu.dma_semaphore, #tpu.memory_space<semaphore_mem>>) src(%arg10 : memref<125x128xf32, #tpu.memory_space<vmem>>) dst(%dma_wait3A_30 : memref<10240x128xf32, #tpu.memory_space<vmem_shared>>)
          tpu.yield
        }) : () -> ()
      }
      %scan3A_15 = arith.constant 80 : i32
    } else {
    }
    %eq3A = arith.constant 0 : i32
    %eq3A_7 = arith.cmpi eq, %squeeze3A, %eq3A : i32
    %convert_element_type3A_8 = arith.extui %eq3A_7 : i1 to i32
    %cond3A_9 = arith.constant 0 : i32
    %cond3A_10 = arith.cmpi ne, %convert_element_type3A_8, %cond3A_9 : i32
    scf.if %cond3A_10 {
      %scan3A = arith.constant 0 : i32
      %scan3A_12 = arith.constant 125 : i32
      %scan3A_13 = arith.addi %scan3A, %scan3A_12 : i32
      %scan3A_14 = arith.constant 1 : i32
      scf.for %scan3A_21 = %scan3A to %scan3A_13 step %scan3A_14  : i32 {
        %mul3A_22 = arith.constant 1 : i32
        %mul3A_23 = arith.muli %scan3A_21, %mul3A_22 : i32
        %add3A_24 = arith.constant 0 : i32
        %add3A_25 = arith.addi %add3A_24, %mul3A_23 : i32
        %broadcast_in_dim3A = arith.constant 1.000000e+00 : f32
        %broadcast_in_dim3A_26 = vector.broadcast %broadcast_in_dim3A : f32 to vector<16xf32>
        %swap3A = arith.index_cast %add3A_25 : i32 to index
        %swap3A_27 = arith.constant 0 : index
        %swap3A_28 = tpu.vector_load %arg10[%swap3A, %swap3A_27] {strides = array<i32>} : memref<125x128xf32, #tpu.memory_space<vmem>>, vector<1x16xf32>,
        %swap3A_29 = vector.shape_cast %swap3A_28 : vector<1x16xf32> to vector<16xf32>
        %swap3A_30 = vector.shape_cast %broadcast_in_dim3A_26 : vector<16xf32> to vector<1x16xf32>
        tpu.vector_store %arg10[%swap3A, %swap3A_27], %swap3A_30 {strides = array<i32>} : memref<125x128xf32, #tpu.memory_space<vmem>>, vector<1x16xf32>,
        %broadcast_in_dim3A_31 = arith.constant 1.000000e+00 : f32
        %broadcast_in_dim3A_32 = vector.broadcast %broadcast_in_dim3A_31 : f32 to vector<16xf32>
        %swap3A_33 = arith.index_cast %add3A_25 : i32 to index
        %swap3A_34 = arith.constant 16 : index
        %swap3A_35 = tpu.vector_load %arg10[%swap3A_33, %swap3A_34] {strides = array<i32>} : memref<125x128xf32, #tpu.memory_space<vmem>>, vector<1x16xf32>,
        %swap3A_36 = vector.shape_cast %swap3A_35 : vector<1x16xf32> to vector<16xf32>
        %swap3A_37 = vector.shape_cast %broadcast_in_dim3A_32 : vector<16xf32> to vector<1x16xf32>
        tpu.vector_store %arg10[%swap3A_33, %swap3A_34], %swap3A_37 {strides = array<i32>} : memref<125x128xf32, #tpu.memory_space<vmem>>, vector<1x16xf32>,
        %broadcast_in_dim3A_38 = arith.constant 1.000000e+00 : f32
        %broadcast_in_dim3A_39 = vector.broadcast %broadcast_in_dim3A_38 : f32 to vector<16xf32>
        %swap3A_40 = arith.index_cast %add3A_25 : i32 to index
        %swap3A_41 = arith.constant 32 : index
        %swap3A_42 = tpu.vector_load %arg10[%swap3A_40, %swap3A_41] {strides = array<i32>} : memref<125x128xf32, #tpu.memory_space<vmem>>, vector<1x16xf32>,
        %swap3A_43 = vector.shape_cast %swap3A_42 : vector<1x16xf32> to vector<16xf32>
        %swap3A_44 = vector.shape_cast %broadcast_in_dim3A_39 : vector<16xf32> to vector<1x16xf32>
        tpu.vector_store %arg10[%swap3A_40, %swap3A_41], %swap3A_44 {strides = array<i32>} : memref<125x128xf32, #tpu.memory_space<vmem>>, vector<1x16xf32>,
        %broadcast_in_dim3A_45 = arith.constant 1.000000e+00 : f32
        %broadcast_in_dim3A_46 = vector.broadcast %broadcast_in_dim3A_45 : f32 to vector<16xf32>
        %swap3A_47 = arith.index_cast %add3A_25 : i32 to index
        %swap3A_48 = arith.constant 48 : index
        %swap3A_49 = tpu.vector_load %arg10[%swap3A_47, %swap3A_48] {strides = array<i32>} : memref<125x128xf32, #tpu.memory_space<vmem>>, vector<1x16xf32>,
        %swap3A_50 = vector.shape_cast %swap3A_49 : vector<1x16xf32> to vector<16xf32>
        %swap3A_51 = vector.shape_cast %broadcast_in_dim3A_46 : vector<16xf32> to vector<1x16xf32>
        tpu.vector_store %arg10[%swap3A_47, %swap3A_48], %swap3A_51 {strides = array<i32>} : memref<125x128xf32, #tpu.memory_space<vmem>>, vector<1x16xf32>,
        %broadcast_in_dim3A_52 = arith.constant 1.000000e+00 : f32
        %broadcast_in_dim3A_53 = vector.broadcast %broadcast_in_dim3A_52 : f32 to vector<16xf32>
        %swap3A_54 = arith.index_cast %add3A_25 : i32 to index
        %swap3A_55 = arith.constant 64 : index
        %swap3A_56 = tpu.vector_load %arg10[%swap3A_54, %swap3A_55] {strides = array<i32>} : memref<125x128xf32, #tpu.memory_space<vmem>>, vector<1x16xf32>,
        %swap3A_57 = vector.shape_cast %swap3A_56 : vector<1x16xf32> to vector<16xf32>
        %swap3A_58 = vector.shape_cast %broadcast_in_dim3A_53 : vector<16xf32> to vector<1x16xf32>
        tpu.vector_store %arg10[%swap3A_54, %swap3A_55], %swap3A_58 {strides = array<i32>} : memref<125x128xf32, #tpu.memory_space<vmem>>, vector<1x16xf32>,
        %broadcast_in_dim3A_59 = arith.constant 1.000000e+00 : f32
        %broadcast_in_dim3A_60 = vector.broadcast %broadcast_in_dim3A_59 : f32 to vector<16xf32>
        %swap3A_61 = arith.index_cast %add3A_25 : i32 to index
        %swap3A_62 = arith.constant 80 : index
        %swap3A_63 = tpu.vector_load %arg10[%swap3A_61, %swap3A_62] {strides = array<i32>} : memref<125x128xf32, #tpu.memory_space<vmem>>, vector<1x16xf32>,
        %swap3A_64 = vector.shape_cast %swap3A_63 : vector<1x16xf32> to vector<16xf32>
        %swap3A_65 = vector.shape_cast %broadcast_in_dim3A_60 : vector<16xf32> to vector<1x16xf32>
        tpu.vector_store %arg10[%swap3A_61, %swap3A_62], %swap3A_65 {strides = array<i32>} : memref<125x128xf32, #tpu.memory_space<vmem>>, vector<1x16xf32>,
        %broadcast_in_dim3A_66 = arith.constant 1.000000e+00 : f32
        %broadcast_in_dim3A_67 = vector.broadcast %broadcast_in_dim3A_66 : f32 to vector<16xf32>
        %swap3A_68 = arith.index_cast %add3A_25 : i32 to index
        %swap3A_69 = arith.constant 96 : index
        %swap3A_70 = tpu.vector_load %arg10[%swap3A_68, %swap3A_69] {strides = array<i32>} : memref<125x128xf32, #tpu.memory_space<vmem>>, vector<1x16xf32>,
        %swap3A_71 = vector.shape_cast %swap3A_70 : vector<1x16xf32> to vector<16xf32>
        %swap3A_72 = vector.shape_cast %broadcast_in_dim3A_67 : vector<16xf32> to vector<1x16xf32>
        tpu.vector_store %arg10[%swap3A_68, %swap3A_69], %swap3A_72 {strides = array<i32>} : memref<125x128xf32, #tpu.memory_space<vmem>>, vector<1x16xf32>,
        %broadcast_in_dim3A_73 = arith.constant 1.000000e+00 : f32
        %broadcast_in_dim3A_74 = vector.broadcast %broadcast_in_dim3A_73 : f32 to vector<16xf32>
        %swap3A_75 = arith.index_cast %add3A_25 : i32 to index
        %swap3A_76 = arith.constant 112 : index
        %swap3A_77 = tpu.vector_load %arg10[%swap3A_75, %swap3A_76] {strides = array<i32>} : memref<125x128xf32, #tpu.memory_space<vmem>>, vector<1x16xf32>,
        %swap3A_78 = vector.shape_cast %swap3A_77 : vector<1x16xf32> to vector<16xf32>
        %swap3A_79 = vector.shape_cast %broadcast_in_dim3A_74 : vector<16xf32> to vector<1x16xf32>
        tpu.vector_store %arg10[%swap3A_75, %swap3A_76], %swap3A_79 {strides = array<i32>} : memref<125x128xf32, #tpu.memory_space<vmem>>, vector<1x16xf32>,
      }
      %scan3A_15 = arith.constant 125 : i32
      %scan3A_16 = arith.constant 0 : i32
      %scan3A_17 = arith.constant 80 : i32
      %scan3A_18 = arith.addi %scan3A_16, %scan3A_17 : i32
      %scan3A_19 = arith.constant 1 : i32
      scf.for %scan3A_21 = %scan3A_16 to %scan3A_18 step %scan3A_19  : i32 {
        %mul3A_22 = arith.constant 1 : i32
        %mul3A_23 = arith.muli %scan3A_21, %mul3A_22 : i32
        %add3A_24 = arith.constant 0 : i32
        %add3A_25 = arith.addi %add3A_24, %mul3A_23 : i32
        "tpu.region"() ({
          %run_scoped3A = tpu.sem_alloc : memref<!tpu.dma_semaphore, #tpu.memory_space<semaphore_mem>>
          %dma_start3A = arith.constant 0 : i32
          %dma_start3A_26 = tpu.memref_slice %arg9[%add3A_25, %dma_start3A] : memref<80x125xi32, #tpu.memory_space<vmem>> -> memref<1x125xi32, #tpu.memory_space<vmem>>
          %dma_start3A_27 = tpu.memref_squeeze %dma_start3A_26 : memref<1x125xi32, #tpu.memory_space<vmem>> -> memref<125xi32, #tpu.memory_space<vmem>>
          %dma_start3A_28 = arith.constant 0 : i32
          %dma_start3A_29 = arith.constant 0 : i32
          %dma_start3A_30 = tpu.memref_slice %arg12[%dma_start3A_28, %dma_start3A_29] : memref<10240x128xf32, #tpu.memory_space<vmem_shared>> -> memref<10240x128xf32, #tpu.memory_space<vmem_shared>>
          tpu.enqueue_indirect_dma source(%arg10 : memref<125x128xf32, #tpu.memory_space<vmem>>) target(%dma_start3A_30 : memref<10240x128xf32, #tpu.memory_space<vmem_shared>>) offsets(%dma_start3A_27 : memref<125xi32, #tpu.memory_space<vmem>>) semaphore(%run_scoped3A : memref<!tpu.dma_semaphore, #tpu.memory_space<semaphore_mem>>) {add = true}
          %dma_wait3A = arith.constant 0 : i32
          %dma_wait3A_31 = tpu.memref_slice %arg9[%add3A_25, %dma_wait3A] : memref<80x125xi32, #tpu.memory_space<vmem>> -> memref<1x125xi32, #tpu.memory_space<vmem>>
          %dma_wait3A_32 = tpu.memref_squeeze %dma_wait3A_31 : memref<1x125xi32, #tpu.memory_space<vmem>> -> memref<125xi32, #tpu.memory_space<vmem>>
          %dma_wait3A_33 = arith.constant 0 : i32
          %dma_wait3A_34 = arith.constant 0 : i32
          %dma_wait3A_35 = tpu.memref_slice %arg12[%dma_wait3A_33, %dma_wait3A_34] : memref<10240x128xf32, #tpu.memory_space<vmem_shared>> -> memref<10240x128xf32, #tpu.memory_space<vmem_shared>>
          tpu.wait_indirect_dma semaphore(%run_scoped3A : memref<!tpu.dma_semaphore, #tpu.memory_space<semaphore_mem>>) src(%arg10 : memref<125x128xf32, #tpu.memory_space<vmem>>) dst(%dma_wait3A_35 : memref<10240x128xf32, #tpu.memory_space<vmem_shared>>)
          tpu.yield
        }) : () -> ()
      }
      %scan3A_20 = arith.constant 80 : i32
    } else {
    }
    %barrier3A_11 = arith.constant 0 : index
    tpu.barrier barrier_id(%barrier3A_11)
    "tpu.region"() ({
      %run_scoped3A = tpu.sem_alloc : memref<!tpu.dma_semaphore, #tpu.memory_space<semaphore_mem>>
      %dma_start3A = arith.constant 0 : i32
      %dma_start3A_12 = tpu.memref_slice %arg7[%arg0, %mul3A_0, %dma_start3A] : memref<2x10240x128xf32, #tpu.memory_space<hbm>> -> memref<1x640x128xf32, #tpu.memory_space<hbm>>
      %dma_start3A_13 = tpu.memref_squeeze %dma_start3A_12 : memref<1x640x128xf32, #tpu.memory_space<hbm>> -> memref<640x128xf32, #tpu.memory_space<hbm>>
      %dma_start3A_14 = arith.constant 0 : i32
      %dma_start3A_15 = tpu.memref_slice %arg12[%mul3A_0, %dma_start3A_14] : memref<10240x128xf32, #tpu.memory_space<vmem_shared>> -> memref<640x128xf32, #tpu.memory_space<vmem_shared>>
      tpu.enqueue_dma source(%dma_start3A_15 : memref<640x128xf32, #tpu.memory_space<vmem_shared>>) target(%dma_start3A_13 : memref<640x128xf32, #tpu.memory_space<hbm>>) target_semaphore(%run_scoped3A : memref<!tpu.dma_semaphore, #tpu.memory_space<semaphore_mem>>)
      %dma_wait3A = arith.constant 0 : i32
      %dma_wait3A_16 = tpu.memref_slice %arg7[%arg0, %mul3A_0, %dma_wait3A] : memref<2x10240x128xf32, #tpu.memory_space<hbm>> -> memref<1x640x128xf32, #tpu.memory_space<hbm>>
      %dma_wait3A_17 = tpu.memref_squeeze %dma_wait3A_16 : memref<1x640x128xf32, #tpu.memory_space<hbm>> -> memref<640x128xf32, #tpu.memory_space<hbm>>
      %dma_wait3A_18 = arith.constant 0 : i32
      %dma_wait3A_19 = tpu.memref_slice %arg12[%mul3A_0, %dma_wait3A_18] : memref<10240x128xf32, #tpu.memory_space<vmem_shared>> -> memref<640x128xf32, #tpu.memory_space<vmem_shared>>
      tpu.wait_dma2 semaphore(%run_scoped3A : memref<!tpu.dma_semaphore, #tpu.memory_space<semaphore_mem>>) src(%dma_wait3A_19 : memref<640x128xf32, #tpu.memory_space<vmem_shared>>) dst(%dma_wait3A_17 : memref<640x128xf32, #tpu.memory_space<hbm>>)
      tpu.yield
    }) : () -> ()
    return
  }
}

#map = affine_map<(d0, d1) -> (0, 0)>
#map1 = affine_map<(d0, d1) -> (0, 0, 0)>
module attributes {stable_mosaic.version = 14 : i64} {
  func.func @_score_body(%arg0: i32, %arg1: i32, %arg2: memref<10000x128xf32, #tpu.memory_space<hbm>>, %arg3: memref<1000x128xf32, #tpu.memory_space<hbm>>, %arg4: memref<32x8x128xi32, #tpu.memory_space<hbm>>, %arg5: memref<32x8x128xi32, #tpu.memory_space<hbm>>, %arg6: memref<32x8x128xi32, #tpu.memory_space<hbm>>, %arg7: memref<32x8x128xi32, #tpu.memory_space<hbm>>, %arg8: memref<32768x16xf32, #tpu.memory_space<hbm>>, %arg9: memref<32768x16xf32, #tpu.memory_space<hbm>>, %arg10: memref<8x128xi32, #tpu.memory_space<vmem>>, %arg11: memref<8x128xi32, #tpu.memory_space<vmem>>, %arg12: memref<8x128xi32, #tpu.memory_space<vmem>>, %arg13: memref<8x128xi32, #tpu.memory_space<vmem>>, %arg14: memref<128x128xf32, #tpu.memory_space<vmem>>, %arg15: memref<128x128xf32, #tpu.memory_space<vmem>>, %arg16: memref<128x128xf32, #tpu.memory_space<vmem>>, %arg17: memref<128x128xf32, #tpu.memory_space<vmem>>, %arg18: memref<128x16xf32, #tpu.memory_space<vmem>>, %arg19: memref<128x16xf32, #tpu.memory_space<vmem>>) attributes {dimension_semantics = [#tpu.dimension_semantics<core_parallel>, #tpu.dimension_semantics<subcore_parallel>], iteration_bounds = array<i64: 2, 16>, scalar_prefetch = 0 : i64, scratch_operands = 10 : i64, tpu.core_type = #tpu.core_type<sc_vector_subcore>, window_params = [{transform_indices = #map}, {transform_indices = #map}, {transform_indices = #map1}, {transform_indices = #map1}, {transform_indices = #map1}, {transform_indices = #map1}, {transform_indices = #map}, {transform_indices = #map}]} {
    %mul3A = arith.constant 16 : i32
    %mul3A_0 = arith.muli %arg0, %mul3A : i32
    %add3A = arith.addi %mul3A_0, %arg1 : i32
    %mul3A_1 = arith.constant 8 : i32
    %mul3A_2 = arith.muli %add3A, %mul3A_1 : i32
    "tpu.region"() ({
      %run_scoped3A = tpu.sem_alloc : memref<!tpu.dma_semaphore, #tpu.memory_space<semaphore_mem>>
      %dma_start3A = arith.constant 0 : i32
      %dma_start3A_7 = arith.constant 0 : i32
      %dma_start3A_8 = tpu.memref_slice %arg4[%add3A, %dma_start3A, %dma_start3A_7] : memref<32x8x128xi32, #tpu.memory_space<hbm>> -> memref<1x8x128xi32, #tpu.memory_space<hbm>>
      %dma_start3A_9 = tpu.memref_squeeze %dma_start3A_8 : memref<1x8x128xi32, #tpu.memory_space<hbm>> -> memref<8x128xi32, #tpu.memory_space<hbm>>
      %dma_start3A_10 = arith.constant 0 : i32
      %dma_start3A_11 = arith.constant 0 : i32
      %dma_start3A_12 = tpu.memref_slice %arg4[%add3A, %dma_start3A_10, %dma_start3A_11] : memref<32x8x128xi32, #tpu.memory_space<hbm>> -> memref<1x8x128xi32, #tpu.memory_space<hbm>>
      %dma_start3A_13 = tpu.memref_squeeze %dma_start3A_12 : memref<1x8x128xi32, #tpu.memory_space<hbm>> -> memref<8x128xi32, #tpu.memory_space<hbm>>
      tpu.enqueue_dma source(%dma_start3A_13 : memref<8x128xi32, #tpu.memory_space<hbm>>) target(%arg10 : memref<8x128xi32, #tpu.memory_space<vmem>>) target_semaphore(%run_scoped3A : memref<!tpu.dma_semaphore, #tpu.memory_space<semaphore_mem>>)
      %dma_wait3A = arith.constant 0 : i32
      %dma_wait3A_14 = arith.constant 0 : i32
      %dma_wait3A_15 = tpu.memref_slice %arg4[%add3A, %dma_wait3A, %dma_wait3A_14] : memref<32x8x128xi32, #tpu.memory_space<hbm>> -> memref<1x8x128xi32, #tpu.memory_space<hbm>>
      %dma_wait3A_16 = tpu.memref_squeeze %dma_wait3A_15 : memref<1x8x128xi32, #tpu.memory_space<hbm>> -> memref<8x128xi32, #tpu.memory_space<hbm>>
      %dma_wait3A_17 = arith.constant 0 : i32
      %dma_wait3A_18 = arith.constant 0 : i32
      %dma_wait3A_19 = tpu.memref_slice %arg4[%add3A, %dma_wait3A_17, %dma_wait3A_18] : memref<32x8x128xi32, #tpu.memory_space<hbm>> -> memref<1x8x128xi32, #tpu.memory_space<hbm>>
      %dma_wait3A_20 = tpu.memref_squeeze %dma_wait3A_19 : memref<1x8x128xi32, #tpu.memory_space<hbm>> -> memref<8x128xi32, #tpu.memory_space<hbm>>
      tpu.wait_dma2 semaphore(%run_scoped3A : memref<!tpu.dma_semaphore, #tpu.memory_space<semaphore_mem>>) src(%dma_wait3A_20 : memref<8x128xi32, #tpu.memory_space<hbm>>) dst(%arg10 : memref<8x128xi32, #tpu.memory_space<vmem>>)
      tpu.yield
    }) : () -> ()
    "tpu.region"() ({
      %run_scoped3A = tpu.sem_alloc : memref<!tpu.dma_semaphore, #tpu.memory_space<semaphore_mem>>
      %dma_start3A = arith.constant 0 : i32
      %dma_start3A_7 = arith.constant 0 : i32
      %dma_start3A_8 = tpu.memref_slice %arg5[%add3A, %dma_start3A, %dma_start3A_7] : memref<32x8x128xi32, #tpu.memory_space<hbm>> -> memref<1x8x128xi32, #tpu.memory_space<hbm>>
      %dma_start3A_9 = tpu.memref_squeeze %dma_start3A_8 : memref<1x8x128xi32, #tpu.memory_space<hbm>> -> memref<8x128xi32, #tpu.memory_space<hbm>>
      %dma_start3A_10 = arith.constant 0 : i32
      %dma_start3A_11 = arith.constant 0 : i32
      %dma_start3A_12 = tpu.memref_slice %arg5[%add3A, %dma_start3A_10, %dma_start3A_11] : memref<32x8x128xi32, #tpu.memory_space<hbm>> -> memref<1x8x128xi32, #tpu.memory_space<hbm>>
      %dma_start3A_13 = tpu.memref_squeeze %dma_start3A_12 : memref<1x8x128xi32, #tpu.memory_space<hbm>> -> memref<8x128xi32, #tpu.memory_space<hbm>>
      tpu.enqueue_dma source(%dma_start3A_13 : memref<8x128xi32, #tpu.memory_space<hbm>>) target(%arg11 : memref<8x128xi32, #tpu.memory_space<vmem>>) target_semaphore(%run_scoped3A : memref<!tpu.dma_semaphore, #tpu.memory_space<semaphore_mem>>)
      %dma_wait3A = arith.constant 0 : i32
      %dma_wait3A_14 = arith.constant 0 : i32
      %dma_wait3A_15 = tpu.memref_slice %arg5[%add3A, %dma_wait3A, %dma_wait3A_14] : memref<32x8x128xi32, #tpu.memory_space<hbm>> -> memref<1x8x128xi32, #tpu.memory_space<hbm>>
      %dma_wait3A_16 = tpu.memref_squeeze %dma_wait3A_15 : memref<1x8x128xi32, #tpu.memory_space<hbm>> -> memref<8x128xi32, #tpu.memory_space<hbm>>
      %dma_wait3A_17 = arith.constant 0 : i32
      %dma_wait3A_18 = arith.constant 0 : i32
      %dma_wait3A_19 = tpu.memref_slice %arg5[%add3A, %dma_wait3A_17, %dma_wait3A_18] : memref<32x8x128xi32, #tpu.memory_space<hbm>> -> memref<1x8x128xi32, #tpu.memory_space<hbm>>
      %dma_wait3A_20 = tpu.memref_squeeze %dma_wait3A_19 : memref<1x8x128xi32, #tpu.memory_space<hbm>> -> memref<8x128xi32, #tpu.memory_space<hbm>>
      tpu.wait_dma2 semaphore(%run_scoped3A : memref<!tpu.dma_semaphore, #tpu.memory_space<semaphore_mem>>) src(%dma_wait3A_20 : memref<8x128xi32, #tpu.memory_space<hbm>>) dst(%arg11 : memref<8x128xi32, #tpu.memory_space<vmem>>)
      tpu.yield
    }) : () -> ()
    "tpu.region"() ({
      %run_scoped3A = tpu.sem_alloc : memref<!tpu.dma_semaphore, #tpu.memory_space<semaphore_mem>>
      %dma_start3A = arith.constant 0 : i32
      %dma_start3A_7 = arith.constant 0 : i32
      %dma_start3A_8 = tpu.memref_slice %arg6[%add3A, %dma_start3A, %dma_start3A_7] : memref<32x8x128xi32, #tpu.memory_space<hbm>> -> memref<1x8x128xi32, #tpu.memory_space<hbm>>
      %dma_start3A_9 = tpu.memref_squeeze %dma_start3A_8 : memref<1x8x128xi32, #tpu.memory_space<hbm>> -> memref<8x128xi32, #tpu.memory_space<hbm>>
      %dma_start3A_10 = arith.constant 0 : i32
      %dma_start3A_11 = arith.constant 0 : i32
      %dma_start3A_12 = tpu.memref_slice %arg6[%add3A, %dma_start3A_10, %dma_start3A_11] : memref<32x8x128xi32, #tpu.memory_space<hbm>> -> memref<1x8x128xi32, #tpu.memory_space<hbm>>
      %dma_start3A_13 = tpu.memref_squeeze %dma_start3A_12 : memref<1x8x128xi32, #tpu.memory_space<hbm>> -> memref<8x128xi32, #tpu.memory_space<hbm>>
      tpu.enqueue_dma source(%dma_start3A_13 : memref<8x128xi32, #tpu.memory_space<hbm>>) target(%arg12 : memref<8x128xi32, #tpu.memory_space<vmem>>) target_semaphore(%run_scoped3A : memref<!tpu.dma_semaphore, #tpu.memory_space<semaphore_mem>>)
      %dma_wait3A = arith.constant 0 : i32
      %dma_wait3A_14 = arith.constant 0 : i32
      %dma_wait3A_15 = tpu.memref_slice %arg6[%add3A, %dma_wait3A, %dma_wait3A_14] : memref<32x8x128xi32, #tpu.memory_space<hbm>> -> memref<1x8x128xi32, #tpu.memory_space<hbm>>
      %dma_wait3A_16 = tpu.memref_squeeze %dma_wait3A_15 : memref<1x8x128xi32, #tpu.memory_space<hbm>> -> memref<8x128xi32, #tpu.memory_space<hbm>>
      %dma_wait3A_17 = arith.constant 0 : i32
      %dma_wait3A_18 = arith.constant 0 : i32
      %dma_wait3A_19 = tpu.memref_slice %arg6[%add3A, %dma_wait3A_17, %dma_wait3A_18] : memref<32x8x128xi32, #tpu.memory_space<hbm>> -> memref<1x8x128xi32, #tpu.memory_space<hbm>>
      %dma_wait3A_20 = tpu.memref_squeeze %dma_wait3A_19 : memref<1x8x128xi32, #tpu.memory_space<hbm>> -> memref<8x128xi32, #tpu.memory_space<hbm>>
      tpu.wait_dma2 semaphore(%run_scoped3A : memref<!tpu.dma_semaphore, #tpu.memory_space<semaphore_mem>>) src(%dma_wait3A_20 : memref<8x128xi32, #tpu.memory_space<hbm>>) dst(%arg12 : memref<8x128xi32, #tpu.memory_space<vmem>>)
      tpu.yield
    }) : () -> ()
    "tpu.region"() ({
      %run_scoped3A = tpu.sem_alloc : memref<!tpu.dma_semaphore, #tpu.memory_space<semaphore_mem>>
      %dma_start3A = arith.constant 0 : i32
      %dma_start3A_7 = arith.constant 0 : i32
      %dma_start3A_8 = tpu.memref_slice %arg7[%add3A, %dma_start3A, %dma_start3A_7] : memref<32x8x128xi32, #tpu.memory_space<hbm>> -> memref<1x8x128xi32, #tpu.memory_space<hbm>>
      %dma_start3A_9 = tpu.memref_squeeze %dma_start3A_8 : memref<1x8x128xi32, #tpu.memory_space<hbm>> -> memref<8x128xi32, #tpu.memory_space<hbm>>
      %dma_start3A_10 = arith.constant 0 : i32
      %dma_start3A_11 = arith.constant 0 : i32
      %dma_start3A_12 = tpu.memref_slice %arg7[%add3A, %dma_start3A_10, %dma_start3A_11] : memref<32x8x128xi32, #tpu.memory_space<hbm>> -> memref<1x8x128xi32, #tpu.memory_space<hbm>>
      %dma_start3A_13 = tpu.memref_squeeze %dma_start3A_12 : memref<1x8x128xi32, #tpu.memory_space<hbm>> -> memref<8x128xi32, #tpu.memory_space<hbm>>
      tpu.enqueue_dma source(%dma_start3A_13 : memref<8x128xi32, #tpu.memory_space<hbm>>) target(%arg13 : memref<8x128xi32, #tpu.memory_space<vmem>>) target_semaphore(%run_scoped3A : memref<!tpu.dma_semaphore, #tpu.memory_space<semaphore_mem>>)
      %dma_wait3A = arith.constant 0 : i32
      %dma_wait3A_14 = arith.constant 0 : i32
      %dma_wait3A_15 = tpu.memref_slice %arg7[%add3A, %dma_wait3A, %dma_wait3A_14] : memref<32x8x128xi32, #tpu.memory_space<hbm>> -> memref<1x8x128xi32, #tpu.memory_space<hbm>>
      %dma_wait3A_16 = tpu.memref_squeeze %dma_wait3A_15 : memref<1x8x128xi32, #tpu.memory_space<hbm>> -> memref<8x128xi32, #tpu.memory_space<hbm>>
      %dma_wait3A_17 = arith.constant 0 : i32
      %dma_wait3A_18 = arith.constant 0 : i32
      %dma_wait3A_19 = tpu.memref_slice %arg7[%add3A, %dma_wait3A_17, %dma_wait3A_18] : memref<32x8x128xi32, #tpu.memory_space<hbm>> -> memref<1x8x128xi32, #tpu.memory_space<hbm>>
      %dma_wait3A_20 = tpu.memref_squeeze %dma_wait3A_19 : memref<1x8x128xi32, #tpu.memory_space<hbm>> -> memref<8x128xi32, #tpu.memory_space<hbm>>
      tpu.wait_dma2 semaphore(%run_scoped3A : memref<!tpu.dma_semaphore, #tpu.memory_space<semaphore_mem>>) src(%dma_wait3A_20 : memref<8x128xi32, #tpu.memory_space<hbm>>) dst(%arg13 : memref<8x128xi32, #tpu.memory_space<vmem>>)
      tpu.yield
    }) : () -> ()
    %scan3A = arith.constant 0 : i32
    %scan3A_3 = arith.constant 8 : i32
    %scan3A_4 = arith.addi %scan3A, %scan3A_3 : i32
    %scan3A_5 = arith.constant 1 : i32
    scf.for %scan3A_7 = %scan3A to %scan3A_4 step %scan3A_5  : i32 {
      %mul3A_8 = arith.constant 1 : i32
      %mul3A_9 = arith.muli %scan3A_7, %mul3A_8 : i32
      %add3A_10 = arith.constant 0 : i32
      %add3A_11 = arith.addi %add3A_10, %mul3A_9 : i32
      "tpu.region"() ({
        %run_scoped3A = tpu.sem_alloc : memref<!tpu.dma_semaphore, #tpu.memory_space<semaphore_mem>>
        %dma_start3A = arith.constant 0 : i32
        %dma_start3A_23 = tpu.memref_slice %arg10[%add3A_11, %dma_start3A] : memref<8x128xi32, #tpu.memory_space<vmem>> -> memref<1x128xi32, #tpu.memory_space<vmem>>
        %dma_start3A_24 = tpu.memref_squeeze %dma_start3A_23 : memref<1x128xi32, #tpu.memory_space<vmem>> -> memref<128xi32, #tpu.memory_space<vmem>>
        %dma_start3A_25 = arith.constant 0 : i32
        %dma_start3A_26 = arith.constant 0 : i32
        %dma_start3A_27 = tpu.memref_slice %arg2[%dma_start3A_25, %dma_start3A_26] : memref<10000x128xf32, #tpu.memory_space<hbm>> -> memref<10000x128xf32, #tpu.memory_space<hbm>>
        tpu.enqueue_indirect_dma source(%dma_start3A_27 : memref<10000x128xf32, #tpu.memory_space<hbm>>) target(%arg14 : memref<128x128xf32, #tpu.memory_space<vmem>>) offsets(%dma_start3A_24 : memref<128xi32, #tpu.memory_space<vmem>>) semaphore(%run_scoped3A : memref<!tpu.dma_semaphore, #tpu.memory_space<semaphore_mem>>)
        %dma_wait3A = arith.constant 0 : i32
        %dma_wait3A_28 = tpu.memref_slice %arg10[%add3A_11, %dma_wait3A] : memref<8x128xi32, #tpu.memory_space<vmem>> -> memref<1x128xi32, #tpu.memory_space<vmem>>
        %dma_wait3A_29 = tpu.memref_squeeze %dma_wait3A_28 : memref<1x128xi32, #tpu.memory_space<vmem>> -> memref<128xi32, #tpu.memory_space<vmem>>
        %dma_wait3A_30 = arith.constant 0 : i32
        %dma_wait3A_31 = arith.constant 0 : i32
        %dma_wait3A_32 = tpu.memref_slice %arg2[%dma_wait3A_30, %dma_wait3A_31] : memref<10000x128xf32, #tpu.memory_space<hbm>> -> memref<10000x128xf32, #tpu.memory_space<hbm>>
        tpu.wait_indirect_dma semaphore(%run_scoped3A : memref<!tpu.dma_semaphore, #tpu.memory_space<semaphore_mem>>) src(%dma_wait3A_32 : memref<10000x128xf32, #tpu.memory_space<hbm>>) dst(%arg14 : memref<128x128xf32, #tpu.memory_space<vmem>>)
        tpu.yield
      }) : () -> ()
      "tpu.region"() ({
        %run_scoped3A = tpu.sem_alloc : memref<!tpu.dma_semaphore, #tpu.memory_space<semaphore_mem>>
        %dma_start3A = arith.constant 0 : i32
        %dma_start3A_23 = tpu.memref_slice %arg11[%add3A_11, %dma_start3A] : memref<8x128xi32, #tpu.memory_space<vmem>> -> memref<1x128xi32, #tpu.memory_space<vmem>>
        %dma_start3A_24 = tpu.memref_squeeze %dma_start3A_23 : memref<1x128xi32, #tpu.memory_space<vmem>> -> memref<128xi32, #tpu.memory_space<vmem>>
        %dma_start3A_25 = arith.constant 0 : i32
        %dma_start3A_26 = arith.constant 0 : i32
        %dma_start3A_27 = tpu.memref_slice %arg2[%dma_start3A_25, %dma_start3A_26] : memref<10000x128xf32, #tpu.memory_space<hbm>> -> memref<10000x128xf32, #tpu.memory_space<hbm>>
        tpu.enqueue_indirect_dma source(%dma_start3A_27 : memref<10000x128xf32, #tpu.memory_space<hbm>>) target(%arg15 : memref<128x128xf32, #tpu.memory_space<vmem>>) offsets(%dma_start3A_24 : memref<128xi32, #tpu.memory_space<vmem>>) semaphore(%run_scoped3A : memref<!tpu.dma_semaphore, #tpu.memory_space<semaphore_mem>>)
        %dma_wait3A = arith.constant 0 : i32
        %dma_wait3A_28 = tpu.memref_slice %arg11[%add3A_11, %dma_wait3A] : memref<8x128xi32, #tpu.memory_space<vmem>> -> memref<1x128xi32, #tpu.memory_space<vmem>>
        %dma_wait3A_29 = tpu.memref_squeeze %dma_wait3A_28 : memref<1x128xi32, #tpu.memory_space<vmem>> -> memref<128xi32, #tpu.memory_space<vmem>>
        %dma_wait3A_30 = arith.constant 0 : i32
        %dma_wait3A_31 = arith.constant 0 : i32
        %dma_wait3A_32 = tpu.memref_slice %arg2[%dma_wait3A_30, %dma_wait3A_31] : memref<10000x128xf32, #tpu.memory_space<hbm>> -> memref<10000x128xf32, #tpu.memory_space<hbm>>
        tpu.wait_indirect_dma semaphore(%run_scoped3A : memref<!tpu.dma_semaphore, #tpu.memory_space<semaphore_mem>>) src(%dma_wait3A_32 : memref<10000x128xf32, #tpu.memory_space<hbm>>) dst(%arg15 : memref<128x128xf32, #tpu.memory_space<vmem>>)
        tpu.yield
      }) : () -> ()
      "tpu.region"() ({
        %run_scoped3A = tpu.sem_alloc : memref<!tpu.dma_semaphore, #tpu.memory_space<semaphore_mem>>
        %dma_start3A = arith.constant 0 : i32
        %dma_start3A_23 = tpu.memref_slice %arg12[%add3A_11, %dma_start3A] : memref<8x128xi32, #tpu.memory_space<vmem>> -> memref<1x128xi32, #tpu.memory_space<vmem>>
        %dma_start3A_24 = tpu.memref_squeeze %dma_start3A_23 : memref<1x128xi32, #tpu.memory_space<vmem>> -> memref<128xi32, #tpu.memory_space<vmem>>
        %dma_start3A_25 = arith.constant 0 : i32
        %dma_start3A_26 = arith.constant 0 : i32
        %dma_start3A_27 = tpu.memref_slice %arg3[%dma_start3A_25, %dma_start3A_26] : memref<1000x128xf32, #tpu.memory_space<hbm>> -> memref<1000x128xf32, #tpu.memory_space<hbm>>
        tpu.enqueue_indirect_dma source(%dma_start3A_27 : memref<1000x128xf32, #tpu.memory_space<hbm>>) target(%arg16 : memref<128x128xf32, #tpu.memory_space<vmem>>) offsets(%dma_start3A_24 : memref<128xi32, #tpu.memory_space<vmem>>) semaphore(%run_scoped3A : memref<!tpu.dma_semaphore, #tpu.memory_space<semaphore_mem>>)
        %dma_wait3A = arith.constant 0 : i32
        %dma_wait3A_28 = tpu.memref_slice %arg12[%add3A_11, %dma_wait3A] : memref<8x128xi32, #tpu.memory_space<vmem>> -> memref<1x128xi32, #tpu.memory_space<vmem>>
        %dma_wait3A_29 = tpu.memref_squeeze %dma_wait3A_28 : memref<1x128xi32, #tpu.memory_space<vmem>> -> memref<128xi32, #tpu.memory_space<vmem>>
        %dma_wait3A_30 = arith.constant 0 : i32
        %dma_wait3A_31 = arith.constant 0 : i32
        %dma_wait3A_32 = tpu.memref_slice %arg3[%dma_wait3A_30, %dma_wait3A_31] : memref<1000x128xf32, #tpu.memory_space<hbm>> -> memref<1000x128xf32, #tpu.memory_space<hbm>>
        tpu.wait_indirect_dma semaphore(%run_scoped3A : memref<!tpu.dma_semaphore, #tpu.memory_space<semaphore_mem>>) src(%dma_wait3A_32 : memref<1000x128xf32, #tpu.memory_space<hbm>>) dst(%arg16 : memref<128x128xf32, #tpu.memory_space<vmem>>)
        tpu.yield
      }) : () -> ()
      "tpu.region"() ({
        %run_scoped3A = tpu.sem_alloc : memref<!tpu.dma_semaphore, #tpu.memory_space<semaphore_mem>>
        %dma_start3A = arith.constant 0 : i32
        %dma_start3A_23 = tpu.memref_slice %arg13[%add3A_11, %dma_start3A] : memref<8x128xi32, #tpu.memory_space<vmem>> -> memref<1x128xi32, #tpu.memory_space<vmem>>
        %dma_start3A_24 = tpu.memref_squeeze %dma_start3A_23 : memref<1x128xi32, #tpu.memory_space<vmem>> -> memref<128xi32, #tpu.memory_space<vmem>>
        %dma_start3A_25 = arith.constant 0 : i32
        %dma_start3A_26 = arith.constant 0 : i32
        %dma_start3A_27 = tpu.memref_slice %arg2[%dma_start3A_25, %dma_start3A_26] : memref<10000x128xf32, #tpu.memory_space<hbm>> -> memref<10000x128xf32, #tpu.memory_space<hbm>>
        tpu.enqueue_indirect_dma source(%dma_start3A_27 : memref<10000x128xf32, #tpu.memory_space<hbm>>) target(%arg17 : memref<128x128xf32, #tpu.memory_space<vmem>>) offsets(%dma_start3A_24 : memref<128xi32, #tpu.memory_space<vmem>>) semaphore(%run_scoped3A : memref<!tpu.dma_semaphore, #tpu.memory_space<semaphore_mem>>)
        %dma_wait3A = arith.constant 0 : i32
        %dma_wait3A_28 = tpu.memref_slice %arg13[%add3A_11, %dma_wait3A] : memref<8x128xi32, #tpu.memory_space<vmem>> -> memref<1x128xi32, #tpu.memory_space<vmem>>
        %dma_wait3A_29 = tpu.memref_squeeze %dma_wait3A_28 : memref<1x128xi32, #tpu.memory_space<vmem>> -> memref<128xi32, #tpu.memory_space<vmem>>
        %dma_wait3A_30 = arith.constant 0 : i32
        %dma_wait3A_31 = arith.constant 0 : i32
        %dma_wait3A_32 = tpu.memref_slice %arg2[%dma_wait3A_30, %dma_wait3A_31] : memref<10000x128xf32, #tpu.memory_space<hbm>> -> memref<10000x128xf32, #tpu.memory_space<hbm>>
        tpu.wait_indirect_dma semaphore(%run_scoped3A : memref<!tpu.dma_semaphore, #tpu.memory_space<semaphore_mem>>) src(%dma_wait3A_32 : memref<10000x128xf32, #tpu.memory_space<hbm>>) dst(%arg17 : memref<128x128xf32, #tpu.memory_space<vmem>>)
        tpu.yield
      }) : () -> ()
      %scan3A_12 = arith.constant 0 : i32
      %scan3A_13 = arith.constant 128 : i32
      %scan3A_14 = arith.addi %scan3A_12, %scan3A_13 : i32
      %scan3A_15 = arith.constant 1 : i32
      scf.for %scan3A_23 = %scan3A_12 to %scan3A_14 step %scan3A_15  : i32 {
        %mul3A_24 = arith.constant 1 : i32
        %mul3A_25 = arith.muli %scan3A_23, %mul3A_24 : i32
        %add3A_26 = arith.constant 0 : i32
        %add3A_27 = arith.addi %add3A_26, %mul3A_25 : i32
        %broadcast_in_dim3A = arith.constant 0.000000e+00 : f32
        %broadcast_in_dim3A_28 = vector.broadcast %broadcast_in_dim3A : f32 to vector<16xf32>
        %broadcast_in_dim3A_29 = arith.constant 0.000000e+00 : f32
        %broadcast_in_dim3A_30 = vector.broadcast %broadcast_in_dim3A_29 : f32 to vector<16xf32>
        %get3A = arith.index_cast %add3A_27 : i32 to index
        %get3A_31 = arith.constant 0 : index
        %get3A_32 = tpu.vector_load %arg14[%get3A, %get3A_31] {strides = array<i32>} : memref<128x128xf32, #tpu.memory_space<vmem>>, vector<1x16xf32>,
        %get3A_33 = vector.shape_cast %get3A_32 : vector<1x16xf32> to vector<16xf32>
        %get3A_34 = arith.index_cast %add3A_27 : i32 to index
        %get3A_35 = arith.constant 0 : index
        %get3A_36 = tpu.vector_load %arg16[%get3A_34, %get3A_35] {strides = array<i32>} : memref<128x128xf32, #tpu.memory_space<vmem>>, vector<1x16xf32>,
        %get3A_37 = vector.shape_cast %get3A_36 : vector<1x16xf32> to vector<16xf32>
        %add3A_38 = arith.addf %get3A_33, %get3A_37 : vector<16xf32>
        %get3A_39 = arith.index_cast %add3A_27 : i32 to index
        %get3A_40 = arith.constant 0 : index
        %get3A_41 = tpu.vector_load %arg15[%get3A_39, %get3A_40] {strides = array<i32>} : memref<128x128xf32, #tpu.memory_space<vmem>>, vector<1x16xf32>,
        %get3A_42 = vector.shape_cast %get3A_41 : vector<1x16xf32> to vector<16xf32>
        %sub3A = arith.subf %add3A_38, %get3A_42 : vector<16xf32>
        %get3A_43 = arith.index_cast %add3A_27 : i32 to index
        %get3A_44 = arith.constant 0 : index
        %get3A_45 = tpu.vector_load %arg17[%get3A_43, %get3A_44] {strides = array<i32>} : memref<128x128xf32, #tpu.memory_space<vmem>>, vector<1x16xf32>,
        %get3A_46 = vector.shape_cast %get3A_45 : vector<1x16xf32> to vector<16xf32>
        %sub3A_47 = arith.subf %add3A_38, %get3A_46 : vector<16xf32>
        %mul3A_48 = arith.mulf %sub3A, %sub3A : vector<16xf32>
        %add3A_49 = arith.addf %broadcast_in_dim3A_28, %mul3A_48 : vector<16xf32>
        %mul3A_50 = arith.mulf %sub3A_47, %sub3A_47 : vector<16xf32>
        %add3A_51 = arith.addf %broadcast_in_dim3A_30, %mul3A_50 : vector<16xf32>
        %get3A_52 = arith.index_cast %add3A_27 : i32 to index
        %get3A_53 = arith.constant 16 : index
        %get3A_54 = tpu.vector_load %arg14[%get3A_52, %get3A_53] {strides = array<i32>} : memref<128x128xf32, #tpu.memory_space<vmem>>, vector<1x16xf32>,
        %get3A_55 = vector.shape_cast %get3A_54 : vector<1x16xf32> to vector<16xf32>
        %get3A_56 = arith.index_cast %add3A_27 : i32 to index
        %get3A_57 = arith.constant 16 : index
        %get3A_58 = tpu.vector_load %arg16[%get3A_56, %get3A_57] {strides = array<i32>} : memref<128x128xf32, #tpu.memory_space<vmem>>, vector<1x16xf32>,
        %get3A_59 = vector.shape_cast %get3A_58 : vector<1x16xf32> to vector<16xf32>
        %add3A_60 = arith.addf %get3A_55, %get3A_59 : vector<16xf32>
        %get3A_61 = arith.index_cast %add3A_27 : i32 to index
        %get3A_62 = arith.constant 16 : index
        %get3A_63 = tpu.vector_load %arg15[%get3A_61, %get3A_62] {strides = array<i32>} : memref<128x128xf32, #tpu.memory_space<vmem>>, vector<1x16xf32>,
        %get3A_64 = vector.shape_cast %get3A_63 : vector<1x16xf32> to vector<16xf32>
        %sub3A_65 = arith.subf %add3A_60, %get3A_64 : vector<16xf32>
        %get3A_66 = arith.index_cast %add3A_27 : i32 to index
        %get3A_67 = arith.constant 16 : index
        %get3A_68 = tpu.vector_load %arg17[%get3A_66, %get3A_67] {strides = array<i32>} : memref<128x128xf32, #tpu.memory_space<vmem>>, vector<1x16xf32>,
        %get3A_69 = vector.shape_cast %get3A_68 : vector<1x16xf32> to vector<16xf32>
        %sub3A_70 = arith.subf %add3A_60, %get3A_69 : vector<16xf32>
        %mul3A_71 = arith.mulf %sub3A_65, %sub3A_65 : vector<16xf32>
        %add3A_72 = arith.addf %add3A_49, %mul3A_71 : vector<16xf32>
        %mul3A_73 = arith.mulf %sub3A_70, %sub3A_70 : vector<16xf32>
        %add3A_74 = arith.addf %add3A_51, %mul3A_73 : vector<16xf32>
        %get3A_75 = arith.index_cast %add3A_27 : i32 to index
        %get3A_76 = arith.constant 32 : index
        %get3A_77 = tpu.vector_load %arg14[%get3A_75, %get3A_76] {strides = array<i32>} : memref<128x128xf32, #tpu.memory_space<vmem>>, vector<1x16xf32>,
        %get3A_78 = vector.shape_cast %get3A_77 : vector<1x16xf32> to vector<16xf32>
        %get3A_79 = arith.index_cast %add3A_27 : i32 to index
        %get3A_80 = arith.constant 32 : index
        %get3A_81 = tpu.vector_load %arg16[%get3A_79, %get3A_80] {strides = array<i32>} : memref<128x128xf32, #tpu.memory_space<vmem>>, vector<1x16xf32>,
        %get3A_82 = vector.shape_cast %get3A_81 : vector<1x16xf32> to vector<16xf32>
        %add3A_83 = arith.addf %get3A_78, %get3A_82 : vector<16xf32>
        %get3A_84 = arith.index_cast %add3A_27 : i32 to index
        %get3A_85 = arith.constant 32 : index
        %get3A_86 = tpu.vector_load %arg15[%get3A_84, %get3A_85] {strides = array<i32>} : memref<128x128xf32, #tpu.memory_space<vmem>>, vector<1x16xf32>,
        %get3A_87 = vector.shape_cast %get3A_86 : vector<1x16xf32> to vector<16xf32>
        %sub3A_88 = arith.subf %add3A_83, %get3A_87 : vector<16xf32>
        %get3A_89 = arith.index_cast %add3A_27 : i32 to index
        %get3A_90 = arith.constant 32 : index
        %get3A_91 = tpu.vector_load %arg17[%get3A_89, %get3A_90] {strides = array<i32>} : memref<128x128xf32, #tpu.memory_space<vmem>>, vector<1x16xf32>,
        %get3A_92 = vector.shape_cast %get3A_91 : vector<1x16xf32> to vector<16xf32>
        %sub3A_93 = arith.subf %add3A_83, %get3A_92 : vector<16xf32>
        %mul3A_94 = arith.mulf %sub3A_88, %sub3A_88 : vector<16xf32>
        %add3A_95 = arith.addf %add3A_72, %mul3A_94 : vector<16xf32>
        %mul3A_96 = arith.mulf %sub3A_93, %sub3A_93 : vector<16xf32>
        %add3A_97 = arith.addf %add3A_74, %mul3A_96 : vector<16xf32>
        %get3A_98 = arith.index_cast %add3A_27 : i32 to index
        %get3A_99 = arith.constant 48 : index
        %get3A_100 = tpu.vector_load %arg14[%get3A_98, %get3A_99] {strides = array<i32>} : memref<128x128xf32, #tpu.memory_space<vmem>>, vector<1x16xf32>,
        %get3A_101 = vector.shape_cast %get3A_100 : vector<1x16xf32> to vector<16xf32>
        %get3A_102 = arith.index_cast %add3A_27 : i32 to index
        %get3A_103 = arith.constant 48 : index
        %get3A_104 = tpu.vector_load %arg16[%get3A_102, %get3A_103] {strides = array<i32>} : memref<128x128xf32, #tpu.memory_space<vmem>>, vector<1x16xf32>,
        %get3A_105 = vector.shape_cast %get3A_104 : vector<1x16xf32> to vector<16xf32>
        %add3A_106 = arith.addf %get3A_101, %get3A_105 : vector<16xf32>
        %get3A_107 = arith.index_cast %add3A_27 : i32 to index
        %get3A_108 = arith.constant 48 : index
        %get3A_109 = tpu.vector_load %arg15[%get3A_107, %get3A_108] {strides = array<i32>} : memref<128x128xf32, #tpu.memory_space<vmem>>, vector<1x16xf32>,
        %get3A_110 = vector.shape_cast %get3A_109 : vector<1x16xf32> to vector<16xf32>
        %sub3A_111 = arith.subf %add3A_106, %get3A_110 : vector<16xf32>
        %get3A_112 = arith.index_cast %add3A_27 : i32 to index
        %get3A_113 = arith.constant 48 : index
        %get3A_114 = tpu.vector_load %arg17[%get3A_112, %get3A_113] {strides = array<i32>} : memref<128x128xf32, #tpu.memory_space<vmem>>, vector<1x16xf32>,
        %get3A_115 = vector.shape_cast %get3A_114 : vector<1x16xf32> to vector<16xf32>
        %sub3A_116 = arith.subf %add3A_106, %get3A_115 : vector<16xf32>
        %mul3A_117 = arith.mulf %sub3A_111, %sub3A_111 : vector<16xf32>
        %add3A_118 = arith.addf %add3A_95, %mul3A_117 : vector<16xf32>
        %mul3A_119 = arith.mulf %sub3A_116, %sub3A_116 : vector<16xf32>
        %add3A_120 = arith.addf %add3A_97, %mul3A_119 : vector<16xf32>
        %get3A_121 = arith.index_cast %add3A_27 : i32 to index
        %get3A_122 = arith.constant 64 : index
        %get3A_123 = tpu.vector_load %arg14[%get3A_121, %get3A_122] {strides = array<i32>} : memref<128x128xf32, #tpu.memory_space<vmem>>, vector<1x16xf32>,
        %get3A_124 = vector.shape_cast %get3A_123 : vector<1x16xf32> to vector<16xf32>
        %get3A_125 = arith.index_cast %add3A_27 : i32 to index
        %get3A_126 = arith.constant 64 : index
        %get3A_127 = tpu.vector_load %arg16[%get3A_125, %get3A_126] {strides = array<i32>} : memref<128x128xf32, #tpu.memory_space<vmem>>, vector<1x16xf32>,
        %get3A_128 = vector.shape_cast %get3A_127 : vector<1x16xf32> to vector<16xf32>
        %add3A_129 = arith.addf %get3A_124, %get3A_128 : vector<16xf32>
        %get3A_130 = arith.index_cast %add3A_27 : i32 to index
        %get3A_131 = arith.constant 64 : index
        %get3A_132 = tpu.vector_load %arg15[%get3A_130, %get3A_131] {strides = array<i32>} : memref<128x128xf32, #tpu.memory_space<vmem>>, vector<1x16xf32>,
        %get3A_133 = vector.shape_cast %get3A_132 : vector<1x16xf32> to vector<16xf32>
        %sub3A_134 = arith.subf %add3A_129, %get3A_133 : vector<16xf32>
        %get3A_135 = arith.index_cast %add3A_27 : i32 to index
        %get3A_136 = arith.constant 64 : index
        %get3A_137 = tpu.vector_load %arg17[%get3A_135, %get3A_136] {strides = array<i32>} : memref<128x128xf32, #tpu.memory_space<vmem>>, vector<1x16xf32>,
        %get3A_138 = vector.shape_cast %get3A_137 : vector<1x16xf32> to vector<16xf32>
        %sub3A_139 = arith.subf %add3A_129, %get3A_138 : vector<16xf32>
        %mul3A_140 = arith.mulf %sub3A_134, %sub3A_134 : vector<16xf32>
        %add3A_141 = arith.addf %add3A_118, %mul3A_140 : vector<16xf32>
        %mul3A_142 = arith.mulf %sub3A_139, %sub3A_139 : vector<16xf32>
        %add3A_143 = arith.addf %add3A_120, %mul3A_142 : vector<16xf32>
        %get3A_144 = arith.index_cast %add3A_27 : i32 to index
        %get3A_145 = arith.constant 80 : index
        %get3A_146 = tpu.vector_load %arg14[%get3A_144, %get3A_145] {strides = array<i32>} : memref<128x128xf32, #tpu.memory_space<vmem>>, vector<1x16xf32>,
        %get3A_147 = vector.shape_cast %get3A_146 : vector<1x16xf32> to vector<16xf32>
        %get3A_148 = arith.index_cast %add3A_27 : i32 to index
        %get3A_149 = arith.constant 80 : index
        %get3A_150 = tpu.vector_load %arg16[%get3A_148, %get3A_149] {strides = array<i32>} : memref<128x128xf32, #tpu.memory_space<vmem>>, vector<1x16xf32>,
        %get3A_151 = vector.shape_cast %get3A_150 : vector<1x16xf32> to vector<16xf32>
        %add3A_152 = arith.addf %get3A_147, %get3A_151 : vector<16xf32>
        %get3A_153 = arith.index_cast %add3A_27 : i32 to index
        %get3A_154 = arith.constant 80 : index
        %get3A_155 = tpu.vector_load %arg15[%get3A_153, %get3A_154] {strides = array<i32>} : memref<128x128xf32, #tpu.memory_space<vmem>>, vector<1x16xf32>,
        %get3A_156 = vector.shape_cast %get3A_155 : vector<1x16xf32> to vector<16xf32>
        %sub3A_157 = arith.subf %add3A_152, %get3A_156 : vector<16xf32>
        %get3A_158 = arith.index_cast %add3A_27 : i32 to index
        %get3A_159 = arith.constant 80 : index
        %get3A_160 = tpu.vector_load %arg17[%get3A_158, %get3A_159] {strides = array<i32>} : memref<128x128xf32, #tpu.memory_space<vmem>>, vector<1x16xf32>,
        %get3A_161 = vector.shape_cast %get3A_160 : vector<1x16xf32> to vector<16xf32>
        %sub3A_162 = arith.subf %add3A_152, %get3A_161 : vector<16xf32>
        %mul3A_163 = arith.mulf %sub3A_157, %sub3A_157 : vector<16xf32>
        %add3A_164 = arith.addf %add3A_141, %mul3A_163 : vector<16xf32>
        %mul3A_165 = arith.mulf %sub3A_162, %sub3A_162 : vector<16xf32>
        %add3A_166 = arith.addf %add3A_143, %mul3A_165 : vector<16xf32>
        %get3A_167 = arith.index_cast %add3A_27 : i32 to index
        %get3A_168 = arith.constant 96 : index
        %get3A_169 = tpu.vector_load %arg14[%get3A_167, %get3A_168] {strides = array<i32>} : memref<128x128xf32, #tpu.memory_space<vmem>>, vector<1x16xf32>,
        %get3A_170 = vector.shape_cast %get3A_169 : vector<1x16xf32> to vector<16xf32>
        %get3A_171 = arith.index_cast %add3A_27 : i32 to index
        %get3A_172 = arith.constant 96 : index
        %get3A_173 = tpu.vector_load %arg16[%get3A_171, %get3A_172] {strides = array<i32>} : memref<128x128xf32, #tpu.memory_space<vmem>>, vector<1x16xf32>,
        %get3A_174 = vector.shape_cast %get3A_173 : vector<1x16xf32> to vector<16xf32>
        %add3A_175 = arith.addf %get3A_170, %get3A_174 : vector<16xf32>
        %get3A_176 = arith.index_cast %add3A_27 : i32 to index
        %get3A_177 = arith.constant 96 : index
        %get3A_178 = tpu.vector_load %arg15[%get3A_176, %get3A_177] {strides = array<i32>} : memref<128x128xf32, #tpu.memory_space<vmem>>, vector<1x16xf32>,
        %get3A_179 = vector.shape_cast %get3A_178 : vector<1x16xf32> to vector<16xf32>
        %sub3A_180 = arith.subf %add3A_175, %get3A_179 : vector<16xf32>
        %get3A_181 = arith.index_cast %add3A_27 : i32 to index
        %get3A_182 = arith.constant 96 : index
        %get3A_183 = tpu.vector_load %arg17[%get3A_181, %get3A_182] {strides = array<i32>} : memref<128x128xf32, #tpu.memory_space<vmem>>, vector<1x16xf32>,
        %get3A_184 = vector.shape_cast %get3A_183 : vector<1x16xf32> to vector<16xf32>
        %sub3A_185 = arith.subf %add3A_175, %get3A_184 : vector<16xf32>
        %mul3A_186 = arith.mulf %sub3A_180, %sub3A_180 : vector<16xf32>
        %add3A_187 = arith.addf %add3A_164, %mul3A_186 : vector<16xf32>
        %mul3A_188 = arith.mulf %sub3A_185, %sub3A_185 : vector<16xf32>
        %add3A_189 = arith.addf %add3A_166, %mul3A_188 : vector<16xf32>
        %get3A_190 = arith.index_cast %add3A_27 : i32 to index
        %get3A_191 = arith.constant 112 : index
        %get3A_192 = tpu.vector_load %arg14[%get3A_190, %get3A_191] {strides = array<i32>} : memref<128x128xf32, #tpu.memory_space<vmem>>, vector<1x16xf32>,
        %get3A_193 = vector.shape_cast %get3A_192 : vector<1x16xf32> to vector<16xf32>
        %get3A_194 = arith.index_cast %add3A_27 : i32 to index
        %get3A_195 = arith.constant 112 : index
        %get3A_196 = tpu.vector_load %arg16[%get3A_194, %get3A_195] {strides = array<i32>} : memref<128x128xf32, #tpu.memory_space<vmem>>, vector<1x16xf32>,
        %get3A_197 = vector.shape_cast %get3A_196 : vector<1x16xf32> to vector<16xf32>
        %add3A_198 = arith.addf %get3A_193, %get3A_197 : vector<16xf32>
        %get3A_199 = arith.index_cast %add3A_27 : i32 to index
        %get3A_200 = arith.constant 112 : index
        %get3A_201 = tpu.vector_load %arg15[%get3A_199, %get3A_200] {strides = array<i32>} : memref<128x128xf32, #tpu.memory_space<vmem>>, vector<1x16xf32>,
        %get3A_202 = vector.shape_cast %get3A_201 : vector<1x16xf32> to vector<16xf32>
        %sub3A_203 = arith.subf %add3A_198, %get3A_202 : vector<16xf32>
        %get3A_204 = arith.index_cast %add3A_27 : i32 to index
        %get3A_205 = arith.constant 112 : index
        %get3A_206 = tpu.vector_load %arg17[%get3A_204, %get3A_205] {strides = array<i32>} : memref<128x128xf32, #tpu.memory_space<vmem>>, vector<1x16xf32>,
        %get3A_207 = vector.shape_cast %get3A_206 : vector<1x16xf32> to vector<16xf32>
        %sub3A_208 = arith.subf %add3A_198, %get3A_207 : vector<16xf32>
        %mul3A_209 = arith.mulf %sub3A_203, %sub3A_203 : vector<16xf32>
        %add3A_210 = arith.addf %add3A_187, %mul3A_209 : vector<16xf32>
        %mul3A_211 = arith.mulf %sub3A_208, %sub3A_208 : vector<16xf32>
        %add3A_212 = arith.addf %add3A_189, %mul3A_211 : vector<16xf32>
        %swap3A = arith.index_cast %add3A_27 : i32 to index
        %swap3A_213 = arith.constant 0 : index
        %swap3A_214 = tpu.vector_load %arg18[%swap3A, %swap3A_213] {strides = array<i32>} : memref<128x16xf32, #tpu.memory_space<vmem>>, vector<1x16xf32>,
        %swap3A_215 = vector.shape_cast %swap3A_214 : vector<1x16xf32> to vector<16xf32>
        %swap3A_216 = vector.shape_cast %add3A_210 : vector<16xf32> to vector<1x16xf32>
        tpu.vector_store %arg18[%swap3A, %swap3A_213], %swap3A_216 {strides = array<i32>} : memref<128x16xf32, #tpu.memory_space<vmem>>, vector<1x16xf32>,
        %swap3A_217 = arith.index_cast %add3A_27 : i32 to index
        %swap3A_218 = arith.constant 0 : index
        %swap3A_219 = tpu.vector_load %arg19[%swap3A_217, %swap3A_218] {strides = array<i32>} : memref<128x16xf32, #tpu.memory_space<vmem>>, vector<1x16xf32>,
        %swap3A_220 = vector.shape_cast %swap3A_219 : vector<1x16xf32> to vector<16xf32>
        %swap3A_221 = vector.shape_cast %add3A_212 : vector<16xf32> to vector<1x16xf32>
        tpu.vector_store %arg19[%swap3A_217, %swap3A_218], %swap3A_221 {strides = array<i32>} : memref<128x16xf32, #tpu.memory_space<vmem>>, vector<1x16xf32>,
      }
      %scan3A_16 = arith.constant 128 : i32
      %add3A_17 = arith.addi %mul3A_2, %add3A_11 : i32
      %mul3A_18 = arith.constant 128 : i32
      %mul3A_19 = arith.muli %add3A_17, %mul3A_18 : i32
      "tpu.region"() ({
        %run_scoped3A = tpu.sem_alloc : memref<!tpu.dma_semaphore, #tpu.memory_space<semaphore_mem>>
        %dma_start3A = arith.constant 0 : i32
        %dma_start3A_23 = tpu.memref_slice %arg8[%mul3A_19, %dma_start3A] : memref<32768x16xf32, #tpu.memory_space<hbm>> -> memref<128x16xf32, #tpu.memory_space<hbm>>
        %dma_start3A_24 = arith.constant 0 : i32
        %dma_start3A_25 = tpu.memref_slice %arg8[%mul3A_19, %dma_start3A_24] : memref<32768x16xf32, #tpu.memory_space<hbm>> -> memref<128x16xf32, #tpu.memory_space<hbm>>
        tpu.enqueue_dma source(%arg18 : memref<128x16xf32, #tpu.memory_space<vmem>>) target(%dma_start3A_25 : memref<128x16xf32, #tpu.memory_space<hbm>>) target_semaphore(%run_scoped3A : memref<!tpu.dma_semaphore, #tpu.memory_space<semaphore_mem>>)
        %dma_wait3A = arith.constant 0 : i32
        %dma_wait3A_26 = tpu.memref_slice %arg8[%mul3A_19, %dma_wait3A] : memref<32768x16xf32, #tpu.memory_space<hbm>> -> memref<128x16xf32, #tpu.memory_space<hbm>>
        %dma_wait3A_27 = arith.constant 0 : i32
        %dma_wait3A_28 = tpu.memref_slice %arg8[%mul3A_19, %dma_wait3A_27] : memref<32768x16xf32, #tpu.memory_space<hbm>> -> memref<128x16xf32, #tpu.memory_space<hbm>>
        tpu.wait_dma2 semaphore(%run_scoped3A : memref<!tpu.dma_semaphore, #tpu.memory_space<semaphore_mem>>) src(%arg18 : memref<128x16xf32, #tpu.memory_space<vmem>>) dst(%dma_wait3A_28 : memref<128x16xf32, #tpu.memory_space<hbm>>)
        tpu.yield
      }) : () -> ()
      %add3A_20 = arith.addi %mul3A_2, %add3A_11 : i32
      %mul3A_21 = arith.constant 128 : i32
      %mul3A_22 = arith.muli %add3A_20, %mul3A_21 : i32
      "tpu.region"() ({
        %run_scoped3A = tpu.sem_alloc : memref<!tpu.dma_semaphore, #tpu.memory_space<semaphore_mem>>
        %dma_start3A = arith.constant 0 : i32
        %dma_start3A_23 = tpu.memref_slice %arg9[%mul3A_22, %dma_start3A] : memref<32768x16xf32, #tpu.memory_space<hbm>> -> memref<128x16xf32, #tpu.memory_space<hbm>>
        %dma_start3A_24 = arith.constant 0 : i32
        %dma_start3A_25 = tpu.memref_slice %arg9[%mul3A_22, %dma_start3A_24] : memref<32768x16xf32, #tpu.memory_space<hbm>> -> memref<128x16xf32, #tpu.memory_space<hbm>>
        tpu.enqueue_dma source(%arg19 : memref<128x16xf32, #tpu.memory_space<vmem>>) target(%dma_start3A_25 : memref<128x16xf32, #tpu.memory_space<hbm>>) target_semaphore(%run_scoped3A : memref<!tpu.dma_semaphore, #tpu.memory_space<semaphore_mem>>)
        %dma_wait3A = arith.constant 0 : i32
        %dma_wait3A_26 = tpu.memref_slice %arg9[%mul3A_22, %dma_wait3A] : memref<32768x16xf32, #tpu.memory_space<hbm>> -> memref<128x16xf32, #tpu.memory_space<hbm>>
        %dma_wait3A_27 = arith.constant 0 : i32
        %dma_wait3A_28 = tpu.memref_slice %arg9[%mul3A_22, %dma_wait3A_27] : memref<32768x16xf32, #tpu.memory_space<hbm>> -> memref<128x16xf32, #tpu.memory_space<hbm>>
        tpu.wait_dma2 semaphore(%run_scoped3A : memref<!tpu.dma_semaphore, #tpu.memory_space<semaphore_mem>>) src(%arg19 : memref<128x16xf32, #tpu.memory_space<vmem>>) dst(%dma_wait3A_28 : memref<128x16xf32, #tpu.memory_space<hbm>>)
        tpu.yield
      }) : () -> ()
    }
    %scan3A_6 = arith.constant 8 : i32
    return
  }
}

module attributes {stable_mosaic.version = 14 : i64} {
  func.func @_fuse1_kernel(%arg0: i32, %arg1: memref<1000x128xf32, #tpu.memory_space<vmem>>, %arg2: memref<1000x128xf32, #tpu.memory_space<vmem>>, %arg3: memref<1000x128xf32, #tpu.memory_space<vmem>>, %arg4: memref<1000x128xf32, #tpu.memory_space<vmem>>, %arg5: memref<1000x128xf32, #tpu.memory_space<vmem>>, %arg6: memref<1000x128xf32, #tpu.memory_space<vmem>>, %arg7: memref<1000x128xf32, #tpu.memory_space<vmem>>, %arg8: memref<1000x128xf32, #tpu.memory_space<vmem>>, %arg9: memref<1000x128xf32, #tpu.memory_space<vmem>>, %arg10: memref<128x128xf32, #tpu.memory_space<vmem>>, %arg11: memref<1x128xf32, #tpu.memory_space<vmem>>, %arg12: memref<128x128xf32, #tpu.memory_space<vmem>>, %arg13: memref<1x128xf32, #tpu.memory_space<vmem>>, %arg14: memref<384x128xf32, #tpu.memory_space<vmem>>, %arg15: memref<1000x128xf32, #tpu.memory_space<vmem>>) attributes {dimension_semantics = [#tpu.dimension_semantics<arbitrary>], iteration_bounds = array<i64: 10>, scalar_prefetch = 0 : i64, scratch_operands = 0 : i64, tpu.core_type = #tpu.core_type<tc>, window_params = [{transform_indices = @transform_0, window_bounds = array<i64: 1000, 128>}, {transform_indices = @transform_1, window_bounds = array<i64: 1000, 128>}, {transform_indices = @transform_2, window_bounds = array<i64: 1000, 128>}, {transform_indices = @transform_3, window_bounds = array<i64: 1000, 128>}, {transform_indices = @transform_4, window_bounds = array<i64: 1000, 128>}, {transform_indices = @transform_5, window_bounds = array<i64: 1000, 128>}, {transform_indices = @transform_6, window_bounds = array<i64: 1000, 128>}, {transform_indices = @transform_7, window_bounds = array<i64: 1000, 128>}, {transform_indices = @transform_8, window_bounds = array<i64: 1000, 128>}, {pipeline_mode = #tpu.pipeline_mode<synchronous>, transform_indices = @transform_9, window_bounds = array<i64: 128, 128>}, {pipeline_mode = #tpu.pipeline_mode<synchronous>, transform_indices = @transform_10, window_bounds = array<i64: 1, 128>}, {pipeline_mode = #tpu.pipeline_mode<synchronous>, transform_indices = @transform_11, window_bounds = array<i64: 128, 128>}, {pipeline_mode = #tpu.pipeline_mode<synchronous>, transform_indices = @transform_12, window_bounds = array<i64: 1, 128>}, {pipeline_mode = #tpu.pipeline_mode<synchronous>, transform_indices = @transform_13, window_bounds = array<i64: 384, 128>}, {transform_indices = @transform_14, window_bounds = array<i64: 1000, 128>}]} {
    %get3A = arith.constant 0 : index
    %get3A_0 = arith.constant 0 : index
    %get3A_1 = vector.load %arg6[%get3A, %get3A_0] : memref<1000x128xf32, #tpu.memory_space<vmem>>, vector<1000x1xf32>
    %get3A_2 = arith.constant 0 : index
    %get3A_3 = arith.constant 0 : index
    %get3A_4 = vector.load %arg7[%get3A_2, %get3A_3] : memref<1000x128xf32, #tpu.memory_space<vmem>>, vector<1000x1xf32>
    %add3A = arith.addf %get3A_1, %get3A_4 : vector<1000x1xf32>
    %get3A_5 = arith.constant 0 : index
    %get3A_6 = arith.constant 0 : index
    %get3A_7 = vector.load %arg8[%get3A_5, %get3A_6] : memref<1000x128xf32, #tpu.memory_space<vmem>>, vector<1000x1xf32>
    %get3A_8 = arith.constant 0 : index
    %get3A_9 = arith.constant 0 : index
    %get3A_10 = vector.load %arg9[%get3A_8, %get3A_9] : memref<1000x128xf32, #tpu.memory_space<vmem>>, vector<1000x1xf32>
    %add3A_11 = arith.addf %get3A_7, %get3A_10 : vector<1000x1xf32>
    %get3A_12 = arith.constant 0 : index
    %get3A_13 = arith.constant 0 : index
    %get3A_14 = vector.load %arg14[%get3A_12, %get3A_13] : memref<384x128xf32, #tpu.memory_space<vmem>>, vector<128x128xf32>
    %get3A_15 = arith.constant 128 : index
    %get3A_16 = arith.constant 0 : index
    %get3A_17 = vector.load %arg14[%get3A_15, %get3A_16] : memref<384x128xf32, #tpu.memory_space<vmem>>, vector<128x128xf32>
    %get3A_18 = arith.constant 256 : index
    %get3A_19 = arith.constant 0 : index
    %get3A_20 = vector.load %arg14[%get3A_18, %get3A_19] : memref<384x128xf32, #tpu.memory_space<vmem>>, vector<128x128xf32>
    %get3A_21 = arith.constant 0 : index
    %get3A_22 = arith.constant 0 : index
    %get3A_23 = vector.load %arg1[%get3A_21, %get3A_22] : memref<1000x128xf32, #tpu.memory_space<vmem>>, vector<1000x128xf32>
    %dot_general3A = arith.constant dense<0.000000e+00> : vector<1000x128xf32>
    %dot_general3A_24 = tpu.matmul %get3A_23, %get3A_14, %dot_general3A {dimension_numbers = #tpu.dot_dimension_numbers<[1], [0], [0], [1], [0, 0, 1, 1], [], []>, transpose_lhs_hint = false} : vector<1000x128xf32>, vector<128x128xf32>, vector<1000x128xf32> -> vector<1000x128xf32>
    %get3A_25 = arith.constant 0 : index
    %get3A_26 = arith.constant 0 : index
    %get3A_27 = vector.load %arg2[%get3A_25, %get3A_26] : memref<1000x128xf32, #tpu.memory_space<vmem>>, vector<1000x128xf32>
    %get3A_28 = arith.constant 0 : index
    %get3A_29 = arith.constant 0 : index
    %get3A_30 = vector.load %arg3[%get3A_28, %get3A_29] : memref<1000x128xf32, #tpu.memory_space<vmem>>, vector<1000x128xf32>
    %add3A_31 = arith.addf %get3A_27, %get3A_30 : vector<1000x128xf32>
    %get3A_32 = arith.constant 0 : index
    %get3A_33 = arith.constant 0 : index
    %get3A_34 = vector.load %arg10[%get3A_32, %get3A_33] : memref<128x128xf32, #tpu.memory_space<vmem>>, vector<128x128xf32>
    %dot_general3A_35 = arith.constant dense<0.000000e+00> : vector<128x128xf32>
    %dot_general3A_36 = tpu.matmul %get3A_34, %get3A_17, %dot_general3A_35 {dimension_numbers = #tpu.dot_dimension_numbers<[1], [0], [0], [1], [0, 0, 1, 1], [], []>, transpose_lhs_hint = false} : vector<128x128xf32>, vector<128x128xf32>, vector<128x128xf32> -> vector<128x128xf32>
    %dot_general3A_37 = arith.constant dense<0.000000e+00> : vector<1000x128xf32>
    %dot_general3A_38 = tpu.matmul %add3A_31, %dot_general3A_36, %dot_general3A_37 {dimension_numbers = #tpu.dot_dimension_numbers<[1], [0], [0], [1], [0, 0, 1, 1], [], []>, transpose_lhs_hint = false} : vector<1000x128xf32>, vector<128x128xf32>, vector<1000x128xf32> -> vector<1000x128xf32>
    %add3A_39 = arith.addf %dot_general3A_24, %dot_general3A_38 : vector<1000x128xf32>
    %get3A_40 = arith.constant 0 : index
    %get3A_41 = arith.constant 0 : index
    %get3A_42 = vector.load %arg4[%get3A_40, %get3A_41] : memref<1000x128xf32, #tpu.memory_space<vmem>>, vector<1000x128xf32>
    %get3A_43 = arith.constant 0 : index
    %get3A_44 = arith.constant 0 : index
    %get3A_45 = vector.load %arg5[%get3A_43, %get3A_44] : memref<1000x128xf32, #tpu.memory_space<vmem>>, vector<1000x128xf32>
    %add3A_46 = arith.addf %get3A_42, %get3A_45 : vector<1000x128xf32>
    %get3A_47 = arith.constant 0 : index
    %get3A_48 = arith.constant 0 : index
    %get3A_49 = vector.load %arg12[%get3A_47, %get3A_48] : memref<128x128xf32, #tpu.memory_space<vmem>>, vector<128x128xf32>
    %dot_general3A_50 = arith.constant dense<0.000000e+00> : vector<128x128xf32>
    %dot_general3A_51 = tpu.matmul %get3A_49, %get3A_20, %dot_general3A_50 {dimension_numbers = #tpu.dot_dimension_numbers<[1], [0], [0], [1], [0, 0, 1, 1], [], []>, transpose_lhs_hint = false} : vector<128x128xf32>, vector<128x128xf32>, vector<128x128xf32> -> vector<128x128xf32>
    %dot_general3A_52 = arith.constant dense<0.000000e+00> : vector<1000x128xf32>
    %dot_general3A_53 = tpu.matmul %add3A_46, %dot_general3A_51, %dot_general3A_52 {dimension_numbers = #tpu.dot_dimension_numbers<[1], [0], [0], [1], [0, 0, 1, 1], [], []>, transpose_lhs_hint = false} : vector<1000x128xf32>, vector<128x128xf32>, vector<1000x128xf32> -> vector<1000x128xf32>
    %add3A_54 = arith.addf %add3A_39, %dot_general3A_53 : vector<1000x128xf32>
    %get3A_55 = arith.constant 0 : index
    %get3A_56 = arith.constant 0 : index
    %get3A_57 = vector.load %arg11[%get3A_55, %get3A_56] : memref<1x128xf32, #tpu.memory_space<vmem>>, vector<1x128xf32>
    %dot_general3A_58 = arith.constant dense<0.000000e+00> : vector<1x128xf32>
    %dot_general3A_59 = tpu.matmul %get3A_57, %get3A_17, %dot_general3A_58 {dimension_numbers = #tpu.dot_dimension_numbers<[1], [0], [0], [1], [0, 0, 1, 1], [], []>, transpose_lhs_hint = false} : vector<1x128xf32>, vector<128x128xf32>, vector<1x128xf32> -> vector<1x128xf32>
    %mul3A = vector.broadcast %add3A : vector<1000x1xf32> to vector<1000x128xf32>
    %mul3A_60 = vector.broadcast %dot_general3A_59 : vector<1x128xf32> to vector<1000x128xf32>
    %mul3A_61 = arith.mulf %mul3A, %mul3A_60 : vector<1000x128xf32>
    %add3A_62 = arith.addf %add3A_54, %mul3A_61 : vector<1000x128xf32>
    %get3A_63 = arith.constant 0 : index
    %get3A_64 = arith.constant 0 : index
    %get3A_65 = vector.load %arg13[%get3A_63, %get3A_64] : memref<1x128xf32, #tpu.memory_space<vmem>>, vector<1x128xf32>
    %dot_general3A_66 = arith.constant dense<0.000000e+00> : vector<1x128xf32>
    %dot_general3A_67 = tpu.matmul %get3A_65, %get3A_20, %dot_general3A_66 {dimension_numbers = #tpu.dot_dimension_numbers<[1], [0], [0], [1], [0, 0, 1, 1], [], []>, transpose_lhs_hint = false} : vector<1x128xf32>, vector<128x128xf32>, vector<1x128xf32> -> vector<1x128xf32>
    %mul3A_68 = vector.broadcast %add3A_11 : vector<1000x1xf32> to vector<1000x128xf32>
    %mul3A_69 = vector.broadcast %dot_general3A_67 : vector<1x128xf32> to vector<1000x128xf32>
    %mul3A_70 = arith.mulf %mul3A_68, %mul3A_69 : vector<1000x128xf32>
    %add3A_71 = arith.addf %add3A_62, %mul3A_70 : vector<1000x128xf32>
    %max3A = arith.constant 1.000000e+00 : f32
    %max3A_72 = vector.broadcast %max3A : f32 to vector<1000x1xf32>
    %max3A_73 = arith.maximumf %add3A, %max3A_72 : vector<1000x1xf32>
    %rsqrt3A = math.rsqrt %max3A_73 : vector<1000x1xf32>
    %mul3A_74 = vector.broadcast %rsqrt3A : vector<1000x1xf32> to vector<1000x128xf32>
    %mul3A_75 = arith.mulf %add3A_71, %mul3A_74 : vector<1000x128xf32>
    %swap3A = arith.constant 0 : index
    %swap3A_76 = arith.constant 0 : index
    %swap3A_77 = vector.load %arg15[%swap3A, %swap3A_76] : memref<1000x128xf32, #tpu.memory_space<vmem>>, vector<1000x128xf32>
    tpu.vector_store %arg15[%swap3A, %swap3A_76], %mul3A_75 {strides = array<i32>} : memref<1000x128xf32, #tpu.memory_space<vmem>>, vector<1000x128xf32>,
    return
  }
  func.func @transform_0(%arg0: i32) -> (i32, i32) {
    %c0_i32 = arith.constant 0 : i32
    %c0_i32_0 = arith.constant 0 : i32
    return %arg0, %c0_i32 : i32, i32
  }
  func.func @transform_1(%arg0: i32) -> (i32, i32) {
    %c0_i32 = arith.constant 0 : i32
    %c0_i32_0 = arith.constant 0 : i32
    return %arg0, %c0_i32 : i32, i32
  }
  func.func @transform_2(%arg0: i32) -> (i32, i32) {
    %c0_i32 = arith.constant 0 : i32
    %c0_i32_0 = arith.constant 0 : i32
    return %arg0, %c0_i32 : i32, i32
  }
  func.func @transform_3(%arg0: i32) -> (i32, i32) {
    %c0_i32 = arith.constant 0 : i32
    %c0_i32_0 = arith.constant 0 : i32
    return %arg0, %c0_i32 : i32, i32
  }
  func.func @transform_4(%arg0: i32) -> (i32, i32) {
    %c0_i32 = arith.constant 0 : i32
    %c0_i32_0 = arith.constant 0 : i32
    return %arg0, %c0_i32 : i32, i32
  }
  func.func @transform_5(%arg0: i32) -> (i32, i32) {
    %c0_i32 = arith.constant 0 : i32
    %c0_i32_0 = arith.constant 0 : i32
    return %arg0, %c0_i32 : i32, i32
  }
  func.func @transform_6(%arg0: i32) -> (i32, i32) {
    %c0_i32 = arith.constant 0 : i32
    %c0_i32_0 = arith.constant 0 : i32
    return %arg0, %c0_i32 : i32, i32
  }
  func.func @transform_7(%arg0: i32) -> (i32, i32) {
    %c0_i32 = arith.constant 0 : i32
    %c0_i32_0 = arith.constant 0 : i32
    return %arg0, %c0_i32 : i32, i32
  }
  func.func @transform_8(%arg0: i32) -> (i32, i32) {
    %c0_i32 = arith.constant 0 : i32
    %c0_i32_0 = arith.constant 0 : i32
    return %arg0, %c0_i32 : i32, i32
  }
  func.func @transform_9(%arg0: i32) -> (i32, i32) {
    %c0_i32 = arith.constant 0 : i32
    %c0_i32_0 = arith.constant 0 : i32
    %c0_i32_1 = arith.constant 0 : i32
    return %c0_i32, %c0_i32_0 : i32, i32
  }
  func.func @transform_10(%arg0: i32) -> (i32, i32) {
    %c0_i32 = arith.constant 0 : i32
    %c0_i32_0 = arith.constant 0 : i32
    %c0_i32_1 = arith.constant 0 : i32
    return %c0_i32, %c0_i32_0 : i32, i32
  }
  func.func @transform_11(%arg0: i32) -> (i32, i32) {
    %c0_i32 = arith.constant 0 : i32
    %c0_i32_0 = arith.constant 0 : i32
    %c0_i32_1 = arith.constant 0 : i32
    return %c0_i32, %c0_i32_0 : i32, i32
  }
  func.func @transform_12(%arg0: i32) -> (i32, i32) {
    %c0_i32 = arith.constant 0 : i32
    %c0_i32_0 = arith.constant 0 : i32
    %c0_i32_1 = arith.constant 0 : i32
    return %c0_i32, %c0_i32_0 : i32, i32
  }
  func.func @transform_13(%arg0: i32) -> (i32, i32) {
    %c0_i32 = arith.constant 0 : i32
    %c0_i32_0 = arith.constant 0 : i32
    %c0_i32_1 = arith.constant 0 : i32
    return %c0_i32, %c0_i32_0 : i32, i32
  }
  func.func @transform_14(%arg0: i32) -> (i32, i32) {
    %c0_i32 = arith.constant 0 : i32
    %c0_i32_0 = arith.constant 0 : i32
    return %arg0, %c0_i32 : i32, i32
  }
}

module attributes {stable_mosaic.version = 14 : i64} {
  func.func @_fuse2_kernel(%arg0: i32, %arg1: memref<1000x128xf32, #tpu.memory_space<vmem>>, %arg2: memref<1000x128xf32, #tpu.memory_space<vmem>>, %arg3: memref<1000x128xf32, #tpu.memory_space<vmem>>, %arg4: memref<1000x128xf32, #tpu.memory_space<vmem>>, %arg5: memref<1000x128xf32, #tpu.memory_space<vmem>>, %arg6: memref<1000x128xf32, #tpu.memory_space<vmem>>, %arg7: memref<1x128xf32, #tpu.memory_space<vmem>>, %arg8: memref<128x128xf32, #tpu.memory_space<vmem>>, %arg9: memref<1000x128xf32, #tpu.memory_space<vmem>>) attributes {dimension_semantics = [#tpu.dimension_semantics<arbitrary>], iteration_bounds = array<i64: 10>, scalar_prefetch = 0 : i64, scratch_operands = 0 : i64, tpu.core_type = #tpu.core_type<tc>, window_params = [{transform_indices = @transform_0, window_bounds = array<i64: 1000, 128>}, {transform_indices = @transform_1, window_bounds = array<i64: 1000, 128>}, {transform_indices = @transform_2, window_bounds = array<i64: 1000, 128>}, {transform_indices = @transform_3, window_bounds = array<i64: 1000, 128>}, {transform_indices = @transform_4, window_bounds = array<i64: 1000, 128>}, {transform_indices = @transform_5, window_bounds = array<i64: 1000, 128>}, {pipeline_mode = #tpu.pipeline_mode<synchronous>, transform_indices = @transform_6, window_bounds = array<i64: 1, 128>}, {pipeline_mode = #tpu.pipeline_mode<synchronous>, transform_indices = @transform_7, window_bounds = array<i64: 128, 128>}, {transform_indices = @transform_8, window_bounds = array<i64: 1000, 128>}]} {
    %get3A = arith.constant 0 : index
    %get3A_0 = arith.constant 0 : index
    %get3A_1 = vector.load %arg5[%get3A, %get3A_0] : memref<1000x128xf32, #tpu.memory_space<vmem>>, vector<1000x1xf32>
    %get3A_2 = arith.constant 0 : index
    %get3A_3 = arith.constant 0 : index
    %get3A_4 = vector.load %arg6[%get3A_2, %get3A_3] : memref<1000x128xf32, #tpu.memory_space<vmem>>, vector<1000x1xf32>
    %add3A = arith.addf %get3A_1, %get3A_4 : vector<1000x1xf32>
    %max3A = arith.constant 1.000000e+00 : f32
    %max3A_5 = vector.broadcast %max3A : f32 to vector<1000x1xf32>
    %max3A_6 = arith.maximumf %add3A, %max3A_5 : vector<1000x1xf32>
    %rsqrt3A = math.rsqrt %max3A_6 : vector<1000x1xf32>
    %get3A_7 = arith.constant 0 : index
    %get3A_8 = arith.constant 0 : index
    %get3A_9 = vector.load %arg1[%get3A_7, %get3A_8] : memref<1000x128xf32, #tpu.memory_space<vmem>>, vector<1000x128xf32>
    %get3A_10 = arith.constant 0 : index
    %get3A_11 = arith.constant 0 : index
    %get3A_12 = vector.load %arg2[%get3A_10, %get3A_11] : memref<1000x128xf32, #tpu.memory_space<vmem>>, vector<1000x128xf32>
    %add3A_13 = arith.addf %get3A_9, %get3A_12 : vector<1000x128xf32>
    %mul3A = vector.broadcast %rsqrt3A : vector<1000x1xf32> to vector<1000x128xf32>
    %mul3A_14 = arith.mulf %add3A_13, %mul3A : vector<1000x128xf32>
    %get3A_15 = arith.constant 0 : index
    %get3A_16 = arith.constant 0 : index
    %get3A_17 = vector.load %arg7[%get3A_15, %get3A_16] : memref<1x128xf32, #tpu.memory_space<vmem>>, vector<1x128xf32>
    %add3A_18 = vector.broadcast %get3A_17 : vector<1x128xf32> to vector<1000x128xf32>
    %add3A_19 = arith.addf %mul3A_14, %add3A_18 : vector<1000x128xf32>
    %max3A_20 = arith.constant 0.000000e+00 : f32
    %max3A_21 = vector.broadcast %max3A_20 : f32 to vector<1000x128xf32>
    %max3A_22 = arith.maximumf %add3A_19, %max3A_21 : vector<1000x128xf32>
    %get3A_23 = arith.constant 0 : index
    %get3A_24 = arith.constant 0 : index
    %get3A_25 = vector.load %arg3[%get3A_23, %get3A_24] : memref<1000x128xf32, #tpu.memory_space<vmem>>, vector<1000x1xf32>
    %get3A_26 = arith.constant 0 : index
    %get3A_27 = arith.constant 0 : index
    %get3A_28 = vector.load %arg4[%get3A_26, %get3A_27] : memref<1000x128xf32, #tpu.memory_space<vmem>>, vector<1000x1xf32>
    %add3A_29 = arith.addf %get3A_25, %get3A_28 : vector<1000x1xf32>
    %max3A_30 = arith.constant 1.000000e+00 : f32
    %max3A_31 = vector.broadcast %max3A_30 : f32 to vector<1000x1xf32>
    %max3A_32 = arith.maximumf %add3A_29, %max3A_31 : vector<1000x1xf32>
    %rsqrt3A_33 = math.rsqrt %max3A_32 : vector<1000x1xf32>
    %get3A_34 = arith.constant 0 : index
    %get3A_35 = arith.constant 0 : index
    %get3A_36 = vector.load %arg8[%get3A_34, %get3A_35] : memref<128x128xf32, #tpu.memory_space<vmem>>, vector<128x128xf32>
    %dot_general3A = arith.constant dense<0.000000e+00> : vector<1000x128xf32>
    %dot_general3A_37 = tpu.matmul %max3A_22, %get3A_36, %dot_general3A {dimension_numbers = #tpu.dot_dimension_numbers<[1], [0], [0], [1], [0, 0, 1, 1], [], []>, transpose_lhs_hint = false} : vector<1000x128xf32>, vector<128x128xf32>, vector<1000x128xf32> -> vector<1000x128xf32>
    %mul3A_38 = vector.broadcast %rsqrt3A_33 : vector<1000x1xf32> to vector<1000x128xf32>
    %mul3A_39 = arith.mulf %dot_general3A_37, %mul3A_38 : vector<1000x128xf32>
    %swap3A = arith.constant 0 : index
    %swap3A_40 = arith.constant 0 : index
    %swap3A_41 = vector.load %arg9[%swap3A, %swap3A_40] : memref<1000x128xf32, #tpu.memory_space<vmem>>, vector<1000x128xf32>
    tpu.vector_store %arg9[%swap3A, %swap3A_40], %mul3A_39 {strides = array<i32>} : memref<1000x128xf32, #tpu.memory_space<vmem>>, vector<1000x128xf32>,
    return
  }
  func.func @transform_0(%arg0: i32) -> (i32, i32) {
    %c0_i32 = arith.constant 0 : i32
    %c0_i32_0 = arith.constant 0 : i32
    return %arg0, %c0_i32 : i32, i32
  }
  func.func @transform_1(%arg0: i32) -> (i32, i32) {
    %c0_i32 = arith.constant 0 : i32
    %c0_i32_0 = arith.constant 0 : i32
    return %arg0, %c0_i32 : i32, i32
  }
  func.func @transform_2(%arg0: i32) -> (i32, i32) {
    %c0_i32 = arith.constant 0 : i32
    %c0_i32_0 = arith.constant 0 : i32
    return %arg0, %c0_i32 : i32, i32
  }
  func.func @transform_3(%arg0: i32) -> (i32, i32) {
    %c0_i32 = arith.constant 0 : i32
    %c0_i32_0 = arith.constant 0 : i32
    return %arg0, %c0_i32 : i32, i32
  }
  func.func @transform_4(%arg0: i32) -> (i32, i32) {
    %c0_i32 = arith.constant 0 : i32
    %c0_i32_0 = arith.constant 0 : i32
    return %arg0, %c0_i32 : i32, i32
  }
  func.func @transform_5(%arg0: i32) -> (i32, i32) {
    %c0_i32 = arith.constant 0 : i32
    %c0_i32_0 = arith.constant 0 : i32
    return %arg0, %c0_i32 : i32, i32
  }
  func.func @transform_6(%arg0: i32) -> (i32, i32) {
    %c0_i32 = arith.constant 0 : i32
    %c0_i32_0 = arith.constant 0 : i32
    %c0_i32_1 = arith.constant 0 : i32
    return %c0_i32, %c0_i32_0 : i32, i32
  }
  func.func @transform_7(%arg0: i32) -> (i32, i32) {
    %c0_i32 = arith.constant 0 : i32
    %c0_i32_0 = arith.constant 0 : i32
    %c0_i32_1 = arith.constant 0 : i32
    return %c0_i32, %c0_i32_0 : i32, i32
  }
  func.func @transform_8(%arg0: i32) -> (i32, i32) {
    %c0_i32 = arith.constant 0 : i32
    %c0_i32_0 = arith.constant 0 : i32
    return %arg0, %c0_i32 : i32, i32
  }
}

module attributes {stable_mosaic.version = 14 : i64} {
  func.func @_fuse3_kernel(%arg0: i32, %arg1: memref<1000x128xf32, #tpu.memory_space<vmem>>, %arg2: memref<1000x128xf32, #tpu.memory_space<vmem>>, %arg3: memref<1000x128xf32, #tpu.memory_space<vmem>>, %arg4: memref<1000x128xf32, #tpu.memory_space<vmem>>, %arg5: memref<1x128xf32, #tpu.memory_space<vmem>>, %arg6: memref<1000x128xf32, #tpu.memory_space<vmem>>) attributes {dimension_semantics = [#tpu.dimension_semantics<arbitrary>], iteration_bounds = array<i64: 10>, scalar_prefetch = 0 : i64, scratch_operands = 0 : i64, tpu.core_type = #tpu.core_type<tc>, window_params = [{transform_indices = @transform_0, window_bounds = array<i64: 1000, 128>}, {transform_indices = @transform_1, window_bounds = array<i64: 1000, 128>}, {transform_indices = @transform_2, window_bounds = array<i64: 1000, 128>}, {transform_indices = @transform_3, window_bounds = array<i64: 1000, 128>}, {pipeline_mode = #tpu.pipeline_mode<synchronous>, transform_indices = @transform_4, window_bounds = array<i64: 1, 128>}, {transform_indices = @transform_5, window_bounds = array<i64: 1000, 128>}]} {
    %get3A = arith.constant 0 : index
    %get3A_0 = arith.constant 0 : index
    %get3A_1 = vector.load %arg3[%get3A, %get3A_0] : memref<1000x128xf32, #tpu.memory_space<vmem>>, vector<1000x1xf32>
    %get3A_2 = arith.constant 0 : index
    %get3A_3 = arith.constant 0 : index
    %get3A_4 = vector.load %arg4[%get3A_2, %get3A_3] : memref<1000x128xf32, #tpu.memory_space<vmem>>, vector<1000x1xf32>
    %add3A = arith.addf %get3A_1, %get3A_4 : vector<1000x1xf32>
    %max3A = arith.constant 1.000000e+00 : f32
    %max3A_5 = vector.broadcast %max3A : f32 to vector<1000x1xf32>
    %max3A_6 = arith.maximumf %add3A, %max3A_5 : vector<1000x1xf32>
    %rsqrt3A = math.rsqrt %max3A_6 : vector<1000x1xf32>
    %get3A_7 = arith.constant 0 : index
    %get3A_8 = arith.constant 0 : index
    %get3A_9 = vector.load %arg1[%get3A_7, %get3A_8] : memref<1000x128xf32, #tpu.memory_space<vmem>>, vector<1000x128xf32>
    %get3A_10 = arith.constant 0 : index
    %get3A_11 = arith.constant 0 : index
    %get3A_12 = vector.load %arg2[%get3A_10, %get3A_11] : memref<1000x128xf32, #tpu.memory_space<vmem>>, vector<1000x128xf32>
    %add3A_13 = arith.addf %get3A_9, %get3A_12 : vector<1000x128xf32>
    %mul3A = vector.broadcast %rsqrt3A : vector<1000x1xf32> to vector<1000x128xf32>
    %mul3A_14 = arith.mulf %add3A_13, %mul3A : vector<1000x128xf32>
    %get3A_15 = arith.constant 0 : index
    %get3A_16 = arith.constant 0 : index
    %get3A_17 = vector.load %arg5[%get3A_15, %get3A_16] : memref<1x128xf32, #tpu.memory_space<vmem>>, vector<1x128xf32>
    %add3A_18 = vector.broadcast %get3A_17 : vector<1x128xf32> to vector<1000x128xf32>
    %add3A_19 = arith.addf %mul3A_14, %add3A_18 : vector<1000x128xf32>
    %max3A_20 = arith.constant 0.000000e+00 : f32
    %max3A_21 = vector.broadcast %max3A_20 : f32 to vector<1000x128xf32>
    %max3A_22 = arith.maximumf %add3A_19, %max3A_21 : vector<1000x128xf32>
    %swap3A = arith.constant 0 : index
    %swap3A_23 = arith.constant 0 : index
    %swap3A_24 = vector.load %arg6[%swap3A, %swap3A_23] : memref<1000x128xf32, #tpu.memory_space<vmem>>, vector<1000x128xf32>
    tpu.vector_store %arg6[%swap3A, %swap3A_23], %max3A_22 {strides = array<i32>} : memref<1000x128xf32, #tpu.memory_space<vmem>>, vector<1000x128xf32>,
    return
  }
  func.func @transform_0(%arg0: i32) -> (i32, i32) {
    %c0_i32 = arith.constant 0 : i32
    %c0_i32_0 = arith.constant 0 : i32
    return %arg0, %c0_i32 : i32, i32
  }
  func.func @transform_1(%arg0: i32) -> (i32, i32) {
    %c0_i32 = arith.constant 0 : i32
    %c0_i32_0 = arith.constant 0 : i32
    return %arg0, %c0_i32 : i32, i32
  }
  func.func @transform_2(%arg0: i32) -> (i32, i32) {
    %c0_i32 = arith.constant 0 : i32
    %c0_i32_0 = arith.constant 0 : i32
    return %arg0, %c0_i32 : i32, i32
  }
  func.func @transform_3(%arg0: i32) -> (i32, i32) {
    %c0_i32 = arith.constant 0 : i32
    %c0_i32_0 = arith.constant 0 : i32
    return %arg0, %c0_i32 : i32, i32
  }
  func.func @transform_4(%arg0: i32) -> (i32, i32) {
    %c0_i32 = arith.constant 0 : i32
    %c0_i32_0 = arith.constant 0 : i32
    %c0_i32_1 = arith.constant 0 : i32
    return %c0_i32, %c0_i32_0 : i32, i32
  }
  func.func @transform_5(%arg0: i32) -> (i32, i32) {
    %c0_i32 = arith.constant 0 : i32
    %c0_i32_0 = arith.constant 0 : i32
    return %arg0, %c0_i32 : i32, i32
  }
}

module attributes {stable_mosaic.version = 14 : i64} {
  func.func @_sqrt_kernel(%arg0: i32, %arg1: memref<2048x16xf32, #tpu.memory_space<vmem>>, %arg2: memref<2048x16xf32, #tpu.memory_space<vmem>>, %arg3: memref<2048x1xf32, #tpu.memory_space<vmem>>, %arg4: memref<2048x1xf32, #tpu.memory_space<vmem>>) attributes {dimension_semantics = [#tpu.dimension_semantics<arbitrary>], iteration_bounds = array<i64: 16>, scalar_prefetch = 0 : i64, scratch_operands = 0 : i64, tpu.core_type = #tpu.core_type<tc>, window_params = [{transform_indices = @transform_0, window_bounds = array<i64: 2048, 16>}, {transform_indices = @transform_1, window_bounds = array<i64: 2048, 16>}, {transform_indices = @transform_2, window_bounds = array<i64: 2048, 1>}, {transform_indices = @transform_3, window_bounds = array<i64: 2048, 1>}]} {
    %get3A = arith.constant 0 : index
    %get3A_0 = arith.constant 0 : index
    %get3A_1 = vector.load %arg1[%get3A, %get3A_0] : memref<2048x16xf32, #tpu.memory_space<vmem>>, vector<2048x16xf32>
    %reduce_sum3A = arith.constant dense<0.000000e+00> : vector<2048xf32>
    %reduce_sum3A_2 = vector.multi_reduction <add>, %get3A_1, %reduce_sum3A [1] : vector<2048x16xf32> to vector<2048xf32>
    %broadcast_in_dim3A = vector.shape_cast %reduce_sum3A_2 : vector<2048xf32> to vector<2048x1xf32>
    %sqrt3A = math.sqrt %broadcast_in_dim3A : vector<2048x1xf32>
    %swap3A = arith.constant 0 : index
    %swap3A_3 = arith.constant 0 : index
    %swap3A_4 = vector.load %arg3[%swap3A, %swap3A_3] : memref<2048x1xf32, #tpu.memory_space<vmem>>, vector<2048x1xf32>
    tpu.vector_store %arg3[%swap3A, %swap3A_3], %sqrt3A {strides = array<i32>} : memref<2048x1xf32, #tpu.memory_space<vmem>>, vector<2048x1xf32>,
    %get3A_5 = arith.constant 0 : index
    %get3A_6 = arith.constant 0 : index
    %get3A_7 = vector.load %arg2[%get3A_5, %get3A_6] : memref<2048x16xf32, #tpu.memory_space<vmem>>, vector<2048x16xf32>
    %reduce_sum3A_8 = arith.constant dense<0.000000e+00> : vector<2048xf32>
    %reduce_sum3A_9 = vector.multi_reduction <add>, %get3A_7, %reduce_sum3A_8 [1] : vector<2048x16xf32> to vector<2048xf32>
    %broadcast_in_dim3A_10 = vector.shape_cast %reduce_sum3A_9 : vector<2048xf32> to vector<2048x1xf32>
    %sqrt3A_11 = math.sqrt %broadcast_in_dim3A_10 : vector<2048x1xf32>
    %swap3A_12 = arith.constant 0 : index
    %swap3A_13 = arith.constant 0 : index
    %swap3A_14 = vector.load %arg4[%swap3A_12, %swap3A_13] : memref<2048x1xf32, #tpu.memory_space<vmem>>, vector<2048x1xf32>
    tpu.vector_store %arg4[%swap3A_12, %swap3A_13], %sqrt3A_11 {strides = array<i32>} : memref<2048x1xf32, #tpu.memory_space<vmem>>, vector<2048x1xf32>,
    return
  }
  func.func @transform_0(%arg0: i32) -> (i32, i32) {
    %c0_i32 = arith.constant 0 : i32
    %c0_i32_0 = arith.constant 0 : i32
    return %arg0, %c0_i32 : i32, i32
  }
  func.func @transform_1(%arg0: i32) -> (i32, i32) {
    %c0_i32 = arith.constant 0 : i32
    %c0_i32_0 = arith.constant 0 : i32
    return %arg0, %c0_i32 : i32, i32
  }
  func.func @transform_2(%arg0: i32) -> (i32, i32) {
    %c0_i32 = arith.constant 0 : i32
    %c0_i32_0 = arith.constant 0 : i32
    return %arg0, %c0_i32 : i32, i32
  }
  func.func @transform_3(%arg0: i32) -> (i32, i32) {
    %c0_i32 = arith.constant 0 : i32
    %c0_i32_0 = arith.constant 0 : i32
    return %arg0, %c0_i32 : i32, i32
  }
}

</mosaic_0001>

<sc_bundles>
// kernel: kernel.13.cloned.1.call-start
scs
__scs_entry_jumppad:
0x0: {  	(pc) =	sbr.rel $0x88, $3  }
0x1: {  	(tag) =	ssettag $0x0;
	lr =	simm.s32 $0x1  }
0x2: {  	[smem:$0x3F92] =	sst lr;
	_ =	strace $0xD0000000  }
0x3: {  	_ = 	snop  }
0x4: {  	_ = 	snop  }
0x5: {  	_ = 	snop  }
0x6: {  	_ = 	snop  }
0x7: {  	_ = 	snop  }
__scs_overlays_trampoline_lowered:
0x8: {  	[smem:$0x3FA1] =	sst s0  }
0x9: {  	[smem:$0x3FA2] =	sst s1  }
0xa: {  	[smem:$0x3FA3] =	sst s2  }
0xb: {  	[smem:$0x3FA4] =	sst s3  }
0xc: {  	[smem:$0x3FA5] =	sst s4  }
0xd: {  	[smem:$0x3FA6] =	sst s5  }
0xe: {  	[smem:$0x3FA7] =	sst s6  }
0xf: {  	[smem:$0x3FA8] =	sst s7  }
0x10: {  	[smem:$0x3FA9] =	sst s8  }
0x11: {  	[smem:$0x3FAA] =	sst s9;
	s0 =	simm.s32 @!p0 $0x0  }
0x12: {  	s1 =	sld [smem:$0x3F90];
	s0 =	simm.s32 @p0 $0x1  }
0x13: {  	[smem:$0x3FAB] =	sst s0;
	s0 =	simm.s32 @!p1 $0x0  }
0x14: {  	s2 =	sld [smem:$0x3F8F];
	s0 =	simm.s32 @p1 $0x1  }
0x15: {  	[smem:$0x3FAC] =	sst s0;
	s0 =	simm.s32 @!p2 $0x0  }
0x16: {  	s3 =	sld [smem:$0x3FDB];
	s0 =	simm.s32 @p2 $0x1  }
0x17: {  	s4 =	simm.s32 $0x1BF5;
	[smem:$0x3FAE] =	sst s0  }
0x18: {  	s0 =	sld [smem:$0x3F91];
	_ =	swait.ge [sflag:s4], $0x0  }
0x19: {  	s7 =	sld [smem:$0x3F92]  }
0x1a: {  	s8 =	sadd.s32 $0xFFFFE003, lr  }
0x1b: {  	s9 =	sadd.s32 $0xFFFFFEF7, lr;
	s5 =	simm.s32 $0xFFFFFFFF;
	p2 =	slt.u32 s8, $0xFFFFF086  }
0x1c: {  	p1 =	slt.u32 s9, $0xF7A;
	s5 =	simm.s32 @!p2 $0x0  }
0x1d: {  	s5 =	simm.s32 @p1 $0x1;
	p0 =	seq.s32 s7, s2  }
0x1e: {  	s7 =	smul.u32 @!p0 $0xF7A, s2;
	p2 =	seq.s32 @!p0 s5, $0x0  }
0x1f: {  	s9 =	smul.u32 $0xF7A, s1;
	s8 =	simm.s32 @!p0 $0x1BF5;
	p2 =	por !p2, p0  }
0x20: {  	[sflag:s8] =	ssyncset.s32 @!p0 $0xFFFFF086;
	s6 =	sadd.s32 @!p0 s3, s7;
	s7 =	simm.s32 @!p0 $0x108  }
0x21: {  	s3 =	sadd.s32 s3, s9;
	s6 =	sadd.s32 @!p0 $0x88, s6;
	s7 =	simm.s32 @p2 $0x1082  }
0x22: {  	[simem:s7], [sflag:s8] =	dma.local @!p0 [hbm:s6], $0xF7A  }
0x23: {  	s9 =	sor.u32 $0xD0000000, s2;
	s6 =	simm.s32 $0x108;
	_ =	swait.ge @!p0 [sflag:s8], $0x0  }
0x24: {  	s3 =	sadd.s32 $0x88, s3;
	s6 =	simm.s32 @!p1 $0x1082;
	[sflag:s4] =	ssyncset.s32 $0xFFFFF086  }
0x25: {  	[simem:s6], [sflag:s4] =	dma.local [hbm:s3], $0xF7A  }
0x26: {  	[smem:$0x3F92] =	sst s1;
	(tag) =	ssettag s2;
	_ =	strace s9  }
0x27: {  	s1 =	sld [smem:$0x3FA2]  }
0x28: {  	s2 =	sld [smem:$0x3FA3]  }
0x29: {  	s4 =	sld [smem:$0x3FA5]  }
0x2a: {  	p0 =	seq.s32 s5, $0x0;
	s5 =	sld [smem:$0x3FA6]  }
0x2b: {  	s6 =	sld [smem:$0x3FA7]  }
0x2c: {  	s7 =	sld [smem:$0x3FA8]  }
0x2d: {  	s3 =	simm.s32 $0x108;
	s8 =	sld [smem:$0x3FA9]  }
0x2e: {  	s3 =	simm.s32 @!p0 $0x1082;
	s9 =	sld [smem:$0x3FAA]  }
0x2f: {  	lr =	sadd.s32 s0, s3;
	s0 =	sld [smem:$0x3FA1]  }
0x30: {  	s3 =	sld [smem:$0x3FA4]  }
0x31: {  	[smem:$0x3FAD] =	sst s10  }
0x32: {  	s10 =	sld [smem:$0x3FAB];
	_ =	sdelay $0x3  }
0x33: {  	p0 =	seq.s32 s10, $0x1;
	s10 =	sld [smem:$0x3FAD];
	_ =	sdelay $0x3  }
0x34: {  	[smem:$0x3FAD] =	sst s10  }
0x35: {  	s10 =	sld [smem:$0x3FAC];
	_ =	sdelay $0x3  }
0x36: {  	p1 =	seq.s32 s10, $0x1;
	s10 =	sld [smem:$0x3FAD];
	_ =	sdelay $0x3  }
0x37: {  	[smem:$0x3FAD] =	sst s10  }
0x38: {  	s10 =	sld [smem:$0x3FAE]  }
0x39: {  	_ = 	snop;
	(pc) =	sbr.ind lr, $3  }
0x3a: {  	_ = 	snop  }
0x3b: {  	_ = 	snop  }
0x3c: {  	p2 =	seq.s32 s10, $0x1;
	s10 =	sld [smem:$0x3FAD]  }
0x3d: {  	_ =	shalt  }
0x3e: {  	_ =	shalt  }
0x3f: {  	_ =	shalt  }
0x40: {  	_ =	shalt  }
0x41: {  	_ =	shalt  }
0x42: {  	_ =	shalt  }
0x43: {  	_ =	shalt  }
0x44: {  	_ =	shalt  }
0x45: {  	_ =	shalt  }
0x46: {  	_ =	shalt  }
0x47: {  	_ =	shalt  }
0x48: {  	_ =	shalt  }
0x49: {  	_ =	shalt  }
0x4a: {  	_ =	shalt  }
0x4b: {  	_ =	shalt  }
0x4c: {  	_ =	shalt  }
0x4d: {  	_ =	shalt  }
0x4e: {  	_ =	shalt  }
0x4f: {  	_ =	shalt  }
0x50: {  	_ =	shalt  }
0x51: {  	_ =	shalt  }
0x52: {  	_ =	shalt  }
0x53: {  	_ =	shalt  }
0x54: {  	_ =	shalt  }
0x55: {  	_ =	shalt  }
0x56: {  	_ =	shalt  }
0x57: {  	_ =	shalt  }
0x58: {  	_ =	shalt  }
0x59: {  	_ =	shalt  }
0x5a: {  	_ =	shalt  }
0x5b: {  	_ =	shalt  }
0x5c: {  	_ =	shalt  }
0x5d: {  	_ =	shalt  }
0x5e: {  	_ =	shalt  }
0x5f: {  	_ =	shalt  }
0x60: {  	_ =	shalt  }
0x61: {  	_ =	shalt  }
0x62: {  	_ =	shalt  }
0x63: {  	_ =	shalt  }
0x64: {  	_ =	shalt  }
0x65: {  	_ =	shalt  }
0x66: {  	_ =	shalt  }
0x67: {  	_ =	shalt  }
0x68: {  	_ =	shalt  }
0x69: {  	_ =	shalt  }
0x6a: {  	_ =	shalt  }
0x6b: {  	_ =	shalt  }
0x6c: {  	_ =	shalt  }
0x6d: {  	_ =	shalt  }
0x6e: {  	_ =	shalt  }
0x6f: {  	_ =	shalt  }
0x70: {  	_ =	shalt  }
0x71: {  	_ =	shalt  }
0x72: {  	_ =	shalt  }
0x73: {  	_ =	shalt  }
0x74: {  	_ =	shalt  }
0x75: {  	_ =	shalt  }
0x76: {  	_ =	shalt  }
0x77: {  	_ =	shalt  }
0x78: {  	_ =	shalt  }
0x79: {  	_ =	shalt  }
0x7a: {  	_ =	shalt  }
0x7b: {  	_ =	shalt  }
0x7c: {  	_ =	shalt  }
0x7d: {  	_ =	shalt  }
0x7e: {  	_ =	shalt  }
0x7f: {  	_ =	shalt  }
0x80: {  	_ =	shalt  }
0x81: {  	_ =	shalt  }
0x82: {  	_ =	shalt  }
0x83: {  	_ =	shalt  }
0x84: {  	_ =	shalt  }
0x85: {  	_ =	shalt  }
0x86: {  	_ =	shalt  }
0x87: {  	_ =	shalt  }
.Lfunc_end0:
.L_simem_size_0:
called_computation_lowered:
.L_overlay_start_0:
0x88: {  	s2 =	sld [smem:$0x3FD9]  }
0x89: {  	s3 =	sld [smem:$0x3FFE];
	_ =	sdelay $0x1  }
0x8a: {  	s1 =	srdreg.scid  }
0x8b: {  	s0 =	sand.u32 $0x1, s1  }
0x8c: {  	s15 =	sshll.u32 s0, $0xA;
	s2 =	sadd.s32 s3, s2  }
0x8d: {  	s2 =	sadd.s32 s2, s15  }
0x8e: {  	[smem:$0x3FB9] =	sst s2  }
0x8f: {  	_ = 	snop  }
0x90: {  	s2 =	sld [smem:$0x3FD0];
	_ =	sdelay $0x2  }
0x91: {  	s16 =	simm.s32 $0xD;
	s4 =	simm.s32 $0x10  }
0x92: {  	[smem:s4], [sflag:s16] =	dma.local [hbm:s2], $0x1  }
0x93: {  	_ =	swait.eq [sflag:s16], $0x1  }
0x94: {  	[sflag:s16] =	ssyncset.done $0x0  }
0x95: {  	[sflag:s16] =	ssyncadd.s32 $0xFFFFFFFF  }
0x96: {  	s17 =	sld [smem:$0x11];
	(tm) =	ssettm $0x1  }
0x97: {  	s18 =	sld [smem:$0x3FFB];
	_ =	sdelay $0x3  }
0x98: {  	_ =	strace s18  }
0x99: {  	s2 =	sld [smem:$0x3FFC];
	_ =	sdelay $0x3  }
0x9a: {  	_ =	strace s2  }
0x9b: {  	s2 =	sld [smem:$0x3FFD];
	_ =	sdelay $0x3  }
0x9c: {  	_ =	strace s2  }
0x9d: {  	_ =	strace $0x8FFFFFFF  }
0x9e: {  	s19 =	sld [smem:$0x3FDB];
	_ =	sdelay $0x1  }
0x9f: {  	s20 =	simm.s32 $_scs_section_size  }
0xa0: {  	s5 =	simm.s32 $_size__tile_overlayer_lowered;
	s6 =	simm.s32 $_tile_overlayer_lowered  }
0xa1: {  	s7 =	simm.s32 $0x1BFF;
	s21 =	sshll.u32 s6, $0x1;
	s4 =	sadd.s32 s20, s19  }
0xa2: {  	s22 =	simm.s32 $0x0;
	s5 =	sshll.u32 s5, $0x1;
	s6 =	sadd.s32 s21, s4  }
0xa3: {  	[timem:s22], [sflag:s7] =	dma.local [hbm:s6], s5  }
0xa4: {  	_ =	swait.ge [sflag:s7], s5  }
0xa5: {  	s5 =	ssub.s32 $0x0, s5;
	[sflag:s7] =	ssyncset.done $0x0  }
0xa6: {  	[sflag:s7] =	ssyncadd.s32 s5;
	_ =	sdelay $0x1  }
0xa7: {  	s23 =	simm.s32 $0x1B8B  }
0xa8: {  	_ =	swait.ge [sflag:s23], $0x1  }
0xa9: {  	[sflag:s23] =	ssyncset.done $0x0  }
0xaa: {  	[sflag:s23] =	ssyncadd.s32 $0xFFFFFFFF  }
0xab: {  	s5 =	sld [smem:$0x0]  }
0xac: {  	s6 =	sand.u32 $0xFFFFFFFE, s1  }
0xad: {  	p0 =	sne.s32 s1, s6  }
0xae: {  	s6 =	sshll.u32 @p0 s6, $0xE  }
0xaf: {  	s6 =	sadd.s32 @p0 $0x11B8D, s6;
	s7 =	sshll.u32 @p0 s5, $0x11  }
0xb0: {  	s6 =	sor.u32 @p0 s7, s6  }
0xb1: {  	[sflag:s6] =	ssyncadd.remote.s32 @p0 $0x1;
	_ =	sdelay $0x1  }
0xb2: {  	s6 =	simm.s32 @p0 $0x1B8D  }
0xb3: {  	_ =	swait.eq @p0 [sflag:s6], $0x1  }
0xb4: {  	[sflag:s6] =	ssyncadd.s32 @p0 $0xFFFFFFFF  }
0xb5: {  	s7 =	sshll.u32 @!p0 s1, $0xE  }
0xb6: {  	s7 =	sor.u32 @!p0 $0x4000, s7;
	s6 =	simm.s32 @!p0 $0x1B8D  }
0xb7: {  	s5 =	sshll.u32 @!p0 s5, $0x11;
	s7 =	sadd.s32 @!p0 $0x11B8D, s7;
	_ =	swait.eq @!p0 [sflag:s6], $0x1  }
0xb8: {  	s5 =	sor.u32 @!p0 s5, s7;
	[sflag:s6] =	ssyncadd.s32 @!p0 $0xFFFFFFFF  }
0xb9: {  	s25 =	simm.s32 $0x1B8E;
	s24 =	sld [smem:$0x3FFE];
	[sflag:s5] =	ssyncadd.remote.s32 @!p0 $0x1  }
0xba: {  	s26 =	simm.s32 $execute0_lowered;
	[smem:$0x3FD2] =	sst s25  }
0xbb: {  	s6 =	sshll.u32 s26, $0x1;
	_ =	strace $0x8000004C;
	[dreg:$0x1] =	wrdreg $0xFFFFFFFF  }
0xbc: {  	s28 =	simm.s32 $_size_execute0_lowered;
	s4 =	sadd.s32 s4, s6;
	[dreg:$0x0] =	wrdreg $0x0  }
0xbd: {  	s6 =	sshll.u32 s28, $0x1;
	[dreg:$0x2] =	wrdreg s4  }
0xbe: {  	[dreg:$0x3] =	wrdreg s6  }
0xbf: {  	[dreg:$0x4] =	wrdreg $0xC0  }
0xc0: {  	_ =	task [dreg:s22], $0x5FFFF  }
0xc1: {  	[dreg:$0x1] =	wrdreg $0xFFFFFFFF  }
0xc2: {  	[dreg:$0x0] =	wrdreg $0x60  }
0xc3: {  	[dreg:$0x2] =	wrdreg s24  }
0xc4: {  	[dreg:$0x3] =	wrdreg s17  }
0xc5: {  	[dreg:$0x4] =	wrdreg $0x90800  }
0xc6: {  	[dreg:$0x5] =	wrdreg $0x9  }
0xc7: {  	_ =	task.clear_ibuf [dreg:s22], $0x6FFFF;
	_ =	strace $0x9000004C  }
0xc8: {  	s29 =	simm.s32 $0x9;
	_ =	strace $0x8000004E  }
0xc9: {  	_ =	swait.ge [sflag:s29], $0x1  }
0xca: {  	[sflag:s29] =	ssyncadd.s32 $0xFFFFFFFF  }
0xcb: {  	_ =	strace $0x9000004E  }
0xcc: {  	_ =	sfence  }
0xcd: {  	s30 =	sld [smem:$0x0];
	_ =	sdelay $0x2  }
0xce: {  	s31 =	sshll.u32 s1, $0xD;
	s1 =	sshrl.u32 s1, $0x2  }
0xcf: {  	s4 =	sand.u32 $0x4000, s31;
	s1 =	sadd.s32 s1, s30  }
0xd0: {  	s0 =	sor.u32 s4, s0;
	s1 =	sshll.u32 s1, $0x11  }
0xd1: {  	s0 =	sor.u32 s1, s0  }
0xd2: {  	s0 =	sadd.s32 $0x8F2B, s0  }
0xd3: {  	[sflag:s0] =	ssyncadd.remote.s32 $0x1  }
0xd4: {  	_ =	sfence.sel $0xFFFF  }
0xd5: {  	[dreg:$0x0] =	wrdreg $0xFFFFFFFF;
	(pc) =	sbr.abs _section_cstart, $3  }
0xd6: {  	[dreg:$0x1] =	wrdreg $0xFFFFFFFF  }
0xd7: {  	_ =	task.clear_ibuf [dreg:s22], $0x2FFFF;
	_ =	strace $0x9FFFFFFF  }
0xd8: {  	(tm) =	ssettm $0x7FFFFFFF  }
0xd9: {  	_ =	shalt  }
tec
execute0_lowered:
.L_overlay_start_1:
0x0: {  	(tag) =	ssettag $0x1  }
0x1: {  	s7 =	rddreg [dreg:$0x0]  }
0x2: {  	s0 =	srdreg.scid;
	s2 =	rddreg [dreg:$0x1]  }
0x3: {  	s3 =	rddreg [dreg:$0x2];
	s4 =	simm.s32 $0x0;
	s14 =	simm.s32 $0x9000  }
0x4: {  	s15 =	simm.s32 $0x7D;
	s6 =	sand.u32 $0x1, s0;
	s0 =	stileid.u32  }
0x5: {  	s16 =	simm.s32 $0x5000;
	s17 =	simm.s32 $0x0;
	s9 =	smul.u32 $0x14000, s0  }
0x6: {  	[smem:$0x7FF] =	sst s4;
	s5 =	sadd.s32 $0x18C00, s7;
	s10 =	smul.u32 $0x140000, s6  }
0x7: {  	s1 =	sshll.u32 s6, $0x4;
	s29 =	smul.u32 $0x50000, s0;
	s6 =	ssub.s32 $0x2, s6  }
0x8: {  	s31 =	sshll.u32 s0, $0x6;
	s1 =	sor.u32 s0, s1;
	s30 =	sshrl.u32 s6, $0x1  }
0x9: {  	s8 =	smul.u32 $0x500, s1;
	s1 =	rddreg [dreg:$0x3];
	_ =	strace $0x8000004D  }
0xa: {  	s11 =	sshrl.u32 s9, $0x3;
	s9 =	sadd.s32 s9, s10;
	s10 =	sshrl.u32 s29, $0x2  }
.Ltmp0:
0xb: {  	s12 =	ssub.s32 s6, s30;
	s11 =	sadd.s32 s11, s7;
	(pc) =	sbr.rel .LBB2_1-.Ltmp0, $4  }
0xc: {  	s9 =	sshrl.u32 s9, $0x3;
	s13 =	sadd.s32 s10, s3;
	s10 =	smax.u32 s12, $0x1  }
0xd: {  	s12 =	simm.s32 $0x1;
	s8 =	sadd.s32 s8, s7;
	s9 =	sadd.s32 s9, s7  }
0xe: {  	s6 =	sadd.s32 $0x3FE00, s11;
	s7 =	sor.u32 $0x1C01, s31;
	s11 =	sshrl.u32 s13, $0x3  }
0xf: {  	v0 =	vimm.f32 $1.000000000e+00;
	s13 =	simm.s32 $0x2800;
	s8 =	sadd.s32 $0x4C00, s8;
	s9 =	sadd.s32 $0x112000, s9  }
.LBB2_10:
0x10: {  	s17 =	sadd.s32 $0x1, s17  }
0x11: {  	p0 =	sne.s32 s17, s10  }
.Ltmp1:
0x12: {  	[bflag:$0x0] =	sbarrier.arrive $0xFFFF;
	(pc) =	sbr.rel @!p0 .LBB2_11-.Ltmp1, $4  }
0x13: {  	[hbm:s9], [sflag:s7] =	dma.local [spmem:s11], $0x2800  }
0x14: {  	_ =	swait.ge [sflag:s12], $0x2800  }
0x15: {  	[sflag:s12] =	ssyncset.done $0x0  }
0x16: {  	[sflag:s12] =	ssyncadd.s32 $0xFFFFD800  }
.LBB2_1:
0x17: {  	[spmem:s11], [sflag:s7] =	dma.local [hbm:s6], $0x2800  }
0x18: {  	_ =	swait.ge [sflag:s12], $0x2800  }
0x19: {  	[sflag:s12] =	ssyncset.done $0x0  }
0x1a: {  	[sflag:s12] =	ssyncadd.s32 $0xFFFFD800  }
0x1b: {  	[bflag:$0x0] =	sbarrier.arrive $0xFFFF  }
0x1c: {  	[tilespmem:s4], [sflag:$0x1] =	stream.linear.gather [hbm4b:s8+s4], $0x2800, $0x38;
	[tilespmem:$0x1D080] =	vst v63  }
0x1d: {  	_ =	swait.ge [sflag:s12], $0x2800  }
0x1e: {  	[sflag:s12] =	ssyncset.done $0x0  }
0x1f: {  	[sflag:s12] =	ssyncadd.s32 $0xFFFFD800  }
0x20: {  	[tilespmem:s13], [sflag:$0x1] =	stream.linear.gather [hbm4b:s8+s4], $0x2800, $0x38;
	[tilespmem:$0x1D080] =	vst v63  }
0x21: {  	_ =	swait.ge [sflag:s12], $0x2800  }
0x22: {  	[sflag:s12] =	ssyncset.done $0x0  }
0x23: {  	[sflag:s12] =	ssyncadd.s32 $0xFFFFD800  }
0x24: {  	[tilespmem:s14], [sflag:$0x1] =	stream.linear.gather [hbm4b:s2+s4], $0x80, $0x38;
	[tilespmem:$0x1D080] =	vst v63  }
0x25: {  	_ =	swait.ge [sflag:s12], $0x80  }
0x26: {  	[sflag:s12] =	ssyncset.done $0x0  }
0x27: {  	[sflag:s12] =	ssyncadd.s32 $0xFFFFFF80  }
0x28: {  	v1 =	vld [tilespmem:$0x9000];
	_ =	sdelay $0x4  }
0x29: {  	(v2sf) =	vpush v1, $0x0;
	_ =	sdelay $0xe  }
0x2a: {  	s18 =	spop (v2sf)  }
0x2b: {  	p0 =	seq.s32 s18, $0x0  }
.Ltmp2:
0x2c: {  	_ = 	snop;
	(pc) =	sbr.rel @p0 .LBB2_5-.Ltmp2, $1  }
0x2d: {  	_ =	sdelay $0x3  }
0x2e: {  	s18 =	simm.s32 $0x0  }
0x2f: {  	[tilespmem:s16], [sflag:$0x1] =	stream.indirect.gather [hbm4b:s5+s15], $0x80, s18, s15, $0xb8;
	[tilespmem:$0x1D080] =	vst v63  }
0x30: {  	_ =	swait.ge [sflag:s12], $0x3E80  }
0x31: {  	[sflag:s12] =	ssyncset.done $0x0  }
0x32: {  	s31 =	simm.s32 $0x2800;
	[sflag:s12] =	ssyncadd.s32 $0xFFFFC180  }
0x33: {  	[spmem:s3] =	stream.indirect.scatter.add.f32 [tilespmem:s16], [sflag:$0x1], $0x80, s31, s15, $0xb8;
	[tilespmem:$0x1D080] =	vst v63  }
0x34: {  	_ =	swait.ge [sflag:s12], $0x3E80  }
0x35: {  	s19 =	simm.s32 $0x400;
	s18 =	simm.s32 $0x200;
	[sflag:s12] =	ssyncset.done $0x0  }
.LBB2_3:
0x36: {  	s20 =	sshra.s32 s18, $0x2  }
0x37: {  	[sflag:s12] =	ssyncadd.s32 $0xFFFFC180;
	s18 =	smov.u32 s19;
	s21 =	sadd.s32 $0x200, s19  }
0x38: {  	[tilespmem:s16], [sflag:$0x1] =	stream.indirect.gather [hbm4b:s5+s15], $0x80, s20, s15, $0xb8;
	[tilespmem:$0x1D080] =	vst v63  }
0x39: {  	p0 =	seq.s32 s19, $0x9E00;
	_ =	swait.ge [sflag:s12], $0x3E80  }
.Ltmp3:
0x3a: {  	[sflag:s12] =	ssyncset.done $0x0;
	(pc) =	sbr.rel @!p0 .LBB2_3-.Ltmp3, $4  }
0x3b: {  	s19 =	sadd.s32 $0x2800, s20;
	[sflag:s12] =	ssyncadd.s32 $0xFFFFC180  }
0x3c: {  	[spmem:s3] =	stream.indirect.scatter.add.f32 [tilespmem:s16], [sflag:$0x1], $0x80, s19, s15, $0xb8;
	[tilespmem:$0x1D080] =	vst v63  }
0x3d: {  	_ =	swait.ge [sflag:s12], $0x3E80  }
0x3e: {  	s19 =	smov.u32 s21;
	[sflag:s12] =	ssyncset.done $0x0  }
0x3f: {  	s18 =	sshra.s32 s18, $0x2;
	[sflag:s12] =	ssyncadd.s32 $0xFFFFC180  }
0x40: {  	[tilespmem:s16], [sflag:$0x1] =	stream.indirect.gather [hbm4b:s5+s15], $0x80, s18, s15, $0xb8;
	[tilespmem:$0x1D080] =	vst v63  }
0x41: {  	_ =	swait.ge [sflag:s12], $0x3E80  }
0x42: {  	[sflag:s12] =	ssyncset.done $0x0  }
.Ltmp4:
0x43: {  	s18 =	sadd.s32 $0x2800, s18;
	[sflag:s12] =	ssyncadd.s32 $0xFFFFC180;
	(pc) =	sbr.rel .LBB2_10-.Ltmp4, $4  }
0x44: {  	[spmem:s3] =	stream.indirect.scatter.add.f32 [tilespmem:s16], [sflag:$0x1], $0x80, s18, s15, $0xb8;
	[tilespmem:$0x1D080] =	vst v63  }
0x45: {  	_ =	swait.ge [sflag:s12], $0x3E80  }
0x46: {  	[sflag:s12] =	ssyncset.done $0x0  }
0x47: {  	[sflag:s12] =	ssyncadd.s32 $0xFFFFC180  }
.LBB2_5:
0x48: {  	s18 =	sshra.s32 s4, $0x2;
	s19 =	sadd.s32 $0x200, s4  }
.LBB2_6:
0x49: {  	p0 =	sne.s32 s19, $0xF800;
	[tilespmem:s18+$0x5070] =	vst v0  }
0x4a: {  	[tilespmem:s18+$0x5000] =	vst v0  }
0x4b: {  	[tilespmem:s18+$0x5010] =	vst v0  }
.Ltmp5:
0x4c: {  	[tilespmem:s18+$0x5020] =	vst v0;
	(pc) =	sbr.rel @p0 .LBB2_6-.Ltmp5, $4  }
0x4d: {  	[tilespmem:s18+$0x5030] =	vst v0  }
0x4e: {  	[tilespmem:s18+$0x5040] =	vst v0  }
0x4f: {  	[tilespmem:s18+$0x5050] =	vst v0  }
0x50: {  	[tilespmem:s18+$0x5060] =	vst v0;
	s18 =	sshra.s32 s19, $0x2;
	s19 =	sadd.s32 $0x200, s19  }
0x51: {  	[tilespmem:s18+$0x5070] =	vst v0  }
0x52: {  	[tilespmem:s18+$0x5000] =	vst v0  }
0x53: {  	[tilespmem:s18+$0x5010] =	vst v0  }
0x54: {  	[tilespmem:s18+$0x5020] =	vst v0  }
0x55: {  	[tilespmem:s18+$0x5030] =	vst v0  }
0x56: {  	[tilespmem:s18+$0x5040] =	vst v0  }
0x57: {  	[tilespmem:s18+$0x5050] =	vst v0  }
0x58: {  	[tilespmem:s18+$0x5060] =	vst v0;
	s31 =	simm.s32 $0x2800  }
0x59: {  	[spmem:s3] =	stream.indirect.scatter.add.f32 [tilespmem:s16], [sflag:$0x1], $0x80, s31, s15, $0xb8;
	[tilespmem:$0x1D080] =	vst v63  }
0x5a: {  	s18 =	simm.s32 $0x200;
	_ =	swait.ge [sflag:s12], $0x3E80  }
.LBB2_8:
0x5b: {  	s19 =	sshra.s32 s18, $0x2;
	[sflag:s12] =	ssyncset.done $0x0;
	p0 =	sne.s32 s18, $0x9E00  }
.Ltmp6:
0x5c: {  	s19 =	sadd.s32 $0x2800, s19;
	[sflag:s12] =	ssyncadd.s32 $0xFFFFC180;
	(pc) =	sbr.rel @p0 .LBB2_8-.Ltmp6, $3  }
0x5d: {  	[spmem:s3] =	stream.indirect.scatter.add.f32 [tilespmem:s16], [sflag:$0x1], $0x80, s19, s15, $0xb8;
	[tilespmem:$0x1D080] =	vst v63  }
0x5e: {  	s18 =	sadd.s32 $0x200, s18;
	_ =	sdelay $0x1  }
0x5f: {  	_ =	swait.ge [sflag:s12], $0x3E80  }
.Ltmp7:
0x60: {  	(pc) =	sbr.rel .LBB2_10-.Ltmp7, $3  }
0x61: {  	_ =	sdelay $0x1  }
0x62: {  	[sflag:s12] =	ssyncset.done $0x0  }
0x63: {  	[sflag:s12] =	ssyncadd.s32 $0xFFFFC180  }
.LBB2_11:
0x64: {  	_ =	sfence.sel $0x180000  }
0x65: {  	[bflag:$0x0] =	sbarrier.arrive $0xFFFF  }
0x66: {  	p0 =	sne.s32 s0, $0x0;
	_ =	strace $0x9000004D  }
0x67: {  	s0 =	sadd.s32 @!p0 $0x100000, s1;
	[bflag:$0x2] =	sbarrier.arrive $0xFFFF  }
0x68: {  	[sflag:s0] =	ssyncadd.tile.s32 @!p0 $0x1;
	_ =	shalt  }
.Lfunc_end2:
_tile_overlayer_lowered:
.L_overlay_start_2:
0x69: {  	(tag) =	ssettag $0x2  }
0x6a: {  	s0 =	rddreg [dreg:$0x0];
	s2 =	stileid.u32  }
0x6b: {  	s1 =	rddreg [dreg:$0x1];
	p0 =	sne.s32 s2, $0x0  }
0x6c: {  	s3 =	rddreg [dreg:$0x2];
	[bflag:$0x3] =	sbarrier.arrive $0xFFFF;
	s2 =	simm.s32 @!p0 $0x1C01  }
0x6d: {  	[timem:s3], [sflag:s2] =	dma.local @!p0 [hbm:s0], s1  }
0x6e: {  	s0 =	simm.s32 @!p0 $0x1  }
0x6f: {  	_ =	swait.ge @!p0 [sflag:s0], s1  }
0x70: {  	s1 =	ssub.s32 @!p0 $0x0, s1;
	[sflag:s0] =	ssyncset.done @!p0 $0x0  }
0x71: {  	[sflag:s0] =	ssyncadd.s32 @!p0 s1  }
0x72: {  	[bflag:$0x3] =	sbarrier.arrive $0xFFFF  }
0x73: {  	_ =	shalt  }

// kernel: kernel.16.cloned.1.call-start
scs
__scs_entry_jumppad:
0x0: {  	(pc) =	sbr.rel $0x88, $3  }
0x1: {  	(tag) =	ssettag $0x0;
	lr =	simm.s32 $0x1  }
0x2: {  	[smem:$0x3F92] =	sst lr;
	_ =	strace $0xD0000000  }
0x3: {  	_ = 	snop  }
0x4: {  	_ = 	snop  }
0x5: {  	_ = 	snop  }
0x6: {  	_ = 	snop  }
0x7: {  	_ = 	snop  }
__scs_overlays_trampoline_lowered:
0x8: {  	[smem:$0x3FA1] =	sst s0  }
0x9: {  	[smem:$0x3FA2] =	sst s1  }
0xa: {  	[smem:$0x3FA3] =	sst s2  }
0xb: {  	[smem:$0x3FA4] =	sst s3  }
0xc: {  	[smem:$0x3FA5] =	sst s4  }
0xd: {  	[smem:$0x3FA6] =	sst s5  }
0xe: {  	[smem:$0x3FA7] =	sst s6  }
0xf: {  	[smem:$0x3FA8] =	sst s7  }
0x10: {  	[smem:$0x3FA9] =	sst s8  }
0x11: {  	[smem:$0x3FAA] =	sst s9;
	s0 =	simm.s32 @!p0 $0x0  }
0x12: {  	s1 =	sld [smem:$0x3F90];
	s0 =	simm.s32 @p0 $0x1  }
0x13: {  	[smem:$0x3FAB] =	sst s0;
	s0 =	simm.s32 @!p1 $0x0  }
0x14: {  	s2 =	sld [smem:$0x3F8F];
	s0 =	simm.s32 @p1 $0x1  }
0x15: {  	[smem:$0x3FAC] =	sst s0;
	s0 =	simm.s32 @!p2 $0x0  }
0x16: {  	s3 =	sld [smem:$0x3FDB];
	s0 =	simm.s32 @p2 $0x1  }
0x17: {  	s4 =	simm.s32 $0x1BF5;
	[smem:$0x3FAE] =	sst s0  }
0x18: {  	s0 =	sld [smem:$0x3F91];
	_ =	swait.ge [sflag:s4], $0x0  }
0x19: {  	s7 =	sld [smem:$0x3F92]  }
0x1a: {  	s8 =	sadd.s32 $0xFFFFE003, lr  }
0x1b: {  	s9 =	sadd.s32 $0xFFFFFEF7, lr;
	s5 =	simm.s32 $0xFFFFFFFF;
	p2 =	slt.u32 s8, $0xFFFFF086  }
0x1c: {  	p1 =	slt.u32 s9, $0xF7A;
	s5 =	simm.s32 @!p2 $0x0  }
0x1d: {  	s5 =	simm.s32 @p1 $0x1;
	p0 =	seq.s32 s7, s2  }
0x1e: {  	s7 =	smul.u32 @!p0 $0xF7A, s2;
	p2 =	seq.s32 @!p0 s5, $0x0  }
0x1f: {  	s9 =	smul.u32 $0xF7A, s1;
	s8 =	simm.s32 @!p0 $0x1BF5;
	p2 =	por !p2, p0  }
0x20: {  	[sflag:s8] =	ssyncset.s32 @!p0 $0xFFFFF086;
	s6 =	sadd.s32 @!p0 s3, s7;
	s7 =	simm.s32 @!p0 $0x108  }
0x21: {  	s3 =	sadd.s32 s3, s9;
	s6 =	sadd.s32 @!p0 $0x88, s6;
	s7 =	simm.s32 @p2 $0x1082  }
0x22: {  	[simem:s7], [sflag:s8] =	dma.local @!p0 [hbm:s6], $0xF7A  }
0x23: {  	s9 =	sor.u32 $0xD0000000, s2;
	s6 =	simm.s32 $0x108;
	_ =	swait.ge @!p0 [sflag:s8], $0x0  }
0x24: {  	s3 =	sadd.s32 $0x88, s3;
	s6 =	simm.s32 @!p1 $0x1082;
	[sflag:s4] =	ssyncset.s32 $0xFFFFF086  }
0x25: {  	[simem:s6], [sflag:s4] =	dma.local [hbm:s3], $0xF7A  }
0x26: {  	[smem:$0x3F92] =	sst s1;
	(tag) =	ssettag s2;
	_ =	strace s9  }
0x27: {  	s1 =	sld [smem:$0x3FA2]  }
0x28: {  	s2 =	sld [smem:$0x3FA3]  }
0x29: {  	s4 =	sld [smem:$0x3FA5]  }
0x2a: {  	p0 =	seq.s32 s5, $0x0;
	s5 =	sld [smem:$0x3FA6]  }
0x2b: {  	s6 =	sld [smem:$0x3FA7]  }
0x2c: {  	s7 =	sld [smem:$0x3FA8]  }
0x2d: {  	s3 =	simm.s32 $0x108;
	s8 =	sld [smem:$0x3FA9]  }
0x2e: {  	s3 =	simm.s32 @!p0 $0x1082;
	s9 =	sld [smem:$0x3FAA]  }
0x2f: {  	lr =	sadd.s32 s0, s3;
	s0 =	sld [smem:$0x3FA1]  }
0x30: {  	s3 =	sld [smem:$0x3FA4]  }
0x31: {  	[smem:$0x3FAD] =	sst s10  }
0x32: {  	s10 =	sld [smem:$0x3FAB];
	_ =	sdelay $0x3  }
0x33: {  	p0 =	seq.s32 s10, $0x1;
	s10 =	sld [smem:$0x3FAD];
	_ =	sdelay $0x3  }
0x34: {  	[smem:$0x3FAD] =	sst s10  }
0x35: {  	s10 =	sld [smem:$0x3FAC];
	_ =	sdelay $0x3  }
0x36: {  	p1 =	seq.s32 s10, $0x1;
	s10 =	sld [smem:$0x3FAD];
	_ =	sdelay $0x3  }
0x37: {  	[smem:$0x3FAD] =	sst s10  }
0x38: {  	s10 =	sld [smem:$0x3FAE]  }
0x39: {  	_ = 	snop;
	(pc) =	sbr.ind lr, $3  }
0x3a: {  	_ = 	snop  }
0x3b: {  	_ = 	snop  }
0x3c: {  	p2 =	seq.s32 s10, $0x1;
	s10 =	sld [smem:$0x3FAD]  }
0x3d: {  	_ =	shalt  }
0x3e: {  	_ =	shalt  }
0x3f: {  	_ =	shalt  }
0x40: {  	_ =	shalt  }
0x41: {  	_ =	shalt  }
0x42: {  	_ =	shalt  }
0x43: {  	_ =	shalt  }
0x44: {  	_ =	shalt  }
0x45: {  	_ =	shalt  }
0x46: {  	_ =	shalt  }
0x47: {  	_ =	shalt  }
0x48: {  	_ =	shalt  }
0x49: {  	_ =	shalt  }
0x4a: {  	_ =	shalt  }
0x4b: {  	_ =	shalt  }
0x4c: {  	_ =	shalt  }
0x4d: {  	_ =	shalt  }
0x4e: {  	_ =	shalt  }
0x4f: {  	_ =	shalt  }
0x50: {  	_ =	shalt  }
0x51: {  	_ =	shalt  }
0x52: {  	_ =	shalt  }
0x53: {  	_ =	shalt  }
0x54: {  	_ =	shalt  }
0x55: {  	_ =	shalt  }
0x56: {  	_ =	shalt  }
0x57: {  	_ =	shalt  }
0x58: {  	_ =	shalt  }
0x59: {  	_ =	shalt  }
0x5a: {  	_ =	shalt  }
0x5b: {  	_ =	shalt  }
0x5c: {  	_ =	shalt  }
0x5d: {  	_ =	shalt  }
0x5e: {  	_ =	shalt  }
0x5f: {  	_ =	shalt  }
0x60: {  	_ =	shalt  }
0x61: {  	_ =	shalt  }
0x62: {  	_ =	shalt  }
0x63: {  	_ =	shalt  }
0x64: {  	_ =	shalt  }
0x65: {  	_ =	shalt  }
0x66: {  	_ =	shalt  }
0x67: {  	_ =	shalt  }
0x68: {  	_ =	shalt  }
0x69: {  	_ =	shalt  }
0x6a: {  	_ =	shalt  }
0x6b: {  	_ =	shalt  }
0x6c: {  	_ =	shalt  }
0x6d: {  	_ =	shalt  }
0x6e: {  	_ =	shalt  }
0x6f: {  	_ =	shalt  }
0x70: {  	_ =	shalt  }
0x71: {  	_ =	shalt  }
0x72: {  	_ =	shalt  }
0x73: {  	_ =	shalt  }
0x74: {  	_ =	shalt  }
0x75: {  	_ =	shalt  }
0x76: {  	_ =	shalt  }
0x77: {  	_ =	shalt  }
0x78: {  	_ =	shalt  }
0x79: {  	_ =	shalt  }
0x7a: {  	_ =	shalt  }
0x7b: {  	_ =	shalt  }
0x7c: {  	_ =	shalt  }
0x7d: {  	_ =	shalt  }
0x7e: {  	_ =	shalt  }
0x7f: {  	_ =	shalt  }
0x80: {  	_ =	shalt  }
0x81: {  	_ =	shalt  }
0x82: {  	_ =	shalt  }
0x83: {  	_ =	shalt  }
0x84: {  	_ =	shalt  }
0x85: {  	_ =	shalt  }
0x86: {  	_ =	shalt  }
0x87: {  	_ =	shalt  }
.Lfunc_end0:
.L_simem_size_0:
called_computation.1_lowered:
.L_overlay_start_0:
0x88: {  	s2 =	sld [smem:$0x3FD9]  }
0x89: {  	s3 =	sld [smem:$0x3FFE];
	_ =	sdelay $0x1  }
0x8a: {  	s1 =	srdreg.scid  }
0x8b: {  	s0 =	sand.u32 $0x1, s1  }
0x8c: {  	s15 =	sshll.u32 s0, $0xA;
	s2 =	sadd.s32 s3, s2  }
0x8d: {  	s2 =	sadd.s32 s2, s15  }
0x8e: {  	[smem:$0x3FB9] =	sst s2  }
0x8f: {  	_ = 	snop  }
0x90: {  	s2 =	sld [smem:$0x3FD0];
	_ =	sdelay $0x2  }
0x91: {  	s16 =	simm.s32 $0xD;
	s4 =	simm.s32 $0x10  }
0x92: {  	[smem:s4], [sflag:s16] =	dma.local [hbm:s2], $0x1  }
0x93: {  	_ =	swait.eq [sflag:s16], $0x1  }
0x94: {  	[sflag:s16] =	ssyncset.done $0x0  }
0x95: {  	[sflag:s16] =	ssyncadd.s32 $0xFFFFFFFF  }
0x96: {  	s17 =	sld [smem:$0x11];
	(tm) =	ssettm $0x1  }
0x97: {  	s18 =	sld [smem:$0x3FFB];
	_ =	sdelay $0x3  }
0x98: {  	_ =	strace s18  }
0x99: {  	s2 =	sld [smem:$0x3FFC];
	_ =	sdelay $0x3  }
0x9a: {  	_ =	strace s2  }
0x9b: {  	s2 =	sld [smem:$0x3FFD];
	_ =	sdelay $0x3  }
0x9c: {  	_ =	strace s2  }
0x9d: {  	_ =	strace $0x8FFFFFFF  }
0x9e: {  	s19 =	sld [smem:$0x3FDB];
	_ =	sdelay $0x1  }
0x9f: {  	s20 =	simm.s32 $_scs_section_size  }
0xa0: {  	s5 =	simm.s32 $_size__tile_overlayer_lowered;
	s6 =	simm.s32 $_tile_overlayer_lowered  }
0xa1: {  	s7 =	simm.s32 $0x1BFF;
	s21 =	sshll.u32 s6, $0x1;
	s4 =	sadd.s32 s20, s19  }
0xa2: {  	s22 =	simm.s32 $0x0;
	s5 =	sshll.u32 s5, $0x1;
	s6 =	sadd.s32 s21, s4  }
0xa3: {  	[timem:s22], [sflag:s7] =	dma.local [hbm:s6], s5  }
0xa4: {  	_ =	swait.ge [sflag:s7], s5  }
0xa5: {  	s5 =	ssub.s32 $0x0, s5;
	[sflag:s7] =	ssyncset.done $0x0  }
0xa6: {  	[sflag:s7] =	ssyncadd.s32 s5;
	_ =	sdelay $0x1  }
0xa7: {  	s23 =	simm.s32 $0x1B8B  }
0xa8: {  	_ =	swait.ge [sflag:s23], $0x1  }
0xa9: {  	[sflag:s23] =	ssyncset.done $0x0  }
0xaa: {  	[sflag:s23] =	ssyncadd.s32 $0xFFFFFFFF  }
0xab: {  	s5 =	sld [smem:$0x0]  }
0xac: {  	s6 =	sand.u32 $0xFFFFFFFE, s1  }
0xad: {  	p0 =	sne.s32 s1, s6  }
0xae: {  	s6 =	sshll.u32 @p0 s6, $0xE  }
0xaf: {  	s6 =	sadd.s32 @p0 $0x11B8D, s6;
	s7 =	sshll.u32 @p0 s5, $0x11  }
0xb0: {  	s6 =	sor.u32 @p0 s7, s6  }
0xb1: {  	[sflag:s6] =	ssyncadd.remote.s32 @p0 $0x1;
	_ =	sdelay $0x1  }
0xb2: {  	s6 =	simm.s32 @p0 $0x1B8D  }
0xb3: {  	_ =	swait.eq @p0 [sflag:s6], $0x1  }
0xb4: {  	[sflag:s6] =	ssyncadd.s32 @p0 $0xFFFFFFFF  }
0xb5: {  	s7 =	sshll.u32 @!p0 s1, $0xE  }
0xb6: {  	s7 =	sor.u32 @!p0 $0x4000, s7;
	s6 =	simm.s32 @!p0 $0x1B8D  }
0xb7: {  	s5 =	sshll.u32 @!p0 s5, $0x11;
	s7 =	sadd.s32 @!p0 $0x11B8D, s7;
	_ =	swait.eq @!p0 [sflag:s6], $0x1  }
0xb8: {  	s5 =	sor.u32 @!p0 s5, s7;
	[sflag:s6] =	ssyncadd.s32 @!p0 $0xFFFFFFFF  }
0xb9: {  	s25 =	simm.s32 $0x1B8E;
	s24 =	sld [smem:$0x3FFE];
	[sflag:s5] =	ssyncadd.remote.s32 @!p0 $0x1  }
0xba: {  	s26 =	simm.s32 $execute0_lowered;
	[smem:$0x3FD2] =	sst s25  }
0xbb: {  	s6 =	sshll.u32 s26, $0x1;
	_ =	strace $0x8000004F;
	[dreg:$0x1] =	wrdreg $0xFFFFFFFF  }
0xbc: {  	s28 =	simm.s32 $_size_execute0_lowered;
	s4 =	sadd.s32 s4, s6;
	[dreg:$0x0] =	wrdreg $0x0  }
0xbd: {  	s6 =	sshll.u32 s28, $0x1;
	[dreg:$0x2] =	wrdreg s4  }
0xbe: {  	[dreg:$0x3] =	wrdreg s6  }
0xbf: {  	[dreg:$0x4] =	wrdreg $0xC0  }
0xc0: {  	_ =	task [dreg:s22], $0x5FFFF  }
0xc1: {  	[dreg:$0x1] =	wrdreg $0xFFFFFFFF  }
0xc2: {  	[dreg:$0x0] =	wrdreg $0x60  }
0xc3: {  	[dreg:$0x2] =	wrdreg s24  }
0xc4: {  	[dreg:$0x3] =	wrdreg s17  }
0xc5: {  	[dreg:$0x4] =	wrdreg $0x90800  }
0xc6: {  	[dreg:$0x5] =	wrdreg $0xA  }
0xc7: {  	_ =	task.clear_ibuf [dreg:s22], $0x6FFFF;
	_ =	strace $0x9000004F  }
0xc8: {  	s29 =	simm.s32 $0xA;
	_ =	strace $0x80000051  }
0xc9: {  	_ =	swait.ge [sflag:s29], $0x1  }
0xca: {  	[sflag:s29] =	ssyncadd.s32 $0xFFFFFFFF  }
0xcb: {  	_ =	strace $0x90000051  }
0xcc: {  	_ =	sfence  }
0xcd: {  	s30 =	sld [smem:$0x0];
	_ =	sdelay $0x2  }
0xce: {  	s31 =	sshll.u32 s1, $0xD;
	s1 =	sshrl.u32 s1, $0x2  }
0xcf: {  	s4 =	sand.u32 $0x4000, s31;
	s1 =	sadd.s32 s1, s30  }
0xd0: {  	s0 =	sor.u32 s4, s0;
	s1 =	sshll.u32 s1, $0x11  }
0xd1: {  	s0 =	sor.u32 s1, s0  }
0xd2: {  	s0 =	sadd.s32 $0x8F2B, s0  }
0xd3: {  	[sflag:s0] =	ssyncadd.remote.s32 $0x1  }
0xd4: {  	_ =	sfence.sel $0xFFFF  }
0xd5: {  	[dreg:$0x0] =	wrdreg $0xFFFFFFFF;
	(pc) =	sbr.abs _section_cstart, $3  }
0xd6: {  	[dreg:$0x1] =	wrdreg $0xFFFFFFFF  }
0xd7: {  	_ =	task.clear_ibuf [dreg:s22], $0x2FFFF;
	_ =	strace $0x9FFFFFFF  }
0xd8: {  	(tm) =	ssettm $0x7FFFFFFF  }
0xd9: {  	_ =	shalt  }
tec
execute0_lowered:
.L_overlay_start_1:
0x0: {  	(tag) =	ssettag $0x1  }
0x1: {  	s7 =	rddreg [dreg:$0x0]  }
0x2: {  	s0 =	srdreg.scid;
	s2 =	rddreg [dreg:$0x1]  }
0x3: {  	s3 =	rddreg [dreg:$0x2];
	s4 =	simm.s32 $0x0;
	s14 =	simm.s32 $0x9000  }
0x4: {  	s15 =	simm.s32 $0x7D;
	s6 =	sand.u32 $0x1, s0;
	s0 =	stileid.u32  }
0x5: {  	s16 =	simm.s32 $0x5000;
	s17 =	simm.s32 $0x0;
	s9 =	smul.u32 $0x14000, s0  }
0x6: {  	[smem:$0x7FF] =	sst s4;
	s5 =	sadd.s32 $0x18C00, s7;
	s10 =	smul.u32 $0x140000, s6  }
0x7: {  	s1 =	sshll.u32 s6, $0x4;
	s29 =	smul.u32 $0x50000, s0;
	s6 =	ssub.s32 $0x2, s6  }
0x8: {  	s31 =	sshll.u32 s0, $0x6;
	s1 =	sor.u32 s0, s1;
	s30 =	sshrl.u32 s6, $0x1  }
0x9: {  	s8 =	smul.u32 $0x500, s1;
	s1 =	rddreg [dreg:$0x3];
	_ =	strace $0x80000050  }
0xa: {  	s11 =	sshrl.u32 s9, $0x3;
	s9 =	sadd.s32 s9, s10;
	s10 =	sshrl.u32 s29, $0x2  }
.Ltmp0:
0xb: {  	s12 =	ssub.s32 s6, s30;
	s11 =	sadd.s32 s11, s7;
	(pc) =	sbr.rel .LBB2_1-.Ltmp0, $4  }
0xc: {  	s9 =	sshrl.u32 s9, $0x3;
	s13 =	sadd.s32 s10, s3;
	s10 =	smax.u32 s12, $0x1  }
0xd: {  	s12 =	simm.s32 $0x1;
	s8 =	sadd.s32 s8, s7;
	s9 =	sadd.s32 s9, s7  }
0xe: {  	s6 =	sadd.s32 $0x3FE00, s11;
	s7 =	sor.u32 $0x1C01, s31;
	s11 =	sshrl.u32 s13, $0x3  }
0xf: {  	v0 =	vimm.f32 $1.000000000e+00;
	s13 =	simm.s32 $0x2800;
	s8 =	sadd.s32 $0xB8000, s8;
	s9 =	sadd.s32 $0x162000, s9  }
.LBB2_10:
0x10: {  	s17 =	sadd.s32 $0x1, s17  }
0x11: {  	p0 =	sne.s32 s17, s10  }
.Ltmp1:
0x12: {  	[bflag:$0x0] =	sbarrier.arrive $0xFFFF;
	(pc) =	sbr.rel @!p0 .LBB2_11-.Ltmp1, $4  }
0x13: {  	[hbm:s9], [sflag:s7] =	dma.local [spmem:s11], $0x2800  }
0x14: {  	_ =	swait.ge [sflag:s12], $0x2800  }
0x15: {  	[sflag:s12] =	ssyncset.done $0x0  }
0x16: {  	[sflag:s12] =	ssyncadd.s32 $0xFFFFD800  }
.LBB2_1:
0x17: {  	[spmem:s11], [sflag:s7] =	dma.local [hbm:s6], $0x2800  }
0x18: {  	_ =	swait.ge [sflag:s12], $0x2800  }
0x19: {  	[sflag:s12] =	ssyncset.done $0x0  }
0x1a: {  	[sflag:s12] =	ssyncadd.s32 $0xFFFFD800  }
0x1b: {  	[bflag:$0x0] =	sbarrier.arrive $0xFFFF  }
0x1c: {  	[tilespmem:s4], [sflag:$0x1] =	stream.linear.gather [hbm4b:s8+s4], $0x2800, $0x38;
	[tilespmem:$0x1D080] =	vst v63  }
0x1d: {  	_ =	swait.ge [sflag:s12], $0x2800  }
0x1e: {  	[sflag:s12] =	ssyncset.done $0x0  }
0x1f: {  	[sflag:s12] =	ssyncadd.s32 $0xFFFFD800  }
0x20: {  	[tilespmem:s13], [sflag:$0x1] =	stream.linear.gather [hbm4b:s8+s4], $0x2800, $0x38;
	[tilespmem:$0x1D080] =	vst v63  }
0x21: {  	_ =	swait.ge [sflag:s12], $0x2800  }
0x22: {  	[sflag:s12] =	ssyncset.done $0x0  }
0x23: {  	[sflag:s12] =	ssyncadd.s32 $0xFFFFD800  }
0x24: {  	[tilespmem:s14], [sflag:$0x1] =	stream.linear.gather [hbm4b:s2+s4], $0x80, $0x38;
	[tilespmem:$0x1D080] =	vst v63  }
0x25: {  	_ =	swait.ge [sflag:s12], $0x80  }
0x26: {  	[sflag:s12] =	ssyncset.done $0x0  }
0x27: {  	[sflag:s12] =	ssyncadd.s32 $0xFFFFFF80  }
0x28: {  	v1 =	vld [tilespmem:$0x9000];
	_ =	sdelay $0x4  }
0x29: {  	(v2sf) =	vpush v1, $0x0;
	_ =	sdelay $0xe  }
0x2a: {  	s18 =	spop (v2sf)  }
0x2b: {  	p0 =	seq.s32 s18, $0x0  }
.Ltmp2:
0x2c: {  	_ = 	snop;
	(pc) =	sbr.rel @p0 .LBB2_5-.Ltmp2, $1  }
0x2d: {  	_ =	sdelay $0x3  }
0x2e: {  	s18 =	simm.s32 $0x0  }
0x2f: {  	[tilespmem:s16], [sflag:$0x1] =	stream.indirect.gather [hbm4b:s5+s15], $0x80, s18, s15, $0xb8;
	[tilespmem:$0x1D080] =	vst v63  }
0x30: {  	_ =	swait.ge [sflag:s12], $0x3E80  }
0x31: {  	[sflag:s12] =	ssyncset.done $0x0  }
0x32: {  	s31 =	simm.s32 $0x2800;
	[sflag:s12] =	ssyncadd.s32 $0xFFFFC180  }
0x33: {  	[spmem:s3] =	stream.indirect.scatter.add.f32 [tilespmem:s16], [sflag:$0x1], $0x80, s31, s15, $0xb8;
	[tilespmem:$0x1D080] =	vst v63  }
0x34: {  	_ =	swait.ge [sflag:s12], $0x3E80  }
0x35: {  	s19 =	simm.s32 $0x400;
	s18 =	simm.s32 $0x200;
	[sflag:s12] =	ssyncset.done $0x0  }
.LBB2_3:
0x36: {  	s20 =	sshra.s32 s18, $0x2  }
0x37: {  	[sflag:s12] =	ssyncadd.s32 $0xFFFFC180;
	s18 =	smov.u32 s19;
	s21 =	sadd.s32 $0x200, s19  }
0x38: {  	[tilespmem:s16], [sflag:$0x1] =	stream.indirect.gather [hbm4b:s5+s15], $0x80, s20, s15, $0xb8;
	[tilespmem:$0x1D080] =	vst v63  }
0x39: {  	p0 =	seq.s32 s19, $0x9E00;
	_ =	swait.ge [sflag:s12], $0x3E80  }
.Ltmp3:
0x3a: {  	[sflag:s12] =	ssyncset.done $0x0;
	(pc) =	sbr.rel @!p0 .LBB2_3-.Ltmp3, $4  }
0x3b: {  	s19 =	sadd.s32 $0x2800, s20;
	[sflag:s12] =	ssyncadd.s32 $0xFFFFC180  }
0x3c: {  	[spmem:s3] =	stream.indirect.scatter.add.f32 [tilespmem:s16], [sflag:$0x1], $0x80, s19, s15, $0xb8;
	[tilespmem:$0x1D080] =	vst v63  }
0x3d: {  	_ =	swait.ge [sflag:s12], $0x3E80  }
0x3e: {  	s19 =	smov.u32 s21;
	[sflag:s12] =	ssyncset.done $0x0  }
0x3f: {  	s18 =	sshra.s32 s18, $0x2;
	[sflag:s12] =	ssyncadd.s32 $0xFFFFC180  }
0x40: {  	[tilespmem:s16], [sflag:$0x1] =	stream.indirect.gather [hbm4b:s5+s15], $0x80, s18, s15, $0xb8;
	[tilespmem:$0x1D080] =	vst v63  }
0x41: {  	_ =	swait.ge [sflag:s12], $0x3E80  }
0x42: {  	[sflag:s12] =	ssyncset.done $0x0  }
.Ltmp4:
0x43: {  	s18 =	sadd.s32 $0x2800, s18;
	[sflag:s12] =	ssyncadd.s32 $0xFFFFC180;
	(pc) =	sbr.rel .LBB2_10-.Ltmp4, $4  }
0x44: {  	[spmem:s3] =	stream.indirect.scatter.add.f32 [tilespmem:s16], [sflag:$0x1], $0x80, s18, s15, $0xb8;
	[tilespmem:$0x1D080] =	vst v63  }
0x45: {  	_ =	swait.ge [sflag:s12], $0x3E80  }
0x46: {  	[sflag:s12] =	ssyncset.done $0x0  }
0x47: {  	[sflag:s12] =	ssyncadd.s32 $0xFFFFC180  }
.LBB2_5:
0x48: {  	s18 =	sshra.s32 s4, $0x2;
	s19 =	sadd.s32 $0x200, s4  }
.LBB2_6:
0x49: {  	p0 =	sne.s32 s19, $0xF800;
	[tilespmem:s18+$0x5070] =	vst v0  }
0x4a: {  	[tilespmem:s18+$0x5000] =	vst v0  }
0x4b: {  	[tilespmem:s18+$0x5010] =	vst v0  }
.Ltmp5:
0x4c: {  	[tilespmem:s18+$0x5020] =	vst v0;
	(pc) =	sbr.rel @p0 .LBB2_6-.Ltmp5, $4  }
0x4d: {  	[tilespmem:s18+$0x5030] =	vst v0  }
0x4e: {  	[tilespmem:s18+$0x5040] =	vst v0  }
0x4f: {  	[tilespmem:s18+$0x5050] =	vst v0  }
0x50: {  	[tilespmem:s18+$0x5060] =	vst v0;
	s18 =	sshra.s32 s19, $0x2;
	s19 =	sadd.s32 $0x200, s19  }
0x51: {  	[tilespmem:s18+$0x5070] =	vst v0  }
0x52: {  	[tilespmem:s18+$0x5000] =	vst v0  }
0x53: {  	[tilespmem:s18+$0x5010] =	vst v0  }
0x54: {  	[tilespmem:s18+$0x5020] =	vst v0  }
0x55: {  	[tilespmem:s18+$0x5030] =	vst v0  }
0x56: {  	[tilespmem:s18+$0x5040] =	vst v0  }
0x57: {  	[tilespmem:s18+$0x5050] =	vst v0  }
0x58: {  	[tilespmem:s18+$0x5060] =	vst v0;
	s31 =	simm.s32 $0x2800  }
0x59: {  	[spmem:s3] =	stream.indirect.scatter.add.f32 [tilespmem:s16], [sflag:$0x1], $0x80, s31, s15, $0xb8;
	[tilespmem:$0x1D080] =	vst v63  }
0x5a: {  	s18 =	simm.s32 $0x200;
	_ =	swait.ge [sflag:s12], $0x3E80  }
.LBB2_8:
0x5b: {  	s19 =	sshra.s32 s18, $0x2;
	[sflag:s12] =	ssyncset.done $0x0;
	p0 =	sne.s32 s18, $0x9E00  }
.Ltmp6:
0x5c: {  	s19 =	sadd.s32 $0x2800, s19;
	[sflag:s12] =	ssyncadd.s32 $0xFFFFC180;
	(pc) =	sbr.rel @p0 .LBB2_8-.Ltmp6, $3  }
0x5d: {  	[spmem:s3] =	stream.indirect.scatter.add.f32 [tilespmem:s16], [sflag:$0x1], $0x80, s19, s15, $0xb8;
	[tilespmem:$0x1D080] =	vst v63  }
0x5e: {  	s18 =	sadd.s32 $0x200, s18;
	_ =	sdelay $0x1  }
0x5f: {  	_ =	swait.ge [sflag:s12], $0x3E80  }
.Ltmp7:
0x60: {  	(pc) =	sbr.rel .LBB2_10-.Ltmp7, $3  }
0x61: {  	_ =	sdelay $0x1  }
0x62: {  	[sflag:s12] =	ssyncset.done $0x0  }
0x63: {  	[sflag:s12] =	ssyncadd.s32 $0xFFFFC180  }
.LBB2_11:
0x64: {  	_ =	sfence.sel $0x180000  }
0x65: {  	[bflag:$0x0] =	sbarrier.arrive $0xFFFF  }
0x66: {  	p0 =	sne.s32 s0, $0x0;
	_ =	strace $0x90000050  }
0x67: {  	s0 =	sadd.s32 @!p0 $0x100000, s1;
	[bflag:$0x2] =	sbarrier.arrive $0xFFFF  }
0x68: {  	[sflag:s0] =	ssyncadd.tile.s32 @!p0 $0x1;
	_ =	shalt  }
.Lfunc_end2:
_tile_overlayer_lowered:
.L_overlay_start_2:
0x69: {  	(tag) =	ssettag $0x2  }
0x6a: {  	s0 =	rddreg [dreg:$0x0];
	s2 =	stileid.u32  }
0x6b: {  	s1 =	rddreg [dreg:$0x1];
	p0 =	sne.s32 s2, $0x0  }
0x6c: {  	s3 =	rddreg [dreg:$0x2];
	[bflag:$0x3] =	sbarrier.arrive $0xFFFF;
	s2 =	simm.s32 @!p0 $0x1C01  }
0x6d: {  	[timem:s3], [sflag:s2] =	dma.local @!p0 [hbm:s0], s1  }
0x6e: {  	s0 =	simm.s32 @!p0 $0x1  }
0x6f: {  	_ =	swait.ge @!p0 [sflag:s0], s1  }
0x70: {  	s1 =	ssub.s32 @!p0 $0x0, s1;
	[sflag:s0] =	ssyncset.done @!p0 $0x0  }
0x71: {  	[sflag:s0] =	ssyncadd.s32 @!p0 s1  }
0x72: {  	[bflag:$0x3] =	sbarrier.arrive $0xFFFF  }
0x73: {  	_ =	shalt  }

// kernel: kernel.19.cloned.1.call-start
scs
__scs_entry_jumppad:
0x0: {  	(pc) =	sbr.rel $0x88, $3  }
0x1: {  	(tag) =	ssettag $0x0;
	lr =	simm.s32 $0x1  }
0x2: {  	[smem:$0x3F92] =	sst lr;
	_ =	strace $0xD0000000  }
0x3: {  	_ = 	snop  }
0x4: {  	_ = 	snop  }
0x5: {  	_ = 	snop  }
0x6: {  	_ = 	snop  }
0x7: {  	_ = 	snop  }
__scs_overlays_trampoline_lowered:
0x8: {  	[smem:$0x3FA1] =	sst s0  }
0x9: {  	[smem:$0x3FA2] =	sst s1  }
0xa: {  	[smem:$0x3FA3] =	sst s2  }
0xb: {  	[smem:$0x3FA4] =	sst s3  }
0xc: {  	[smem:$0x3FA5] =	sst s4  }
0xd: {  	[smem:$0x3FA6] =	sst s5  }
0xe: {  	[smem:$0x3FA7] =	sst s6  }
0xf: {  	[smem:$0x3FA8] =	sst s7  }
0x10: {  	[smem:$0x3FA9] =	sst s8  }
0x11: {  	[smem:$0x3FAA] =	sst s9;
	s0 =	simm.s32 @!p0 $0x0  }
0x12: {  	s1 =	sld [smem:$0x3F90];
	s0 =	simm.s32 @p0 $0x1  }
0x13: {  	[smem:$0x3FAB] =	sst s0;
	s0 =	simm.s32 @!p1 $0x0  }
0x14: {  	s2 =	sld [smem:$0x3F8F];
	s0 =	simm.s32 @p1 $0x1  }
0x15: {  	[smem:$0x3FAC] =	sst s0;
	s0 =	simm.s32 @!p2 $0x0  }
0x16: {  	s3 =	sld [smem:$0x3FDB];
	s0 =	simm.s32 @p2 $0x1  }
0x17: {  	s4 =	simm.s32 $0x1BF5;
	[smem:$0x3FAE] =	sst s0  }
0x18: {  	s0 =	sld [smem:$0x3F91];
	_ =	swait.ge [sflag:s4], $0x0  }
0x19: {  	s7 =	sld [smem:$0x3F92]  }
0x1a: {  	s8 =	sadd.s32 $0xFFFFE003, lr  }
0x1b: {  	s9 =	sadd.s32 $0xFFFFFEF7, lr;
	s5 =	simm.s32 $0xFFFFFFFF;
	p2 =	slt.u32 s8, $0xFFFFF086  }
0x1c: {  	p1 =	slt.u32 s9, $0xF7A;
	s5 =	simm.s32 @!p2 $0x0  }
0x1d: {  	s5 =	simm.s32 @p1 $0x1;
	p0 =	seq.s32 s7, s2  }
0x1e: {  	s7 =	smul.u32 @!p0 $0xF7A, s2;
	p2 =	seq.s32 @!p0 s5, $0x0  }
0x1f: {  	s9 =	smul.u32 $0xF7A, s1;
	s8 =	simm.s32 @!p0 $0x1BF5;
	p2 =	por !p2, p0  }
0x20: {  	[sflag:s8] =	ssyncset.s32 @!p0 $0xFFFFF086;
	s6 =	sadd.s32 @!p0 s3, s7;
	s7 =	simm.s32 @!p0 $0x108  }
0x21: {  	s3 =	sadd.s32 s3, s9;
	s6 =	sadd.s32 @!p0 $0x88, s6;
	s7 =	simm.s32 @p2 $0x1082  }
0x22: {  	[simem:s7], [sflag:s8] =	dma.local @!p0 [hbm:s6], $0xF7A  }
0x23: {  	s9 =	sor.u32 $0xD0000000, s2;
	s6 =	simm.s32 $0x108;
	_ =	swait.ge @!p0 [sflag:s8], $0x0  }
0x24: {  	s3 =	sadd.s32 $0x88, s3;
	s6 =	simm.s32 @!p1 $0x1082;
	[sflag:s4] =	ssyncset.s32 $0xFFFFF086  }
0x25: {  	[simem:s6], [sflag:s4] =	dma.local [hbm:s3], $0xF7A  }
0x26: {  	[smem:$0x3F92] =	sst s1;
	(tag) =	ssettag s2;
	_ =	strace s9  }
0x27: {  	s1 =	sld [smem:$0x3FA2]  }
0x28: {  	s2 =	sld [smem:$0x3FA3]  }
0x29: {  	s4 =	sld [smem:$0x3FA5]  }
0x2a: {  	p0 =	seq.s32 s5, $0x0;
	s5 =	sld [smem:$0x3FA6]  }
0x2b: {  	s6 =	sld [smem:$0x3FA7]  }
0x2c: {  	s7 =	sld [smem:$0x3FA8]  }
0x2d: {  	s3 =	simm.s32 $0x108;
	s8 =	sld [smem:$0x3FA9]  }
0x2e: {  	s3 =	simm.s32 @!p0 $0x1082;
	s9 =	sld [smem:$0x3FAA]  }
0x2f: {  	lr =	sadd.s32 s0, s3;
	s0 =	sld [smem:$0x3FA1]  }
0x30: {  	s3 =	sld [smem:$0x3FA4]  }
0x31: {  	[smem:$0x3FAD] =	sst s10  }
0x32: {  	s10 =	sld [smem:$0x3FAB];
	_ =	sdelay $0x3  }
0x33: {  	p0 =	seq.s32 s10, $0x1;
	s10 =	sld [smem:$0x3FAD];
	_ =	sdelay $0x3  }
0x34: {  	[smem:$0x3FAD] =	sst s10  }
0x35: {  	s10 =	sld [smem:$0x3FAC];
	_ =	sdelay $0x3  }
0x36: {  	p1 =	seq.s32 s10, $0x1;
	s10 =	sld [smem:$0x3FAD];
	_ =	sdelay $0x3  }
0x37: {  	[smem:$0x3FAD] =	sst s10  }
0x38: {  	s10 =	sld [smem:$0x3FAE]  }
0x39: {  	_ = 	snop;
	(pc) =	sbr.ind lr, $3  }
0x3a: {  	_ = 	snop  }
0x3b: {  	_ = 	snop  }
0x3c: {  	p2 =	seq.s32 s10, $0x1;
	s10 =	sld [smem:$0x3FAD]  }
0x3d: {  	_ =	shalt  }
0x3e: {  	_ =	shalt  }
0x3f: {  	_ =	shalt  }
0x40: {  	_ =	shalt  }
0x41: {  	_ =	shalt  }
0x42: {  	_ =	shalt  }
0x43: {  	_ =	shalt  }
0x44: {  	_ =	shalt  }
0x45: {  	_ =	shalt  }
0x46: {  	_ =	shalt  }
0x47: {  	_ =	shalt  }
0x48: {  	_ =	shalt  }
0x49: {  	_ =	shalt  }
0x4a: {  	_ =	shalt  }
0x4b: {  	_ =	shalt  }
0x4c: {  	_ =	shalt  }
0x4d: {  	_ =	shalt  }
0x4e: {  	_ =	shalt  }
0x4f: {  	_ =	shalt  }
0x50: {  	_ =	shalt  }
0x51: {  	_ =	shalt  }
0x52: {  	_ =	shalt  }
0x53: {  	_ =	shalt  }
0x54: {  	_ =	shalt  }
0x55: {  	_ =	shalt  }
0x56: {  	_ =	shalt  }
0x57: {  	_ =	shalt  }
0x58: {  	_ =	shalt  }
0x59: {  	_ =	shalt  }
0x5a: {  	_ =	shalt  }
0x5b: {  	_ =	shalt  }
0x5c: {  	_ =	shalt  }
0x5d: {  	_ =	shalt  }
0x5e: {  	_ =	shalt  }
0x5f: {  	_ =	shalt  }
0x60: {  	_ =	shalt  }
0x61: {  	_ =	shalt  }
0x62: {  	_ =	shalt  }
0x63: {  	_ =	shalt  }
0x64: {  	_ =	shalt  }
0x65: {  	_ =	shalt  }
0x66: {  	_ =	shalt  }
0x67: {  	_ =	shalt  }
0x68: {  	_ =	shalt  }
0x69: {  	_ =	shalt  }
0x6a: {  	_ =	shalt  }
0x6b: {  	_ =	shalt  }
0x6c: {  	_ =	shalt  }
0x6d: {  	_ =	shalt  }
0x6e: {  	_ =	shalt  }
0x6f: {  	_ =	shalt  }
0x70: {  	_ =	shalt  }
0x71: {  	_ =	shalt  }
0x72: {  	_ =	shalt  }
0x73: {  	_ =	shalt  }
0x74: {  	_ =	shalt  }
0x75: {  	_ =	shalt  }
0x76: {  	_ =	shalt  }
0x77: {  	_ =	shalt  }
0x78: {  	_ =	shalt  }
0x79: {  	_ =	shalt  }
0x7a: {  	_ =	shalt  }
0x7b: {  	_ =	shalt  }
0x7c: {  	_ =	shalt  }
0x7d: {  	_ =	shalt  }
0x7e: {  	_ =	shalt  }
0x7f: {  	_ =	shalt  }
0x80: {  	_ =	shalt  }
0x81: {  	_ =	shalt  }
0x82: {  	_ =	shalt  }
0x83: {  	_ =	shalt  }
0x84: {  	_ =	shalt  }
0x85: {  	_ =	shalt  }
0x86: {  	_ =	shalt  }
0x87: {  	_ =	shalt  }
.Lfunc_end0:
.L_simem_size_0:
called_computation.2_lowered:
.L_overlay_start_0:
0x88: {  	s2 =	sld [smem:$0x3FD9]  }
0x89: {  	s3 =	sld [smem:$0x3FFE];
	_ =	sdelay $0x1  }
0x8a: {  	s1 =	srdreg.scid  }
0x8b: {  	s0 =	sand.u32 $0x1, s1  }
0x8c: {  	s16 =	sshll.u32 s0, $0xA;
	s2 =	sadd.s32 s3, s2  }
0x8d: {  	s2 =	sadd.s32 s2, s16  }
0x8e: {  	[smem:$0x3FB9] =	sst s2  }
0x8f: {  	_ = 	snop  }
0x90: {  	(tm) =	ssettm $0x1  }
0x91: {  	s17 =	sld [smem:$0x3FFB];
	_ =	sdelay $0x3  }
0x92: {  	_ =	strace s17  }
0x93: {  	s2 =	sld [smem:$0x3FFC];
	_ =	sdelay $0x3  }
0x94: {  	_ =	strace s2  }
0x95: {  	s2 =	sld [smem:$0x3FFD];
	_ =	sdelay $0x3  }
0x96: {  	_ =	strace s2  }
0x97: {  	_ =	strace $0x8FFFFFFF  }
0x98: {  	s18 =	sld [smem:$0x3FDB];
	_ =	sdelay $0x1  }
0x99: {  	s19 =	simm.s32 $_scs_section_size  }
0x9a: {  	s4 =	simm.s32 $_size__tile_overlayer_lowered;
	s5 =	simm.s32 $_tile_overlayer_lowered  }
0x9b: {  	s22 =	simm.s32 $0x1BFF;
	s21 =	sshll.u32 s5, $0x1;
	s2 =	sadd.s32 s19, s18  }
0x9c: {  	s6 =	simm.s32 $0x0;
	s20 =	sshll.u32 s4, $0x1;
	s4 =	sadd.s32 s21, s2  }
0x9d: {  	[timem:s6], [sflag:s22] =	dma.local [hbm:s4], s20  }
0x9e: {  	_ =	swait.ge [sflag:s22], s20  }
0x9f: {  	s3 =	ssub.s32 $0x0, s20;
	[sflag:s22] =	ssyncset.done $0x0  }
0xa0: {  	[sflag:s22] =	ssyncadd.s32 s3;
	_ =	sdelay $0x1  }
0xa1: {  	s23 =	simm.s32 $0x1B8B  }
0xa2: {  	_ =	swait.ge [sflag:s23], $0x1  }
0xa3: {  	[sflag:s23] =	ssyncset.done $0x0  }
0xa4: {  	s25 =	simm.s32 $0x1B8E;
	s24 =	sld [smem:$0x3FFE];
	[sflag:s23] =	ssyncadd.s32 $0xFFFFFFFF  }
0xa5: {  	s26 =	simm.s32 $execute0_lowered;
	[smem:$0x3FD2] =	sst s25  }
0xa6: {  	s4 =	sshll.u32 s26, $0x1;
	_ =	strace $0x80000046;
	[dreg:$0x1] =	wrdreg $0xFFFFFFFF  }
0xa7: {  	s28 =	simm.s32 $_size_execute0_lowered;
	s2 =	sadd.s32 s2, s4;
	[dreg:$0x0] =	wrdreg $0x0  }
0xa8: {  	s4 =	sshll.u32 s28, $0x1;
	[dreg:$0x2] =	wrdreg s2  }
0xa9: {  	[dreg:$0x3] =	wrdreg s4  }
0xaa: {  	[dreg:$0x4] =	wrdreg $0xC0  }
0xab: {  	_ =	task [dreg:s6], $0x5FFFF  }
0xac: {  	[dreg:$0x1] =	wrdreg $0xFFFFFFFF  }
0xad: {  	[dreg:$0x0] =	wrdreg $0x60  }
0xae: {  	[dreg:$0x2] =	wrdreg s24  }
0xaf: {  	[dreg:$0x3] =	wrdreg $0x90800  }
0xb0: {  	[dreg:$0x4] =	wrdreg $0xB  }
0xb1: {  	_ =	task.clear_ibuf [dreg:s6], $0x5FFFF;
	_ =	strace $0x90000046  }
0xb2: {  	s29 =	simm.s32 $0xB;
	_ =	strace $0x80000048  }
0xb3: {  	_ =	swait.ge [sflag:s29], $0x1  }
0xb4: {  	[sflag:s29] =	ssyncadd.s32 $0xFFFFFFFF  }
0xb5: {  	_ =	strace $0x90000048  }
0xb6: {  	_ =	sfence  }
0xb7: {  	s30 =	sld [smem:$0x0];
	_ =	sdelay $0x2  }
0xb8: {  	s31 =	sshll.u32 s1, $0xD;
	s1 =	sshrl.u32 s1, $0x2  }
0xb9: {  	s3 =	sand.u32 $0x4000, s31;
	s1 =	sadd.s32 s1, s30  }
0xba: {  	s0 =	sor.u32 s3, s0;
	s1 =	sshll.u32 s1, $0x11  }
0xbb: {  	s0 =	sor.u32 s1, s0  }
0xbc: {  	s0 =	sadd.s32 $0x8F2B, s0  }
0xbd: {  	[sflag:s0] =	ssyncadd.remote.s32 $0x1  }
0xbe: {  	_ =	sfence.sel $0xFFFF  }
0xbf: {  	[dreg:$0x0] =	wrdreg $0xFFFFFFFF;
	(pc) =	sbr.abs _section_cstart, $3  }
0xc0: {  	[dreg:$0x1] =	wrdreg $0xFFFFFFFF  }
0xc1: {  	_ =	task.clear_ibuf [dreg:s6], $0x2FFFF;
	_ =	strace $0x9FFFFFFF  }
0xc2: {  	(tm) =	ssettm $0x7FFFFFFF  }
0xc3: {  	_ =	shalt  }
tec
execute0_lowered:
.L_overlay_start_1:
0x0: {  	(tag) =	ssettag $0x1  }
0x1: {  	s6 =	rddreg [dreg:$0x0];
	s0 =	srdreg.scid  }
0x2: {  	s2 =	rddreg [dreg:$0x1];
	s1 =	stileid.u32  }
0x3: {  	s3 =	simm.s32 $0x0;
	s15 =	simm.s32 $0x9000;
	s16 =	simm.s32 $0x7D  }
0x4: {  	s17 =	simm.s32 $0x5000;
	s5 =	sand.u32 $0x1, s0;
	s0 =	rddreg [dreg:$0x2]  }
0x5: {  	s18 =	simm.s32 $0x0;
	s7 =	smul.u32 $0x14000, s1;
	[smem:$0x7FF] =	sst s3  }
0x6: {  	s29 =	smul.u32 $0x50000, s1;
	s31 =	sshll.u32 s1, $0x6;
	s4 =	sshll.u32 s5, $0x4  }
0x7: {  	_ =	strace $0x80000047;
	s10 =	smul.u32 $0x140000, s5;
	s28 =	ssub.s32 $0x2, s5  }
0x8: {  	s5 =	sadd.s32 $0x67E00, s6;
	s4 =	sor.u32 s1, s4;
	s9 =	sshrl.u32 s7, $0x3  }
0x9: {  	s12 =	sshrl.u32 s28, $0x1;
	s30 =	sshrl.u32 s29, $0x2;
	s8 =	smul.u32 $0x500, s4  }
0xa: {  	s4 =	sadd.s32 $0x18C00, s6;
	s26 =	sadd.s32 s9, s6;
	s7 =	sadd.s32 s7, s10  }
.Ltmp0:
0xb: {  	s12 =	ssub.s32 s28, s12;
	s7 =	sshrl.u32 s7, $0x3;
	(pc) =	sbr.rel .LBB2_1-.Ltmp0, $4  }
0xc: {  	s14 =	sadd.s32 s30, s2;
	s11 =	sadd.s32 s8, s6;
	s13 =	sadd.s32 s7, s6  }
0xd: {  	s6 =	sadd.s32 $0x3FE00, s26;
	s7 =	sor.u32 $0x1C01, s31;
	s8 =	sadd.s32 $0xEC00, s11  }
0xe: {  	s9 =	sadd.s32 $0x4C00, s11;
	s10 =	sadd.s32 $0x68000, s13;
	s11 =	smax.u32 s12, $0x1  }
0xf: {  	v0 =	vimm.f32 $1.000000000e+00;
	s12 =	sshrl.u32 s14, $0x3;
	s13 =	simm.s32 $0x1;
	s14 =	simm.s32 $0x2800  }
.LBB2_10:
0x10: {  	s18 =	sadd.s32 $0x1, s18  }
0x11: {  	p0 =	sne.s32 s18, s11  }
.Ltmp1:
0x12: {  	[bflag:$0x0] =	sbarrier.arrive $0xFFFF;
	(pc) =	sbr.rel @!p0 .LBB2_11-.Ltmp1, $4  }
0x13: {  	[hbm:s10], [sflag:s7] =	dma.local [spmem:s12], $0x2800  }
0x14: {  	_ =	swait.ge [sflag:s13], $0x2800  }
0x15: {  	[sflag:s13] =	ssyncset.done $0x0  }
0x16: {  	[sflag:s13] =	ssyncadd.s32 $0xFFFFD800  }
.LBB2_1:
0x17: {  	[spmem:s12], [sflag:s7] =	dma.local [hbm:s6], $0x2800  }
0x18: {  	_ =	swait.ge [sflag:s13], $0x2800  }
0x19: {  	[sflag:s13] =	ssyncset.done $0x0  }
0x1a: {  	[sflag:s13] =	ssyncadd.s32 $0xFFFFD800  }
0x1b: {  	[bflag:$0x0] =	sbarrier.arrive $0xFFFF  }
0x1c: {  	[tilespmem:s3], [sflag:$0x1] =	stream.linear.gather [hbm4b:s8+s3], $0x2800, $0x38;
	[tilespmem:$0x1D080] =	vst v63  }
0x1d: {  	_ =	swait.ge [sflag:s13], $0x2800  }
0x1e: {  	[sflag:s13] =	ssyncset.done $0x0  }
0x1f: {  	[sflag:s13] =	ssyncadd.s32 $0xFFFFD800  }
0x20: {  	[tilespmem:s14], [sflag:$0x1] =	stream.linear.gather [hbm4b:s9+s3], $0x2800, $0x38;
	[tilespmem:$0x1D080] =	vst v63  }
0x21: {  	_ =	swait.ge [sflag:s13], $0x2800  }
0x22: {  	[sflag:s13] =	ssyncset.done $0x0  }
0x23: {  	[sflag:s13] =	ssyncadd.s32 $0xFFFFD800  }
0x24: {  	[tilespmem:s15], [sflag:$0x1] =	stream.linear.gather [hbm4b:s5+s3], $0x80, $0x38;
	[tilespmem:$0x1D080] =	vst v63  }
0x25: {  	_ =	swait.ge [sflag:s13], $0x80  }
0x26: {  	[sflag:s13] =	ssyncset.done $0x0  }
0x27: {  	[sflag:s13] =	ssyncadd.s32 $0xFFFFFF80  }
0x28: {  	v1 =	vld [tilespmem:$0x9000];
	_ =	sdelay $0x4  }
0x29: {  	(v2sf) =	vpush v1, $0x0;
	_ =	sdelay $0xe  }
0x2a: {  	s19 =	spop (v2sf)  }
0x2b: {  	p0 =	seq.s32 s19, $0x0  }
.Ltmp2:
0x2c: {  	_ = 	snop;
	(pc) =	sbr.rel @p0 .LBB2_5-.Ltmp2, $1  }
0x2d: {  	_ =	sdelay $0x3  }
0x2e: {  	s19 =	simm.s32 $0x0  }
0x2f: {  	[tilespmem:s17], [sflag:$0x1] =	stream.indirect.gather [hbm4b:s4+s16], $0x80, s19, s16, $0xb8;
	[tilespmem:$0x1D080] =	vst v63  }
0x30: {  	_ =	swait.ge [sflag:s13], $0x3E80  }
0x31: {  	[sflag:s13] =	ssyncset.done $0x0  }
0x32: {  	s31 =	simm.s32 $0x2800;
	[sflag:s13] =	ssyncadd.s32 $0xFFFFC180  }
0x33: {  	[spmem:s2] =	stream.indirect.scatter.add.f32 [tilespmem:s17], [sflag:$0x1], $0x80, s31, s16, $0xb8;
	[tilespmem:$0x1D080] =	vst v63  }
0x34: {  	_ =	swait.ge [sflag:s13], $0x3E80  }
0x35: {  	s20 =	simm.s32 $0x400;
	s19 =	simm.s32 $0x200;
	[sflag:s13] =	ssyncset.done $0x0  }
.LBB2_3:
0x36: {  	s21 =	sshra.s32 s19, $0x2  }
0x37: {  	[sflag:s13] =	ssyncadd.s32 $0xFFFFC180;
	s19 =	smov.u32 s20;
	s22 =	sadd.s32 $0x200, s20  }
0x38: {  	[tilespmem:s17], [sflag:$0x1] =	stream.indirect.gather [hbm4b:s4+s16], $0x80, s21, s16, $0xb8;
	[tilespmem:$0x1D080] =	vst v63  }
0x39: {  	p0 =	seq.s32 s20, $0x9E00;
	_ =	swait.ge [sflag:s13], $0x3E80  }
.Ltmp3:
0x3a: {  	[sflag:s13] =	ssyncset.done $0x0;
	(pc) =	sbr.rel @!p0 .LBB2_3-.Ltmp3, $4  }
0x3b: {  	s20 =	sadd.s32 $0x2800, s21;
	[sflag:s13] =	ssyncadd.s32 $0xFFFFC180  }
0x3c: {  	[spmem:s2] =	stream.indirect.scatter.add.f32 [tilespmem:s17], [sflag:$0x1], $0x80, s20, s16, $0xb8;
	[tilespmem:$0x1D080] =	vst v63  }
0x3d: {  	_ =	swait.ge [sflag:s13], $0x3E80  }
0x3e: {  	s20 =	smov.u32 s22;
	[sflag:s13] =	ssyncset.done $0x0  }
0x3f: {  	s19 =	sshra.s32 s19, $0x2;
	[sflag:s13] =	ssyncadd.s32 $0xFFFFC180  }
0x40: {  	[tilespmem:s17], [sflag:$0x1] =	stream.indirect.gather [hbm4b:s4+s16], $0x80, s19, s16, $0xb8;
	[tilespmem:$0x1D080] =	vst v63  }
0x41: {  	_ =	swait.ge [sflag:s13], $0x3E80  }
0x42: {  	[sflag:s13] =	ssyncset.done $0x0  }
.Ltmp4:
0x43: {  	s19 =	sadd.s32 $0x2800, s19;
	[sflag:s13] =	ssyncadd.s32 $0xFFFFC180;
	(pc) =	sbr.rel .LBB2_10-.Ltmp4, $4  }
0x44: {  	[spmem:s2] =	stream.indirect.scatter.add.f32 [tilespmem:s17], [sflag:$0x1], $0x80, s19, s16, $0xb8;
	[tilespmem:$0x1D080] =	vst v63  }
0x45: {  	_ =	swait.ge [sflag:s13], $0x3E80  }
0x46: {  	[sflag:s13] =	ssyncset.done $0x0  }
0x47: {  	[sflag:s13] =	ssyncadd.s32 $0xFFFFC180  }
.LBB2_5:
0x48: {  	s19 =	sshra.s32 s3, $0x2;
	s20 =	sadd.s32 $0x200, s3  }
.LBB2_6:
0x49: {  	p0 =	sne.s32 s20, $0xF800;
	[tilespmem:s19+$0x5070] =	vst v0  }
0x4a: {  	[tilespmem:s19+$0x5000] =	vst v0  }
0x4b: {  	[tilespmem:s19+$0x5010] =	vst v0  }
.Ltmp5:
0x4c: {  	[tilespmem:s19+$0x5020] =	vst v0;
	(pc) =	sbr.rel @p0 .LBB2_6-.Ltmp5, $4  }
0x4d: {  	[tilespmem:s19+$0x5030] =	vst v0  }
0x4e: {  	[tilespmem:s19+$0x5040] =	vst v0  }
0x4f: {  	[tilespmem:s19+$0x5050] =	vst v0  }
0x50: {  	[tilespmem:s19+$0x5060] =	vst v0;
	s19 =	sshra.s32 s20, $0x2;
	s20 =	sadd.s32 $0x200, s20  }
0x51: {  	[tilespmem:s19+$0x5070] =	vst v0  }
0x52: {  	[tilespmem:s19+$0x5000] =	vst v0  }
0x53: {  	[tilespmem:s19+$0x5010] =	vst v0  }
0x54: {  	[tilespmem:s19+$0x5020] =	vst v0  }
0x55: {  	[tilespmem:s19+$0x5030] =	vst v0  }
0x56: {  	[tilespmem:s19+$0x5040] =	vst v0  }
0x57: {  	[tilespmem:s19+$0x5050] =	vst v0  }
0x58: {  	[tilespmem:s19+$0x5060] =	vst v0;
	s31 =	simm.s32 $0x2800  }
0x59: {  	[spmem:s2] =	stream.indirect.scatter.add.f32 [tilespmem:s17], [sflag:$0x1], $0x80, s31, s16, $0xb8;
	[tilespmem:$0x1D080] =	vst v63  }
0x5a: {  	s19 =	simm.s32 $0x200;
	_ =	swait.ge [sflag:s13], $0x3E80  }
.LBB2_8:
0x5b: {  	s20 =	sshra.s32 s19, $0x2;
	[sflag:s13] =	ssyncset.done $0x0;
	p0 =	sne.s32 s19, $0x9E00  }
.Ltmp6:
0x5c: {  	s20 =	sadd.s32 $0x2800, s20;
	[sflag:s13] =	ssyncadd.s32 $0xFFFFC180;
	(pc) =	sbr.rel @p0 .LBB2_8-.Ltmp6, $3  }
0x5d: {  	[spmem:s2] =	stream.indirect.scatter.add.f32 [tilespmem:s17], [sflag:$0x1], $0x80, s20, s16, $0xb8;
	[tilespmem:$0x1D080] =	vst v63  }
0x5e: {  	s19 =	sadd.s32 $0x200, s19;
	_ =	sdelay $0x1  }
0x5f: {  	_ =	swait.ge [sflag:s13], $0x3E80  }
.Ltmp7:
0x60: {  	(pc) =	sbr.rel .LBB2_10-.Ltmp7, $3  }
0x61: {  	_ =	sdelay $0x1  }
0x62: {  	[sflag:s13] =	ssyncset.done $0x0  }
0x63: {  	[sflag:s13] =	ssyncadd.s32 $0xFFFFC180  }
.LBB2_11:
0x64: {  	_ =	sfence.sel $0x180000  }
0x65: {  	[bflag:$0x0] =	sbarrier.arrive $0xFFFF  }
0x66: {  	p0 =	sne.s32 s1, $0x0;
	_ =	strace $0x90000047  }
0x67: {  	s0 =	sadd.s32 @!p0 $0x100000, s0;
	[bflag:$0x2] =	sbarrier.arrive $0xFFFF  }
0x68: {  	[sflag:s0] =	ssyncadd.tile.s32 @!p0 $0x1;
	_ =	shalt  }
.Lfunc_end2:
_tile_overlayer_lowered:
.L_overlay_start_2:
0x69: {  	(tag) =	ssettag $0x2  }
0x6a: {  	s0 =	rddreg [dreg:$0x0];
	s2 =	stileid.u32  }
0x6b: {  	s1 =	rddreg [dreg:$0x1];
	p0 =	sne.s32 s2, $0x0  }
0x6c: {  	s3 =	rddreg [dreg:$0x2];
	[bflag:$0x3] =	sbarrier.arrive $0xFFFF;
	s2 =	simm.s32 @!p0 $0x1C01  }
0x6d: {  	[timem:s3], [sflag:s2] =	dma.local @!p0 [hbm:s0], s1  }
0x6e: {  	s0 =	simm.s32 @!p0 $0x1  }
0x6f: {  	_ =	swait.ge @!p0 [sflag:s0], s1  }
0x70: {  	s1 =	ssub.s32 @!p0 $0x0, s1;
	[sflag:s0] =	ssyncset.done @!p0 $0x0  }
0x71: {  	[sflag:s0] =	ssyncadd.s32 @!p0 s1  }
0x72: {  	[bflag:$0x3] =	sbarrier.arrive $0xFFFF  }
0x73: {  	_ =	shalt  }

// kernel: kernel.22.cloned.1.call-start
scs
__scs_entry_jumppad:
0x0: {  	(pc) =	sbr.rel $0x88, $3  }
0x1: {  	(tag) =	ssettag $0x0;
	lr =	simm.s32 $0x1  }
0x2: {  	[smem:$0x3F92] =	sst lr;
	_ =	strace $0xD0000000  }
0x3: {  	_ = 	snop  }
0x4: {  	_ = 	snop  }
0x5: {  	_ = 	snop  }
0x6: {  	_ = 	snop  }
0x7: {  	_ = 	snop  }
__scs_overlays_trampoline_lowered:
0x8: {  	[smem:$0x3FA1] =	sst s0  }
0x9: {  	[smem:$0x3FA2] =	sst s1  }
0xa: {  	[smem:$0x3FA3] =	sst s2  }
0xb: {  	[smem:$0x3FA4] =	sst s3  }
0xc: {  	[smem:$0x3FA5] =	sst s4  }
0xd: {  	[smem:$0x3FA6] =	sst s5  }
0xe: {  	[smem:$0x3FA7] =	sst s6  }
0xf: {  	[smem:$0x3FA8] =	sst s7  }
0x10: {  	[smem:$0x3FA9] =	sst s8  }
0x11: {  	[smem:$0x3FAA] =	sst s9;
	s0 =	simm.s32 @!p0 $0x0  }
0x12: {  	s1 =	sld [smem:$0x3F90];
	s0 =	simm.s32 @p0 $0x1  }
0x13: {  	[smem:$0x3FAB] =	sst s0;
	s0 =	simm.s32 @!p1 $0x0  }
0x14: {  	s2 =	sld [smem:$0x3F8F];
	s0 =	simm.s32 @p1 $0x1  }
0x15: {  	[smem:$0x3FAC] =	sst s0;
	s0 =	simm.s32 @!p2 $0x0  }
0x16: {  	s3 =	sld [smem:$0x3FDB];
	s0 =	simm.s32 @p2 $0x1  }
0x17: {  	s4 =	simm.s32 $0x1BF5;
	[smem:$0x3FAE] =	sst s0  }
0x18: {  	s0 =	sld [smem:$0x3F91];
	_ =	swait.ge [sflag:s4], $0x0  }
0x19: {  	s7 =	sld [smem:$0x3F92]  }
0x1a: {  	s8 =	sadd.s32 $0xFFFFE003, lr  }
0x1b: {  	s9 =	sadd.s32 $0xFFFFFEF7, lr;
	s5 =	simm.s32 $0xFFFFFFFF;
	p2 =	slt.u32 s8, $0xFFFFF086  }
0x1c: {  	p1 =	slt.u32 s9, $0xF7A;
	s5 =	simm.s32 @!p2 $0x0  }
0x1d: {  	s5 =	simm.s32 @p1 $0x1;
	p0 =	seq.s32 s7, s2  }
0x1e: {  	s7 =	smul.u32 @!p0 $0xF7A, s2;
	p2 =	seq.s32 @!p0 s5, $0x0  }
0x1f: {  	s9 =	smul.u32 $0xF7A, s1;
	s8 =	simm.s32 @!p0 $0x1BF5;
	p2 =	por !p2, p0  }
0x20: {  	[sflag:s8] =	ssyncset.s32 @!p0 $0xFFFFF086;
	s6 =	sadd.s32 @!p0 s3, s7;
	s7 =	simm.s32 @!p0 $0x108  }
0x21: {  	s3 =	sadd.s32 s3, s9;
	s6 =	sadd.s32 @!p0 $0x88, s6;
	s7 =	simm.s32 @p2 $0x1082  }
0x22: {  	[simem:s7], [sflag:s8] =	dma.local @!p0 [hbm:s6], $0xF7A  }
0x23: {  	s9 =	sor.u32 $0xD0000000, s2;
	s6 =	simm.s32 $0x108;
	_ =	swait.ge @!p0 [sflag:s8], $0x0  }
0x24: {  	s3 =	sadd.s32 $0x88, s3;
	s6 =	simm.s32 @!p1 $0x1082;
	[sflag:s4] =	ssyncset.s32 $0xFFFFF086  }
0x25: {  	[simem:s6], [sflag:s4] =	dma.local [hbm:s3], $0xF7A  }
0x26: {  	[smem:$0x3F92] =	sst s1;
	(tag) =	ssettag s2;
	_ =	strace s9  }
0x27: {  	s1 =	sld [smem:$0x3FA2]  }
0x28: {  	s2 =	sld [smem:$0x3FA3]  }
0x29: {  	s4 =	sld [smem:$0x3FA5]  }
0x2a: {  	p0 =	seq.s32 s5, $0x0;
	s5 =	sld [smem:$0x3FA6]  }
0x2b: {  	s6 =	sld [smem:$0x3FA7]  }
0x2c: {  	s7 =	sld [smem:$0x3FA8]  }
0x2d: {  	s3 =	simm.s32 $0x108;
	s8 =	sld [smem:$0x3FA9]  }
0x2e: {  	s3 =	simm.s32 @!p0 $0x1082;
	s9 =	sld [smem:$0x3FAA]  }
0x2f: {  	lr =	sadd.s32 s0, s3;
	s0 =	sld [smem:$0x3FA1]  }
0x30: {  	s3 =	sld [smem:$0x3FA4]  }
0x31: {  	[smem:$0x3FAD] =	sst s10  }
0x32: {  	s10 =	sld [smem:$0x3FAB];
	_ =	sdelay $0x3  }
0x33: {  	p0 =	seq.s32 s10, $0x1;
	s10 =	sld [smem:$0x3FAD];
	_ =	sdelay $0x3  }
0x34: {  	[smem:$0x3FAD] =	sst s10  }
0x35: {  	s10 =	sld [smem:$0x3FAC];
	_ =	sdelay $0x3  }
0x36: {  	p1 =	seq.s32 s10, $0x1;
	s10 =	sld [smem:$0x3FAD];
	_ =	sdelay $0x3  }
0x37: {  	[smem:$0x3FAD] =	sst s10  }
0x38: {  	s10 =	sld [smem:$0x3FAE]  }
0x39: {  	_ = 	snop;
	(pc) =	sbr.ind lr, $3  }
0x3a: {  	_ = 	snop  }
0x3b: {  	_ = 	snop  }
0x3c: {  	p2 =	seq.s32 s10, $0x1;
	s10 =	sld [smem:$0x3FAD]  }
0x3d: {  	_ =	shalt  }
0x3e: {  	_ =	shalt  }
0x3f: {  	_ =	shalt  }
0x40: {  	_ =	shalt  }
0x41: {  	_ =	shalt  }
0x42: {  	_ =	shalt  }
0x43: {  	_ =	shalt  }
0x44: {  	_ =	shalt  }
0x45: {  	_ =	shalt  }
0x46: {  	_ =	shalt  }
0x47: {  	_ =	shalt  }
0x48: {  	_ =	shalt  }
0x49: {  	_ =	shalt  }
0x4a: {  	_ =	shalt  }
0x4b: {  	_ =	shalt  }
0x4c: {  	_ =	shalt  }
0x4d: {  	_ =	shalt  }
0x4e: {  	_ =	shalt  }
0x4f: {  	_ =	shalt  }
0x50: {  	_ =	shalt  }
0x51: {  	_ =	shalt  }
0x52: {  	_ =	shalt  }
0x53: {  	_ =	shalt  }
0x54: {  	_ =	shalt  }
0x55: {  	_ =	shalt  }
0x56: {  	_ =	shalt  }
0x57: {  	_ =	shalt  }
0x58: {  	_ =	shalt  }
0x59: {  	_ =	shalt  }
0x5a: {  	_ =	shalt  }
0x5b: {  	_ =	shalt  }
0x5c: {  	_ =	shalt  }
0x5d: {  	_ =	shalt  }
0x5e: {  	_ =	shalt  }
0x5f: {  	_ =	shalt  }
0x60: {  	_ =	shalt  }
0x61: {  	_ =	shalt  }
0x62: {  	_ =	shalt  }
0x63: {  	_ =	shalt  }
0x64: {  	_ =	shalt  }
0x65: {  	_ =	shalt  }
0x66: {  	_ =	shalt  }
0x67: {  	_ =	shalt  }
0x68: {  	_ =	shalt  }
0x69: {  	_ =	shalt  }
0x6a: {  	_ =	shalt  }
0x6b: {  	_ =	shalt  }
0x6c: {  	_ =	shalt  }
0x6d: {  	_ =	shalt  }
0x6e: {  	_ =	shalt  }
0x6f: {  	_ =	shalt  }
0x70: {  	_ =	shalt  }
0x71: {  	_ =	shalt  }
0x72: {  	_ =	shalt  }
0x73: {  	_ =	shalt  }
0x74: {  	_ =	shalt  }
0x75: {  	_ =	shalt  }
0x76: {  	_ =	shalt  }
0x77: {  	_ =	shalt  }
0x78: {  	_ =	shalt  }
0x79: {  	_ =	shalt  }
0x7a: {  	_ =	shalt  }
0x7b: {  	_ =	shalt  }
0x7c: {  	_ =	shalt  }
0x7d: {  	_ =	shalt  }
0x7e: {  	_ =	shalt  }
0x7f: {  	_ =	shalt  }
0x80: {  	_ =	shalt  }
0x81: {  	_ =	shalt  }
0x82: {  	_ =	shalt  }
0x83: {  	_ =	shalt  }
0x84: {  	_ =	shalt  }
0x85: {  	_ =	shalt  }
0x86: {  	_ =	shalt  }
0x87: {  	_ =	shalt  }
.Lfunc_end0:
.L_simem_size_0:
called_computation.3_lowered:
.L_overlay_start_0:
0x88: {  	s2 =	sld [smem:$0x3FD9]  }
0x89: {  	s3 =	sld [smem:$0x3FFE];
	_ =	sdelay $0x1  }
0x8a: {  	s1 =	srdreg.scid  }
0x8b: {  	s0 =	sand.u32 $0x1, s1  }
0x8c: {  	s17 =	sshll.u32 s0, $0xA;
	s2 =	sadd.s32 s3, s2  }
0x8d: {  	s2 =	sadd.s32 s2, s17  }
0x8e: {  	[smem:$0x3FB9] =	sst s2  }
0x8f: {  	_ = 	snop  }
0x90: {  	(tm) =	ssettm $0x1  }
0x91: {  	s18 =	sld [smem:$0x3FFB];
	_ =	sdelay $0x3  }
0x92: {  	_ =	strace s18  }
0x93: {  	s2 =	sld [smem:$0x3FFC];
	_ =	sdelay $0x3  }
0x94: {  	_ =	strace s2  }
0x95: {  	s2 =	sld [smem:$0x3FFD];
	_ =	sdelay $0x3  }
0x96: {  	_ =	strace s2  }
0x97: {  	_ =	strace $0x8FFFFFFF  }
0x98: {  	s19 =	sld [smem:$0x3FDB];
	_ =	sdelay $0x1  }
0x99: {  	s20 =	simm.s32 $_scs_section_size  }
0x9a: {  	s4 =	simm.s32 $_size__tile_overlayer_lowered;
	s5 =	simm.s32 $_tile_overlayer_lowered  }
0x9b: {  	s6 =	simm.s32 $0x1BFF;
	s21 =	sshll.u32 s5, $0x1;
	s3 =	sadd.s32 s20, s19  }
0x9c: {  	s22 =	simm.s32 $0x0;
	s4 =	sshll.u32 s4, $0x1;
	s5 =	sadd.s32 s21, s3  }
0x9d: {  	[timem:s22], [sflag:s6] =	dma.local [hbm:s5], s4  }
0x9e: {  	_ =	swait.ge [sflag:s6], s4  }
0x9f: {  	s4 =	ssub.s32 $0x0, s4;
	[sflag:s6] =	ssyncset.done $0x0  }
0xa0: {  	[sflag:s6] =	ssyncadd.s32 s4;
	_ =	sdelay $0x1  }
0xa1: {  	s23 =	simm.s32 $0x1B8B  }
0xa2: {  	_ =	swait.ge [sflag:s23], $0x1  }
0xa3: {  	[sflag:s23] =	ssyncset.done $0x0  }
0xa4: {  	[sflag:s23] =	ssyncadd.s32 $0xFFFFFFFF  }
0xa5: {  	s4 =	sld [smem:$0x0]  }
0xa6: {  	s5 =	sand.u32 $0xFFFFFFFE, s1  }
0xa7: {  	p0 =	sne.s32 s1, s5  }
0xa8: {  	s5 =	sshll.u32 @p0 s5, $0xE  }
0xa9: {  	s5 =	sadd.s32 @p0 $0x11B8D, s5;
	s6 =	sshll.u32 @p0 s4, $0x11  }
0xaa: {  	s5 =	sor.u32 @p0 s6, s5  }
0xab: {  	[sflag:s5] =	ssyncadd.remote.s32 @p0 $0x1;
	_ =	sdelay $0x1  }
0xac: {  	s5 =	simm.s32 @p0 $0x1B8D  }
0xad: {  	_ =	swait.eq @p0 [sflag:s5], $0x1  }
0xae: {  	[sflag:s5] =	ssyncadd.s32 @p0 $0xFFFFFFFF  }
0xaf: {  	s6 =	sshll.u32 @!p0 s1, $0xE  }
0xb0: {  	s6 =	sor.u32 @!p0 $0x4000, s6;
	s5 =	simm.s32 @!p0 $0x1B8D  }
0xb1: {  	s4 =	sshll.u32 @!p0 s4, $0x11;
	s6 =	sadd.s32 @!p0 $0x11B8D, s6;
	_ =	swait.eq @!p0 [sflag:s5], $0x1  }
0xb2: {  	s4 =	sor.u32 @!p0 s4, s6;
	[sflag:s5] =	ssyncadd.s32 @!p0 $0xFFFFFFFF  }
0xb3: {  	s25 =	simm.s32 $0x1B8E;
	s24 =	sld [smem:$0x3FFE];
	[sflag:s4] =	ssyncadd.remote.s32 @!p0 $0x1  }
0xb4: {  	s26 =	simm.s32 $execute0_lowered;
	[smem:$0x3FD2] =	sst s25  }
0xb5: {  	s5 =	sshll.u32 s26, $0x1;
	_ =	strace $0x80000049;
	[dreg:$0x1] =	wrdreg $0xFFFFFFFF  }
0xb6: {  	s28 =	simm.s32 $_size_execute0_lowered;
	s3 =	sadd.s32 s3, s5;
	[dreg:$0x0] =	wrdreg $0x0  }
0xb7: {  	s5 =	sshll.u32 s28, $0x1;
	[dreg:$0x2] =	wrdreg s3  }
0xb8: {  	[dreg:$0x3] =	wrdreg s5  }
0xb9: {  	[dreg:$0x4] =	wrdreg $0xC0  }
0xba: {  	_ =	task [dreg:s22], $0x5FFFF  }
0xbb: {  	[dreg:$0x1] =	wrdreg $0xFFFFFFFF  }
0xbc: {  	[dreg:$0x0] =	wrdreg $0x60  }
0xbd: {  	[dreg:$0x2] =	wrdreg s24  }
0xbe: {  	[dreg:$0x3] =	wrdreg $0x90800  }
0xbf: {  	[dreg:$0x4] =	wrdreg $0xC  }
0xc0: {  	_ =	task.clear_ibuf [dreg:s22], $0x5FFFF;
	_ =	strace $0x90000049  }
0xc1: {  	s29 =	simm.s32 $0xC;
	_ =	strace $0x8000004B  }
0xc2: {  	_ =	swait.ge [sflag:s29], $0x1  }
0xc3: {  	[sflag:s29] =	ssyncadd.s32 $0xFFFFFFFF  }
0xc4: {  	_ =	strace $0x9000004B  }
0xc5: {  	_ =	sfence  }
0xc6: {  	s30 =	sld [smem:$0x0];
	_ =	sdelay $0x2  }
0xc7: {  	s31 =	sshll.u32 s1, $0xD;
	s1 =	sshrl.u32 s1, $0x2  }
0xc8: {  	s4 =	sand.u32 $0x4000, s31;
	s1 =	sadd.s32 s1, s30  }
0xc9: {  	s0 =	sor.u32 s4, s0;
	s1 =	sshll.u32 s1, $0x11  }
0xca: {  	s0 =	sor.u32 s1, s0  }
0xcb: {  	s0 =	sadd.s32 $0x8F2B, s0  }
0xcc: {  	[sflag:s0] =	ssyncadd.remote.s32 $0x1  }
0xcd: {  	_ =	sfence.sel $0xFFFF  }
0xce: {  	[dreg:$0x0] =	wrdreg $0xFFFFFFFF;
	(pc) =	sbr.abs _section_cstart, $3  }
0xcf: {  	[dreg:$0x1] =	wrdreg $0xFFFFFFFF  }
0xd0: {  	_ =	task.clear_ibuf [dreg:s22], $0x2FFFF;
	_ =	strace $0x9FFFFFFF  }
0xd1: {  	(tm) =	ssettm $0x7FFFFFFF  }
tec
execute0_lowered:
.L_overlay_start_1:
0x0: {  	(tag) =	ssettag $0x1  }
0x1: {  	s6 =	rddreg [dreg:$0x0];
	s0 =	srdreg.scid  }
0x2: {  	s2 =	rddreg [dreg:$0x1];
	s1 =	stileid.u32  }
0x3: {  	s3 =	simm.s32 $0x0;
	s15 =	simm.s32 $0x9000;
	s16 =	simm.s32 $0x7D  }
0x4: {  	s17 =	simm.s32 $0x5000;
	s5 =	sand.u32 $0x1, s0;
	s0 =	rddreg [dreg:$0x2]  }
0x5: {  	s18 =	simm.s32 $0x0;
	s7 =	smul.u32 $0x14000, s1;
	[smem:$0x7FF] =	sst s3  }
0x6: {  	s29 =	smul.u32 $0x50000, s1;
	s31 =	sshll.u32 s1, $0x6;
	s4 =	sshll.u32 s5, $0x4  }
0x7: {  	_ =	strace $0x8000004A;
	s10 =	smul.u32 $0x140000, s5;
	s28 =	ssub.s32 $0x2, s5  }
0x8: {  	s5 =	sadd.s32 $0x67E00, s6;
	s4 =	sor.u32 s1, s4;
	s9 =	sshrl.u32 s7, $0x3  }
0x9: {  	s12 =	sshrl.u32 s28, $0x1;
	s30 =	sshrl.u32 s29, $0x2;
	s8 =	smul.u32 $0x500, s4  }
0xa: {  	s4 =	sadd.s32 $0x18C00, s6;
	s26 =	sadd.s32 s9, s6;
	s7 =	sadd.s32 s7, s10  }
.Ltmp0:
0xb: {  	s12 =	ssub.s32 s28, s12;
	s7 =	sshrl.u32 s7, $0x3;
	(pc) =	sbr.rel .LBB2_1-.Ltmp0, $4  }
0xc: {  	s14 =	sadd.s32 s30, s2;
	s11 =	sadd.s32 s8, s6;
	s13 =	sadd.s32 s7, s6  }
0xd: {  	s6 =	sadd.s32 $0x3FE00, s26;
	s7 =	sor.u32 $0x1C01, s31;
	s8 =	sadd.s32 $0xEC00, s11  }
0xe: {  	s9 =	sadd.s32 $0xB8000, s11;
	s10 =	sadd.s32 $0xC2000, s13;
	s11 =	smax.u32 s12, $0x1  }
0xf: {  	v0 =	vimm.f32 $1.000000000e+00;
	s12 =	sshrl.u32 s14, $0x3;
	s13 =	simm.s32 $0x1;
	s14 =	simm.s32 $0x2800  }
.LBB2_10:
0x10: {  	s18 =	sadd.s32 $0x1, s18  }
0x11: {  	p0 =	sne.s32 s18, s11  }
.Ltmp1:
0x12: {  	[bflag:$0x0] =	sbarrier.arrive $0xFFFF;
	(pc) =	sbr.rel @!p0 .LBB2_11-.Ltmp1, $4  }
0x13: {  	[hbm:s10], [sflag:s7] =	dma.local [spmem:s12], $0x2800  }
0x14: {  	_ =	swait.ge [sflag:s13], $0x2800  }
0x15: {  	[sflag:s13] =	ssyncset.done $0x0  }
0x16: {  	[sflag:s13] =	ssyncadd.s32 $0xFFFFD800  }
.LBB2_1:
0x17: {  	[spmem:s12], [sflag:s7] =	dma.local [hbm:s6], $0x2800  }
0x18: {  	_ =	swait.ge [sflag:s13], $0x2800  }
0x19: {  	[sflag:s13] =	ssyncset.done $0x0  }
0x1a: {  	[sflag:s13] =	ssyncadd.s32 $0xFFFFD800  }
0x1b: {  	[bflag:$0x0] =	sbarrier.arrive $0xFFFF  }
0x1c: {  	[tilespmem:s3], [sflag:$0x1] =	stream.linear.gather [hbm4b:s8+s3], $0x2800, $0x38;
	[tilespmem:$0x1D080] =	vst v63  }
0x1d: {  	_ =	swait.ge [sflag:s13], $0x2800  }
0x1e: {  	[sflag:s13] =	ssyncset.done $0x0  }
0x1f: {  	[sflag:s13] =	ssyncadd.s32 $0xFFFFD800  }
0x20: {  	[tilespmem:s14], [sflag:$0x1] =	stream.linear.gather [hbm4b:s9+s3], $0x2800, $0x38;
	[tilespmem:$0x1D080] =	vst v63  }
0x21: {  	_ =	swait.ge [sflag:s13], $0x2800  }
0x22: {  	[sflag:s13] =	ssyncset.done $0x0  }
0x23: {  	[sflag:s13] =	ssyncadd.s32 $0xFFFFD800  }
0x24: {  	[tilespmem:s15], [sflag:$0x1] =	stream.linear.gather [hbm4b:s5+s3], $0x80, $0x38;
	[tilespmem:$0x1D080] =	vst v63  }
0x25: {  	_ =	swait.ge [sflag:s13], $0x80  }
0x26: {  	[sflag:s13] =	ssyncset.done $0x0  }
0x27: {  	[sflag:s13] =	ssyncadd.s32 $0xFFFFFF80  }
0x28: {  	v1 =	vld [tilespmem:$0x9000];
	_ =	sdelay $0x4  }
0x29: {  	(v2sf) =	vpush v1, $0x0;
	_ =	sdelay $0xe  }
0x2a: {  	s19 =	spop (v2sf)  }
0x2b: {  	p0 =	seq.s32 s19, $0x0  }
.Ltmp2:
0x2c: {  	_ = 	snop;
	(pc) =	sbr.rel @p0 .LBB2_5-.Ltmp2, $1  }
0x2d: {  	_ =	sdelay $0x3  }
0x2e: {  	s19 =	simm.s32 $0x0  }
0x2f: {  	[tilespmem:s17], [sflag:$0x1] =	stream.indirect.gather [hbm4b:s4+s16], $0x80, s19, s16, $0xb8;
	[tilespmem:$0x1D080] =	vst v63  }
0x30: {  	_ =	swait.ge [sflag:s13], $0x3E80  }
0x31: {  	[sflag:s13] =	ssyncset.done $0x0  }
0x32: {  	s31 =	simm.s32 $0x2800;
	[sflag:s13] =	ssyncadd.s32 $0xFFFFC180  }
0x33: {  	[spmem:s2] =	stream.indirect.scatter.add.f32 [tilespmem:s17], [sflag:$0x1], $0x80, s31, s16, $0xb8;
	[tilespmem:$0x1D080] =	vst v63  }
0x34: {  	_ =	swait.ge [sflag:s13], $0x3E80  }
0x35: {  	s20 =	simm.s32 $0x400;
	s19 =	simm.s32 $0x200;
	[sflag:s13] =	ssyncset.done $0x0  }
.LBB2_3:
0x36: {  	s21 =	sshra.s32 s19, $0x2  }
0x37: {  	[sflag:s13] =	ssyncadd.s32 $0xFFFFC180;
	s19 =	smov.u32 s20;
	s22 =	sadd.s32 $0x200, s20  }
0x38: {  	[tilespmem:s17], [sflag:$0x1] =	stream.indirect.gather [hbm4b:s4+s16], $0x80, s21, s16, $0xb8;
	[tilespmem:$0x1D080] =	vst v63  }
0x39: {  	p0 =	seq.s32 s20, $0x9E00;
	_ =	swait.ge [sflag:s13], $0x3E80  }
.Ltmp3:
0x3a: {  	[sflag:s13] =	ssyncset.done $0x0;
	(pc) =	sbr.rel @!p0 .LBB2_3-.Ltmp3, $4  }
0x3b: {  	s20 =	sadd.s32 $0x2800, s21;
	[sflag:s13] =	ssyncadd.s32 $0xFFFFC180  }
0x3c: {  	[spmem:s2] =	stream.indirect.scatter.add.f32 [tilespmem:s17], [sflag:$0x1], $0x80, s20, s16, $0xb8;
	[tilespmem:$0x1D080] =	vst v63  }
0x3d: {  	_ =	swait.ge [sflag:s13], $0x3E80  }
0x3e: {  	s20 =	smov.u32 s22;
	[sflag:s13] =	ssyncset.done $0x0  }
0x3f: {  	s19 =	sshra.s32 s19, $0x2;
	[sflag:s13] =	ssyncadd.s32 $0xFFFFC180  }
0x40: {  	[tilespmem:s17], [sflag:$0x1] =	stream.indirect.gather [hbm4b:s4+s16], $0x80, s19, s16, $0xb8;
	[tilespmem:$0x1D080] =	vst v63  }
0x41: {  	_ =	swait.ge [sflag:s13], $0x3E80  }
0x42: {  	[sflag:s13] =	ssyncset.done $0x0  }
.Ltmp4:
0x43: {  	s19 =	sadd.s32 $0x2800, s19;
	[sflag:s13] =	ssyncadd.s32 $0xFFFFC180;
	(pc) =	sbr.rel .LBB2_10-.Ltmp4, $4  }
0x44: {  	[spmem:s2] =	stream.indirect.scatter.add.f32 [tilespmem:s17], [sflag:$0x1], $0x80, s19, s16, $0xb8;
	[tilespmem:$0x1D080] =	vst v63  }
0x45: {  	_ =	swait.ge [sflag:s13], $0x3E80  }
0x46: {  	[sflag:s13] =	ssyncset.done $0x0  }
0x47: {  	[sflag:s13] =	ssyncadd.s32 $0xFFFFC180  }
.LBB2_5:
0x48: {  	s19 =	sshra.s32 s3, $0x2;
	s20 =	sadd.s32 $0x200, s3  }
.LBB2_6:
0x49: {  	p0 =	sne.s32 s20, $0xF800;
	[tilespmem:s19+$0x5070] =	vst v0  }
0x4a: {  	[tilespmem:s19+$0x5000] =	vst v0  }
0x4b: {  	[tilespmem:s19+$0x5010] =	vst v0  }
.Ltmp5:
0x4c: {  	[tilespmem:s19+$0x5020] =	vst v0;
	(pc) =	sbr.rel @p0 .LBB2_6-.Ltmp5, $4  }
0x4d: {  	[tilespmem:s19+$0x5030] =	vst v0  }
0x4e: {  	[tilespmem:s19+$0x5040] =	vst v0  }
0x4f: {  	[tilespmem:s19+$0x5050] =	vst v0  }
0x50: {  	[tilespmem:s19+$0x5060] =	vst v0;
	s19 =	sshra.s32 s20, $0x2;
	s20 =	sadd.s32 $0x200, s20  }
0x51: {  	[tilespmem:s19+$0x5070] =	vst v0  }
0x52: {  	[tilespmem:s19+$0x5000] =	vst v0  }
0x53: {  	[tilespmem:s19+$0x5010] =	vst v0  }
0x54: {  	[tilespmem:s19+$0x5020] =	vst v0  }
0x55: {  	[tilespmem:s19+$0x5030] =	vst v0  }
0x56: {  	[tilespmem:s19+$0x5040] =	vst v0  }
0x57: {  	[tilespmem:s19+$0x5050] =	vst v0  }
0x58: {  	[tilespmem:s19+$0x5060] =	vst v0;
	s31 =	simm.s32 $0x2800  }
0x59: {  	[spmem:s2] =	stream.indirect.scatter.add.f32 [tilespmem:s17], [sflag:$0x1], $0x80, s31, s16, $0xb8;
	[tilespmem:$0x1D080] =	vst v63  }
0x5a: {  	s19 =	simm.s32 $0x200;
	_ =	swait.ge [sflag:s13], $0x3E80  }
.LBB2_8:
0x5b: {  	s20 =	sshra.s32 s19, $0x2;
	[sflag:s13] =	ssyncset.done $0x0;
	p0 =	sne.s32 s19, $0x9E00  }
.Ltmp6:
0x5c: {  	s20 =	sadd.s32 $0x2800, s20;
	[sflag:s13] =	ssyncadd.s32 $0xFFFFC180;
	(pc) =	sbr.rel @p0 .LBB2_8-.Ltmp6, $3  }
0x5d: {  	[spmem:s2] =	stream.indirect.scatter.add.f32 [tilespmem:s17], [sflag:$0x1], $0x80, s20, s16, $0xb8;
	[tilespmem:$0x1D080] =	vst v63  }
0x5e: {  	s19 =	sadd.s32 $0x200, s19;
	_ =	sdelay $0x1  }
0x5f: {  	_ =	swait.ge [sflag:s13], $0x3E80  }
.Ltmp7:
0x60: {  	(pc) =	sbr.rel .LBB2_10-.Ltmp7, $3  }
0x61: {  	_ =	sdelay $0x1  }
0x62: {  	[sflag:s13] =	ssyncset.done $0x0  }
0x63: {  	[sflag:s13] =	ssyncadd.s32 $0xFFFFC180  }
.LBB2_11:
0x64: {  	_ =	sfence.sel $0x180000  }
0x65: {  	[bflag:$0x0] =	sbarrier.arrive $0xFFFF  }
0x66: {  	p0 =	sne.s32 s1, $0x0;
	_ =	strace $0x9000004A  }
0x67: {  	s0 =	sadd.s32 @!p0 $0x100000, s0;
	[bflag:$0x2] =	sbarrier.arrive $0xFFFF  }
0x68: {  	[sflag:s0] =	ssyncadd.tile.s32 @!p0 $0x1;
	_ =	shalt  }
.Lfunc_end2:
_tile_overlayer_lowered:
.L_overlay_start_2:
0x69: {  	(tag) =	ssettag $0x2  }
0x6a: {  	s0 =	rddreg [dreg:$0x0];
	s2 =	stileid.u32  }
0x6b: {  	s1 =	rddreg [dreg:$0x1];
	p0 =	sne.s32 s2, $0x0  }
0x6c: {  	s3 =	rddreg [dreg:$0x2];
	[bflag:$0x3] =	sbarrier.arrive $0xFFFF;
	s2 =	simm.s32 @!p0 $0x1C01  }
0x6d: {  	[timem:s3], [sflag:s2] =	dma.local @!p0 [hbm:s0], s1  }
0x6e: {  	s0 =	simm.s32 @!p0 $0x1  }
0x6f: {  	_ =	swait.ge @!p0 [sflag:s0], s1  }
0x70: {  	s1 =	ssub.s32 @!p0 $0x0, s1;
	[sflag:s0] =	ssyncset.done @!p0 $0x0  }
0x71: {  	[sflag:s0] =	ssyncadd.s32 @!p0 s1  }
0x72: {  	[bflag:$0x3] =	sbarrier.arrive $0xFFFF  }
0x73: {  	_ =	shalt  }

// kernel: kernel.25.cloned.1.call-start
scs
__scs_entry_jumppad:
0x0: {  	(pc) =	sbr.rel $0x88, $3  }
0x1: {  	(tag) =	ssettag $0x0;
	lr =	simm.s32 $0x1  }
0x2: {  	[smem:$0x3F92] =	sst lr;
	_ =	strace $0xD0000000  }
0x3: {  	_ = 	snop  }
0x4: {  	_ = 	snop  }
0x5: {  	_ = 	snop  }
0x6: {  	_ = 	snop  }
0x7: {  	_ = 	snop  }
__scs_overlays_trampoline_lowered:
0x8: {  	[smem:$0x3FA1] =	sst s0  }
0x9: {  	[smem:$0x3FA2] =	sst s1  }
0xa: {  	[smem:$0x3FA3] =	sst s2  }
0xb: {  	[smem:$0x3FA4] =	sst s3  }
0xc: {  	[smem:$0x3FA5] =	sst s4  }
0xd: {  	[smem:$0x3FA6] =	sst s5  }
0xe: {  	[smem:$0x3FA7] =	sst s6  }
0xf: {  	[smem:$0x3FA8] =	sst s7  }
0x10: {  	[smem:$0x3FA9] =	sst s8  }
0x11: {  	[smem:$0x3FAA] =	sst s9;
	s0 =	simm.s32 @!p0 $0x0  }
0x12: {  	s1 =	sld [smem:$0x3F90];
	s0 =	simm.s32 @p0 $0x1  }
0x13: {  	[smem:$0x3FAB] =	sst s0;
	s0 =	simm.s32 @!p1 $0x0  }
0x14: {  	s2 =	sld [smem:$0x3F8F];
	s0 =	simm.s32 @p1 $0x1  }
0x15: {  	[smem:$0x3FAC] =	sst s0;
	s0 =	simm.s32 @!p2 $0x0  }
0x16: {  	s3 =	sld [smem:$0x3FDB];
	s0 =	simm.s32 @p2 $0x1  }
0x17: {  	s4 =	simm.s32 $0x1BF5;
	[smem:$0x3FAE] =	sst s0  }
0x18: {  	s0 =	sld [smem:$0x3F91];
	_ =	swait.ge [sflag:s4], $0x0  }
0x19: {  	s7 =	sld [smem:$0x3F92]  }
0x1a: {  	s8 =	sadd.s32 $0xFFFFE003, lr  }
0x1b: {  	s9 =	sadd.s32 $0xFFFFFEF7, lr;
	s5 =	simm.s32 $0xFFFFFFFF;
	p2 =	slt.u32 s8, $0xFFFFF086  }
0x1c: {  	p1 =	slt.u32 s9, $0xF7A;
	s5 =	simm.s32 @!p2 $0x0  }
0x1d: {  	s5 =	simm.s32 @p1 $0x1;
	p0 =	seq.s32 s7, s2  }
0x1e: {  	s7 =	smul.u32 @!p0 $0xF7A, s2;
	p2 =	seq.s32 @!p0 s5, $0x0  }
0x1f: {  	s9 =	smul.u32 $0xF7A, s1;
	s8 =	simm.s32 @!p0 $0x1BF5;
	p2 =	por !p2, p0  }
0x20: {  	[sflag:s8] =	ssyncset.s32 @!p0 $0xFFFFF086;
	s6 =	sadd.s32 @!p0 s3, s7;
	s7 =	simm.s32 @!p0 $0x108  }
0x21: {  	s3 =	sadd.s32 s3, s9;
	s6 =	sadd.s32 @!p0 $0x88, s6;
	s7 =	simm.s32 @p2 $0x1082  }
0x22: {  	[simem:s7], [sflag:s8] =	dma.local @!p0 [hbm:s6], $0xF7A  }
0x23: {  	s9 =	sor.u32 $0xD0000000, s2;
	s6 =	simm.s32 $0x108;
	_ =	swait.ge @!p0 [sflag:s8], $0x0  }
0x24: {  	s3 =	sadd.s32 $0x88, s3;
	s6 =	simm.s32 @!p1 $0x1082;
	[sflag:s4] =	ssyncset.s32 $0xFFFFF086  }
0x25: {  	[simem:s6], [sflag:s4] =	dma.local [hbm:s3], $0xF7A  }
0x26: {  	[smem:$0x3F92] =	sst s1;
	(tag) =	ssettag s2;
	_ =	strace s9  }
0x27: {  	s1 =	sld [smem:$0x3FA2]  }
0x28: {  	s2 =	sld [smem:$0x3FA3]  }
0x29: {  	s4 =	sld [smem:$0x3FA5]  }
0x2a: {  	p0 =	seq.s32 s5, $0x0;
	s5 =	sld [smem:$0x3FA6]  }
0x2b: {  	s6 =	sld [smem:$0x3FA7]  }
0x2c: {  	s7 =	sld [smem:$0x3FA8]  }
0x2d: {  	s3 =	simm.s32 $0x108;
	s8 =	sld [smem:$0x3FA9]  }
0x2e: {  	s3 =	simm.s32 @!p0 $0x1082;
	s9 =	sld [smem:$0x3FAA]  }
0x2f: {  	lr =	sadd.s32 s0, s3;
	s0 =	sld [smem:$0x3FA1]  }
0x30: {  	s3 =	sld [smem:$0x3FA4]  }
0x31: {  	[smem:$0x3FAD] =	sst s10  }
0x32: {  	s10 =	sld [smem:$0x3FAB];
	_ =	sdelay $0x3  }
0x33: {  	p0 =	seq.s32 s10, $0x1;
	s10 =	sld [smem:$0x3FAD];
	_ =	sdelay $0x3  }
0x34: {  	[smem:$0x3FAD] =	sst s10  }
0x35: {  	s10 =	sld [smem:$0x3FAC];
	_ =	sdelay $0x3  }
0x36: {  	p1 =	seq.s32 s10, $0x1;
	s10 =	sld [smem:$0x3FAD];
	_ =	sdelay $0x3  }
0x37: {  	[smem:$0x3FAD] =	sst s10  }
0x38: {  	s10 =	sld [smem:$0x3FAE]  }
0x39: {  	_ = 	snop;
	(pc) =	sbr.ind lr, $3  }
0x3a: {  	_ = 	snop  }
0x3b: {  	_ = 	snop  }
0x3c: {  	p2 =	seq.s32 s10, $0x1;
	s10 =	sld [smem:$0x3FAD]  }
0x3d: {  	_ =	shalt  }
0x3e: {  	_ =	shalt  }
0x3f: {  	_ =	shalt  }
0x40: {  	_ =	shalt  }
0x41: {  	_ =	shalt  }
0x42: {  	_ =	shalt  }
0x43: {  	_ =	shalt  }
0x44: {  	_ =	shalt  }
0x45: {  	_ =	shalt  }
0x46: {  	_ =	shalt  }
0x47: {  	_ =	shalt  }
0x48: {  	_ =	shalt  }
0x49: {  	_ =	shalt  }
0x4a: {  	_ =	shalt  }
0x4b: {  	_ =	shalt  }
0x4c: {  	_ =	shalt  }
0x4d: {  	_ =	shalt  }
0x4e: {  	_ =	shalt  }
0x4f: {  	_ =	shalt  }
0x50: {  	_ =	shalt  }
0x51: {  	_ =	shalt  }
0x52: {  	_ =	shalt  }
0x53: {  	_ =	shalt  }
0x54: {  	_ =	shalt  }
0x55: {  	_ =	shalt  }
0x56: {  	_ =	shalt  }
0x57: {  	_ =	shalt  }
0x58: {  	_ =	shalt  }
0x59: {  	_ =	shalt  }
0x5a: {  	_ =	shalt  }
0x5b: {  	_ =	shalt  }
0x5c: {  	_ =	shalt  }
0x5d: {  	_ =	shalt  }
0x5e: {  	_ =	shalt  }
0x5f: {  	_ =	shalt  }
0x60: {  	_ =	shalt  }
0x61: {  	_ =	shalt  }
0x62: {  	_ =	shalt  }
0x63: {  	_ =	shalt  }
0x64: {  	_ =	shalt  }
0x65: {  	_ =	shalt  }
0x66: {  	_ =	shalt  }
0x67: {  	_ =	shalt  }
0x68: {  	_ =	shalt  }
0x69: {  	_ =	shalt  }
0x6a: {  	_ =	shalt  }
0x6b: {  	_ =	shalt  }
0x6c: {  	_ =	shalt  }
0x6d: {  	_ =	shalt  }
0x6e: {  	_ =	shalt  }
0x6f: {  	_ =	shalt  }
0x70: {  	_ =	shalt  }
0x71: {  	_ =	shalt  }
0x72: {  	_ =	shalt  }
0x73: {  	_ =	shalt  }
0x74: {  	_ =	shalt  }
0x75: {  	_ =	shalt  }
0x76: {  	_ =	shalt  }
0x77: {  	_ =	shalt  }
0x78: {  	_ =	shalt  }
0x79: {  	_ =	shalt  }
0x7a: {  	_ =	shalt  }
0x7b: {  	_ =	shalt  }
0x7c: {  	_ =	shalt  }
0x7d: {  	_ =	shalt  }
0x7e: {  	_ =	shalt  }
0x7f: {  	_ =	shalt  }
0x80: {  	_ =	shalt  }
0x81: {  	_ =	shalt  }
0x82: {  	_ =	shalt  }
0x83: {  	_ =	shalt  }
0x84: {  	_ =	shalt  }
0x85: {  	_ =	shalt  }
0x86: {  	_ =	shalt  }
0x87: {  	_ =	shalt  }
.Lfunc_end0:
.L_simem_size_0:
called_computation.4_lowered:
.L_overlay_start_0:
0x88: {  	s2 =	sld [smem:$0x3FD9]  }
0x89: {  	s3 =	sld [smem:$0x3FFE];
	_ =	sdelay $0x1  }
0x8a: {  	s1 =	srdreg.scid  }
0x8b: {  	s0 =	sand.u32 $0x1, s1  }
0x8c: {  	s16 =	sshll.u32 s0, $0xA;
	s2 =	sadd.s32 s3, s2  }
0x8d: {  	s2 =	sadd.s32 s2, s16  }
0x8e: {  	[smem:$0x3FB9] =	sst s2  }
0x8f: {  	_ = 	snop  }
0x90: {  	(tm) =	ssettm $0x1  }
0x91: {  	s17 =	sld [smem:$0x3FFB];
	_ =	sdelay $0x3  }
0x92: {  	_ =	strace s17  }
0x93: {  	s2 =	sld [smem:$0x3FFC];
	_ =	sdelay $0x3  }
0x94: {  	_ =	strace s2  }
0x95: {  	s2 =	sld [smem:$0x3FFD];
	_ =	sdelay $0x3  }
0x96: {  	_ =	strace s2  }
0x97: {  	_ =	strace $0x8FFFFFFF  }
0x98: {  	s18 =	sld [smem:$0x3FDB];
	_ =	sdelay $0x1  }
0x99: {  	s19 =	simm.s32 $_scs_section_size  }
0x9a: {  	s4 =	simm.s32 $_size__tile_overlayer_lowered;
	s5 =	simm.s32 $_tile_overlayer_lowered  }
0x9b: {  	s22 =	simm.s32 $0x1BFF;
	s21 =	sshll.u32 s5, $0x1;
	s2 =	sadd.s32 s19, s18  }
0x9c: {  	s6 =	simm.s32 $0x0;
	s20 =	sshll.u32 s4, $0x1;
	s4 =	sadd.s32 s21, s2  }
0x9d: {  	[timem:s6], [sflag:s22] =	dma.local [hbm:s4], s20  }
0x9e: {  	_ =	swait.ge [sflag:s22], s20  }
0x9f: {  	s3 =	ssub.s32 $0x0, s20;
	[sflag:s22] =	ssyncset.done $0x0  }
0xa0: {  	[sflag:s22] =	ssyncadd.s32 s3;
	_ =	sdelay $0x1  }
0xa1: {  	s23 =	simm.s32 $0x1B8B  }
0xa2: {  	_ =	swait.ge [sflag:s23], $0x1  }
0xa3: {  	[sflag:s23] =	ssyncset.done $0x0  }
0xa4: {  	s25 =	simm.s32 $0x1B8E;
	s24 =	sld [smem:$0x3FFE];
	[sflag:s23] =	ssyncadd.s32 $0xFFFFFFFF  }
0xa5: {  	s26 =	simm.s32 $execute0_lowered;
	[smem:$0x3FD2] =	sst s25  }
0xa6: {  	s4 =	sshll.u32 s26, $0x1;
	_ =	strace $0x80000052;
	[dreg:$0x1] =	wrdreg $0xFFFFFFFF  }
0xa7: {  	s28 =	simm.s32 $_size_execute0_lowered;
	s2 =	sadd.s32 s2, s4;
	[dreg:$0x0] =	wrdreg $0x0  }
0xa8: {  	s4 =	sshll.u32 s28, $0x1;
	[dreg:$0x2] =	wrdreg s2  }
0xa9: {  	[dreg:$0x3] =	wrdreg s4  }
0xaa: {  	[dreg:$0x4] =	wrdreg $0xC0  }
0xab: {  	_ =	task [dreg:s6], $0x5FFFF  }
0xac: {  	[dreg:$0x1] =	wrdreg $0xFFFFFFFF  }
0xad: {  	[dreg:$0x0] =	wrdreg $0x60  }
0xae: {  	[dreg:$0x2] =	wrdreg s24  }
0xaf: {  	[dreg:$0x3] =	wrdreg $0x90800  }
0xb0: {  	[dreg:$0x4] =	wrdreg $0x9  }
0xb1: {  	_ =	task.clear_ibuf [dreg:s6], $0x5FFFF;
	_ =	strace $0x90000052  }
0xb2: {  	s29 =	simm.s32 $0x9;
	_ =	strace $0x80000054  }
0xb3: {  	_ =	swait.ge [sflag:s29], $0x1  }
0xb4: {  	[sflag:s29] =	ssyncadd.s32 $0xFFFFFFFF  }
0xb5: {  	_ =	strace $0x90000054  }
0xb6: {  	_ =	sfence  }
0xb7: {  	s30 =	sld [smem:$0x0];
	_ =	sdelay $0x2  }
0xb8: {  	s31 =	sshll.u32 s1, $0xD;
	s1 =	sshrl.u32 s1, $0x2  }
0xb9: {  	s3 =	sand.u32 $0x4000, s31;
	s1 =	sadd.s32 s1, s30  }
0xba: {  	s0 =	sor.u32 s3, s0;
	s1 =	sshll.u32 s1, $0x11  }
0xbb: {  	s0 =	sor.u32 s1, s0  }
0xbc: {  	s0 =	sadd.s32 $0x8F2B, s0  }
0xbd: {  	[sflag:s0] =	ssyncadd.remote.s32 $0x1  }
0xbe: {  	_ =	sfence.sel $0xFFFF  }
0xbf: {  	[dreg:$0x0] =	wrdreg $0xFFFFFFFF;
	(pc) =	sbr.abs _section_cstart, $3  }
0xc0: {  	[dreg:$0x1] =	wrdreg $0xFFFFFFFF  }
0xc1: {  	_ =	task.clear_ibuf [dreg:s6], $0x2FFFF;
	_ =	strace $0x9FFFFFFF  }
0xc2: {  	(tm) =	ssettm $0x7FFFFFFF  }
0xc3: {  	_ =	shalt  }
tec
execute0_lowered:
.L_overlay_start_1:
0x0: {  	(tag) =	ssettag $0x1  }
0x1: {  	s6 =	rddreg [dreg:$0x0];
	s0 =	srdreg.scid  }
0x2: {  	s2 =	rddreg [dreg:$0x1];
	s1 =	stileid.u32  }
0x3: {  	s3 =	simm.s32 $0x0;
	s15 =	simm.s32 $0x9000;
	s16 =	simm.s32 $0x7D  }
0x4: {  	s17 =	simm.s32 $0x5000;
	s5 =	sand.u32 $0x1, s0;
	s0 =	rddreg [dreg:$0x2]  }
0x5: {  	s18 =	simm.s32 $0x0;
	s7 =	smul.u32 $0x14000, s1;
	[smem:$0x7FF] =	sst s3  }
0x6: {  	s29 =	smul.u32 $0x50000, s1;
	s31 =	sshll.u32 s1, $0x6;
	s4 =	sshll.u32 s5, $0x4  }
0x7: {  	_ =	strace $0x80000053;
	s10 =	smul.u32 $0x140000, s5;
	s28 =	ssub.s32 $0x2, s5  }
0x8: {  	s5 =	sadd.s32 $0x67E00, s6;
	s4 =	sor.u32 s1, s4;
	s9 =	sshrl.u32 s7, $0x3  }
0x9: {  	s12 =	sshrl.u32 s28, $0x1;
	s30 =	sshrl.u32 s29, $0x2;
	s8 =	smul.u32 $0x500, s4  }
0xa: {  	s4 =	sadd.s32 $0xEA000, s6;
	s26 =	sadd.s32 s9, s6;
	s7 =	sadd.s32 s7, s10  }
.Ltmp0:
0xb: {  	s12 =	ssub.s32 s28, s12;
	s7 =	sshrl.u32 s7, $0x3;
	(pc) =	sbr.rel .LBB2_1-.Ltmp0, $4  }
0xc: {  	s14 =	sadd.s32 s30, s2;
	s11 =	sadd.s32 s8, s6;
	s13 =	sadd.s32 s7, s6  }
0xd: {  	s6 =	sadd.s32 $0x3FE00, s26;
	s7 =	sor.u32 $0x1C01, s31;
	s8 =	sadd.s32 $0x4C00, s11  }
0xe: {  	s9 =	sadd.s32 $0xB8000, s11;
	s10 =	sadd.s32 $0x111200, s13;
	s11 =	smax.u32 s12, $0x1  }
0xf: {  	v0 =	vimm.f32 $1.000000000e+00;
	s12 =	sshrl.u32 s14, $0x3;
	s13 =	simm.s32 $0x1;
	s14 =	simm.s32 $0x2800  }
.LBB2_10:
0x10: {  	s18 =	sadd.s32 $0x1, s18  }
0x11: {  	p0 =	sne.s32 s18, s11  }
.Ltmp1:
0x12: {  	[bflag:$0x0] =	sbarrier.arrive $0xFFFF;
	(pc) =	sbr.rel @!p0 .LBB2_11-.Ltmp1, $4  }
0x13: {  	[hbm:s10], [sflag:s7] =	dma.local [spmem:s12], $0x2800  }
0x14: {  	_ =	swait.ge [sflag:s13], $0x2800  }
0x15: {  	[sflag:s13] =	ssyncset.done $0x0  }
0x16: {  	[sflag:s13] =	ssyncadd.s32 $0xFFFFD800  }
.LBB2_1:
0x17: {  	[spmem:s12], [sflag:s7] =	dma.local [hbm:s6], $0x2800  }
0x18: {  	_ =	swait.ge [sflag:s13], $0x2800  }
0x19: {  	[sflag:s13] =	ssyncset.done $0x0  }
0x1a: {  	[sflag:s13] =	ssyncadd.s32 $0xFFFFD800  }
0x1b: {  	[bflag:$0x0] =	sbarrier.arrive $0xFFFF  }
0x1c: {  	[tilespmem:s3], [sflag:$0x1] =	stream.linear.gather [hbm4b:s8+s3], $0x2800, $0x38;
	[tilespmem:$0x1D080] =	vst v63  }
0x1d: {  	_ =	swait.ge [sflag:s13], $0x2800  }
0x1e: {  	[sflag:s13] =	ssyncset.done $0x0  }
0x1f: {  	[sflag:s13] =	ssyncadd.s32 $0xFFFFD800  }
0x20: {  	[tilespmem:s14], [sflag:$0x1] =	stream.linear.gather [hbm4b:s9+s3], $0x2800, $0x38;
	[tilespmem:$0x1D080] =	vst v63  }
0x21: {  	_ =	swait.ge [sflag:s13], $0x2800  }
0x22: {  	[sflag:s13] =	ssyncset.done $0x0  }
0x23: {  	[sflag:s13] =	ssyncadd.s32 $0xFFFFD800  }
0x24: {  	[tilespmem:s15], [sflag:$0x1] =	stream.linear.gather [hbm4b:s5+s3], $0x80, $0x38;
	[tilespmem:$0x1D080] =	vst v63  }
0x25: {  	_ =	swait.ge [sflag:s13], $0x80  }
0x26: {  	[sflag:s13] =	ssyncset.done $0x0  }
0x27: {  	[sflag:s13] =	ssyncadd.s32 $0xFFFFFF80  }
0x28: {  	v1 =	vld [tilespmem:$0x9000];
	_ =	sdelay $0x4  }
0x29: {  	(v2sf) =	vpush v1, $0x0;
	_ =	sdelay $0xe  }
0x2a: {  	s19 =	spop (v2sf)  }
0x2b: {  	p0 =	seq.s32 s19, $0x0  }
.Ltmp2:
0x2c: {  	_ = 	snop;
	(pc) =	sbr.rel @p0 .LBB2_5-.Ltmp2, $1  }
0x2d: {  	_ =	sdelay $0x3  }
0x2e: {  	s19 =	simm.s32 $0x0  }
0x2f: {  	[tilespmem:s17], [sflag:$0x1] =	stream.indirect.gather [hbm4b:s4+s16], $0x80, s19, s16, $0xb8;
	[tilespmem:$0x1D080] =	vst v63  }
0x30: {  	_ =	swait.ge [sflag:s13], $0x3E80  }
0x31: {  	[sflag:s13] =	ssyncset.done $0x0  }
0x32: {  	s31 =	simm.s32 $0x2800;
	[sflag:s13] =	ssyncadd.s32 $0xFFFFC180  }
0x33: {  	[spmem:s2] =	stream.indirect.scatter.add.f32 [tilespmem:s17], [sflag:$0x1], $0x80, s31, s16, $0xb8;
	[tilespmem:$0x1D080] =	vst v63  }
0x34: {  	_ =	swait.ge [sflag:s13], $0x3E80  }
0x35: {  	s20 =	simm.s32 $0x400;
	s19 =	simm.s32 $0x200;
	[sflag:s13] =	ssyncset.done $0x0  }
.LBB2_3:
0x36: {  	s21 =	sshra.s32 s19, $0x2  }
0x37: {  	[sflag:s13] =	ssyncadd.s32 $0xFFFFC180;
	s19 =	smov.u32 s20;
	s22 =	sadd.s32 $0x200, s20  }
0x38: {  	[tilespmem:s17], [sflag:$0x1] =	stream.indirect.gather [hbm4b:s4+s16], $0x80, s21, s16, $0xb8;
	[tilespmem:$0x1D080] =	vst v63  }
0x39: {  	p0 =	seq.s32 s20, $0x9E00;
	_ =	swait.ge [sflag:s13], $0x3E80  }
.Ltmp3:
0x3a: {  	[sflag:s13] =	ssyncset.done $0x0;
	(pc) =	sbr.rel @!p0 .LBB2_3-.Ltmp3, $4  }
0x3b: {  	s20 =	sadd.s32 $0x2800, s21;
	[sflag:s13] =	ssyncadd.s32 $0xFFFFC180  }
0x3c: {  	[spmem:s2] =	stream.indirect.scatter.add.f32 [tilespmem:s17], [sflag:$0x1], $0x80, s20, s16, $0xb8;
	[tilespmem:$0x1D080] =	vst v63  }
0x3d: {  	_ =	swait.ge [sflag:s13], $0x3E80  }
0x3e: {  	s20 =	smov.u32 s22;
	[sflag:s13] =	ssyncset.done $0x0  }
0x3f: {  	s19 =	sshra.s32 s19, $0x2;
	[sflag:s13] =	ssyncadd.s32 $0xFFFFC180  }
0x40: {  	[tilespmem:s17], [sflag:$0x1] =	stream.indirect.gather [hbm4b:s4+s16], $0x80, s19, s16, $0xb8;
	[tilespmem:$0x1D080] =	vst v63  }
0x41: {  	_ =	swait.ge [sflag:s13], $0x3E80  }
0x42: {  	[sflag:s13] =	ssyncset.done $0x0  }
.Ltmp4:
0x43: {  	s19 =	sadd.s32 $0x2800, s19;
	[sflag:s13] =	ssyncadd.s32 $0xFFFFC180;
	(pc) =	sbr.rel .LBB2_10-.Ltmp4, $4  }
0x44: {  	[spmem:s2] =	stream.indirect.scatter.add.f32 [tilespmem:s17], [sflag:$0x1], $0x80, s19, s16, $0xb8;
	[tilespmem:$0x1D080] =	vst v63  }
0x45: {  	_ =	swait.ge [sflag:s13], $0x3E80  }
0x46: {  	[sflag:s13] =	ssyncset.done $0x0  }
0x47: {  	[sflag:s13] =	ssyncadd.s32 $0xFFFFC180  }
.LBB2_5:
0x48: {  	s19 =	sshra.s32 s3, $0x2;
	s20 =	sadd.s32 $0x200, s3  }
.LBB2_6:
0x49: {  	p0 =	sne.s32 s20, $0xF800;
	[tilespmem:s19+$0x5070] =	vst v0  }
0x4a: {  	[tilespmem:s19+$0x5000] =	vst v0  }
0x4b: {  	[tilespmem:s19+$0x5010] =	vst v0  }
.Ltmp5:
0x4c: {  	[tilespmem:s19+$0x5020] =	vst v0;
	(pc) =	sbr.rel @p0 .LBB2_6-.Ltmp5, $4  }
0x4d: {  	[tilespmem:s19+$0x5030] =	vst v0  }
0x4e: {  	[tilespmem:s19+$0x5040] =	vst v0  }
0x4f: {  	[tilespmem:s19+$0x5050] =	vst v0  }
0x50: {  	[tilespmem:s19+$0x5060] =	vst v0;
	s19 =	sshra.s32 s20, $0x2;
	s20 =	sadd.s32 $0x200, s20  }
0x51: {  	[tilespmem:s19+$0x5070] =	vst v0  }
0x52: {  	[tilespmem:s19+$0x5000] =	vst v0  }
0x53: {  	[tilespmem:s19+$0x5010] =	vst v0  }
0x54: {  	[tilespmem:s19+$0x5020] =	vst v0  }
0x55: {  	[tilespmem:s19+$0x5030] =	vst v0  }
0x56: {  	[tilespmem:s19+$0x5040] =	vst v0  }
0x57: {  	[tilespmem:s19+$0x5050] =	vst v0  }
0x58: {  	[tilespmem:s19+$0x5060] =	vst v0;
	s31 =	simm.s32 $0x2800  }
0x59: {  	[spmem:s2] =	stream.indirect.scatter.add.f32 [tilespmem:s17], [sflag:$0x1], $0x80, s31, s16, $0xb8;
	[tilespmem:$0x1D080] =	vst v63  }
0x5a: {  	s19 =	simm.s32 $0x200;
	_ =	swait.ge [sflag:s13], $0x3E80  }
.LBB2_8:
0x5b: {  	s20 =	sshra.s32 s19, $0x2;
	[sflag:s13] =	ssyncset.done $0x0;
	p0 =	sne.s32 s19, $0x9E00  }
.Ltmp6:
0x5c: {  	s20 =	sadd.s32 $0x2800, s20;
	[sflag:s13] =	ssyncadd.s32 $0xFFFFC180;
	(pc) =	sbr.rel @p0 .LBB2_8-.Ltmp6, $3  }
0x5d: {  	[spmem:s2] =	stream.indirect.scatter.add.f32 [tilespmem:s17], [sflag:$0x1], $0x80, s20, s16, $0xb8;
	[tilespmem:$0x1D080] =	vst v63  }
0x5e: {  	s19 =	sadd.s32 $0x200, s19;
	_ =	sdelay $0x1  }
0x5f: {  	_ =	swait.ge [sflag:s13], $0x3E80  }
.Ltmp7:
0x60: {  	(pc) =	sbr.rel .LBB2_10-.Ltmp7, $3  }
0x61: {  	_ =	sdelay $0x1  }
0x62: {  	[sflag:s13] =	ssyncset.done $0x0  }
0x63: {  	[sflag:s13] =	ssyncadd.s32 $0xFFFFC180  }
.LBB2_11:
0x64: {  	_ =	sfence.sel $0x180000  }
0x65: {  	[bflag:$0x0] =	sbarrier.arrive $0xFFFF  }
0x66: {  	p0 =	sne.s32 s1, $0x0;
	_ =	strace $0x90000053  }
0x67: {  	s0 =	sadd.s32 @!p0 $0x100000, s0;
	[bflag:$0x2] =	sbarrier.arrive $0xFFFF  }
0x68: {  	[sflag:s0] =	ssyncadd.tile.s32 @!p0 $0x1;
	_ =	shalt  }
.Lfunc_end2:
_tile_overlayer_lowered:
.L_overlay_start_2:
0x69: {  	(tag) =	ssettag $0x2  }
0x6a: {  	s0 =	rddreg [dreg:$0x0];
	s2 =	stileid.u32  }
0x6b: {  	s1 =	rddreg [dreg:$0x1];
	p0 =	sne.s32 s2, $0x0  }
0x6c: {  	s3 =	rddreg [dreg:$0x2];
	[bflag:$0x3] =	sbarrier.arrive $0xFFFF;
	s2 =	simm.s32 @!p0 $0x1C01  }
0x6d: {  	[timem:s3], [sflag:s2] =	dma.local @!p0 [hbm:s0], s1  }
0x6e: {  	s0 =	simm.s32 @!p0 $0x1  }
0x6f: {  	_ =	swait.ge @!p0 [sflag:s0], s1  }
0x70: {  	s1 =	ssub.s32 @!p0 $0x0, s1;
	[sflag:s0] =	ssyncset.done @!p0 $0x0  }
0x71: {  	[sflag:s0] =	ssyncadd.s32 @!p0 s1  }
0x72: {  	[bflag:$0x3] =	sbarrier.arrive $0xFFFF  }
0x73: {  	_ =	shalt  }

// kernel: kernel.28.cloned.1.call-start
scs
__scs_entry_jumppad:
0x0: {  	(pc) =	sbr.rel $0x88, $3  }
0x1: {  	(tag) =	ssettag $0x0;
	lr =	simm.s32 $0x1  }
0x2: {  	[smem:$0x3F92] =	sst lr;
	_ =	strace $0xD0000000  }
0x3: {  	_ = 	snop  }
0x4: {  	_ = 	snop  }
0x5: {  	_ = 	snop  }
0x6: {  	_ = 	snop  }
0x7: {  	_ = 	snop  }
__scs_overlays_trampoline_lowered:
0x8: {  	[smem:$0x3FA1] =	sst s0  }
0x9: {  	[smem:$0x3FA2] =	sst s1  }
0xa: {  	[smem:$0x3FA3] =	sst s2  }
0xb: {  	[smem:$0x3FA4] =	sst s3  }
0xc: {  	[smem:$0x3FA5] =	sst s4  }
0xd: {  	[smem:$0x3FA6] =	sst s5  }
0xe: {  	[smem:$0x3FA7] =	sst s6  }
0xf: {  	[smem:$0x3FA8] =	sst s7  }
0x10: {  	[smem:$0x3FA9] =	sst s8  }
0x11: {  	[smem:$0x3FAA] =	sst s9;
	s0 =	simm.s32 @!p0 $0x0  }
0x12: {  	s1 =	sld [smem:$0x3F90];
	s0 =	simm.s32 @p0 $0x1  }
0x13: {  	[smem:$0x3FAB] =	sst s0;
	s0 =	simm.s32 @!p1 $0x0  }
0x14: {  	s2 =	sld [smem:$0x3F8F];
	s0 =	simm.s32 @p1 $0x1  }
0x15: {  	[smem:$0x3FAC] =	sst s0;
	s0 =	simm.s32 @!p2 $0x0  }
0x16: {  	s3 =	sld [smem:$0x3FDB];
	s0 =	simm.s32 @p2 $0x1  }
0x17: {  	s4 =	simm.s32 $0x1BF5;
	[smem:$0x3FAE] =	sst s0  }
0x18: {  	s0 =	sld [smem:$0x3F91];
	_ =	swait.ge [sflag:s4], $0x0  }
0x19: {  	s7 =	sld [smem:$0x3F92]  }
0x1a: {  	s8 =	sadd.s32 $0xFFFFE003, lr  }
0x1b: {  	s9 =	sadd.s32 $0xFFFFFEF7, lr;
	s5 =	simm.s32 $0xFFFFFFFF;
	p2 =	slt.u32 s8, $0xFFFFF086  }
0x1c: {  	p1 =	slt.u32 s9, $0xF7A;
	s5 =	simm.s32 @!p2 $0x0  }
0x1d: {  	s5 =	simm.s32 @p1 $0x1;
	p0 =	seq.s32 s7, s2  }
0x1e: {  	s7 =	smul.u32 @!p0 $0xF7A, s2;
	p2 =	seq.s32 @!p0 s5, $0x0  }
0x1f: {  	s9 =	smul.u32 $0xF7A, s1;
	s8 =	simm.s32 @!p0 $0x1BF5;
	p2 =	por !p2, p0  }
0x20: {  	[sflag:s8] =	ssyncset.s32 @!p0 $0xFFFFF086;
	s6 =	sadd.s32 @!p0 s3, s7;
	s7 =	simm.s32 @!p0 $0x108  }
0x21: {  	s3 =	sadd.s32 s3, s9;
	s6 =	sadd.s32 @!p0 $0x88, s6;
	s7 =	simm.s32 @p2 $0x1082  }
0x22: {  	[simem:s7], [sflag:s8] =	dma.local @!p0 [hbm:s6], $0xF7A  }
0x23: {  	s9 =	sor.u32 $0xD0000000, s2;
	s6 =	simm.s32 $0x108;
	_ =	swait.ge @!p0 [sflag:s8], $0x0  }
0x24: {  	s3 =	sadd.s32 $0x88, s3;
	s6 =	simm.s32 @!p1 $0x1082;
	[sflag:s4] =	ssyncset.s32 $0xFFFFF086  }
0x25: {  	[simem:s6], [sflag:s4] =	dma.local [hbm:s3], $0xF7A  }
0x26: {  	[smem:$0x3F92] =	sst s1;
	(tag) =	ssettag s2;
	_ =	strace s9  }
0x27: {  	s1 =	sld [smem:$0x3FA2]  }
0x28: {  	s2 =	sld [smem:$0x3FA3]  }
0x29: {  	s4 =	sld [smem:$0x3FA5]  }
0x2a: {  	p0 =	seq.s32 s5, $0x0;
	s5 =	sld [smem:$0x3FA6]  }
0x2b: {  	s6 =	sld [smem:$0x3FA7]  }
0x2c: {  	s7 =	sld [smem:$0x3FA8]  }
0x2d: {  	s3 =	simm.s32 $0x108;
	s8 =	sld [smem:$0x3FA9]  }
0x2e: {  	s3 =	simm.s32 @!p0 $0x1082;
	s9 =	sld [smem:$0x3FAA]  }
0x2f: {  	lr =	sadd.s32 s0, s3;
	s0 =	sld [smem:$0x3FA1]  }
0x30: {  	s3 =	sld [smem:$0x3FA4]  }
0x31: {  	[smem:$0x3FAD] =	sst s10  }
0x32: {  	s10 =	sld [smem:$0x3FAB];
	_ =	sdelay $0x3  }
0x33: {  	p0 =	seq.s32 s10, $0x1;
	s10 =	sld [smem:$0x3FAD];
	_ =	sdelay $0x3  }
0x34: {  	[smem:$0x3FAD] =	sst s10  }
0x35: {  	s10 =	sld [smem:$0x3FAC];
	_ =	sdelay $0x3  }
0x36: {  	p1 =	seq.s32 s10, $0x1;
	s10 =	sld [smem:$0x3FAD];
	_ =	sdelay $0x3  }
0x37: {  	[smem:$0x3FAD] =	sst s10  }
0x38: {  	s10 =	sld [smem:$0x3FAE]  }
0x39: {  	_ = 	snop;
	(pc) =	sbr.ind lr, $3  }
0x3a: {  	_ = 	snop  }
0x3b: {  	_ = 	snop  }
0x3c: {  	p2 =	seq.s32 s10, $0x1;
	s10 =	sld [smem:$0x3FAD]  }
0x3d: {  	_ =	shalt  }
0x3e: {  	_ =	shalt  }
0x3f: {  	_ =	shalt  }
0x40: {  	_ =	shalt  }
0x41: {  	_ =	shalt  }
0x42: {  	_ =	shalt  }
0x43: {  	_ =	shalt  }
0x44: {  	_ =	shalt  }
0x45: {  	_ =	shalt  }
0x46: {  	_ =	shalt  }
0x47: {  	_ =	shalt  }
0x48: {  	_ =	shalt  }
0x49: {  	_ =	shalt  }
0x4a: {  	_ =	shalt  }
0x4b: {  	_ =	shalt  }
0x4c: {  	_ =	shalt  }
0x4d: {  	_ =	shalt  }
0x4e: {  	_ =	shalt  }
0x4f: {  	_ =	shalt  }
0x50: {  	_ =	shalt  }
0x51: {  	_ =	shalt  }
0x52: {  	_ =	shalt  }
0x53: {  	_ =	shalt  }
0x54: {  	_ =	shalt  }
0x55: {  	_ =	shalt  }
0x56: {  	_ =	shalt  }
0x57: {  	_ =	shalt  }
0x58: {  	_ =	shalt  }
0x59: {  	_ =	shalt  }
0x5a: {  	_ =	shalt  }
0x5b: {  	_ =	shalt  }
0x5c: {  	_ =	shalt  }
0x5d: {  	_ =	shalt  }
0x5e: {  	_ =	shalt  }
0x5f: {  	_ =	shalt  }
0x60: {  	_ =	shalt  }
0x61: {  	_ =	shalt  }
0x62: {  	_ =	shalt  }
0x63: {  	_ =	shalt  }
0x64: {  	_ =	shalt  }
0x65: {  	_ =	shalt  }
0x66: {  	_ =	shalt  }
0x67: {  	_ =	shalt  }
0x68: {  	_ =	shalt  }
0x69: {  	_ =	shalt  }
0x6a: {  	_ =	shalt  }
0x6b: {  	_ =	shalt  }
0x6c: {  	_ =	shalt  }
0x6d: {  	_ =	shalt  }
0x6e: {  	_ =	shalt  }
0x6f: {  	_ =	shalt  }
0x70: {  	_ =	shalt  }
0x71: {  	_ =	shalt  }
0x72: {  	_ =	shalt  }
0x73: {  	_ =	shalt  }
0x74: {  	_ =	shalt  }
0x75: {  	_ =	shalt  }
0x76: {  	_ =	shalt  }
0x77: {  	_ =	shalt  }
0x78: {  	_ =	shalt  }
0x79: {  	_ =	shalt  }
0x7a: {  	_ =	shalt  }
0x7b: {  	_ =	shalt  }
0x7c: {  	_ =	shalt  }
0x7d: {  	_ =	shalt  }
0x7e: {  	_ =	shalt  }
0x7f: {  	_ =	shalt  }
0x80: {  	_ =	shalt  }
0x81: {  	_ =	shalt  }
0x82: {  	_ =	shalt  }
0x83: {  	_ =	shalt  }
0x84: {  	_ =	shalt  }
0x85: {  	_ =	shalt  }
0x86: {  	_ =	shalt  }
0x87: {  	_ =	shalt  }
.Lfunc_end0:
.L_simem_size_0:
called_computation.5_lowered:
.L_overlay_start_0:
0x88: {  	s2 =	sld [smem:$0x3FD9]  }
0x89: {  	s3 =	sld [smem:$0x3FFE];
	_ =	sdelay $0x1  }
0x8a: {  	s1 =	srdreg.scid  }
0x8b: {  	s0 =	sand.u32 $0x1, s1  }
0x8c: {  	s16 =	sshll.u32 s0, $0xA;
	s2 =	sadd.s32 s3, s2  }
0x8d: {  	s2 =	sadd.s32 s2, s16  }
0x8e: {  	[smem:$0x3FB9] =	sst s2  }
0x8f: {  	_ = 	snop  }
0x90: {  	(tm) =	ssettm $0x1  }
0x91: {  	s17 =	sld [smem:$0x3FFB];
	_ =	sdelay $0x3  }
0x92: {  	_ =	strace s17  }
0x93: {  	s2 =	sld [smem:$0x3FFC];
	_ =	sdelay $0x3  }
0x94: {  	_ =	strace s2  }
0x95: {  	s2 =	sld [smem:$0x3FFD];
	_ =	sdelay $0x3  }
0x96: {  	_ =	strace s2  }
0x97: {  	_ =	strace $0x8FFFFFFF  }
0x98: {  	s18 =	sld [smem:$0x3FDB];
	_ =	sdelay $0x1  }
0x99: {  	s19 =	simm.s32 $_scs_section_size  }
0x9a: {  	s4 =	simm.s32 $_size__tile_overlayer_lowered;
	s5 =	simm.s32 $_tile_overlayer_lowered  }
0x9b: {  	s22 =	simm.s32 $0x1BFF;
	s21 =	sshll.u32 s5, $0x1;
	s2 =	sadd.s32 s19, s18  }
0x9c: {  	s6 =	simm.s32 $0x0;
	s20 =	sshll.u32 s4, $0x1;
	s4 =	sadd.s32 s21, s2  }
0x9d: {  	[timem:s6], [sflag:s22] =	dma.local [hbm:s4], s20  }
0x9e: {  	_ =	swait.ge [sflag:s22], s20  }
0x9f: {  	s3 =	ssub.s32 $0x0, s20;
	[sflag:s22] =	ssyncset.done $0x0  }
0xa0: {  	[sflag:s22] =	ssyncadd.s32 s3;
	_ =	sdelay $0x1  }
0xa1: {  	s23 =	simm.s32 $0x1B8B  }
0xa2: {  	_ =	swait.ge [sflag:s23], $0x1  }
0xa3: {  	[sflag:s23] =	ssyncset.done $0x0  }
0xa4: {  	s25 =	simm.s32 $0x1B8E;
	s24 =	sld [smem:$0x3FFE];
	[sflag:s23] =	ssyncadd.s32 $0xFFFFFFFF  }
0xa5: {  	s26 =	simm.s32 $execute0_lowered;
	[smem:$0x3FD2] =	sst s25  }
0xa6: {  	s4 =	sshll.u32 s26, $0x1;
	_ =	strace $0x80000055;
	[dreg:$0x1] =	wrdreg $0xFFFFFFFF  }
0xa7: {  	s28 =	simm.s32 $_size_execute0_lowered;
	s2 =	sadd.s32 s2, s4;
	[dreg:$0x0] =	wrdreg $0x0  }
0xa8: {  	s4 =	sshll.u32 s28, $0x1;
	[dreg:$0x2] =	wrdreg s2  }
0xa9: {  	[dreg:$0x3] =	wrdreg s4  }
0xaa: {  	[dreg:$0x4] =	wrdreg $0xC0  }
0xab: {  	_ =	task [dreg:s6], $0x5FFFF  }
0xac: {  	[dreg:$0x1] =	wrdreg $0xFFFFFFFF  }
0xad: {  	[dreg:$0x0] =	wrdreg $0x60  }
0xae: {  	[dreg:$0x2] =	wrdreg s24  }
0xaf: {  	[dreg:$0x3] =	wrdreg $0x90800  }
0xb0: {  	[dreg:$0x4] =	wrdreg $0x9  }
0xb1: {  	_ =	task.clear_ibuf [dreg:s6], $0x5FFFF;
	_ =	strace $0x90000055  }
0xb2: {  	s29 =	simm.s32 $0x9;
	_ =	strace $0x80000057  }
0xb3: {  	_ =	swait.ge [sflag:s29], $0x1  }
0xb4: {  	[sflag:s29] =	ssyncadd.s32 $0xFFFFFFFF  }
0xb5: {  	_ =	strace $0x90000057  }
0xb6: {  	_ =	sfence  }
0xb7: {  	s30 =	sld [smem:$0x0];
	_ =	sdelay $0x2  }
0xb8: {  	s31 =	sshll.u32 s1, $0xD;
	s1 =	sshrl.u32 s1, $0x2  }
0xb9: {  	s3 =	sand.u32 $0x4000, s31;
	s1 =	sadd.s32 s1, s30  }
0xba: {  	s0 =	sor.u32 s3, s0;
	s1 =	sshll.u32 s1, $0x11  }
0xbb: {  	s0 =	sor.u32 s1, s0  }
0xbc: {  	s0 =	sadd.s32 $0x8F2B, s0  }
0xbd: {  	[sflag:s0] =	ssyncadd.remote.s32 $0x1  }
0xbe: {  	_ =	sfence.sel $0xFFFF  }
0xbf: {  	[dreg:$0x0] =	wrdreg $0xFFFFFFFF;
	(pc) =	sbr.abs _section_cstart, $3  }
0xc0: {  	[dreg:$0x1] =	wrdreg $0xFFFFFFFF  }
0xc1: {  	_ =	task.clear_ibuf [dreg:s6], $0x2FFFF;
	_ =	strace $0x9FFFFFFF  }
0xc2: {  	(tm) =	ssettm $0x7FFFFFFF  }
0xc3: {  	_ =	shalt  }
tec
execute0_lowered:
.L_overlay_start_1:
0x0: {  	(tag) =	ssettag $0x1  }
0x1: {  	s6 =	rddreg [dreg:$0x0];
	s0 =	srdreg.scid  }
0x2: {  	s2 =	rddreg [dreg:$0x1];
	s1 =	stileid.u32  }
0x3: {  	s3 =	simm.s32 $0x0;
	s15 =	simm.s32 $0x9000;
	s16 =	simm.s32 $0x7D  }
0x4: {  	s17 =	simm.s32 $0x5000;
	s5 =	sand.u32 $0x1, s0;
	s0 =	rddreg [dreg:$0x2]  }
0x5: {  	s18 =	simm.s32 $0x0;
	s7 =	smul.u32 $0x14000, s1;
	[smem:$0x7FF] =	sst s3  }
0x6: {  	s29 =	smul.u32 $0x50000, s1;
	s31 =	sshll.u32 s1, $0x6;
	s4 =	sshll.u32 s5, $0x4  }
0x7: {  	_ =	strace $0x80000056;
	s10 =	smul.u32 $0x140000, s5;
	s28 =	ssub.s32 $0x2, s5  }
0x8: {  	s5 =	sadd.s32 $0x67E00, s6;
	s4 =	sor.u32 s1, s4;
	s9 =	sshrl.u32 s7, $0x3  }
0x9: {  	s12 =	sshrl.u32 s28, $0x1;
	s30 =	sshrl.u32 s29, $0x2;
	s8 =	smul.u32 $0x500, s4  }
0xa: {  	s4 =	sadd.s32 $0x68000, s6;
	s26 =	sadd.s32 s9, s6;
	s7 =	sadd.s32 s7, s10  }
.Ltmp0:
0xb: {  	s12 =	ssub.s32 s28, s12;
	s7 =	sshrl.u32 s7, $0x3;
	(pc) =	sbr.rel .LBB2_1-.Ltmp0, $4  }
0xc: {  	s14 =	sadd.s32 s30, s2;
	s11 =	sadd.s32 s8, s6;
	s13 =	sadd.s32 s7, s6  }
0xd: {  	s6 =	sadd.s32 $0x3FE00, s26;
	s7 =	sor.u32 $0x1C01, s31;
	s8 =	sadd.s32 $0x4C00, s11  }
0xe: {  	s9 =	sadd.s32 $0xB8000, s11;
	s10 =	sadd.s32 $0xEA000, s13;
	s11 =	smax.u32 s12, $0x1  }
0xf: {  	v0 =	vimm.f32 $1.000000000e+00;
	s12 =	sshrl.u32 s14, $0x3;
	s13 =	simm.s32 $0x1;
	s14 =	simm.s32 $0x2800  }
.LBB2_10:
0x10: {  	s18 =	sadd.s32 $0x1, s18  }
0x11: {  	p0 =	sne.s32 s18, s11  }
.Ltmp1:
0x12: {  	[bflag:$0x0] =	sbarrier.arrive $0xFFFF;
	(pc) =	sbr.rel @!p0 .LBB2_11-.Ltmp1, $4  }
0x13: {  	[hbm:s10], [sflag:s7] =	dma.local [spmem:s12], $0x2800  }
0x14: {  	_ =	swait.ge [sflag:s13], $0x2800  }
0x15: {  	[sflag:s13] =	ssyncset.done $0x0  }
0x16: {  	[sflag:s13] =	ssyncadd.s32 $0xFFFFD800  }
.LBB2_1:
0x17: {  	[spmem:s12], [sflag:s7] =	dma.local [hbm:s6], $0x2800  }
0x18: {  	_ =	swait.ge [sflag:s13], $0x2800  }
0x19: {  	[sflag:s13] =	ssyncset.done $0x0  }
0x1a: {  	[sflag:s13] =	ssyncadd.s32 $0xFFFFD800  }
0x1b: {  	[bflag:$0x0] =	sbarrier.arrive $0xFFFF  }
0x1c: {  	[tilespmem:s3], [sflag:$0x1] =	stream.linear.gather [hbm4b:s8+s3], $0x2800, $0x38;
	[tilespmem:$0x1D080] =	vst v63  }
0x1d: {  	_ =	swait.ge [sflag:s13], $0x2800  }
0x1e: {  	[sflag:s13] =	ssyncset.done $0x0  }
0x1f: {  	[sflag:s13] =	ssyncadd.s32 $0xFFFFD800  }
0x20: {  	[tilespmem:s14], [sflag:$0x1] =	stream.linear.gather [hbm4b:s9+s3], $0x2800, $0x38;
	[tilespmem:$0x1D080] =	vst v63  }
0x21: {  	_ =	swait.ge [sflag:s13], $0x2800  }
0x22: {  	[sflag:s13] =	ssyncset.done $0x0  }
0x23: {  	[sflag:s13] =	ssyncadd.s32 $0xFFFFD800  }
0x24: {  	[tilespmem:s15], [sflag:$0x1] =	stream.linear.gather [hbm4b:s5+s3], $0x80, $0x38;
	[tilespmem:$0x1D080] =	vst v63  }
0x25: {  	_ =	swait.ge [sflag:s13], $0x80  }
0x26: {  	[sflag:s13] =	ssyncset.done $0x0  }
0x27: {  	[sflag:s13] =	ssyncadd.s32 $0xFFFFFF80  }
0x28: {  	v1 =	vld [tilespmem:$0x9000];
	_ =	sdelay $0x4  }
0x29: {  	(v2sf) =	vpush v1, $0x0;
	_ =	sdelay $0xe  }
0x2a: {  	s19 =	spop (v2sf)  }
0x2b: {  	p0 =	seq.s32 s19, $0x0  }
.Ltmp2:
0x2c: {  	_ = 	snop;
	(pc) =	sbr.rel @p0 .LBB2_5-.Ltmp2, $1  }
0x2d: {  	_ =	sdelay $0x3  }
0x2e: {  	s19 =	simm.s32 $0x0  }
0x2f: {  	[tilespmem:s17], [sflag:$0x1] =	stream.indirect.gather [hbm4b:s4+s16], $0x80, s19, s16, $0xb8;
	[tilespmem:$0x1D080] =	vst v63  }
0x30: {  	_ =	swait.ge [sflag:s13], $0x3E80  }
0x31: {  	[sflag:s13] =	ssyncset.done $0x0  }
0x32: {  	s31 =	simm.s32 $0x2800;
	[sflag:s13] =	ssyncadd.s32 $0xFFFFC180  }
0x33: {  	[spmem:s2] =	stream.indirect.scatter.add.f32 [tilespmem:s17], [sflag:$0x1], $0x80, s31, s16, $0xb8;
	[tilespmem:$0x1D080] =	vst v63  }
0x34: {  	_ =	swait.ge [sflag:s13], $0x3E80  }
0x35: {  	s20 =	simm.s32 $0x400;
	s19 =	simm.s32 $0x200;
	[sflag:s13] =	ssyncset.done $0x0  }
.LBB2_3:
0x36: {  	s21 =	sshra.s32 s19, $0x2  }
0x37: {  	[sflag:s13] =	ssyncadd.s32 $0xFFFFC180;
	s19 =	smov.u32 s20;
	s22 =	sadd.s32 $0x200, s20  }
0x38: {  	[tilespmem:s17], [sflag:$0x1] =	stream.indirect.gather [hbm4b:s4+s16], $0x80, s21, s16, $0xb8;
	[tilespmem:$0x1D080] =	vst v63  }
0x39: {  	p0 =	seq.s32 s20, $0x9E00;
	_ =	swait.ge [sflag:s13], $0x3E80  }
.Ltmp3:
0x3a: {  	[sflag:s13] =	ssyncset.done $0x0;
	(pc) =	sbr.rel @!p0 .LBB2_3-.Ltmp3, $4  }
0x3b: {  	s20 =	sadd.s32 $0x2800, s21;
	[sflag:s13] =	ssyncadd.s32 $0xFFFFC180  }
0x3c: {  	[spmem:s2] =	stream.indirect.scatter.add.f32 [tilespmem:s17], [sflag:$0x1], $0x80, s20, s16, $0xb8;
	[tilespmem:$0x1D080] =	vst v63  }
0x3d: {  	_ =	swait.ge [sflag:s13], $0x3E80  }
0x3e: {  	s20 =	smov.u32 s22;
	[sflag:s13] =	ssyncset.done $0x0  }
0x3f: {  	s19 =	sshra.s32 s19, $0x2;
	[sflag:s13] =	ssyncadd.s32 $0xFFFFC180  }
0x40: {  	[tilespmem:s17], [sflag:$0x1] =	stream.indirect.gather [hbm4b:s4+s16], $0x80, s19, s16, $0xb8;
	[tilespmem:$0x1D080] =	vst v63  }
0x41: {  	_ =	swait.ge [sflag:s13], $0x3E80  }
0x42: {  	[sflag:s13] =	ssyncset.done $0x0  }
.Ltmp4:
0x43: {  	s19 =	sadd.s32 $0x2800, s19;
	[sflag:s13] =	ssyncadd.s32 $0xFFFFC180;
	(pc) =	sbr.rel .LBB2_10-.Ltmp4, $4  }
0x44: {  	[spmem:s2] =	stream.indirect.scatter.add.f32 [tilespmem:s17], [sflag:$0x1], $0x80, s19, s16, $0xb8;
	[tilespmem:$0x1D080] =	vst v63  }
0x45: {  	_ =	swait.ge [sflag:s13], $0x3E80  }
0x46: {  	[sflag:s13] =	ssyncset.done $0x0  }
0x47: {  	[sflag:s13] =	ssyncadd.s32 $0xFFFFC180  }
.LBB2_5:
0x48: {  	s19 =	sshra.s32 s3, $0x2;
	s20 =	sadd.s32 $0x200, s3  }
.LBB2_6:
0x49: {  	p0 =	sne.s32 s20, $0xF800;
	[tilespmem:s19+$0x5070] =	vst v0  }
0x4a: {  	[tilespmem:s19+$0x5000] =	vst v0  }
0x4b: {  	[tilespmem:s19+$0x5010] =	vst v0  }
.Ltmp5:
0x4c: {  	[tilespmem:s19+$0x5020] =	vst v0;
	(pc) =	sbr.rel @p0 .LBB2_6-.Ltmp5, $4  }
0x4d: {  	[tilespmem:s19+$0x5030] =	vst v0  }
0x4e: {  	[tilespmem:s19+$0x5040] =	vst v0  }
0x4f: {  	[tilespmem:s19+$0x5050] =	vst v0  }
0x50: {  	[tilespmem:s19+$0x5060] =	vst v0;
	s19 =	sshra.s32 s20, $0x2;
	s20 =	sadd.s32 $0x200, s20  }
0x51: {  	[tilespmem:s19+$0x5070] =	vst v0  }
0x52: {  	[tilespmem:s19+$0x5000] =	vst v0  }
0x53: {  	[tilespmem:s19+$0x5010] =	vst v0  }
0x54: {  	[tilespmem:s19+$0x5020] =	vst v0  }
0x55: {  	[tilespmem:s19+$0x5030] =	vst v0  }
0x56: {  	[tilespmem:s19+$0x5040] =	vst v0  }
0x57: {  	[tilespmem:s19+$0x5050] =	vst v0  }
0x58: {  	[tilespmem:s19+$0x5060] =	vst v0;
	s31 =	simm.s32 $0x2800  }
0x59: {  	[spmem:s2] =	stream.indirect.scatter.add.f32 [tilespmem:s17], [sflag:$0x1], $0x80, s31, s16, $0xb8;
	[tilespmem:$0x1D080] =	vst v63  }
0x5a: {  	s19 =	simm.s32 $0x200;
	_ =	swait.ge [sflag:s13], $0x3E80  }
.LBB2_8:
0x5b: {  	s20 =	sshra.s32 s19, $0x2;
	[sflag:s13] =	ssyncset.done $0x0;
	p0 =	sne.s32 s19, $0x9E00  }
.Ltmp6:
0x5c: {  	s20 =	sadd.s32 $0x2800, s20;
	[sflag:s13] =	ssyncadd.s32 $0xFFFFC180;
	(pc) =	sbr.rel @p0 .LBB2_8-.Ltmp6, $3  }
0x5d: {  	[spmem:s2] =	stream.indirect.scatter.add.f32 [tilespmem:s17], [sflag:$0x1], $0x80, s20, s16, $0xb8;
	[tilespmem:$0x1D080] =	vst v63  }
0x5e: {  	s19 =	sadd.s32 $0x200, s19;
	_ =	sdelay $0x1  }
0x5f: {  	_ =	swait.ge [sflag:s13], $0x3E80  }
.Ltmp7:
0x60: {  	(pc) =	sbr.rel .LBB2_10-.Ltmp7, $3  }
0x61: {  	_ =	sdelay $0x1  }
0x62: {  	[sflag:s13] =	ssyncset.done $0x0  }
0x63: {  	[sflag:s13] =	ssyncadd.s32 $0xFFFFC180  }
.LBB2_11:
0x64: {  	_ =	sfence.sel $0x180000  }
0x65: {  	[bflag:$0x0] =	sbarrier.arrive $0xFFFF  }
0x66: {  	p0 =	sne.s32 s1, $0x0;
	_ =	strace $0x90000056  }
0x67: {  	s0 =	sadd.s32 @!p0 $0x100000, s0;
	[bflag:$0x2] =	sbarrier.arrive $0xFFFF  }
0x68: {  	[sflag:s0] =	ssyncadd.tile.s32 @!p0 $0x1;
	_ =	shalt  }
.Lfunc_end2:
_tile_overlayer_lowered:
.L_overlay_start_2:
0x69: {  	(tag) =	ssettag $0x2  }
0x6a: {  	s0 =	rddreg [dreg:$0x0];
	s2 =	stileid.u32  }
0x6b: {  	s1 =	rddreg [dreg:$0x1];
	p0 =	sne.s32 s2, $0x0  }
0x6c: {  	s3 =	rddreg [dreg:$0x2];
	[bflag:$0x3] =	sbarrier.arrive $0xFFFF;
	s2 =	simm.s32 @!p0 $0x1C01  }
0x6d: {  	[timem:s3], [sflag:s2] =	dma.local @!p0 [hbm:s0], s1  }
0x6e: {  	s0 =	simm.s32 @!p0 $0x1  }
0x6f: {  	_ =	swait.ge @!p0 [sflag:s0], s1  }
0x70: {  	s1 =	ssub.s32 @!p0 $0x0, s1;
	[sflag:s0] =	ssyncset.done @!p0 $0x0  }
0x71: {  	[sflag:s0] =	ssyncadd.s32 @!p0 s1  }
0x72: {  	[bflag:$0x3] =	sbarrier.arrive $0xFFFF  }
0x73: {  	_ =	shalt  }

// kernel: kernel.31.cloned.1.call-start
scs
__scs_entry_jumppad:
0x0: {  	(pc) =	sbr.rel $0x88, $3  }
0x1: {  	(tag) =	ssettag $0x0;
	lr =	simm.s32 $0x1  }
0x2: {  	[smem:$0x3F92] =	sst lr;
	_ =	strace $0xD0000000  }
0x3: {  	_ = 	snop  }
0x4: {  	_ = 	snop  }
0x5: {  	_ = 	snop  }
0x6: {  	_ = 	snop  }
0x7: {  	_ = 	snop  }
__scs_overlays_trampoline_lowered:
0x8: {  	[smem:$0x3FA1] =	sst s0  }
0x9: {  	[smem:$0x3FA2] =	sst s1  }
0xa: {  	[smem:$0x3FA3] =	sst s2  }
0xb: {  	[smem:$0x3FA4] =	sst s3  }
0xc: {  	[smem:$0x3FA5] =	sst s4  }
0xd: {  	[smem:$0x3FA6] =	sst s5  }
0xe: {  	[smem:$0x3FA7] =	sst s6  }
0xf: {  	[smem:$0x3FA8] =	sst s7  }
0x10: {  	[smem:$0x3FA9] =	sst s8  }
0x11: {  	[smem:$0x3FAA] =	sst s9;
	s0 =	simm.s32 @!p0 $0x0  }
0x12: {  	s1 =	sld [smem:$0x3F90];
	s0 =	simm.s32 @p0 $0x1  }
0x13: {  	[smem:$0x3FAB] =	sst s0;
	s0 =	simm.s32 @!p1 $0x0  }
0x14: {  	s2 =	sld [smem:$0x3F8F];
	s0 =	simm.s32 @p1 $0x1  }
0x15: {  	[smem:$0x3FAC] =	sst s0;
	s0 =	simm.s32 @!p2 $0x0  }
0x16: {  	s3 =	sld [smem:$0x3FDB];
	s0 =	simm.s32 @p2 $0x1  }
0x17: {  	s4 =	simm.s32 $0x1BF5;
	[smem:$0x3FAE] =	sst s0  }
0x18: {  	s0 =	sld [smem:$0x3F91];
	_ =	swait.ge [sflag:s4], $0x0  }
0x19: {  	s7 =	sld [smem:$0x3F92]  }
0x1a: {  	s8 =	sadd.s32 $0xFFFFE003, lr  }
0x1b: {  	s9 =	sadd.s32 $0xFFFFFEF7, lr;
	s5 =	simm.s32 $0xFFFFFFFF;
	p2 =	slt.u32 s8, $0xFFFFF086  }
0x1c: {  	p1 =	slt.u32 s9, $0xF7A;
	s5 =	simm.s32 @!p2 $0x0  }
0x1d: {  	s5 =	simm.s32 @p1 $0x1;
	p0 =	seq.s32 s7, s2  }
0x1e: {  	s7 =	smul.u32 @!p0 $0xF7A, s2;
	p2 =	seq.s32 @!p0 s5, $0x0  }
0x1f: {  	s9 =	smul.u32 $0xF7A, s1;
	s8 =	simm.s32 @!p0 $0x1BF5;
	p2 =	por !p2, p0  }
0x20: {  	[sflag:s8] =	ssyncset.s32 @!p0 $0xFFFFF086;
	s6 =	sadd.s32 @!p0 s3, s7;
	s7 =	simm.s32 @!p0 $0x108  }
0x21: {  	s3 =	sadd.s32 s3, s9;
	s6 =	sadd.s32 @!p0 $0x88, s6;
	s7 =	simm.s32 @p2 $0x1082  }
0x22: {  	[simem:s7], [sflag:s8] =	dma.local @!p0 [hbm:s6], $0xF7A  }
0x23: {  	s9 =	sor.u32 $0xD0000000, s2;
	s6 =	simm.s32 $0x108;
	_ =	swait.ge @!p0 [sflag:s8], $0x0  }
0x24: {  	s3 =	sadd.s32 $0x88, s3;
	s6 =	simm.s32 @!p1 $0x1082;
	[sflag:s4] =	ssyncset.s32 $0xFFFFF086  }
0x25: {  	[simem:s6], [sflag:s4] =	dma.local [hbm:s3], $0xF7A  }
0x26: {  	[smem:$0x3F92] =	sst s1;
	(tag) =	ssettag s2;
	_ =	strace s9  }
0x27: {  	s1 =	sld [smem:$0x3FA2]  }
0x28: {  	s2 =	sld [smem:$0x3FA3]  }
0x29: {  	s4 =	sld [smem:$0x3FA5]  }
0x2a: {  	p0 =	seq.s32 s5, $0x0;
	s5 =	sld [smem:$0x3FA6]  }
0x2b: {  	s6 =	sld [smem:$0x3FA7]  }
0x2c: {  	s7 =	sld [smem:$0x3FA8]  }
0x2d: {  	s3 =	simm.s32 $0x108;
	s8 =	sld [smem:$0x3FA9]  }
0x2e: {  	s3 =	simm.s32 @!p0 $0x1082;
	s9 =	sld [smem:$0x3FAA]  }
0x2f: {  	lr =	sadd.s32 s0, s3;
	s0 =	sld [smem:$0x3FA1]  }
0x30: {  	s3 =	sld [smem:$0x3FA4]  }
0x31: {  	[smem:$0x3FAD] =	sst s10  }
0x32: {  	s10 =	sld [smem:$0x3FAB];
	_ =	sdelay $0x3  }
0x33: {  	p0 =	seq.s32 s10, $0x1;
	s10 =	sld [smem:$0x3FAD];
	_ =	sdelay $0x3  }
0x34: {  	[smem:$0x3FAD] =	sst s10  }
0x35: {  	s10 =	sld [smem:$0x3FAC];
	_ =	sdelay $0x3  }
0x36: {  	p1 =	seq.s32 s10, $0x1;
	s10 =	sld [smem:$0x3FAD];
	_ =	sdelay $0x3  }
0x37: {  	[smem:$0x3FAD] =	sst s10  }
0x38: {  	s10 =	sld [smem:$0x3FAE]  }
0x39: {  	_ = 	snop;
	(pc) =	sbr.ind lr, $3  }
0x3a: {  	_ = 	snop  }
0x3b: {  	_ = 	snop  }
0x3c: {  	p2 =	seq.s32 s10, $0x1;
	s10 =	sld [smem:$0x3FAD]  }
0x3d: {  	_ =	shalt  }
0x3e: {  	_ =	shalt  }
0x3f: {  	_ =	shalt  }
0x40: {  	_ =	shalt  }
0x41: {  	_ =	shalt  }
0x42: {  	_ =	shalt  }
0x43: {  	_ =	shalt  }
0x44: {  	_ =	shalt  }
0x45: {  	_ =	shalt  }
0x46: {  	_ =	shalt  }
0x47: {  	_ =	shalt  }
0x48: {  	_ =	shalt  }
0x49: {  	_ =	shalt  }
0x4a: {  	_ =	shalt  }
0x4b: {  	_ =	shalt  }
0x4c: {  	_ =	shalt  }
0x4d: {  	_ =	shalt  }
0x4e: {  	_ =	shalt  }
0x4f: {  	_ =	shalt  }
0x50: {  	_ =	shalt  }
0x51: {  	_ =	shalt  }
0x52: {  	_ =	shalt  }
0x53: {  	_ =	shalt  }
0x54: {  	_ =	shalt  }
0x55: {  	_ =	shalt  }
0x56: {  	_ =	shalt  }
0x57: {  	_ =	shalt  }
0x58: {  	_ =	shalt  }
0x59: {  	_ =	shalt  }
0x5a: {  	_ =	shalt  }
0x5b: {  	_ =	shalt  }
0x5c: {  	_ =	shalt  }
0x5d: {  	_ =	shalt  }
0x5e: {  	_ =	shalt  }
0x5f: {  	_ =	shalt  }
0x60: {  	_ =	shalt  }
0x61: {  	_ =	shalt  }
0x62: {  	_ =	shalt  }
0x63: {  	_ =	shalt  }
0x64: {  	_ =	shalt  }
0x65: {  	_ =	shalt  }
0x66: {  	_ =	shalt  }
0x67: {  	_ =	shalt  }
0x68: {  	_ =	shalt  }
0x69: {  	_ =	shalt  }
0x6a: {  	_ =	shalt  }
0x6b: {  	_ =	shalt  }
0x6c: {  	_ =	shalt  }
0x6d: {  	_ =	shalt  }
0x6e: {  	_ =	shalt  }
0x6f: {  	_ =	shalt  }
0x70: {  	_ =	shalt  }
0x71: {  	_ =	shalt  }
0x72: {  	_ =	shalt  }
0x73: {  	_ =	shalt  }
0x74: {  	_ =	shalt  }
0x75: {  	_ =	shalt  }
0x76: {  	_ =	shalt  }
0x77: {  	_ =	shalt  }
0x78: {  	_ =	shalt  }
0x79: {  	_ =	shalt  }
0x7a: {  	_ =	shalt  }
0x7b: {  	_ =	shalt  }
0x7c: {  	_ =	shalt  }
0x7d: {  	_ =	shalt  }
0x7e: {  	_ =	shalt  }
0x7f: {  	_ =	shalt  }
0x80: {  	_ =	shalt  }
0x81: {  	_ =	shalt  }
0x82: {  	_ =	shalt  }
0x83: {  	_ =	shalt  }
0x84: {  	_ =	shalt  }
0x85: {  	_ =	shalt  }
0x86: {  	_ =	shalt  }
0x87: {  	_ =	shalt  }
.Lfunc_end0:
.L_simem_size_0:
called_computation.6_lowered:
.L_overlay_start_0:
0x88: {  	s2 =	sld [smem:$0x3FD9]  }
0x89: {  	s3 =	sld [smem:$0x3FFE];
	_ =	sdelay $0x1  }
0x8a: {  	s1 =	srdreg.scid  }
0x8b: {  	s0 =	sand.u32 $0x1, s1  }
0x8c: {  	s14 =	sshll.u32 s0, $0xA;
	s2 =	sadd.s32 s3, s2  }
0x8d: {  	s2 =	sadd.s32 s2, s14  }
0x8e: {  	[smem:$0x3FB9] =	sst s2  }
0x8f: {  	_ = 	snop  }
0x90: {  	s2 =	sld [smem:$0x3FD0]  }
0x91: {  	s15 =	sld [smem:$0x3FC5]  }
0x92: {  	s4 =	sld [smem:$0x3FC4]  }
0x93: {  	s6 =	simm.s32 $0xD;
	s7 =	simm.s32 $0x10;
	s5 =	sld [smem:$0x3FC3]  }
0x94: {  	[smem:s7], [sflag:s6] =	dma.local [hbm:s2], $0x1  }
0x95: {  	_ =	swait.eq [sflag:s6], $0x1  }
0x96: {  	[sflag:s6] =	ssyncset.done $0x0  }
0x97: {  	s16 =	sld [smem:$0x10];
	[sflag:s6] =	ssyncadd.s32 $0xFFFFFFFF  }
0x98: {  	s17 =	sld [smem:$0x11];
	(tm) =	ssettm $0x1  }
0x99: {  	s18 =	sld [smem:$0x3FFB];
	_ =	sdelay $0x3  }
0x9a: {  	_ =	strace s18  }
0x9b: {  	s7 =	sld [smem:$0x3FFC];
	_ =	sdelay $0x3  }
0x9c: {  	_ =	strace s7  }
0x9d: {  	s7 =	sld [smem:$0x3FFD];
	_ =	sdelay $0x3  }
0x9e: {  	_ =	strace s7  }
0x9f: {  	_ =	strace $0x8FFFFFFF  }
0xa0: {  	s19 =	sld [smem:$0x3FDB];
	_ =	sdelay $0x1  }
0xa1: {  	s8 =	simm.s32 $_scs_section_size  }
0xa2: {  	s9 =	simm.s32 $_size__tile_overlayer_lowered;
	s10 =	simm.s32 $_tile_overlayer_lowered  }
0xa3: {  	s22 =	simm.s32 $0x1BFF;
	s21 =	sshll.u32 s10, $0x1;
	s7 =	sadd.s32 s8, s19  }
0xa4: {  	s11 =	simm.s32 $0x0;
	s20 =	sshll.u32 s9, $0x1;
	s9 =	sadd.s32 s21, s7  }
0xa5: {  	[timem:s11], [sflag:s22] =	dma.local [hbm:s9], s20  }
0xa6: {  	_ =	swait.ge [sflag:s22], s20  }
0xa7: {  	s8 =	ssub.s32 $0x0, s20;
	[sflag:s22] =	ssyncset.done $0x0  }
0xa8: {  	[sflag:s22] =	ssyncadd.s32 s8;
	_ =	sdelay $0x1  }
0xa9: {  	s23 =	simm.s32 $0x1B8B  }
0xaa: {  	_ =	swait.ge [sflag:s23], $0x1  }
0xab: {  	[sflag:s23] =	ssyncset.done $0x0  }
0xac: {  	s25 =	simm.s32 $0x1B8E;
	s24 =	sld [smem:$0x3FFE];
	[sflag:s23] =	ssyncadd.s32 $0xFFFFFFFF  }
0xad: {  	s26 =	simm.s32 $execute0_lowered;
	[smem:$0x3FD2] =	sst s25  }
0xae: {  	s9 =	sshll.u32 s26, $0x1;
	_ =	strace $0x80000058;
	[dreg:$0x1] =	wrdreg $0xFFFFFFFF  }
0xaf: {  	s28 =	simm.s32 $_size_execute0_lowered;
	s7 =	sadd.s32 s7, s9;
	[dreg:$0x0] =	wrdreg $0x0  }
0xb0: {  	s9 =	sshll.u32 s28, $0x1;
	[dreg:$0x2] =	wrdreg s7  }
0xb1: {  	[dreg:$0x3] =	wrdreg s9  }
0xb2: {  	[dreg:$0x4] =	wrdreg $0xC0  }
0xb3: {  	_ =	task [dreg:s11], $0x5FFFF  }
0xb4: {  	[dreg:$0x1] =	wrdreg $0xFFFFFFFF  }
0xb5: {  	[dreg:$0x0] =	wrdreg $0x60  }
0xb6: {  	[dreg:$0x2] =	wrdreg s24  }
0xb7: {  	[dreg:$0x3] =	wrdreg s5  }
0xb8: {  	[dreg:$0x4] =	wrdreg s16  }
0xb9: {  	[dreg:$0x5] =	wrdreg s17  }
0xba: {  	[dreg:$0x6] =	wrdreg s15  }
0xbb: {  	[dreg:$0x7] =	wrdreg s4  }
0xbc: {  	[dreg:$0x8] =	wrdreg $0x9  }
0xbd: {  	_ =	task.clear_ibuf [dreg:s11], $0x9FFFF;
	_ =	strace $0x90000058  }
0xbe: {  	s29 =	simm.s32 $0x9;
	_ =	strace $0x8000005A  }
0xbf: {  	_ =	swait.ge [sflag:s29], $0x1  }
0xc0: {  	[sflag:s29] =	ssyncadd.s32 $0xFFFFFFFF  }
0xc1: {  	_ =	strace $0x9000005A  }
0xc2: {  	_ =	sfence  }
0xc3: {  	s30 =	sld [smem:$0x0];
	_ =	sdelay $0x2  }
0xc4: {  	s31 =	sshll.u32 s1, $0xD;
	s1 =	sshrl.u32 s1, $0x2  }
0xc5: {  	s3 =	sand.u32 $0x4000, s31;
	s1 =	sadd.s32 s1, s30  }
0xc6: {  	s0 =	sor.u32 s3, s0;
	s1 =	sshll.u32 s1, $0x11  }
0xc7: {  	s0 =	sor.u32 s1, s0  }
0xc8: {  	s0 =	sadd.s32 $0x8F2B, s0  }
0xc9: {  	[sflag:s0] =	ssyncadd.remote.s32 $0x1  }
0xca: {  	_ =	sfence.sel $0xFFFF  }
0xcb: {  	[dreg:$0x0] =	wrdreg $0xFFFFFFFF;
	(pc) =	sbr.abs _section_cstart, $3  }
0xcc: {  	[dreg:$0x1] =	wrdreg $0xFFFFFFFF  }
0xcd: {  	_ =	task.clear_ibuf [dreg:s11], $0x2FFFF;
	_ =	strace $0x9FFFFFFF  }
0xce: {  	(tm) =	ssettm $0x7FFFFFFF  }
0xcf: {  	_ =	shalt  }
tec
execute0_lowered:
.L_overlay_start_1:
0x0: {  	(tag) =	ssettag $0x1  }
0x1: {  	s6 =	rddreg [dreg:$0x0]  }
0x2: {  	s1 =	rddreg [dreg:$0x1]  }
0x3: {  	s7 =	rddreg [dreg:$0x2]  }
0x4: {  	s8 =	rddreg [dreg:$0x3]  }
0x5: {  	s9 =	rddreg [dreg:$0x4]  }
0x6: {  	s10 =	rddreg [dreg:$0x5]  }
0x7: {  	s0 =	rddreg [dreg:$0x6]  }
0x8: {  	s2 =	simm.s32 $0x0;
	s3 =	srdreg.scid;
	s14 =	simm.s32 $0x400  }
0x9: {  	s15 =	simm.s32 $0x800;
	s16 =	simm.s32 $0xC00;
	s17 =	simm.s32 $0x80  }
0xa: {  	s18 =	simm.s32 $0x1000;
	s19 =	simm.s32 $0x5000;
	s20 =	simm.s32 $0x9000  }
0xb: {  	s21 =	simm.s32 $0xD000;
	s22 =	simm.s32 $0x11000;
	s23 =	simm.s32 $0x15000  }
0xc: {  	s24 =	simm.s32 $0x0;
	[smem:$0x7FF] =	sst s2;
	s4 =	sadd.s32 $0x4C00, s6  }
0xd: {  	s5 =	sand.u32 $0x1, s3;
	s3 =	stileid.u32;
	_ =	strace $0x80000059  }
0xe: {  	s11 =	ssub.s32 $0x2, s5;
	s12 =	sshll.u32 s5, $0x4;
	s5 =	sadd.s32 $0x2BE00, s6  }
0xf: {  	s6 =	sadd.s32 $0xABE00, s6;
	s13 =	sshrl.u32 s11, $0x1;
	s12 =	sor.u32 s3, s12  }
0x10: {  	s13 =	ssub.s32 s11, s13;
	s31 =	sshll.u32 s12, $0x7;
	s11 =	sshll.u32 s12, $0xE  }
0x11: {  	s7 =	sadd.s32 s7, s31;
	s8 =	sadd.s32 s8, s31;
	s9 =	sadd.s32 s9, s31  }
0x12: {  	s10 =	sadd.s32 s10, s31;
	s12 =	smax.u32 s13, $0x1;
	s13 =	simm.s32 $0x1  }
.LBB2_1:
0x13: {  	[tilespmem:s2], [sflag:$0x1] =	stream.linear.gather [hbm4b:s7+s2], $0x400, $0x38;
	[tilespmem:$0x19000] =	vst v63  }
0x14: {  	_ =	swait.ge [sflag:s13], $0x400  }
0x15: {  	[sflag:s13] =	ssyncset.done $0x0  }
0x16: {  	[sflag:s13] =	ssyncadd.s32 $0xFFFFFC00  }
0x17: {  	[tilespmem:s14], [sflag:$0x1] =	stream.linear.gather [hbm4b:s8+s2], $0x400, $0x38;
	[tilespmem:$0x19000] =	vst v63  }
0x18: {  	_ =	swait.ge [sflag:s13], $0x400  }
0x19: {  	[sflag:s13] =	ssyncset.done $0x0  }
0x1a: {  	[sflag:s13] =	ssyncadd.s32 $0xFFFFFC00  }
0x1b: {  	[tilespmem:s15], [sflag:$0x1] =	stream.linear.gather [hbm4b:s9+s2], $0x400, $0x38;
	[tilespmem:$0x19000] =	vst v63  }
0x1c: {  	_ =	swait.ge [sflag:s13], $0x400  }
0x1d: {  	[sflag:s13] =	ssyncset.done $0x0  }
0x1e: {  	[sflag:s13] =	ssyncadd.s32 $0xFFFFFC00  }
0x1f: {  	[tilespmem:s16], [sflag:$0x1] =	stream.linear.gather [hbm4b:s10+s2], $0x400, $0x38;
	[tilespmem:$0x19000] =	vst v63  }
0x20: {  	_ =	swait.ge [sflag:s13], $0x400  }
0x21: {  	[sflag:s13] =	ssyncset.done $0x0  }
0x22: {  	s25 =	simm.s32 $0x0;
	[sflag:s13] =	ssyncadd.s32 $0xFFFFFC00  }
.LBB2_2:
0x23: {  	s26 =	sshll.u32 s25, $0x7  }
0x24: {  	[tilespmem:s18], [sflag:$0x1] =	stream.indirect.gather [hbm4b:s4+s17], $0x80, s26, s17, $0xb8;
	[tilespmem:$0x19000] =	vst v63  }
0x25: {  	_ =	swait.ge [sflag:s13], $0x4000  }
0x26: {  	[sflag:s13] =	ssyncset.done $0x0  }
0x27: {  	s28 =	sadd.s32 $0x400, s26;
	[sflag:s13] =	ssyncadd.s32 $0xFFFFC000  }
0x28: {  	[tilespmem:s19], [sflag:$0x1] =	stream.indirect.gather [hbm4b:s4+s17], $0x80, s28, s17, $0xb8;
	[tilespmem:$0x19000] =	vst v63  }
0x29: {  	_ =	swait.ge [sflag:s13], $0x4000  }
0x2a: {  	[sflag:s13] =	ssyncset.done $0x0  }
0x2b: {  	s28 =	sadd.s32 $0x800, s26;
	[sflag:s13] =	ssyncadd.s32 $0xFFFFC000  }
0x2c: {  	[tilespmem:s20], [sflag:$0x1] =	stream.indirect.gather [hbm4b:s1+s17], $0x80, s28, s17, $0xb8;
	[tilespmem:$0x19000] =	vst v63  }
0x2d: {  	_ =	swait.ge [sflag:s13], $0x4000  }
0x2e: {  	[sflag:s13] =	ssyncset.done $0x0  }
0x2f: {  	s26 =	sadd.s32 $0xC00, s26;
	[sflag:s13] =	ssyncadd.s32 $0xFFFFC000  }
0x30: {  	[tilespmem:s21], [sflag:$0x1] =	stream.indirect.gather [hbm4b:s4+s17], $0x80, s26, s17, $0xb8;
	[tilespmem:$0x19000] =	vst v63  }
0x31: {  	_ =	swait.ge [sflag:s13], $0x4000  }
0x32: {  	[sflag:s13] =	ssyncset.done $0x0  }
0x33: {  	s26 =	simm.s32 $0x0;
	[sflag:s13] =	ssyncadd.s32 $0xFFFFC000  }
0x34: {  	v0 =	vld [tilespmem:s26+$0x1070]  }
0x35: {  	v1 =	vld [tilespmem:s26+$0x1060]  }
0x36: {  	v2 =	vld [tilespmem:s26+$0x1050]  }
0x37: {  	v3 =	vld [tilespmem:s26+$0x1040]  }
0x38: {  	v4 =	vld [tilespmem:s26+$0x1030]  }
0x39: {  	v5 =	vld [tilespmem:s26+$0xD000]  }
0x3a: {  	v6 =	vld [tilespmem:s26+$0x1020]  }
0x3b: {  	v7 =	vld [tilespmem:s26+$0x1000]  }
0x3c: {  	v8 =	vld [tilespmem:s26+$0x9000]  }
0x3d: {  	v9 =	vld [tilespmem:s26+$0x1010]  }
0x3e: {  	v10 =	vld [tilespmem:s26+$0x9010]  }
0x3f: {  	v11 =	vld [tilespmem:s26+$0x9020]  }
0x40: {  	v13 =	vld [tilespmem:s26+$0x9030]  }
0x41: {  	v12 =	vld [tilespmem:s26+$0xD010]  }
0x42: {  	v14 =	vld [tilespmem:s26+$0xD020]  }
0x43: {  	v15 =	vld [tilespmem:s26+$0x9040]  }
0x44: {  	v7 =	vadd.f32 v8, v7;
	v8 =	vadd.f32 v10, v9;
	v9 =	vld [tilespmem:s26+$0xD030]  }
0x45: {  	v6 =	vadd.f32 v11, v6;
	v10 =	vld [tilespmem:s26+$0x9050];
	v4 =	vadd.f32 v13, v4  }
0x46: {  	v13 =	vld [tilespmem:s26+$0x9060];
	v5 =	vsub.f32 v7, v5;
	v11 =	vsub.f32 v8, v12  }
0x47: {  	v12 =	vld [tilespmem:s26+$0xD040]  }
0x48: {  	v16 =	vld [tilespmem:s26+$0xD050];
	v14 =	vsub.f32 v6, v14;
	v5 =	vmul.f32 v5, v5;
	v11 =	vmul.f32 v11, v11  }
0x49: {  	v15 =	vadd.f32 v15, v3;
	v3 =	vld [tilespmem:s26+$0x9070];
	v9 =	vsub.f32 v4, v9  }
0x4a: {  	v10 =	vadd.f32 v10, v2;
	v2 =	vld [tilespmem:s26+$0x5000];
	v5 =	vadd.f32 v11, v5;
	v11 =	vmul.f32 v14, v14  }
0x4b: {  	v13 =	vadd.f32 v13, v1;
	v14 =	vld [tilespmem:s26+$0xD060]  }
0x4c: {  	v1 =	vld [tilespmem:s26+$0x5010];
	v9 =	vmul.f32 v9, v9;
	v5 =	vadd.f32 v11, v5;
	v11 =	vsub.f32 v15, v12  }
0x4d: {  	v12 =	vld [tilespmem:s26+$0xD070]  }
0x4e: {  	v5 =	vadd.f32 v9, v5;
	v9 =	vmul.f32 v11, v11;
	v11 =	vsub.f32 v10, v16  }
0x4f: {  	v62 =	vld [tilespmem:s26+$0x5020];
	v17 =	vadd.f32 v3, v0  }
0x50: {  	v18 =	vld [tilespmem:s26+$0x5030];
	v0 =	vadd.f32 v9, v5;
	v3 =	vmul.f32 v11, v11;
	v5 =	vsub.f32 v13, v14  }
0x51: {  	s28 =	simm.s32 $0x80;
	v2 =	vsub.f32 v7, v2;
	v7 =	vld [tilespmem:s26+$0x5070];
	v8 =	vsub.f32 v8, v1  }
0x52: {  	v1 =	vld [tilespmem:s28+$0x1060];
	v0 =	vadd.f32 v3, v0;
	v3 =	vmul.f32 v5, v5;
	v5 =	vsub.f32 v17, v12  }
0x53: {  	v9 =	vld [tilespmem:s26+$0x5040]  }
0x54: {  	v11 =	vld [tilespmem:s26+$0x5050];
	v3 =	vadd.f32 v3, v0;
	v5 =	vmul.f32 v5, v5  }
0x55: {  	v6 =	vsub.f32 v6, v62;
	v14 =	vmul.f32 v2, v2;
	v8 =	vmul.f32 v8, v8;
	v2 =	vld [tilespmem:s28+$0x1050]  }
0x56: {  	v12 =	vld [tilespmem:s26+$0x5060];
	v5 =	vadd.f32 v5, v3  }
0x57: {  	v63 =	vsub.f32 v4, v18;
	v6 =	vmul.f32 v6, v6;
	v8 =	vadd.f32 v8, v14;
	v0 =	vld [tilespmem:s28+$0x1070]  }
0x58: {  	v3 =	vld [tilespmem:s28+$0x1040];
	[tilespmem:s26+$0x15000] =	vst v5  }
0x59: {  	v14 =	vmul.f32 v63, v63;
	v8 =	vadd.f32 v6, v8;
	v9 =	vsub.f32 v15, v9;
	v4 =	vld [tilespmem:s28+$0x1030]  }
0x5a: {  	v10 =	vsub.f32 v10, v11;
	v5 =	vld [tilespmem:s28+$0xD000]  }
0x5b: {  	v14 =	vadd.f32 v14, v8;
	v11 =	vsub.f32 v13, v12;
	v13 =	vmul.f32 v9, v9;
	v6 =	vld [tilespmem:s28+$0x1020]  }
0x5c: {  	v9 =	vsub.f32 v17, v7;
	v7 =	vld [tilespmem:s28+$0x1000]  }
0x5d: {  	v12 =	vmul.f32 v10, v10;
	v8 =	vld [tilespmem:s28+$0x9000];
	v13 =	vadd.f32 v13, v14  }
0x5e: {  	s29 =	simm.s32 $0x400;
	v11 =	vmul.f32 v11, v11;
	v9 =	vmul.f32 v9, v9;
	v10 =	vld [tilespmem:s28+$0x1010]  }
.LBB2_3:
0x5f: {  	p0 =	sne.s32 s29, $0xFE00;
	v14 =	vld [tilespmem:s28+$0x9010];
	v12 =	vadd.f32 v12, v13  }
0x60: {  	v13 =	vld [tilespmem:s28+$0x9020]  }
0x61: {  	v15 =	vld [tilespmem:s28+$0xD010];
	v11 =	vadd.f32 v11, v12  }
0x62: {  	v12 =	vld [tilespmem:s28+$0x9030]  }
0x63: {  	v16 =	vld [tilespmem:s28+$0xD020];
	v9 =	vadd.f32 v9, v11  }
0x64: {  	v7 =	vadd.f32 v8, v7;
	v8 =	vadd.f32 v14, v10;
	v10 =	vld [tilespmem:s28+$0x9040]  }
0x65: {  	v6 =	vadd.f32 v13, v6;
	v11 =	vld [tilespmem:s28+$0xD030];
	[tilespmem:s26+$0x11000] =	vst v9;
	s26 =	smov.u32 s28  }
0x66: {  	v5 =	vsub.f32 v7, v5;
	v9 =	vsub.f32 v8, v15;
	v13 =	vld [tilespmem:s26+$0x9050]  }
0x67: {  	v4 =	vadd.f32 v12, v4;
	v12 =	vld [tilespmem:s26+$0xD040]  }
0x68: {  	v5 =	vmul.f32 v5, v5;
	v9 =	vmul.f32 v9, v9;
	v14 =	vsub.f32 v6, v16;
	v15 =	vld [tilespmem:s26+$0x9060]  }
0x69: {  	v3 =	vadd.f32 v10, v3;
	v10 =	vld [tilespmem:s26+$0xD050]  }
0x6a: {  	v5 =	vadd.f32 v9, v5;
	v9 =	vmul.f32 v14, v14;
	v11 =	vsub.f32 v4, v11;
	v14 =	vld [tilespmem:s26+$0x9070]  }
0x6b: {  	v13 =	vadd.f32 v13, v2;
	v2 =	vld [tilespmem:s26+$0xD060]  }
0x6c: {  	v16 =	vld [tilespmem:s26+$0x5000];
	v5 =	vadd.f32 v9, v5;
	v9 =	vmul.f32 v11, v11;
	v11 =	vsub.f32 v3, v12  }
0x6d: {  	v12 =	vadd.f32 v15, v1;
	v1 =	vld [tilespmem:s26+$0xD070]  }
0x6e: {  	v15 =	vld [tilespmem:s26+$0x5010];
	v5 =	vadd.f32 v9, v5;
	v9 =	vmul.f32 v11, v11;
	v10 =	vsub.f32 v13, v10  }
0x6f: {  	v11 =	vld [tilespmem:s26+$0x5020];
	v14 =	vadd.f32 v14, v0  }
0x70: {  	v17 =	vld [tilespmem:s26+$0x5030];
	v0 =	vadd.f32 v9, v5;
	v5 =	vmul.f32 v10, v10;
	v2 =	vsub.f32 v12, v2  }
0x71: {  	v7 =	vsub.f32 v7, v16;
	v9 =	vld [tilespmem:s26+$0x5040]  }
0x72: {  	v10 =	vld [tilespmem:s26+$0x5050];
	v0 =	vadd.f32 v5, v0;
	v2 =	vmul.f32 v2, v2;
	v1 =	vsub.f32 v14, v1  }
0x73: {  	v5 =	vmul.f32 v7, v7;
	v7 =	vsub.f32 v8, v15;
	v8 =	vld [tilespmem:s26+$0x5060]  }
0x74: {  	s28 =	sshra.s32 s29, $0x2;
	v6 =	vsub.f32 v6, v11;
	v2 =	vadd.f32 v2, v0;
	v11 =	vld [tilespmem:s26+$0x5070];
	v15 =	vmul.f32 v1, v1  }
0x75: {  	v0 =	vld [tilespmem:s28+$0x1070];
	v7 =	vmul.f32 v7, v7;
	v4 =	vsub.f32 v4, v17  }
0x76: {  	v1 =	vld [tilespmem:s28+$0x1060];
	v6 =	vmul.f32 v6, v6;
	v9 =	vsub.f32 v3, v9;
	v15 =	vadd.f32 v15, v2  }
0x77: {  	v2 =	vld [tilespmem:s28+$0x1050];
	v5 =	vadd.f32 v7, v5;
	v7 =	vmul.f32 v4, v4;
	v10 =	vsub.f32 v13, v10  }
0x78: {  	v3 =	vld [tilespmem:s28+$0x1040];
	v13 =	vmul.f32 v9, v9;
	v8 =	vsub.f32 v12, v8;
	[tilespmem:s26+$0x15000] =	vst v15  }
0x79: {  	v4 =	vld [tilespmem:s28+$0x1030];
	v9 =	vadd.f32 v6, v5;
	v12 =	vmul.f32 v10, v10;
	v10 =	vsub.f32 v14, v11  }
.Ltmp0:
0x7a: {  	v5 =	vld [tilespmem:s28+$0xD000];
	v11 =	vmul.f32 v8, v8;
	(pc) =	sbr.rel @p0 .LBB2_3-.Ltmp0, $4  }
0x7b: {  	v6 =	vld [tilespmem:s28+$0x1020];
	v14 =	vadd.f32 v7, v9;
	v9 =	vmul.f32 v10, v10  }
0x7c: {  	v7 =	vld [tilespmem:s28+$0x1000]  }
0x7d: {  	v8 =	vld [tilespmem:s28+$0x9000];
	v13 =	vadd.f32 v13, v14  }
0x7e: {  	s29 =	sadd.s32 $0x200, s29;
	v10 =	vld [tilespmem:s28+$0x1010]  }
0x7f: {  	v14 =	vld [tilespmem:s28+$0x9010];
	v12 =	vadd.f32 v12, v13  }
0x80: {  	v32 =	vld [tilespmem:s28+$0x9020]  }
0x81: {  	v15 =	vld [tilespmem:s28+$0xD010];
	v11 =	vadd.f32 v11, v12  }
0x82: {  	v33 =	vld [tilespmem:s28+$0x9030]  }
0x83: {  	v16 =	vld [tilespmem:s28+$0xD020];
	v9 =	vadd.f32 v9, v11  }
0x84: {  	v34 =	vld [tilespmem:s28+$0x9040]  }
0x85: {  	v17 =	vld [tilespmem:s28+$0xD030];
	[tilespmem:s26+$0x11000] =	vst v9  }
0x86: {  	v9 =	vld [tilespmem:s28+$0x9050]  }
0x87: {  	v7 =	vadd.f32 v8, v7;
	v36 =	vld [tilespmem:s28+$0x5000]  }
0x88: {  	v35 =	vadd.f32 v14, v10;
	v37 =	vld [tilespmem:s28+$0x5010]  }
0x89: {  	v5 =	vsub.f32 v7, v5;
	v6 =	vadd.f32 v32, v6;
	v18 =	vld [tilespmem:s28+$0xD040]  }
0x8a: {  	v4 =	vadd.f32 v33, v4;
	v14 =	vsub.f32 v35, v15;
	v39 =	vld [tilespmem:s28+$0x5020]  }
0x8b: {  	v3 =	vadd.f32 v34, v3;
	v5 =	vmul.f32 v5, v5;
	v40 =	vld [tilespmem:s28+$0x5030]  }
0x8c: {  	v41 =	vsub.f32 v6, v16;
	v42 =	vld [tilespmem:s28+$0x9060];
	v44 =	vsub.f32 v4, v17;
	v38 =	vmul.f32 v14, v14  }
0x8d: {  	v45 =	vld [tilespmem:s28+$0x5040];
	v7 =	vsub.f32 v7, v36;
	v8 =	vsub.f32 v35, v37  }
0x8e: {  	v46 =	vld [tilespmem:s28+$0x9070];
	v5 =	vadd.f32 v38, v5;
	v2 =	vadd.f32 v9, v2  }
0x8f: {  	v43 =	vld [tilespmem:s28+$0xD050];
	v6 =	vsub.f32 v6, v39;
	v7 =	vmul.f32 v7, v7;
	v8 =	vmul.f32 v8, v8  }
0x90: {  	v48 =	vld [tilespmem:s28+$0x5050];
	v12 =	vmul.f32 v41, v41;
	v4 =	vsub.f32 v4, v40;
	v50 =	vsub.f32 v3, v18  }
0x91: {  	v49 =	vld [tilespmem:s28+$0xD060];
	v1 =	vadd.f32 v42, v1;
	v6 =	vmul.f32 v6, v6;
	v7 =	vadd.f32 v8, v7  }
0x92: {  	v51 =	vld [tilespmem:s28+$0x5060];
	v47 =	vmul.f32 v44, v44;
	v3 =	vsub.f32 v3, v45;
	v5 =	vadd.f32 v12, v5  }
0x93: {  	v52 =	vld [tilespmem:s28+$0xD070];
	v0 =	vadd.f32 v46, v0;
	v4 =	vmul.f32 v4, v4;
	v6 =	vadd.f32 v6, v7  }
0x94: {  	v55 =	vld [tilespmem:s28+$0x5070];
	v53 =	vmul.f32 v50, v50;
	v54 =	vsub.f32 v2, v43;
	v5 =	vadd.f32 v47, v5  }
0x95: {  	v2 =	vsub.f32 v2, v48;
	v3 =	vmul.f32 v3, v3;
	v4 =	vadd.f32 v4, v6  }
0x96: {  	v57 =	vsub.f32 v1, v49;
	v56 =	vmul.f32 v54, v54;
	v5 =	vadd.f32 v53, v5  }
0x97: {  	v1 =	vsub.f32 v1, v51;
	v2 =	vmul.f32 v2, v2;
	v3 =	vadd.f32 v3, v4  }
0x98: {  	v60 =	vsub.f32 v0, v52;
	v59 =	vmul.f32 v57, v57;
	v58 =	vadd.f32 v56, v5  }
0x99: {  	v0 =	vsub.f32 v0, v55;
	v1 =	vmul.f32 v1, v1;
	v2 =	vadd.f32 v2, v3  }
0x9a: {  	v62 =	vmul.f32 v60, v60;
	v61 =	vadd.f32 v59, v58  }
0x9b: {  	v0 =	vmul.f32 v0, v0;
	v1 =	vadd.f32 v1, v2  }
0x9c: {  	v63 =	vadd.f32 v62, v61  }
0x9d: {  	s30 =	sshll.u32 s25, $0xB;
	v0 =	vadd.f32 v0, v1  }
0x9e: {  	s26 =	sadd.s32 s11, s30;
	[tilespmem:s28+$0x15000] =	vst v63  }
0x9f: {  	s31 =	sadd.s32 s5, s26;
	[tilespmem:s28+$0x11000] =	vst v0  }
0xa0: {  	[hbm4b:s31+s2] =	stream.linear.scatter [tilespmem:s22], [sflag:$0x1], $0x4000, $0x38;
	[tilespmem:$0x19000] =	vst v63  }
0xa1: {  	s25 =	sadd.s32 $0x1, s25;
	_ =	swait.ge [sflag:s13], $0x4000  }
0xa2: {  	p0 =	sne.s32 s25, $0x8;
	[sflag:s13] =	ssyncset.done $0x0  }
.Ltmp1:
0xa3: {  	s26 =	sadd.s32 s6, s26;
	[sflag:s13] =	ssyncadd.s32 $0xFFFFC000;
	(pc) =	sbr.rel @p0 .LBB2_2-.Ltmp1, $4  }
0xa4: {  	[hbm4b:s26+s2] =	stream.linear.scatter [tilespmem:s23], [sflag:$0x1], $0x4000, $0x38;
	[tilespmem:$0x19000] =	vst v63  }
0xa5: {  	_ =	swait.ge [sflag:s13], $0x4000  }
0xa6: {  	[sflag:s13] =	ssyncset.done $0x0  }
0xa7: {  	[sflag:s13] =	ssyncadd.s32 $0xFFFFC000  }
0xa8: {  	s24 =	sadd.s32 $0x1, s24  }
0xa9: {  	p0 =	sne.s32 s24, s12  }
.Ltmp2:
0xaa: {  	_ = 	snop;
	(pc) =	sbr.rel @p0 .LBB2_1-.Ltmp2, $1  }
0xab: {  	_ =	sdelay $0x3  }
0xac: {  	_ =	sfence.sel $0x180000  }
0xad: {  	[bflag:$0x0] =	sbarrier.arrive $0xFFFF  }
0xae: {  	p0 =	sne.s32 s3, $0x0;
	_ =	strace $0x90000059  }
0xaf: {  	s0 =	sadd.s32 @!p0 $0x100000, s0;
	[bflag:$0x2] =	sbarrier.arrive $0xFFFF  }
0xb0: {  	[sflag:s0] =	ssyncadd.tile.s32 @!p0 $0x1;
	_ =	shalt  }
.Lfunc_end2:
_tile_overlayer_lowered:
.L_overlay_start_2:
0xb1: {  	(tag) =	ssettag $0x2  }
0xb2: {  	s0 =	rddreg [dreg:$0x0];
	s2 =	stileid.u32  }
0xb3: {  	s1 =	rddreg [dreg:$0x1];
	p0 =	sne.s32 s2, $0x0  }
0xb4: {  	s3 =	rddreg [dreg:$0x2];
	[bflag:$0x3] =	sbarrier.arrive $0xFFFF;
	s2 =	simm.s32 @!p0 $0x1C01  }
0xb5: {  	[timem:s3], [sflag:s2] =	dma.local @!p0 [hbm:s0], s1  }
0xb6: {  	s0 =	simm.s32 @!p0 $0x1  }
0xb7: {  	_ =	swait.ge @!p0 [sflag:s0], s1  }
0xb8: {  	s1 =	ssub.s32 @!p0 $0x0, s1;
	[sflag:s0] =	ssyncset.done @!p0 $0x0  }
0xb9: {  	[sflag:s0] =	ssyncadd.s32 @!p0 s1  }
0xba: {  	[bflag:$0x3] =	sbarrier.arrive $0xFFFF  }
0xbb: {  	_ =	shalt  }

</sc_bundles>
